<compile_context>
chip_gen: v7x
topology: tpu7x:2x2x1
jax: 0.10.2.dev20260603
libtpu: 0.0.44.dev20260713+nightly
codegen_flags: <defaults>
</compile_context>

<pallas_src>
import functools

import jax
import jax.numpy as jnp
from jax import lax
from jax.experimental import pallas as pl
from jax.experimental.pallas import tpu as pltpu
from jax.experimental.pallas import tpu_sc as plsc

E = 320000
N = 10000
H = 4
C = 32
D = 128
HC = H * C

ROW = 8
CHUNK = 128
NG = CHUNK // 16
NCHUNK = E // CHUNK
NW = 32
KFULL = NCHUNK // NW
NREM = NCHUNK - KFULL * NW
RPT = 632
RPT_LAST = N - 15 * RPT

BE = 2560
GRID_E = E // BE

_sc_mesh = plsc.VectorSubcoreMesh(core_axis_name="c", subcore_axis_name="s",
                                  num_cores=2, num_subcores=16)
_sc_params = pltpu.CompilerParams(use_tc_tiling_on_sc=False,
                                  needs_layout_passes=False)


def _k1_body(xi, xj, ea, ws, wt, we, attn, selt, ez_out):
    u = jnp.dot(xj[...], wt[...], preferred_element_type=jnp.float32)
    u = u + jnp.dot(xi[...], ws[...], preferred_element_type=jnp.float32)
    u = u + jnp.dot(ea[...], we[...], preferred_element_type=jnp.float32)
    u = jnp.where(u >= 0.0, u, 0.01 * u) * attn[...]
    zt = lax.dot_general(selt[...], u, (((1,), (1,)), ((), ())),
                         preferred_element_type=jnp.float32)
    row = lax.broadcasted_iota(jnp.int32, zt.shape, 0)
    ez_out[...] = jnp.where(row < H, jnp.exp(zt), 0.0)


@functools.partial(
    pl.kernel,
    out_type=jax.ShapeDtypeStruct((2, N, ROW), jnp.float32),
    mesh=_sc_mesh,
    compiler_params=_sc_params,
    scratch_types=[
        pltpu.VMEM((2, CHUNK), jnp.int32),
        pltpu.VMEM((2, ROW, CHUNK), jnp.float32),
        pltpu.VMEM((2, CHUNK, ROW), jnp.float32),
        pltpu.VMEM_SHARED((N, ROW), jnp.float32),
        pltpu.SemaphoreType.DMA,
        pltpu.SemaphoreType.DMA,
        pltpu.SemaphoreType.DMA,
        pltpu.SemaphoreType.DMA,
    ],
)
def _k2(send_hbm, ezh_hbm, zer8_hbm, part_hbm, idx2, buf2, pay2, acc_sh,
        lsem0, lsem1, ssem0, ssem1):
    c = lax.axis_index("c")
    s = lax.axis_index("s")
    wid = s * 2 + c
    lane = lax.iota(jnp.int32, 16)
    lsem = (lsem0, lsem1)
    ssem = (ssem0, ssem1)

    @pl.when(s < 15)
    def _():
        pltpu.sync_copy(zer8_hbm.at[pl.ds(s * RPT, RPT)],
                        acc_sh.at[pl.ds(s * RPT, RPT)])

    @pl.when(s == 15)
    def _():
        pltpu.sync_copy(zer8_hbm.at[pl.ds(15 * RPT, RPT_LAST)],
                        acc_sh.at[pl.ds(15 * RPT, RPT_LAST)])

    plsc.subcore_barrier()

    def _repack(b):
        def _rp(g, carry):
            rvec = g * 16 + lane
            for j in range(ROW):
                v = buf2[b, j, pl.ds(g * 16, 16)]
                plsc.store_scatter(pay2.at[b],
                                   (rvec, jnp.full((16,), j, jnp.int32)), v)
            return carry

        lax.fori_loop(0, NG, _rp, 0)

    def _pair(g, carry):
        for b in range(2):
            k = 2 * g + b
            off = (k * NW + wid) * CHUNK

            @pl.when(g > 0)
            def _():
                pltpu.make_async_copy(pay2.at[b], acc_sh.at[idx2.at[b]],
                                      ssem[b]).wait()

            pltpu.async_copy(send_hbm.at[pl.ds(off, CHUNK)], idx2.at[b],
                             lsem[b])
            pltpu.async_copy(ezh_hbm.at[:, pl.ds(off, CHUNK)], buf2.at[b],
                             lsem[b])
            pltpu.make_async_copy(send_hbm.at[pl.ds(off, CHUNK)], idx2.at[b],
                                  lsem[b]).wait()
            pltpu.make_async_copy(ezh_hbm.at[:, pl.ds(off, CHUNK)],
                                  buf2.at[b], lsem[b]).wait()
            _repack(b)
            pltpu.async_copy(pay2.at[b], acc_sh.at[idx2.at[b]], ssem[b],
                             add=True)
        return carry

    lax.fori_loop(0, KFULL // 2, _pair, 0)
    for b in range(2):
        pltpu.make_async_copy(pay2.at[b], acc_sh.at[idx2.at[b]],
                              ssem[b]).wait()

    @pl.when(wid < NREM)
    def _():
        off = (KFULL * NW + wid) * CHUNK
        pltpu.sync_copy(send_hbm.at[pl.ds(off, CHUNK)], idx2.at[0])
        pltpu.sync_copy(ezh_hbm.at[:, pl.ds(off, CHUNK)], buf2.at[0])
        _repack(0)
        pltpu.sync_copy(pay2.at[0], acc_sh.at[idx2.at[0]], add=True)

    plsc.subcore_barrier()

    @pl.when(s < 15)
    def _():
        pltpu.sync_copy(acc_sh.at[pl.ds(s * RPT, RPT)],
                        part_hbm.at[c, pl.ds(s * RPT, RPT), :])

    @pl.when(s == 15)
    def _():
        pltpu.sync_copy(acc_sh.at[pl.ds(15 * RPT, RPT_LAST)],
                        part_hbm.at[c, pl.ds(15 * RPT, RPT_LAST), :])


def _k2b_body(p, o):
    o[...] = p[0] + p[1]


EPT = E // NW
CH3 = 2000
NCH3 = EPT // CH3
NG3 = CH3 // 16


@functools.partial(
    pl.kernel,
    out_type=jax.ShapeDtypeStruct((ROW, E), jnp.float32),
    mesh=_sc_mesh,
    compiler_params=_sc_params,
    scratch_types=[
        pltpu.VMEM((N * ROW,), jnp.float32),
        pltpu.VMEM((CH3,), jnp.int32),
        pltpu.VMEM((ROW, CH3), jnp.float32),
    ],
)
def _k3(send_hbm, denf_hbm, dgh_hbm, den_v, sidx_v, out_v):
    c = lax.axis_index("c")
    s = lax.axis_index("s")
    wid = s * 2 + c
    pltpu.sync_copy(denf_hbm, den_v)
    for ch in range(NCH3):
        ebase = wid * EPT + ch * CH3
        pltpu.sync_copy(send_hbm.at[pl.ds(ebase, CH3)], sidx_v)

        def _grp(g, carry):
            sv = sidx_v[pl.ds(g * 16, 16)] * ROW
            for j in range(ROW):
                gj = plsc.load_gather(den_v, (sv + j,))
                out_v[j, pl.ds(g * 16, 16)] = gj
            return carry

        lax.fori_loop(0, NG3, _grp, 0)
        pltpu.sync_copy(out_v, dgh_hbm.at[:, pl.ds(ebase, CH3)])


def _k4_body(xj, wt, ezh, dgh, hexp, hsum, mcm_out):
    t = jnp.dot(xj[...], wt[...], preferred_element_type=jnp.float32)
    row = lax.broadcasted_iota(jnp.int32, ezh.shape, 0)
    a = jnp.where(row < H, ezh[...] / dgh[...], 0.0)
    aexp = lax.dot_general(a, hexp[...], (((0,), (0,)), ((), ())),
                           preferred_element_type=jnp.float32)
    v = t * aexp
    for g in range(4):
        mg = lax.dot_general(hsum[...][:, g * 8:(g + 1) * 8], v,
                             (((0,), (1,)), ((), ())),
                             preferred_element_type=jnp.float32)
        mcm_out[g] = jnp.transpose(mg.reshape(8, BE // D, D), (1, 0, 2))


NCH_SC = 16
KFULL5 = NCHUNK // 16
NREM5 = NCHUNK - KFULL5 * 16


@functools.partial(
    pl.kernel,
    out_type=jax.ShapeDtypeStruct((N, C), jnp.float32),
    mesh=_sc_mesh,
    compiler_params=_sc_params,
    scratch_types=[
        pltpu.VMEM((2, CHUNK), jnp.int32),
        pltpu.VMEM((2, 2, ROW, CHUNK), jnp.float32),
        pltpu.VMEM((2, CHUNK, NCH_SC), jnp.float32),
        pltpu.VMEM_SHARED((N, NCH_SC), jnp.float32),
        pltpu.SemaphoreType.DMA,
        pltpu.SemaphoreType.DMA,
        pltpu.SemaphoreType.DMA,
        pltpu.SemaphoreType.DMA,
    ],
)
def _k5(recv_hbm, mcm_hbm, zer16_hbm, aggr_hbm, idx2, buf2, pay2, acc_sh,
        lsem0, lsem1, ssem0, ssem1):
    c = lax.axis_index("c")
    s = lax.axis_index("s")
    colbase = c * NCH_SC
    lane = lax.iota(jnp.int32, 16)
    lsem = (lsem0, lsem1)
    ssem = (ssem0, ssem1)

    @pl.when(s < 15)
    def _():
        pltpu.sync_copy(zer16_hbm.at[pl.ds(s * RPT, RPT)],
                        acc_sh.at[pl.ds(s * RPT, RPT)])

    @pl.when(s == 15)
    def _():
        pltpu.sync_copy(zer16_hbm.at[pl.ds(15 * RPT, RPT_LAST)],
                        acc_sh.at[pl.ds(15 * RPT, RPT_LAST)])

    plsc.subcore_barrier()

    def _repack(b):
        def _rp(g, carry):
            rvec = g * 16 + lane
            for gg in range(2):
                for r in range(ROW):
                    v = buf2[b, gg, r, pl.ds(g * 16, 16)]
                    plsc.store_scatter(
                        pay2.at[b],
                        (rvec, jnp.full((16,), gg * ROW + r, jnp.int32)), v)
            return carry

        lax.fori_loop(0, NG, _rp, 0)

    def _one_load(b, k, sync):
        chunk = k * 16 + s
        off = chunk * CHUNK
        if sync:
            pltpu.sync_copy(recv_hbm.at[pl.ds(off, CHUNK)], idx2.at[b])
            pltpu.sync_copy(mcm_hbm.at[pl.ds(2 * c, 2), chunk, :, :],
                            buf2.at[b])
        else:
            pltpu.async_copy(recv_hbm.at[pl.ds(off, CHUNK)], idx2.at[b],
                             lsem[b])
            pltpu.async_copy(mcm_hbm.at[pl.ds(2 * c, 2), chunk, :, :],
                             buf2.at[b], lsem[b])
            pltpu.make_async_copy(recv_hbm.at[pl.ds(off, CHUNK)], idx2.at[b],
                                  lsem[b]).wait()
            pltpu.make_async_copy(mcm_hbm.at[pl.ds(2 * c, 2), chunk, :, :],
                                  buf2.at[b], lsem[b]).wait()

    def _pair(g, carry):
        for b in range(2):
            k = 2 * g + b

            @pl.when(g > 0)
            def _():
                pltpu.make_async_copy(pay2.at[b], acc_sh.at[idx2.at[b]],
                                      ssem[b]).wait()

            _one_load(b, k, False)
            _repack(b)
            pltpu.async_copy(pay2.at[b], acc_sh.at[idx2.at[b]], ssem[b],
                             add=True)
        return carry

    lax.fori_loop(0, KFULL5 // 2, _pair, 0)
    for b in range(2):
        pltpu.make_async_copy(pay2.at[b], acc_sh.at[idx2.at[b]],
                              ssem[b]).wait()

    @pl.when(s < NREM5)
    def _():
        _one_load(0, KFULL5, True)
        _repack(0)
        pltpu.sync_copy(pay2.at[0], acc_sh.at[idx2.at[0]], add=True)

    plsc.subcore_barrier()

    @pl.when(s < 15)
    def _():
        pltpu.sync_copy(acc_sh.at[pl.ds(s * RPT, RPT)],
                        aggr_hbm.at[pl.ds(s * RPT, RPT), pl.ds(colbase, NCH_SC)])

    @pl.when(s == 15)
    def _():
        pltpu.sync_copy(acc_sh.at[pl.ds(15 * RPT, RPT_LAST)],
                        aggr_hbm.at[pl.ds(15 * RPT, RPT_LAST),
                                    pl.ds(colbase, NCH_SC)])


def kernel(x_i, x_j, edge_attribute, senders, receivers, Ws, Wt, We, attn):
    f32 = jnp.float32
    attn_flat = attn.reshape(1, HC)
    colid = jnp.arange(HC, dtype=jnp.int32)
    selt = (colid[None, :] // C ==
            jnp.arange(ROW, dtype=jnp.int32)[:, None]).astype(f32)
    hexp = selt
    hsum = ((colid % C)[:, None] ==
            jnp.arange(C, dtype=jnp.int32)[None, :]).astype(f32) * (1.0 / H)

    wspec = pl.BlockSpec((D, HC), lambda i: (0, 0))
    espec = pl.BlockSpec((ROW, BE), lambda i: (0, i))
    ezh = pl.pallas_call(
        _k1_body,
        grid=(GRID_E,),
        in_specs=[
            pl.BlockSpec((BE, D), lambda i: (i, 0)),
            pl.BlockSpec((BE, D), lambda i: (i, 0)),
            pl.BlockSpec((BE, D), lambda i: (i, 0)),
            wspec, wspec, wspec,
            pl.BlockSpec((1, HC), lambda i: (0, 0)),
            pl.BlockSpec((ROW, HC), lambda i: (0, 0)),
        ],
        out_specs=espec,
        out_shape=jax.ShapeDtypeStruct((ROW, E), f32),
    )(x_i, x_j, edge_attribute, Ws, Wt, We, attn_flat, selt)

    zer8 = jnp.zeros((N, ROW), f32)
    zer16 = jnp.zeros((N, NCH_SC), f32)

    partials = _k2(senders, ezh, zer8)

    denf = pl.pallas_call(
        _k2b_body,
        out_shape=jax.ShapeDtypeStruct((N * ROW // D, D), f32),
    )(partials.reshape(2, N * ROW // D, D)).reshape(N * ROW)

    dgh = _k3(senders, denf)

    mcm = pl.pallas_call(
        _k4_body,
        grid=(GRID_E,),
        in_specs=[
            pl.BlockSpec((BE, D), lambda i: (i, 0)),
            wspec,
            espec,
            espec,
            pl.BlockSpec((ROW, HC), lambda i: (0, 0)),
            pl.BlockSpec((HC, C), lambda i: (0, 0)),
        ],
        out_specs=pl.BlockSpec((4, BE // D, ROW, D), lambda i: (0, i, 0, 0)),
        out_shape=jax.ShapeDtypeStruct((4, NCHUNK, ROW, D), f32),
    )(x_j, Wt, ezh, dgh, hexp, hsum)

    aggr = _k5(receivers, mcm, zer16)

    m = mcm.transpose(0, 2, 1, 3).reshape(C, E).T

    return (aggr, m)

# --- scband reference (transcript-rebuilt; emitter-appended) ---
"""Pipeline reference for scband-graph-attention-3418793967969 (READ-ONLY COPY).

The authoritative reference and input builder live on the scoring server;
editing this copy changes nothing except your own understanding.
"""

import jax, jax.numpy as jnp
import numpy as np

N_NODES = 10000
N_EDGES = 320000
IN_CH = 128
HEADS = 4
OUT_CH = 32


def setup_inputs(seed: int = 0) -> dict:
    key = jax.random.key(seed)
    ks = jax.random.split(key, 9)
    x_i = jax.random.normal(ks[0], (N_EDGES, IN_CH), dtype=jnp.float32)
    x_j = jax.random.normal(ks[1], (N_EDGES, IN_CH), dtype=jnp.float32)
    edge_attribute = jax.random.normal(ks[2], (N_EDGES, IN_CH), dtype=jnp.float32)
    senders = jax.random.randint(ks[3], (N_EDGES,), 0, N_NODES, dtype=jnp.int32)
    receivers = jax.random.randint(ks[4], (N_EDGES,), 0, N_NODES, dtype=jnp.int32)
    # Linear weights stored as [in, out] for x @ W (torch nn.Linear is [out, in])
    xav = (2.0 / (IN_CH + HEADS * OUT_CH)) ** 0.5
    Ws = jax.random.normal(ks[5], (IN_CH, HEADS * OUT_CH), dtype=jnp.float32) * xav
    Wt = jax.random.normal(ks[6], (IN_CH, HEADS * OUT_CH), dtype=jnp.float32) * xav
    We = jax.random.normal(ks[7], (IN_CH, HEADS * OUT_CH), dtype=jnp.float32) * xav
    # attn param: xavier_normal_ on shape (1, heads, out_channels)
    attn_std = (2.0 / (HEADS + OUT_CH)) ** 0.5
    attn = jax.random.normal(ks[8], (1, HEADS, OUT_CH), dtype=jnp.float32) * attn_std
    return {
        'x_i': x_i, 'x_j': x_j, 'edge_attribute': edge_attribute,
        'senders': senders, 'receivers': receivers,
        'Ws': Ws, 'Wt': Wt, 'We': We, 'attn': attn,
    }


def _segment_softmax(z, seg, num_segments):
    zmax = jax.ops.segment_max(z, seg, num_segments=num_segments)
    zmax = jnp.where(jnp.isfinite(zmax), zmax, 0.0)
    ez = jnp.exp(z - zmax[seg])
    denom = jax.ops.segment_sum(ez, seg, num_segments=num_segments)
    return ez / denom[seg]


def reference(x_i, x_j, edge_attribute, senders, receivers, Ws, Wt, We, attn):
    h, c = HEADS, OUT_CH
    t = (x_j @ Wt).reshape(-1, h, c)
    s = (x_i @ Ws).reshape(-1, h, c)
    e = (edge_attribute @ We).reshape(-1, h, c)
    z = (jax.nn.leaky_relu(s + t + e, negative_slope=0.01) * attn).sum(axis=-1)  # [E, h]
    a = _segment_softmax(z, senders, N_NODES)  # [E, h]; torch .squeeze(0) is a no-op here
    m = t * a[..., None]  # [E, h, c]
    aggr_m = jax.ops.segment_sum(m, receivers, num_segments=N_NODES)  # [N, h, c]
    aggr_m = aggr_m.mean(axis=1)  # [N, c]
    m = m.mean(axis=1)  # [E, c]
    return (aggr_m, m)

if __name__ == "__main__":
    import jax
    _d = setup_inputs()
    print(jax.jit(kernel)(*tuple(_d.values())))

</pallas_src>

<mosaic_0001>
#map = affine_map<(d0, d1) -> (0)>
#map1 = affine_map<(d0, d1) -> (0, 0)>
module attributes {stable_mosaic.version = 14 : i64} {
  func.func @_k3(%arg0: i32, %arg1: i32, %arg2: memref<320000xi32, #tpu.memory_space<hbm>>, %arg3: memref<80000xf32, #tpu.memory_space<hbm>>, %arg4: memref<8x320000xf32, #tpu.memory_space<hbm>>, %arg5: memref<80000xf32, #tpu.memory_space<vmem>>, %arg6: memref<2000xi32, #tpu.memory_space<vmem>>, %arg7: memref<8x2000xf32, #tpu.memory_space<vmem>>) attributes {dimension_semantics = [#tpu.dimension_semantics<core_parallel>, #tpu.dimension_semantics<subcore_parallel>], iteration_bounds = array<i64: 2, 16>, scalar_prefetch = 0 : i64, scratch_operands = 3 : i64, tpu.core_type = #tpu.core_type<sc_vector_subcore>, window_params = [{transform_indices = #map}, {transform_indices = #map}, {transform_indices = #map1}]} {
    %mul3A = arith.constant 2 : i32
    %mul3A_0 = arith.muli %arg1, %mul3A : i32
    %add3A = arith.addi %mul3A_0, %arg0 : i32
    "tpu.region"() ({
      %run_scoped3A = tpu.sem_alloc : memref<!tpu.dma_semaphore, #tpu.memory_space<semaphore_mem>>
      tpu.enqueue_dma source(%arg3 : memref<80000xf32, #tpu.memory_space<hbm>>) target(%arg5 : memref<80000xf32, #tpu.memory_space<vmem>>) target_semaphore(%run_scoped3A : memref<!tpu.dma_semaphore, #tpu.memory_space<semaphore_mem>>)
      tpu.wait_dma2 semaphore(%run_scoped3A : memref<!tpu.dma_semaphore, #tpu.memory_space<semaphore_mem>>) src(%arg3 : memref<80000xf32, #tpu.memory_space<hbm>>) dst(%arg5 : memref<80000xf32, #tpu.memory_space<vmem>>)
      tpu.yield
    }) : () -> ()
    %mul3A_1 = arith.constant 10000 : i32
    %mul3A_2 = arith.muli %add3A, %mul3A_1 : i32
    %add3A_3 = arith.constant 0 : i32
    %add3A_4 = arith.addi %mul3A_2, %add3A_3 : i32
    "tpu.region"() ({
      %run_scoped3A = tpu.sem_alloc : memref<!tpu.dma_semaphore, #tpu.memory_space<semaphore_mem>>
      %dma_start3A = tpu.memref_slice %arg2[%add3A_4] : memref<320000xi32, #tpu.memory_space<hbm>> -> memref<2000xi32, #tpu.memory_space<hbm>>
      %dma_start3A_50 = tpu.memref_slice %arg2[%add3A_4] : memref<320000xi32, #tpu.memory_space<hbm>> -> memref<2000xi32, #tpu.memory_space<hbm>>
      tpu.enqueue_dma source(%dma_start3A_50 : memref<2000xi32, #tpu.memory_space<hbm>>) target(%arg6 : memref<2000xi32, #tpu.memory_space<vmem>>) target_semaphore(%run_scoped3A : memref<!tpu.dma_semaphore, #tpu.memory_space<semaphore_mem>>)
      %dma_wait3A = tpu.memref_slice %arg2[%add3A_4] : memref<320000xi32, #tpu.memory_space<hbm>> -> memref<2000xi32, #tpu.memory_space<hbm>>
      %dma_wait3A_51 = tpu.memref_slice %arg2[%add3A_4] : memref<320000xi32, #tpu.memory_space<hbm>> -> memref<2000xi32, #tpu.memory_space<hbm>>
      tpu.wait_dma2 semaphore(%run_scoped3A : memref<!tpu.dma_semaphore, #tpu.memory_space<semaphore_mem>>) src(%dma_wait3A_51 : memref<2000xi32, #tpu.memory_space<hbm>>) dst(%arg6 : memref<2000xi32, #tpu.memory_space<vmem>>)
      tpu.yield
    }) : () -> ()
    %scan3A = arith.constant 0 : i32
    %scan3A_5 = arith.constant 0 : i32
    %scan3A_6 = arith.constant 125 : i32
    %scan3A_7 = arith.addi %scan3A_5, %scan3A_6 : i32
    %scan3A_8 = arith.constant 1 : i32
    scf.for %scan3A_50 = %scan3A_5 to %scan3A_7 step %scan3A_8  : i32 {
      %mul3A_51 = arith.constant 16 : i32
      %mul3A_52 = arith.muli %scan3A_50, %mul3A_51 : i32
      %get3A = arith.index_cast %mul3A_52 : i32 to index
      %get3A_53 = tpu.vector_load %arg6[%get3A] {strides = array<i32>} : memref<2000xi32, #tpu.memory_space<vmem>>, vector<16xi32>,
      %mul3A_54 = arith.constant 8 : i32
      %mul3A_55 = vector.broadcast %mul3A_54 : i32 to vector<16xi32>
      %mul3A_56 = arith.muli %get3A_53, %mul3A_55 : vector<16xi32>
      %add3A_57 = arith.constant 0 : i32
      %add3A_58 = vector.broadcast %add3A_57 : i32 to vector<16xi32>
      %add3A_59 = arith.addi %mul3A_56, %add3A_58 : vector<16xi32>
      %gather3A = tpu.vector_load_idx %arg5[%add3A_59] : memref<80000xf32, #tpu.memory_space<vmem>>[vector<16xi32>], vector<16xf32>,
      %mul3A_60 = arith.constant 16 : i32
      %mul3A_61 = arith.muli %scan3A_50, %mul3A_60 : i32
      %swap3A = arith.constant 0 : i32
      %swap3A_62 = arith.index_cast %swap3A : i32 to index
      %swap3A_63 = arith.index_cast %mul3A_61 : i32 to index
      %swap3A_64 = tpu.vector_load %arg7[%swap3A_62, %swap3A_63] {strides = array<i32>} : memref<8x2000xf32, #tpu.memory_space<vmem>>, vector<16xf32>,
      tpu.vector_store %arg7[%swap3A_62, %swap3A_63], %gather3A {strides = array<i32>} : memref<8x2000xf32, #tpu.memory_space<vmem>>, vector<16xf32>,
      %add3A_65 = arith.constant 1 : i32
      %add3A_66 = vector.broadcast %add3A_65 : i32 to vector<16xi32>
      %add3A_67 = arith.addi %mul3A_56, %add3A_66 : vector<16xi32>
      %gather3A_68 = tpu.vector_load_idx %arg5[%add3A_67] : memref<80000xf32, #tpu.memory_space<vmem>>[vector<16xi32>], vector<16xf32>,
      %mul3A_69 = arith.constant 16 : i32
      %mul3A_70 = arith.muli %scan3A_50, %mul3A_69 : i32
      %swap3A_71 = arith.constant 1 : i32
      %swap3A_72 = arith.index_cast %swap3A_71 : i32 to index
      %swap3A_73 = arith.index_cast %mul3A_70 : i32 to index
      %swap3A_74 = tpu.vector_load %arg7[%swap3A_72, %swap3A_73] {strides = array<i32>} : memref<8x2000xf32, #tpu.memory_space<vmem>>, vector<16xf32>,
      tpu.vector_store %arg7[%swap3A_72, %swap3A_73], %gather3A_68 {strides = array<i32>} : memref<8x2000xf32, #tpu.memory_space<vmem>>, vector<16xf32>,
      %add3A_75 = arith.constant 2 : i32
      %add3A_76 = vector.broadcast %add3A_75 : i32 to vector<16xi32>
      %add3A_77 = arith.addi %mul3A_56, %add3A_76 : vector<16xi32>
      %gather3A_78 = tpu.vector_load_idx %arg5[%add3A_77] : memref<80000xf32, #tpu.memory_space<vmem>>[vector<16xi32>], vector<16xf32>,
      %mul3A_79 = arith.constant 16 : i32
      %mul3A_80 = arith.muli %scan3A_50, %mul3A_79 : i32
      %swap3A_81 = arith.constant 2 : i32
      %swap3A_82 = arith.index_cast %swap3A_81 : i32 to index
      %swap3A_83 = arith.index_cast %mul3A_80 : i32 to index
      %swap3A_84 = tpu.vector_load %arg7[%swap3A_82, %swap3A_83] {strides = array<i32>} : memref<8x2000xf32, #tpu.memory_space<vmem>>, vector<16xf32>,
      tpu.vector_store %arg7[%swap3A_82, %swap3A_83], %gather3A_78 {strides = array<i32>} : memref<8x2000xf32, #tpu.memory_space<vmem>>, vector<16xf32>,
      %add3A_85 = arith.constant 3 : i32
      %add3A_86 = vector.broadcast %add3A_85 : i32 to vector<16xi32>
      %add3A_87 = arith.addi %mul3A_56, %add3A_86 : vector<16xi32>
      %gather3A_88 = tpu.vector_load_idx %arg5[%add3A_87] : memref<80000xf32, #tpu.memory_space<vmem>>[vector<16xi32>], vector<16xf32>,
      %mul3A_89 = arith.constant 16 : i32
      %mul3A_90 = arith.muli %scan3A_50, %mul3A_89 : i32
      %swap3A_91 = arith.constant 3 : i32
      %swap3A_92 = arith.index_cast %swap3A_91 : i32 to index
      %swap3A_93 = arith.index_cast %mul3A_90 : i32 to index
      %swap3A_94 = tpu.vector_load %arg7[%swap3A_92, %swap3A_93] {strides = array<i32>} : memref<8x2000xf32, #tpu.memory_space<vmem>>, vector<16xf32>,
      tpu.vector_store %arg7[%swap3A_92, %swap3A_93], %gather3A_88 {strides = array<i32>} : memref<8x2000xf32, #tpu.memory_space<vmem>>, vector<16xf32>,
      %add3A_95 = arith.constant 4 : i32
      %add3A_96 = vector.broadcast %add3A_95 : i32 to vector<16xi32>
      %add3A_97 = arith.addi %mul3A_56, %add3A_96 : vector<16xi32>
      %gather3A_98 = tpu.vector_load_idx %arg5[%add3A_97] : memref<80000xf32, #tpu.memory_space<vmem>>[vector<16xi32>], vector<16xf32>,
      %mul3A_99 = arith.constant 16 : i32
      %mul3A_100 = arith.muli %scan3A_50, %mul3A_99 : i32
      %swap3A_101 = arith.constant 4 : i32
      %swap3A_102 = arith.index_cast %swap3A_101 : i32 to index
      %swap3A_103 = arith.index_cast %mul3A_100 : i32 to index
      %swap3A_104 = tpu.vector_load %arg7[%swap3A_102, %swap3A_103] {strides = array<i32>} : memref<8x2000xf32, #tpu.memory_space<vmem>>, vector<16xf32>,
      tpu.vector_store %arg7[%swap3A_102, %swap3A_103], %gather3A_98 {strides = array<i32>} : memref<8x2000xf32, #tpu.memory_space<vmem>>, vector<16xf32>,
      %add3A_105 = arith.constant 5 : i32
      %add3A_106 = vector.broadcast %add3A_105 : i32 to vector<16xi32>
      %add3A_107 = arith.addi %mul3A_56, %add3A_106 : vector<16xi32>
      %gather3A_108 = tpu.vector_load_idx %arg5[%add3A_107] : memref<80000xf32, #tpu.memory_space<vmem>>[vector<16xi32>], vector<16xf32>,
      %mul3A_109 = arith.constant 16 : i32
      %mul3A_110 = arith.muli %scan3A_50, %mul3A_109 : i32
      %swap3A_111 = arith.constant 5 : i32
      %swap3A_112 = arith.index_cast %swap3A_111 : i32 to index
      %swap3A_113 = arith.index_cast %mul3A_110 : i32 to index
      %swap3A_114 = tpu.vector_load %arg7[%swap3A_112, %swap3A_113] {strides = array<i32>} : memref<8x2000xf32, #tpu.memory_space<vmem>>, vector<16xf32>,
      tpu.vector_store %arg7[%swap3A_112, %swap3A_113], %gather3A_108 {strides = array<i32>} : memref<8x2000xf32, #tpu.memory_space<vmem>>, vector<16xf32>,
      %add3A_115 = arith.constant 6 : i32
      %add3A_116 = vector.broadcast %add3A_115 : i32 to vector<16xi32>
      %add3A_117 = arith.addi %mul3A_56, %add3A_116 : vector<16xi32>
      %gather3A_118 = tpu.vector_load_idx %arg5[%add3A_117] : memref<80000xf32, #tpu.memory_space<vmem>>[vector<16xi32>], vector<16xf32>,
      %mul3A_119 = arith.constant 16 : i32
      %mul3A_120 = arith.muli %scan3A_50, %mul3A_119 : i32
      %swap3A_121 = arith.constant 6 : i32
      %swap3A_122 = arith.index_cast %swap3A_121 : i32 to index
      %swap3A_123 = arith.index_cast %mul3A_120 : i32 to index
      %swap3A_124 = tpu.vector_load %arg7[%swap3A_122, %swap3A_123] {strides = array<i32>} : memref<8x2000xf32, #tpu.memory_space<vmem>>, vector<16xf32>,
      tpu.vector_store %arg7[%swap3A_122, %swap3A_123], %gather3A_118 {strides = array<i32>} : memref<8x2000xf32, #tpu.memory_space<vmem>>, vector<16xf32>,
      %add3A_125 = arith.constant 7 : i32
      %add3A_126 = vector.broadcast %add3A_125 : i32 to vector<16xi32>
      %add3A_127 = arith.addi %mul3A_56, %add3A_126 : vector<16xi32>
      %gather3A_128 = tpu.vector_load_idx %arg5[%add3A_127] : memref<80000xf32, #tpu.memory_space<vmem>>[vector<16xi32>], vector<16xf32>,
      %mul3A_129 = arith.constant 16 : i32
      %mul3A_130 = arith.muli %scan3A_50, %mul3A_129 : i32
      %swap3A_131 = arith.constant 7 : i32
      %swap3A_132 = arith.index_cast %swap3A_131 : i32 to index
      %swap3A_133 = arith.index_cast %mul3A_130 : i32 to index
      %swap3A_134 = tpu.vector_load %arg7[%swap3A_132, %swap3A_133] {strides = array<i32>} : memref<8x2000xf32, #tpu.memory_space<vmem>>, vector<16xf32>,
      tpu.vector_store %arg7[%swap3A_132, %swap3A_133], %gather3A_128 {strides = array<i32>} : memref<8x2000xf32, #tpu.memory_space<vmem>>, vector<16xf32>,
    }
    %scan3A_9 = arith.constant 125 : i32
    "tpu.region"() ({
      %run_scoped3A = tpu.sem_alloc : memref<!tpu.dma_semaphore, #tpu.memory_space<semaphore_mem>>
      %dma_start3A = arith.constant 0 : i32
      %dma_start3A_50 = tpu.memref_slice %arg4[%dma_start3A, %add3A_4] : memref<8x320000xf32, #tpu.memory_space<hbm>> -> memref<8x2000xf32, #tpu.memory_space<hbm>>
      %dma_start3A_51 = arith.constant 0 : i32
      %dma_start3A_52 = tpu.memref_slice %arg4[%dma_start3A_51, %add3A_4] : memref<8x320000xf32, #tpu.memory_space<hbm>> -> memref<8x2000xf32, #tpu.memory_space<hbm>>
      tpu.enqueue_dma source(%arg7 : memref<8x2000xf32, #tpu.memory_space<vmem>>) target(%dma_start3A_52 : memref<8x2000xf32, #tpu.memory_space<hbm>>) target_semaphore(%run_scoped3A : memref<!tpu.dma_semaphore, #tpu.memory_space<semaphore_mem>>)
      %dma_wait3A = arith.constant 0 : i32
      %dma_wait3A_53 = tpu.memref_slice %arg4[%dma_wait3A, %add3A_4] : memref<8x320000xf32, #tpu.memory_space<hbm>> -> memref<8x2000xf32, #tpu.memory_space<hbm>>
      %dma_wait3A_54 = arith.constant 0 : i32
      %dma_wait3A_55 = tpu.memref_slice %arg4[%dma_wait3A_54, %add3A_4] : memref<8x320000xf32, #tpu.memory_space<hbm>> -> memref<8x2000xf32, #tpu.memory_space<hbm>>
      tpu.wait_dma2 semaphore(%run_scoped3A : memref<!tpu.dma_semaphore, #tpu.memory_space<semaphore_mem>>) src(%arg7 : memref<8x2000xf32, #tpu.memory_space<vmem>>) dst(%dma_wait3A_55 : memref<8x2000xf32, #tpu.memory_space<hbm>>)
      tpu.yield
    }) : () -> ()
    %mul3A_10 = arith.constant 10000 : i32
    %mul3A_11 = arith.muli %add3A, %mul3A_10 : i32
    %add3A_12 = arith.constant 2000 : i32
    %add3A_13 = arith.addi %mul3A_11, %add3A_12 : i32
    "tpu.region"() ({
      %run_scoped3A = tpu.sem_alloc : memref<!tpu.dma_semaphore, #tpu.memory_space<semaphore_mem>>
      %dma_start3A = tpu.memref_slice %arg2[%add3A_13] : memref<320000xi32, #tpu.memory_space<hbm>> -> memref<2000xi32, #tpu.memory_space<hbm>>
      %dma_start3A_50 = tpu.memref_slice %arg2[%add3A_13] : memref<320000xi32, #tpu.memory_space<hbm>> -> memref<2000xi32, #tpu.memory_space<hbm>>
      tpu.enqueue_dma source(%dma_start3A_50 : memref<2000xi32, #tpu.memory_space<hbm>>) target(%arg6 : memref<2000xi32, #tpu.memory_space<vmem>>) target_semaphore(%run_scoped3A : memref<!tpu.dma_semaphore, #tpu.memory_space<semaphore_mem>>)
      %dma_wait3A = tpu.memref_slice %arg2[%add3A_13] : memref<320000xi32, #tpu.memory_space<hbm>> -> memref<2000xi32, #tpu.memory_space<hbm>>
      %dma_wait3A_51 = tpu.memref_slice %arg2[%add3A_13] : memref<320000xi32, #tpu.memory_space<hbm>> -> memref<2000xi32, #tpu.memory_space<hbm>>
      tpu.wait_dma2 semaphore(%run_scoped3A : memref<!tpu.dma_semaphore, #tpu.memory_space<semaphore_mem>>) src(%dma_wait3A_51 : memref<2000xi32, #tpu.memory_space<hbm>>) dst(%arg6 : memref<2000xi32, #tpu.memory_space<vmem>>)
      tpu.yield
    }) : () -> ()
    %scan3A_14 = arith.constant 0 : i32
    %scan3A_15 = arith.constant 0 : i32
    %scan3A_16 = arith.constant 125 : i32
    %scan3A_17 = arith.addi %scan3A_15, %scan3A_16 : i32
    %scan3A_18 = arith.constant 1 : i32
    scf.for %scan3A_50 = %scan3A_15 to %scan3A_17 step %scan3A_18  : i32 {
      %mul3A_51 = arith.constant 16 : i32
      %mul3A_52 = arith.muli %scan3A_50, %mul3A_51 : i32
      %get3A = arith.index_cast %mul3A_52 : i32 to index
      %get3A_53 = tpu.vector_load %arg6[%get3A] {strides = array<i32>} : memref<2000xi32, #tpu.memory_space<vmem>>, vector<16xi32>,
      %mul3A_54 = arith.constant 8 : i32
      %mul3A_55 = vector.broadcast %mul3A_54 : i32 to vector<16xi32>
      %mul3A_56 = arith.muli %get3A_53, %mul3A_55 : vector<16xi32>
      %add3A_57 = arith.constant 0 : i32
      %add3A_58 = vector.broadcast %add3A_57 : i32 to vector<16xi32>
      %add3A_59 = arith.addi %mul3A_56, %add3A_58 : vector<16xi32>
      %gather3A = tpu.vector_load_idx %arg5[%add3A_59] : memref<80000xf32, #tpu.memory_space<vmem>>[vector<16xi32>], vector<16xf32>,
      %mul3A_60 = arith.constant 16 : i32
      %mul3A_61 = arith.muli %scan3A_50, %mul3A_60 : i32
      %swap3A = arith.constant 0 : i32
      %swap3A_62 = arith.index_cast %swap3A : i32 to index
      %swap3A_63 = arith.index_cast %mul3A_61 : i32 to index
      %swap3A_64 = tpu.vector_load %arg7[%swap3A_62, %swap3A_63] {strides = array<i32>} : memref<8x2000xf32, #tpu.memory_space<vmem>>, vector<16xf32>,
      tpu.vector_store %arg7[%swap3A_62, %swap3A_63], %gather3A {strides = array<i32>} : memref<8x2000xf32, #tpu.memory_space<vmem>>, vector<16xf32>,
      %add3A_65 = arith.constant 1 : i32
      %add3A_66 = vector.broadcast %add3A_65 : i32 to vector<16xi32>
      %add3A_67 = arith.addi %mul3A_56, %add3A_66 : vector<16xi32>
      %gather3A_68 = tpu.vector_load_idx %arg5[%add3A_67] : memref<80000xf32, #tpu.memory_space<vmem>>[vector<16xi32>], vector<16xf32>,
      %mul3A_69 = arith.constant 16 : i32
      %mul3A_70 = arith.muli %scan3A_50, %mul3A_69 : i32
      %swap3A_71 = arith.constant 1 : i32
      %swap3A_72 = arith.index_cast %swap3A_71 : i32 to index
      %swap3A_73 = arith.index_cast %mul3A_70 : i32 to index
      %swap3A_74 = tpu.vector_load %arg7[%swap3A_72, %swap3A_73] {strides = array<i32>} : memref<8x2000xf32, #tpu.memory_space<vmem>>, vector<16xf32>,
      tpu.vector_store %arg7[%swap3A_72, %swap3A_73], %gather3A_68 {strides = array<i32>} : memref<8x2000xf32, #tpu.memory_space<vmem>>, vector<16xf32>,
      %add3A_75 = arith.constant 2 : i32
      %add3A_76 = vector.broadcast %add3A_75 : i32 to vector<16xi32>
      %add3A_77 = arith.addi %mul3A_56, %add3A_76 : vector<16xi32>
      %gather3A_78 = tpu.vector_load_idx %arg5[%add3A_77] : memref<80000xf32, #tpu.memory_space<vmem>>[vector<16xi32>], vector<16xf32>,
      %mul3A_79 = arith.constant 16 : i32
      %mul3A_80 = arith.muli %scan3A_50, %mul3A_79 : i32
      %swap3A_81 = arith.constant 2 : i32
      %swap3A_82 = arith.index_cast %swap3A_81 : i32 to index
      %swap3A_83 = arith.index_cast %mul3A_80 : i32 to index
      %swap3A_84 = tpu.vector_load %arg7[%swap3A_82, %swap3A_83] {strides = array<i32>} : memref<8x2000xf32, #tpu.memory_space<vmem>>, vector<16xf32>,
      tpu.vector_store %arg7[%swap3A_82, %swap3A_83], %gather3A_78 {strides = array<i32>} : memref<8x2000xf32, #tpu.memory_space<vmem>>, vector<16xf32>,
      %add3A_85 = arith.constant 3 : i32
      %add3A_86 = vector.broadcast %add3A_85 : i32 to vector<16xi32>
      %add3A_87 = arith.addi %mul3A_56, %add3A_86 : vector<16xi32>
      %gather3A_88 = tpu.vector_load_idx %arg5[%add3A_87] : memref<80000xf32, #tpu.memory_space<vmem>>[vector<16xi32>], vector<16xf32>,
      %mul3A_89 = arith.constant 16 : i32
      %mul3A_90 = arith.muli %scan3A_50, %mul3A_89 : i32
      %swap3A_91 = arith.constant 3 : i32
      %swap3A_92 = arith.index_cast %swap3A_91 : i32 to index
      %swap3A_93 = arith.index_cast %mul3A_90 : i32 to index
      %swap3A_94 = tpu.vector_load %arg7[%swap3A_92, %swap3A_93] {strides = array<i32>} : memref<8x2000xf32, #tpu.memory_space<vmem>>, vector<16xf32>,
      tpu.vector_store %arg7[%swap3A_92, %swap3A_93], %gather3A_88 {strides = array<i32>} : memref<8x2000xf32, #tpu.memory_space<vmem>>, vector<16xf32>,
      %add3A_95 = arith.constant 4 : i32
      %add3A_96 = vector.broadcast %add3A_95 : i32 to vector<16xi32>
      %add3A_97 = arith.addi %mul3A_56, %add3A_96 : vector<16xi32>
      %gather3A_98 = tpu.vector_load_idx %arg5[%add3A_97] : memref<80000xf32, #tpu.memory_space<vmem>>[vector<16xi32>], vector<16xf32>,
      %mul3A_99 = arith.constant 16 : i32
      %mul3A_100 = arith.muli %scan3A_50, %mul3A_99 : i32
      %swap3A_101 = arith.constant 4 : i32
      %swap3A_102 = arith.index_cast %swap3A_101 : i32 to index
      %swap3A_103 = arith.index_cast %mul3A_100 : i32 to index
      %swap3A_104 = tpu.vector_load %arg7[%swap3A_102, %swap3A_103] {strides = array<i32>} : memref<8x2000xf32, #tpu.memory_space<vmem>>, vector<16xf32>,
      tpu.vector_store %arg7[%swap3A_102, %swap3A_103], %gather3A_98 {strides = array<i32>} : memref<8x2000xf32, #tpu.memory_space<vmem>>, vector<16xf32>,
      %add3A_105 = arith.constant 5 : i32
      %add3A_106 = vector.broadcast %add3A_105 : i32 to vector<16xi32>
      %add3A_107 = arith.addi %mul3A_56, %add3A_106 : vector<16xi32>
      %gather3A_108 = tpu.vector_load_idx %arg5[%add3A_107] : memref<80000xf32, #tpu.memory_space<vmem>>[vector<16xi32>], vector<16xf32>,
      %mul3A_109 = arith.constant 16 : i32
      %mul3A_110 = arith.muli %scan3A_50, %mul3A_109 : i32
      %swap3A_111 = arith.constant 5 : i32
      %swap3A_112 = arith.index_cast %swap3A_111 : i32 to index
      %swap3A_113 = arith.index_cast %mul3A_110 : i32 to index
      %swap3A_114 = tpu.vector_load %arg7[%swap3A_112, %swap3A_113] {strides = array<i32>} : memref<8x2000xf32, #tpu.memory_space<vmem>>, vector<16xf32>,
      tpu.vector_store %arg7[%swap3A_112, %swap3A_113], %gather3A_108 {strides = array<i32>} : memref<8x2000xf32, #tpu.memory_space<vmem>>, vector<16xf32>,
      %add3A_115 = arith.constant 6 : i32
      %add3A_116 = vector.broadcast %add3A_115 : i32 to vector<16xi32>
      %add3A_117 = arith.addi %mul3A_56, %add3A_116 : vector<16xi32>
      %gather3A_118 = tpu.vector_load_idx %arg5[%add3A_117] : memref<80000xf32, #tpu.memory_space<vmem>>[vector<16xi32>], vector<16xf32>,
      %mul3A_119 = arith.constant 16 : i32
      %mul3A_120 = arith.muli %scan3A_50, %mul3A_119 : i32
      %swap3A_121 = arith.constant 6 : i32
      %swap3A_122 = arith.index_cast %swap3A_121 : i32 to index
      %swap3A_123 = arith.index_cast %mul3A_120 : i32 to index
      %swap3A_124 = tpu.vector_load %arg7[%swap3A_122, %swap3A_123] {strides = array<i32>} : memref<8x2000xf32, #tpu.memory_space<vmem>>, vector<16xf32>,
      tpu.vector_store %arg7[%swap3A_122, %swap3A_123], %gather3A_118 {strides = array<i32>} : memref<8x2000xf32, #tpu.memory_space<vmem>>, vector<16xf32>,
      %add3A_125 = arith.constant 7 : i32
      %add3A_126 = vector.broadcast %add3A_125 : i32 to vector<16xi32>
      %add3A_127 = arith.addi %mul3A_56, %add3A_126 : vector<16xi32>
      %gather3A_128 = tpu.vector_load_idx %arg5[%add3A_127] : memref<80000xf32, #tpu.memory_space<vmem>>[vector<16xi32>], vector<16xf32>,
      %mul3A_129 = arith.constant 16 : i32
      %mul3A_130 = arith.muli %scan3A_50, %mul3A_129 : i32
      %swap3A_131 = arith.constant 7 : i32
      %swap3A_132 = arith.index_cast %swap3A_131 : i32 to index
      %swap3A_133 = arith.index_cast %mul3A_130 : i32 to index
      %swap3A_134 = tpu.vector_load %arg7[%swap3A_132, %swap3A_133] {strides = array<i32>} : memref<8x2000xf32, #tpu.memory_space<vmem>>, vector<16xf32>,
      tpu.vector_store %arg7[%swap3A_132, %swap3A_133], %gather3A_128 {strides = array<i32>} : memref<8x2000xf32, #tpu.memory_space<vmem>>, vector<16xf32>,
    }
    %scan3A_19 = arith.constant 125 : i32
    "tpu.region"() ({
      %run_scoped3A = tpu.sem_alloc : memref<!tpu.dma_semaphore, #tpu.memory_space<semaphore_mem>>
      %dma_start3A = arith.constant 0 : i32
      %dma_start3A_50 = tpu.memref_slice %arg4[%dma_start3A, %add3A_13] : memref<8x320000xf32, #tpu.memory_space<hbm>> -> memref<8x2000xf32, #tpu.memory_space<hbm>>
      %dma_start3A_51 = arith.constant 0 : i32
      %dma_start3A_52 = tpu.memref_slice %arg4[%dma_start3A_51, %add3A_13] : memref<8x320000xf32, #tpu.memory_space<hbm>> -> memref<8x2000xf32, #tpu.memory_space<hbm>>
      tpu.enqueue_dma source(%arg7 : memref<8x2000xf32, #tpu.memory_space<vmem>>) target(%dma_start3A_52 : memref<8x2000xf32, #tpu.memory_space<hbm>>) target_semaphore(%run_scoped3A : memref<!tpu.dma_semaphore, #tpu.memory_space<semaphore_mem>>)
      %dma_wait3A = arith.constant 0 : i32
      %dma_wait3A_53 = tpu.memref_slice %arg4[%dma_wait3A, %add3A_13] : memref<8x320000xf32, #tpu.memory_space<hbm>> -> memref<8x2000xf32, #tpu.memory_space<hbm>>
      %dma_wait3A_54 = arith.constant 0 : i32
      %dma_wait3A_55 = tpu.memref_slice %arg4[%dma_wait3A_54, %add3A_13] : memref<8x320000xf32, #tpu.memory_space<hbm>> -> memref<8x2000xf32, #tpu.memory_space<hbm>>
      tpu.wait_dma2 semaphore(%run_scoped3A : memref<!tpu.dma_semaphore, #tpu.memory_space<semaphore_mem>>) src(%arg7 : memref<8x2000xf32, #tpu.memory_space<vmem>>) dst(%dma_wait3A_55 : memref<8x2000xf32, #tpu.memory_space<hbm>>)
      tpu.yield
    }) : () -> ()
    %mul3A_20 = arith.constant 10000 : i32
    %mul3A_21 = arith.muli %add3A, %mul3A_20 : i32
    %add3A_22 = arith.constant 4000 : i32
    %add3A_23 = arith.addi %mul3A_21, %add3A_22 : i32
    "tpu.region"() ({
      %run_scoped3A = tpu.sem_alloc : memref<!tpu.dma_semaphore, #tpu.memory_space<semaphore_mem>>
      %dma_start3A = tpu.memref_slice %arg2[%add3A_23] : memref<320000xi32, #tpu.memory_space<hbm>> -> memref<2000xi32, #tpu.memory_space<hbm>>
      %dma_start3A_50 = tpu.memref_slice %arg2[%add3A_23] : memref<320000xi32, #tpu.memory_space<hbm>> -> memref<2000xi32, #tpu.memory_space<hbm>>
      tpu.enqueue_dma source(%dma_start3A_50 : memref<2000xi32, #tpu.memory_space<hbm>>) target(%arg6 : memref<2000xi32, #tpu.memory_space<vmem>>) target_semaphore(%run_scoped3A : memref<!tpu.dma_semaphore, #tpu.memory_space<semaphore_mem>>)
      %dma_wait3A = tpu.memref_slice %arg2[%add3A_23] : memref<320000xi32, #tpu.memory_space<hbm>> -> memref<2000xi32, #tpu.memory_space<hbm>>
      %dma_wait3A_51 = tpu.memref_slice %arg2[%add3A_23] : memref<320000xi32, #tpu.memory_space<hbm>> -> memref<2000xi32, #tpu.memory_space<hbm>>
      tpu.wait_dma2 semaphore(%run_scoped3A : memref<!tpu.dma_semaphore, #tpu.memory_space<semaphore_mem>>) src(%dma_wait3A_51 : memref<2000xi32, #tpu.memory_space<hbm>>) dst(%arg6 : memref<2000xi32, #tpu.memory_space<vmem>>)
      tpu.yield
    }) : () -> ()
    %scan3A_24 = arith.constant 0 : i32
    %scan3A_25 = arith.constant 0 : i32
    %scan3A_26 = arith.constant 125 : i32
    %scan3A_27 = arith.addi %scan3A_25, %scan3A_26 : i32
    %scan3A_28 = arith.constant 1 : i32
    scf.for %scan3A_50 = %scan3A_25 to %scan3A_27 step %scan3A_28  : i32 {
      %mul3A_51 = arith.constant 16 : i32
      %mul3A_52 = arith.muli %scan3A_50, %mul3A_51 : i32
      %get3A = arith.index_cast %mul3A_52 : i32 to index
      %get3A_53 = tpu.vector_load %arg6[%get3A] {strides = array<i32>} : memref<2000xi32, #tpu.memory_space<vmem>>, vector<16xi32>,
      %mul3A_54 = arith.constant 8 : i32
      %mul3A_55 = vector.broadcast %mul3A_54 : i32 to vector<16xi32>
      %mul3A_56 = arith.muli %get3A_53, %mul3A_55 : vector<16xi32>
      %add3A_57 = arith.constant 0 : i32
      %add3A_58 = vector.broadcast %add3A_57 : i32 to vector<16xi32>
      %add3A_59 = arith.addi %mul3A_56, %add3A_58 : vector<16xi32>
      %gather3A = tpu.vector_load_idx %arg5[%add3A_59] : memref<80000xf32, #tpu.memory_space<vmem>>[vector<16xi32>], vector<16xf32>,
      %mul3A_60 = arith.constant 16 : i32
      %mul3A_61 = arith.muli %scan3A_50, %mul3A_60 : i32
      %swap3A = arith.constant 0 : i32
      %swap3A_62 = arith.index_cast %swap3A : i32 to index
      %swap3A_63 = arith.index_cast %mul3A_61 : i32 to index
      %swap3A_64 = tpu.vector_load %arg7[%swap3A_62, %swap3A_63] {strides = array<i32>} : memref<8x2000xf32, #tpu.memory_space<vmem>>, vector<16xf32>,
      tpu.vector_store %arg7[%swap3A_62, %swap3A_63], %gather3A {strides = array<i32>} : memref<8x2000xf32, #tpu.memory_space<vmem>>, vector<16xf32>,
      %add3A_65 = arith.constant 1 : i32
      %add3A_66 = vector.broadcast %add3A_65 : i32 to vector<16xi32>
      %add3A_67 = arith.addi %mul3A_56, %add3A_66 : vector<16xi32>
      %gather3A_68 = tpu.vector_load_idx %arg5[%add3A_67] : memref<80000xf32, #tpu.memory_space<vmem>>[vector<16xi32>], vector<16xf32>,
      %mul3A_69 = arith.constant 16 : i32
      %mul3A_70 = arith.muli %scan3A_50, %mul3A_69 : i32
      %swap3A_71 = arith.constant 1 : i32
      %swap3A_72 = arith.index_cast %swap3A_71 : i32 to index
      %swap3A_73 = arith.index_cast %mul3A_70 : i32 to index
      %swap3A_74 = tpu.vector_load %arg7[%swap3A_72, %swap3A_73] {strides = array<i32>} : memref<8x2000xf32, #tpu.memory_space<vmem>>, vector<16xf32>,
      tpu.vector_store %arg7[%swap3A_72, %swap3A_73], %gather3A_68 {strides = array<i32>} : memref<8x2000xf32, #tpu.memory_space<vmem>>, vector<16xf32>,
      %add3A_75 = arith.constant 2 : i32
      %add3A_76 = vector.broadcast %add3A_75 : i32 to vector<16xi32>
      %add3A_77 = arith.addi %mul3A_56, %add3A_76 : vector<16xi32>
      %gather3A_78 = tpu.vector_load_idx %arg5[%add3A_77] : memref<80000xf32, #tpu.memory_space<vmem>>[vector<16xi32>], vector<16xf32>,
      %mul3A_79 = arith.constant 16 : i32
      %mul3A_80 = arith.muli %scan3A_50, %mul3A_79 : i32
      %swap3A_81 = arith.constant 2 : i32
      %swap3A_82 = arith.index_cast %swap3A_81 : i32 to index
      %swap3A_83 = arith.index_cast %mul3A_80 : i32 to index
      %swap3A_84 = tpu.vector_load %arg7[%swap3A_82, %swap3A_83] {strides = array<i32>} : memref<8x2000xf32, #tpu.memory_space<vmem>>, vector<16xf32>,
      tpu.vector_store %arg7[%swap3A_82, %swap3A_83], %gather3A_78 {strides = array<i32>} : memref<8x2000xf32, #tpu.memory_space<vmem>>, vector<16xf32>,
      %add3A_85 = arith.constant 3 : i32
      %add3A_86 = vector.broadcast %add3A_85 : i32 to vector<16xi32>
      %add3A_87 = arith.addi %mul3A_56, %add3A_86 : vector<16xi32>
      %gather3A_88 = tpu.vector_load_idx %arg5[%add3A_87] : memref<80000xf32, #tpu.memory_space<vmem>>[vector<16xi32>], vector<16xf32>,
      %mul3A_89 = arith.constant 16 : i32
      %mul3A_90 = arith.muli %scan3A_50, %mul3A_89 : i32
      %swap3A_91 = arith.constant 3 : i32
      %swap3A_92 = arith.index_cast %swap3A_91 : i32 to index
      %swap3A_93 = arith.index_cast %mul3A_90 : i32 to index
      %swap3A_94 = tpu.vector_load %arg7[%swap3A_92, %swap3A_93] {strides = array<i32>} : memref<8x2000xf32, #tpu.memory_space<vmem>>, vector<16xf32>,
      tpu.vector_store %arg7[%swap3A_92, %swap3A_93], %gather3A_88 {strides = array<i32>} : memref<8x2000xf32, #tpu.memory_space<vmem>>, vector<16xf32>,
      %add3A_95 = arith.constant 4 : i32
      %add3A_96 = vector.broadcast %add3A_95 : i32 to vector<16xi32>
      %add3A_97 = arith.addi %mul3A_56, %add3A_96 : vector<16xi32>
      %gather3A_98 = tpu.vector_load_idx %arg5[%add3A_97] : memref<80000xf32, #tpu.memory_space<vmem>>[vector<16xi32>], vector<16xf32>,
      %mul3A_99 = arith.constant 16 : i32
      %mul3A_100 = arith.muli %scan3A_50, %mul3A_99 : i32
      %swap3A_101 = arith.constant 4 : i32
      %swap3A_102 = arith.index_cast %swap3A_101 : i32 to index
      %swap3A_103 = arith.index_cast %mul3A_100 : i32 to index
      %swap3A_104 = tpu.vector_load %arg7[%swap3A_102, %swap3A_103] {strides = array<i32>} : memref<8x2000xf32, #tpu.memory_space<vmem>>, vector<16xf32>,
      tpu.vector_store %arg7[%swap3A_102, %swap3A_103], %gather3A_98 {strides = array<i32>} : memref<8x2000xf32, #tpu.memory_space<vmem>>, vector<16xf32>,
      %add3A_105 = arith.constant 5 : i32
      %add3A_106 = vector.broadcast %add3A_105 : i32 to vector<16xi32>
      %add3A_107 = arith.addi %mul3A_56, %add3A_106 : vector<16xi32>
      %gather3A_108 = tpu.vector_load_idx %arg5[%add3A_107] : memref<80000xf32, #tpu.memory_space<vmem>>[vector<16xi32>], vector<16xf32>,
      %mul3A_109 = arith.constant 16 : i32
      %mul3A_110 = arith.muli %scan3A_50, %mul3A_109 : i32
      %swap3A_111 = arith.constant 5 : i32
      %swap3A_112 = arith.index_cast %swap3A_111 : i32 to index
      %swap3A_113 = arith.index_cast %mul3A_110 : i32 to index
      %swap3A_114 = tpu.vector_load %arg7[%swap3A_112, %swap3A_113] {strides = array<i32>} : memref<8x2000xf32, #tpu.memory_space<vmem>>, vector<16xf32>,
      tpu.vector_store %arg7[%swap3A_112, %swap3A_113], %gather3A_108 {strides = array<i32>} : memref<8x2000xf32, #tpu.memory_space<vmem>>, vector<16xf32>,
      %add3A_115 = arith.constant 6 : i32
      %add3A_116 = vector.broadcast %add3A_115 : i32 to vector<16xi32>
      %add3A_117 = arith.addi %mul3A_56, %add3A_116 : vector<16xi32>
      %gather3A_118 = tpu.vector_load_idx %arg5[%add3A_117] : memref<80000xf32, #tpu.memory_space<vmem>>[vector<16xi32>], vector<16xf32>,
      %mul3A_119 = arith.constant 16 : i32
      %mul3A_120 = arith.muli %scan3A_50, %mul3A_119 : i32
      %swap3A_121 = arith.constant 6 : i32
      %swap3A_122 = arith.index_cast %swap3A_121 : i32 to index
      %swap3A_123 = arith.index_cast %mul3A_120 : i32 to index
      %swap3A_124 = tpu.vector_load %arg7[%swap3A_122, %swap3A_123] {strides = array<i32>} : memref<8x2000xf32, #tpu.memory_space<vmem>>, vector<16xf32>,
      tpu.vector_store %arg7[%swap3A_122, %swap3A_123], %gather3A_118 {strides = array<i32>} : memref<8x2000xf32, #tpu.memory_space<vmem>>, vector<16xf32>,
      %add3A_125 = arith.constant 7 : i32
      %add3A_126 = vector.broadcast %add3A_125 : i32 to vector<16xi32>
      %add3A_127 = arith.addi %mul3A_56, %add3A_126 : vector<16xi32>
      %gather3A_128 = tpu.vector_load_idx %arg5[%add3A_127] : memref<80000xf32, #tpu.memory_space<vmem>>[vector<16xi32>], vector<16xf32>,
      %mul3A_129 = arith.constant 16 : i32
      %mul3A_130 = arith.muli %scan3A_50, %mul3A_129 : i32
      %swap3A_131 = arith.constant 7 : i32
      %swap3A_132 = arith.index_cast %swap3A_131 : i32 to index
      %swap3A_133 = arith.index_cast %mul3A_130 : i32 to index
      %swap3A_134 = tpu.vector_load %arg7[%swap3A_132, %swap3A_133] {strides = array<i32>} : memref<8x2000xf32, #tpu.memory_space<vmem>>, vector<16xf32>,
      tpu.vector_store %arg7[%swap3A_132, %swap3A_133], %gather3A_128 {strides = array<i32>} : memref<8x2000xf32, #tpu.memory_space<vmem>>, vector<16xf32>,
    }
    %scan3A_29 = arith.constant 125 : i32
    "tpu.region"() ({
      %run_scoped3A = tpu.sem_alloc : memref<!tpu.dma_semaphore, #tpu.memory_space<semaphore_mem>>
      %dma_start3A = arith.constant 0 : i32
      %dma_start3A_50 = tpu.memref_slice %arg4[%dma_start3A, %add3A_23] : memref<8x320000xf32, #tpu.memory_space<hbm>> -> memref<8x2000xf32, #tpu.memory_space<hbm>>
      %dma_start3A_51 = arith.constant 0 : i32
      %dma_start3A_52 = tpu.memref_slice %arg4[%dma_start3A_51, %add3A_23] : memref<8x320000xf32, #tpu.memory_space<hbm>> -> memref<8x2000xf32, #tpu.memory_space<hbm>>
      tpu.enqueue_dma source(%arg7 : memref<8x2000xf32, #tpu.memory_space<vmem>>) target(%dma_start3A_52 : memref<8x2000xf32, #tpu.memory_space<hbm>>) target_semaphore(%run_scoped3A : memref<!tpu.dma_semaphore, #tpu.memory_space<semaphore_mem>>)
      %dma_wait3A = arith.constant 0 : i32
      %dma_wait3A_53 = tpu.memref_slice %arg4[%dma_wait3A, %add3A_23] : memref<8x320000xf32, #tpu.memory_space<hbm>> -> memref<8x2000xf32, #tpu.memory_space<hbm>>
      %dma_wait3A_54 = arith.constant 0 : i32
      %dma_wait3A_55 = tpu.memref_slice %arg4[%dma_wait3A_54, %add3A_23] : memref<8x320000xf32, #tpu.memory_space<hbm>> -> memref<8x2000xf32, #tpu.memory_space<hbm>>
      tpu.wait_dma2 semaphore(%run_scoped3A : memref<!tpu.dma_semaphore, #tpu.memory_space<semaphore_mem>>) src(%arg7 : memref<8x2000xf32, #tpu.memory_space<vmem>>) dst(%dma_wait3A_55 : memref<8x2000xf32, #tpu.memory_space<hbm>>)
      tpu.yield
    }) : () -> ()
    %mul3A_30 = arith.constant 10000 : i32
    %mul3A_31 = arith.muli %add3A, %mul3A_30 : i32
    %add3A_32 = arith.constant 6000 : i32
    %add3A_33 = arith.addi %mul3A_31, %add3A_32 : i32
    "tpu.region"() ({
      %run_scoped3A = tpu.sem_alloc : memref<!tpu.dma_semaphore, #tpu.memory_space<semaphore_mem>>
      %dma_start3A = tpu.memref_slice %arg2[%add3A_33] : memref<320000xi32, #tpu.memory_space<hbm>> -> memref<2000xi32, #tpu.memory_space<hbm>>
      %dma_start3A_50 = tpu.memref_slice %arg2[%add3A_33] : memref<320000xi32, #tpu.memory_space<hbm>> -> memref<2000xi32, #tpu.memory_space<hbm>>
      tpu.enqueue_dma source(%dma_start3A_50 : memref<2000xi32, #tpu.memory_space<hbm>>) target(%arg6 : memref<2000xi32, #tpu.memory_space<vmem>>) target_semaphore(%run_scoped3A : memref<!tpu.dma_semaphore, #tpu.memory_space<semaphore_mem>>)
      %dma_wait3A = tpu.memref_slice %arg2[%add3A_33] : memref<320000xi32, #tpu.memory_space<hbm>> -> memref<2000xi32, #tpu.memory_space<hbm>>
      %dma_wait3A_51 = tpu.memref_slice %arg2[%add3A_33] : memref<320000xi32, #tpu.memory_space<hbm>> -> memref<2000xi32, #tpu.memory_space<hbm>>
      tpu.wait_dma2 semaphore(%run_scoped3A : memref<!tpu.dma_semaphore, #tpu.memory_space<semaphore_mem>>) src(%dma_wait3A_51 : memref<2000xi32, #tpu.memory_space<hbm>>) dst(%arg6 : memref<2000xi32, #tpu.memory_space<vmem>>)
      tpu.yield
    }) : () -> ()
    %scan3A_34 = arith.constant 0 : i32
    %scan3A_35 = arith.constant 0 : i32
    %scan3A_36 = arith.constant 125 : i32
    %scan3A_37 = arith.addi %scan3A_35, %scan3A_36 : i32
    %scan3A_38 = arith.constant 1 : i32
    scf.for %scan3A_50 = %scan3A_35 to %scan3A_37 step %scan3A_38  : i32 {
      %mul3A_51 = arith.constant 16 : i32
      %mul3A_52 = arith.muli %scan3A_50, %mul3A_51 : i32
      %get3A = arith.index_cast %mul3A_52 : i32 to index
      %get3A_53 = tpu.vector_load %arg6[%get3A] {strides = array<i32>} : memref<2000xi32, #tpu.memory_space<vmem>>, vector<16xi32>,
      %mul3A_54 = arith.constant 8 : i32
      %mul3A_55 = vector.broadcast %mul3A_54 : i32 to vector<16xi32>
      %mul3A_56 = arith.muli %get3A_53, %mul3A_55 : vector<16xi32>
      %add3A_57 = arith.constant 0 : i32
      %add3A_58 = vector.broadcast %add3A_57 : i32 to vector<16xi32>
      %add3A_59 = arith.addi %mul3A_56, %add3A_58 : vector<16xi32>
      %gather3A = tpu.vector_load_idx %arg5[%add3A_59] : memref<80000xf32, #tpu.memory_space<vmem>>[vector<16xi32>], vector<16xf32>,
      %mul3A_60 = arith.constant 16 : i32
      %mul3A_61 = arith.muli %scan3A_50, %mul3A_60 : i32
      %swap3A = arith.constant 0 : i32
      %swap3A_62 = arith.index_cast %swap3A : i32 to index
      %swap3A_63 = arith.index_cast %mul3A_61 : i32 to index
      %swap3A_64 = tpu.vector_load %arg7[%swap3A_62, %swap3A_63] {strides = array<i32>} : memref<8x2000xf32, #tpu.memory_space<vmem>>, vector<16xf32>,
      tpu.vector_store %arg7[%swap3A_62, %swap3A_63], %gather3A {strides = array<i32>} : memref<8x2000xf32, #tpu.memory_space<vmem>>, vector<16xf32>,
      %add3A_65 = arith.constant 1 : i32
      %add3A_66 = vector.broadcast %add3A_65 : i32 to vector<16xi32>
      %add3A_67 = arith.addi %mul3A_56, %add3A_66 : vector<16xi32>
      %gather3A_68 = tpu.vector_load_idx %arg5[%add3A_67] : memref<80000xf32, #tpu.memory_space<vmem>>[vector<16xi32>], vector<16xf32>,
      %mul3A_69 = arith.constant 16 : i32
      %mul3A_70 = arith.muli %scan3A_50, %mul3A_69 : i32
      %swap3A_71 = arith.constant 1 : i32
      %swap3A_72 = arith.index_cast %swap3A_71 : i32 to index
      %swap3A_73 = arith.index_cast %mul3A_70 : i32 to index
      %swap3A_74 = tpu.vector_load %arg7[%swap3A_72, %swap3A_73] {strides = array<i32>} : memref<8x2000xf32, #tpu.memory_space<vmem>>, vector<16xf32>,
      tpu.vector_store %arg7[%swap3A_72, %swap3A_73], %gather3A_68 {strides = array<i32>} : memref<8x2000xf32, #tpu.memory_space<vmem>>, vector<16xf32>,
      %add3A_75 = arith.constant 2 : i32
      %add3A_76 = vector.broadcast %add3A_75 : i32 to vector<16xi32>
      %add3A_77 = arith.addi %mul3A_56, %add3A_76 : vector<16xi32>
      %gather3A_78 = tpu.vector_load_idx %arg5[%add3A_77] : memref<80000xf32, #tpu.memory_space<vmem>>[vector<16xi32>], vector<16xf32>,
      %mul3A_79 = arith.constant 16 : i32
      %mul3A_80 = arith.muli %scan3A_50, %mul3A_79 : i32
      %swap3A_81 = arith.constant 2 : i32
      %swap3A_82 = arith.index_cast %swap3A_81 : i32 to index
      %swap3A_83 = arith.index_cast %mul3A_80 : i32 to index
      %swap3A_84 = tpu.vector_load %arg7[%swap3A_82, %swap3A_83] {strides = array<i32>} : memref<8x2000xf32, #tpu.memory_space<vmem>>, vector<16xf32>,
      tpu.vector_store %arg7[%swap3A_82, %swap3A_83], %gather3A_78 {strides = array<i32>} : memref<8x2000xf32, #tpu.memory_space<vmem>>, vector<16xf32>,
      %add3A_85 = arith.constant 3 : i32
      %add3A_86 = vector.broadcast %add3A_85 : i32 to vector<16xi32>
      %add3A_87 = arith.addi %mul3A_56, %add3A_86 : vector<16xi32>
      %gather3A_88 = tpu.vector_load_idx %arg5[%add3A_87] : memref<80000xf32, #tpu.memory_space<vmem>>[vector<16xi32>], vector<16xf32>,
      %mul3A_89 = arith.constant 16 : i32
      %mul3A_90 = arith.muli %scan3A_50, %mul3A_89 : i32
      %swap3A_91 = arith.constant 3 : i32
      %swap3A_92 = arith.index_cast %swap3A_91 : i32 to index
      %swap3A_93 = arith.index_cast %mul3A_90 : i32 to index
      %swap3A_94 = tpu.vector_load %arg7[%swap3A_92, %swap3A_93] {strides = array<i32>} : memref<8x2000xf32, #tpu.memory_space<vmem>>, vector<16xf32>,
      tpu.vector_store %arg7[%swap3A_92, %swap3A_93], %gather3A_88 {strides = array<i32>} : memref<8x2000xf32, #tpu.memory_space<vmem>>, vector<16xf32>,
      %add3A_95 = arith.constant 4 : i32
      %add3A_96 = vector.broadcast %add3A_95 : i32 to vector<16xi32>
      %add3A_97 = arith.addi %mul3A_56, %add3A_96 : vector<16xi32>
      %gather3A_98 = tpu.vector_load_idx %arg5[%add3A_97] : memref<80000xf32, #tpu.memory_space<vmem>>[vector<16xi32>], vector<16xf32>,
      %mul3A_99 = arith.constant 16 : i32
      %mul3A_100 = arith.muli %scan3A_50, %mul3A_99 : i32
      %swap3A_101 = arith.constant 4 : i32
      %swap3A_102 = arith.index_cast %swap3A_101 : i32 to index
      %swap3A_103 = arith.index_cast %mul3A_100 : i32 to index
      %swap3A_104 = tpu.vector_load %arg7[%swap3A_102, %swap3A_103] {strides = array<i32>} : memref<8x2000xf32, #tpu.memory_space<vmem>>, vector<16xf32>,
      tpu.vector_store %arg7[%swap3A_102, %swap3A_103], %gather3A_98 {strides = array<i32>} : memref<8x2000xf32, #tpu.memory_space<vmem>>, vector<16xf32>,
      %add3A_105 = arith.constant 5 : i32
      %add3A_106 = vector.broadcast %add3A_105 : i32 to vector<16xi32>
      %add3A_107 = arith.addi %mul3A_56, %add3A_106 : vector<16xi32>
      %gather3A_108 = tpu.vector_load_idx %arg5[%add3A_107] : memref<80000xf32, #tpu.memory_space<vmem>>[vector<16xi32>], vector<16xf32>,
      %mul3A_109 = arith.constant 16 : i32
      %mul3A_110 = arith.muli %scan3A_50, %mul3A_109 : i32
      %swap3A_111 = arith.constant 5 : i32
      %swap3A_112 = arith.index_cast %swap3A_111 : i32 to index
      %swap3A_113 = arith.index_cast %mul3A_110 : i32 to index
      %swap3A_114 = tpu.vector_load %arg7[%swap3A_112, %swap3A_113] {strides = array<i32>} : memref<8x2000xf32, #tpu.memory_space<vmem>>, vector<16xf32>,
      tpu.vector_store %arg7[%swap3A_112, %swap3A_113], %gather3A_108 {strides = array<i32>} : memref<8x2000xf32, #tpu.memory_space<vmem>>, vector<16xf32>,
      %add3A_115 = arith.constant 6 : i32
      %add3A_116 = vector.broadcast %add3A_115 : i32 to vector<16xi32>
      %add3A_117 = arith.addi %mul3A_56, %add3A_116 : vector<16xi32>
      %gather3A_118 = tpu.vector_load_idx %arg5[%add3A_117] : memref<80000xf32, #tpu.memory_space<vmem>>[vector<16xi32>], vector<16xf32>,
      %mul3A_119 = arith.constant 16 : i32
      %mul3A_120 = arith.muli %scan3A_50, %mul3A_119 : i32
      %swap3A_121 = arith.constant 6 : i32
      %swap3A_122 = arith.index_cast %swap3A_121 : i32 to index
      %swap3A_123 = arith.index_cast %mul3A_120 : i32 to index
      %swap3A_124 = tpu.vector_load %arg7[%swap3A_122, %swap3A_123] {strides = array<i32>} : memref<8x2000xf32, #tpu.memory_space<vmem>>, vector<16xf32>,
      tpu.vector_store %arg7[%swap3A_122, %swap3A_123], %gather3A_118 {strides = array<i32>} : memref<8x2000xf32, #tpu.memory_space<vmem>>, vector<16xf32>,
      %add3A_125 = arith.constant 7 : i32
      %add3A_126 = vector.broadcast %add3A_125 : i32 to vector<16xi32>
      %add3A_127 = arith.addi %mul3A_56, %add3A_126 : vector<16xi32>
      %gather3A_128 = tpu.vector_load_idx %arg5[%add3A_127] : memref<80000xf32, #tpu.memory_space<vmem>>[vector<16xi32>], vector<16xf32>,
      %mul3A_129 = arith.constant 16 : i32
      %mul3A_130 = arith.muli %scan3A_50, %mul3A_129 : i32
      %swap3A_131 = arith.constant 7 : i32
      %swap3A_132 = arith.index_cast %swap3A_131 : i32 to index
      %swap3A_133 = arith.index_cast %mul3A_130 : i32 to index
      %swap3A_134 = tpu.vector_load %arg7[%swap3A_132, %swap3A_133] {strides = array<i32>} : memref<8x2000xf32, #tpu.memory_space<vmem>>, vector<16xf32>,
      tpu.vector_store %arg7[%swap3A_132, %swap3A_133], %gather3A_128 {strides = array<i32>} : memref<8x2000xf32, #tpu.memory_space<vmem>>, vector<16xf32>,
    }
    %scan3A_39 = arith.constant 125 : i32
    "tpu.region"() ({
      %run_scoped3A = tpu.sem_alloc : memref<!tpu.dma_semaphore, #tpu.memory_space<semaphore_mem>>
      %dma_start3A = arith.constant 0 : i32
      %dma_start3A_50 = tpu.memref_slice %arg4[%dma_start3A, %add3A_33] : memref<8x320000xf32, #tpu.memory_space<hbm>> -> memref<8x2000xf32, #tpu.memory_space<hbm>>
      %dma_start3A_51 = arith.constant 0 : i32
      %dma_start3A_52 = tpu.memref_slice %arg4[%dma_start3A_51, %add3A_33] : memref<8x320000xf32, #tpu.memory_space<hbm>> -> memref<8x2000xf32, #tpu.memory_space<hbm>>
      tpu.enqueue_dma source(%arg7 : memref<8x2000xf32, #tpu.memory_space<vmem>>) target(%dma_start3A_52 : memref<8x2000xf32, #tpu.memory_space<hbm>>) target_semaphore(%run_scoped3A : memref<!tpu.dma_semaphore, #tpu.memory_space<semaphore_mem>>)
      %dma_wait3A = arith.constant 0 : i32
      %dma_wait3A_53 = tpu.memref_slice %arg4[%dma_wait3A, %add3A_33] : memref<8x320000xf32, #tpu.memory_space<hbm>> -> memref<8x2000xf32, #tpu.memory_space<hbm>>
      %dma_wait3A_54 = arith.constant 0 : i32
      %dma_wait3A_55 = tpu.memref_slice %arg4[%dma_wait3A_54, %add3A_33] : memref<8x320000xf32, #tpu.memory_space<hbm>> -> memref<8x2000xf32, #tpu.memory_space<hbm>>
      tpu.wait_dma2 semaphore(%run_scoped3A : memref<!tpu.dma_semaphore, #tpu.memory_space<semaphore_mem>>) src(%arg7 : memref<8x2000xf32, #tpu.memory_space<vmem>>) dst(%dma_wait3A_55 : memref<8x2000xf32, #tpu.memory_space<hbm>>)
      tpu.yield
    }) : () -> ()
    %mul3A_40 = arith.constant 10000 : i32
    %mul3A_41 = arith.muli %add3A, %mul3A_40 : i32
    %add3A_42 = arith.constant 8000 : i32
    %add3A_43 = arith.addi %mul3A_41, %add3A_42 : i32
    "tpu.region"() ({
      %run_scoped3A = tpu.sem_alloc : memref<!tpu.dma_semaphore, #tpu.memory_space<semaphore_mem>>
      %dma_start3A = tpu.memref_slice %arg2[%add3A_43] : memref<320000xi32, #tpu.memory_space<hbm>> -> memref<2000xi32, #tpu.memory_space<hbm>>
      %dma_start3A_50 = tpu.memref_slice %arg2[%add3A_43] : memref<320000xi32, #tpu.memory_space<hbm>> -> memref<2000xi32, #tpu.memory_space<hbm>>
      tpu.enqueue_dma source(%dma_start3A_50 : memref<2000xi32, #tpu.memory_space<hbm>>) target(%arg6 : memref<2000xi32, #tpu.memory_space<vmem>>) target_semaphore(%run_scoped3A : memref<!tpu.dma_semaphore, #tpu.memory_space<semaphore_mem>>)
      %dma_wait3A = tpu.memref_slice %arg2[%add3A_43] : memref<320000xi32, #tpu.memory_space<hbm>> -> memref<2000xi32, #tpu.memory_space<hbm>>
      %dma_wait3A_51 = tpu.memref_slice %arg2[%add3A_43] : memref<320000xi32, #tpu.memory_space<hbm>> -> memref<2000xi32, #tpu.memory_space<hbm>>
      tpu.wait_dma2 semaphore(%run_scoped3A : memref<!tpu.dma_semaphore, #tpu.memory_space<semaphore_mem>>) src(%dma_wait3A_51 : memref<2000xi32, #tpu.memory_space<hbm>>) dst(%arg6 : memref<2000xi32, #tpu.memory_space<vmem>>)
      tpu.yield
    }) : () -> ()
    %scan3A_44 = arith.constant 0 : i32
    %scan3A_45 = arith.constant 0 : i32
    %scan3A_46 = arith.constant 125 : i32
    %scan3A_47 = arith.addi %scan3A_45, %scan3A_46 : i32
    %scan3A_48 = arith.constant 1 : i32
    scf.for %scan3A_50 = %scan3A_45 to %scan3A_47 step %scan3A_48  : i32 {
      %mul3A_51 = arith.constant 16 : i32
      %mul3A_52 = arith.muli %scan3A_50, %mul3A_51 : i32
      %get3A = arith.index_cast %mul3A_52 : i32 to index
      %get3A_53 = tpu.vector_load %arg6[%get3A] {strides = array<i32>} : memref<2000xi32, #tpu.memory_space<vmem>>, vector<16xi32>,
      %mul3A_54 = arith.constant 8 : i32
      %mul3A_55 = vector.broadcast %mul3A_54 : i32 to vector<16xi32>
      %mul3A_56 = arith.muli %get3A_53, %mul3A_55 : vector<16xi32>
      %add3A_57 = arith.constant 0 : i32
      %add3A_58 = vector.broadcast %add3A_57 : i32 to vector<16xi32>
      %add3A_59 = arith.addi %mul3A_56, %add3A_58 : vector<16xi32>
      %gather3A = tpu.vector_load_idx %arg5[%add3A_59] : memref<80000xf32, #tpu.memory_space<vmem>>[vector<16xi32>], vector<16xf32>,
      %mul3A_60 = arith.constant 16 : i32
      %mul3A_61 = arith.muli %scan3A_50, %mul3A_60 : i32
      %swap3A = arith.constant 0 : i32
      %swap3A_62 = arith.index_cast %swap3A : i32 to index
      %swap3A_63 = arith.index_cast %mul3A_61 : i32 to index
      %swap3A_64 = tpu.vector_load %arg7[%swap3A_62, %swap3A_63] {strides = array<i32>} : memref<8x2000xf32, #tpu.memory_space<vmem>>, vector<16xf32>,
      tpu.vector_store %arg7[%swap3A_62, %swap3A_63], %gather3A {strides = array<i32>} : memref<8x2000xf32, #tpu.memory_space<vmem>>, vector<16xf32>,
      %add3A_65 = arith.constant 1 : i32
      %add3A_66 = vector.broadcast %add3A_65 : i32 to vector<16xi32>
      %add3A_67 = arith.addi %mul3A_56, %add3A_66 : vector<16xi32>
      %gather3A_68 = tpu.vector_load_idx %arg5[%add3A_67] : memref<80000xf32, #tpu.memory_space<vmem>>[vector<16xi32>], vector<16xf32>,
      %mul3A_69 = arith.constant 16 : i32
      %mul3A_70 = arith.muli %scan3A_50, %mul3A_69 : i32
      %swap3A_71 = arith.constant 1 : i32
      %swap3A_72 = arith.index_cast %swap3A_71 : i32 to index
      %swap3A_73 = arith.index_cast %mul3A_70 : i32 to index
      %swap3A_74 = tpu.vector_load %arg7[%swap3A_72, %swap3A_73] {strides = array<i32>} : memref<8x2000xf32, #tpu.memory_space<vmem>>, vector<16xf32>,
      tpu.vector_store %arg7[%swap3A_72, %swap3A_73], %gather3A_68 {strides = array<i32>} : memref<8x2000xf32, #tpu.memory_space<vmem>>, vector<16xf32>,
      %add3A_75 = arith.constant 2 : i32
      %add3A_76 = vector.broadcast %add3A_75 : i32 to vector<16xi32>
      %add3A_77 = arith.addi %mul3A_56, %add3A_76 : vector<16xi32>
      %gather3A_78 = tpu.vector_load_idx %arg5[%add3A_77] : memref<80000xf32, #tpu.memory_space<vmem>>[vector<16xi32>], vector<16xf32>,
      %mul3A_79 = arith.constant 16 : i32
      %mul3A_80 = arith.muli %scan3A_50, %mul3A_79 : i32
      %swap3A_81 = arith.constant 2 : i32
      %swap3A_82 = arith.index_cast %swap3A_81 : i32 to index
      %swap3A_83 = arith.index_cast %mul3A_80 : i32 to index
      %swap3A_84 = tpu.vector_load %arg7[%swap3A_82, %swap3A_83] {strides = array<i32>} : memref<8x2000xf32, #tpu.memory_space<vmem>>, vector<16xf32>,
      tpu.vector_store %arg7[%swap3A_82, %swap3A_83], %gather3A_78 {strides = array<i32>} : memref<8x2000xf32, #tpu.memory_space<vmem>>, vector<16xf32>,
      %add3A_85 = arith.constant 3 : i32
      %add3A_86 = vector.broadcast %add3A_85 : i32 to vector<16xi32>
      %add3A_87 = arith.addi %mul3A_56, %add3A_86 : vector<16xi32>
      %gather3A_88 = tpu.vector_load_idx %arg5[%add3A_87] : memref<80000xf32, #tpu.memory_space<vmem>>[vector<16xi32>], vector<16xf32>,
      %mul3A_89 = arith.constant 16 : i32
      %mul3A_90 = arith.muli %scan3A_50, %mul3A_89 : i32
      %swap3A_91 = arith.constant 3 : i32
      %swap3A_92 = arith.index_cast %swap3A_91 : i32 to index
      %swap3A_93 = arith.index_cast %mul3A_90 : i32 to index
      %swap3A_94 = tpu.vector_load %arg7[%swap3A_92, %swap3A_93] {strides = array<i32>} : memref<8x2000xf32, #tpu.memory_space<vmem>>, vector<16xf32>,
      tpu.vector_store %arg7[%swap3A_92, %swap3A_93], %gather3A_88 {strides = array<i32>} : memref<8x2000xf32, #tpu.memory_space<vmem>>, vector<16xf32>,
      %add3A_95 = arith.constant 4 : i32
      %add3A_96 = vector.broadcast %add3A_95 : i32 to vector<16xi32>
      %add3A_97 = arith.addi %mul3A_56, %add3A_96 : vector<16xi32>
      %gather3A_98 = tpu.vector_load_idx %arg5[%add3A_97] : memref<80000xf32, #tpu.memory_space<vmem>>[vector<16xi32>], vector<16xf32>,
      %mul3A_99 = arith.constant 16 : i32
      %mul3A_100 = arith.muli %scan3A_50, %mul3A_99 : i32
      %swap3A_101 = arith.constant 4 : i32
      %swap3A_102 = arith.index_cast %swap3A_101 : i32 to index
      %swap3A_103 = arith.index_cast %mul3A_100 : i32 to index
      %swap3A_104 = tpu.vector_load %arg7[%swap3A_102, %swap3A_103] {strides = array<i32>} : memref<8x2000xf32, #tpu.memory_space<vmem>>, vector<16xf32>,
      tpu.vector_store %arg7[%swap3A_102, %swap3A_103], %gather3A_98 {strides = array<i32>} : memref<8x2000xf32, #tpu.memory_space<vmem>>, vector<16xf32>,
      %add3A_105 = arith.constant 5 : i32
      %add3A_106 = vector.broadcast %add3A_105 : i32 to vector<16xi32>
      %add3A_107 = arith.addi %mul3A_56, %add3A_106 : vector<16xi32>
      %gather3A_108 = tpu.vector_load_idx %arg5[%add3A_107] : memref<80000xf32, #tpu.memory_space<vmem>>[vector<16xi32>], vector<16xf32>,
      %mul3A_109 = arith.constant 16 : i32
      %mul3A_110 = arith.muli %scan3A_50, %mul3A_109 : i32
      %swap3A_111 = arith.constant 5 : i32
      %swap3A_112 = arith.index_cast %swap3A_111 : i32 to index
      %swap3A_113 = arith.index_cast %mul3A_110 : i32 to index
      %swap3A_114 = tpu.vector_load %arg7[%swap3A_112, %swap3A_113] {strides = array<i32>} : memref<8x2000xf32, #tpu.memory_space<vmem>>, vector<16xf32>,
      tpu.vector_store %arg7[%swap3A_112, %swap3A_113], %gather3A_108 {strides = array<i32>} : memref<8x2000xf32, #tpu.memory_space<vmem>>, vector<16xf32>,
      %add3A_115 = arith.constant 6 : i32
      %add3A_116 = vector.broadcast %add3A_115 : i32 to vector<16xi32>
      %add3A_117 = arith.addi %mul3A_56, %add3A_116 : vector<16xi32>
      %gather3A_118 = tpu.vector_load_idx %arg5[%add3A_117] : memref<80000xf32, #tpu.memory_space<vmem>>[vector<16xi32>], vector<16xf32>,
      %mul3A_119 = arith.constant 16 : i32
      %mul3A_120 = arith.muli %scan3A_50, %mul3A_119 : i32
      %swap3A_121 = arith.constant 6 : i32
      %swap3A_122 = arith.index_cast %swap3A_121 : i32 to index
      %swap3A_123 = arith.index_cast %mul3A_120 : i32 to index
      %swap3A_124 = tpu.vector_load %arg7[%swap3A_122, %swap3A_123] {strides = array<i32>} : memref<8x2000xf32, #tpu.memory_space<vmem>>, vector<16xf32>,
      tpu.vector_store %arg7[%swap3A_122, %swap3A_123], %gather3A_118 {strides = array<i32>} : memref<8x2000xf32, #tpu.memory_space<vmem>>, vector<16xf32>,
      %add3A_125 = arith.constant 7 : i32
      %add3A_126 = vector.broadcast %add3A_125 : i32 to vector<16xi32>
      %add3A_127 = arith.addi %mul3A_56, %add3A_126 : vector<16xi32>
      %gather3A_128 = tpu.vector_load_idx %arg5[%add3A_127] : memref<80000xf32, #tpu.memory_space<vmem>>[vector<16xi32>], vector<16xf32>,
      %mul3A_129 = arith.constant 16 : i32
      %mul3A_130 = arith.muli %scan3A_50, %mul3A_129 : i32
      %swap3A_131 = arith.constant 7 : i32
      %swap3A_132 = arith.index_cast %swap3A_131 : i32 to index
      %swap3A_133 = arith.index_cast %mul3A_130 : i32 to index
      %swap3A_134 = tpu.vector_load %arg7[%swap3A_132, %swap3A_133] {strides = array<i32>} : memref<8x2000xf32, #tpu.memory_space<vmem>>, vector<16xf32>,
      tpu.vector_store %arg7[%swap3A_132, %swap3A_133], %gather3A_128 {strides = array<i32>} : memref<8x2000xf32, #tpu.memory_space<vmem>>, vector<16xf32>,
    }
    %scan3A_49 = arith.constant 125 : i32
    "tpu.region"() ({
      %run_scoped3A = tpu.sem_alloc : memref<!tpu.dma_semaphore, #tpu.memory_space<semaphore_mem>>
      %dma_start3A = arith.constant 0 : i32
      %dma_start3A_50 = tpu.memref_slice %arg4[%dma_start3A, %add3A_43] : memref<8x320000xf32, #tpu.memory_space<hbm>> -> memref<8x2000xf32, #tpu.memory_space<hbm>>
      %dma_start3A_51 = arith.constant 0 : i32
      %dma_start3A_52 = tpu.memref_slice %arg4[%dma_start3A_51, %add3A_43] : memref<8x320000xf32, #tpu.memory_space<hbm>> -> memref<8x2000xf32, #tpu.memory_space<hbm>>
      tpu.enqueue_dma source(%arg7 : memref<8x2000xf32, #tpu.memory_space<vmem>>) target(%dma_start3A_52 : memref<8x2000xf32, #tpu.memory_space<hbm>>) target_semaphore(%run_scoped3A : memref<!tpu.dma_semaphore, #tpu.memory_space<semaphore_mem>>)
      %dma_wait3A = arith.constant 0 : i32
      %dma_wait3A_53 = tpu.memref_slice %arg4[%dma_wait3A, %add3A_43] : memref<8x320000xf32, #tpu.memory_space<hbm>> -> memref<8x2000xf32, #tpu.memory_space<hbm>>
      %dma_wait3A_54 = arith.constant 0 : i32
      %dma_wait3A_55 = tpu.memref_slice %arg4[%dma_wait3A_54, %add3A_43] : memref<8x320000xf32, #tpu.memory_space<hbm>> -> memref<8x2000xf32, #tpu.memory_space<hbm>>
      tpu.wait_dma2 semaphore(%run_scoped3A : memref<!tpu.dma_semaphore, #tpu.memory_space<semaphore_mem>>) src(%arg7 : memref<8x2000xf32, #tpu.memory_space<vmem>>) dst(%dma_wait3A_55 : memref<8x2000xf32, #tpu.memory_space<hbm>>)
      tpu.yield
    }) : () -> ()
    return
  }
}

#map = affine_map<(d0, d1) -> (0)>
#map1 = affine_map<(d0, d1) -> (0, 0)>
#map2 = affine_map<(d0, d1) -> (0, 0, 0)>
module attributes {stable_mosaic.version = 14 : i64} {
  func.func @_k2(%arg0: i32, %arg1: i32, %arg2: memref<320000xi32, #tpu.memory_space<hbm>>, %arg3: memref<8x320000xf32, #tpu.memory_space<hbm>>, %arg4: memref<10000x8xf32, #tpu.memory_space<hbm>>, %arg5: memref<2x10000x8xf32, #tpu.memory_space<hbm>>, %arg6: memref<2x128xi32, #tpu.memory_space<vmem>>, %arg7: memref<2x8x128xf32, #tpu.memory_space<vmem>>, %arg8: memref<2x128x8xf32, #tpu.memory_space<vmem>>, %arg9: memref<10000x8xf32, #tpu.memory_space<vmem_shared>>, %arg10: memref<!tpu.dma_semaphore, #tpu.memory_space<semaphore_mem>>, %arg11: memref<!tpu.dma_semaphore, #tpu.memory_space<semaphore_mem>>, %arg12: memref<!tpu.dma_semaphore, #tpu.memory_space<semaphore_mem>>, %arg13: memref<!tpu.dma_semaphore, #tpu.memory_space<semaphore_mem>>) attributes {dimension_semantics = [#tpu.dimension_semantics<core_parallel>, #tpu.dimension_semantics<subcore_parallel>], iteration_bounds = array<i64: 2, 16>, scalar_prefetch = 0 : i64, scratch_operands = 8 : i64, tpu.core_type = #tpu.core_type<sc_vector_subcore>, window_params = [{transform_indices = #map}, {transform_indices = #map1}, {transform_indices = #map1}, {transform_indices = #map2}]} {
    %mul3A = arith.constant 2 : i32
    %mul3A_0 = arith.muli %arg1, %mul3A : i32
    %add3A = arith.addi %mul3A_0, %arg0 : i32
    %iota3A = tpu.iota {dimensions = array<i32: 0>} : vector<16xi32>
    %lt3A = arith.constant 15 : i32
    %lt3A_1 = arith.cmpi slt, %arg1, %lt3A : i32
    %convert_element_type3A = arith.extui %lt3A_1 : i1 to i32
    %cond3A = arith.constant 0 : i32
    %cond3A_2 = arith.cmpi ne, %convert_element_type3A, %cond3A : i32
    scf.if %cond3A_2 {
      %mul3A_51 = arith.constant 632 : i32
      %mul3A_52 = arith.muli %arg1, %mul3A_51 : i32
      %mul3A_53 = arith.constant 632 : i32
      %mul3A_54 = arith.muli %arg1, %mul3A_53 : i32
      "tpu.region"() ({
        %run_scoped3A = tpu.sem_alloc : memref<!tpu.dma_semaphore, #tpu.memory_space<semaphore_mem>>
        %dma_start3A = arith.constant 0 : i32
        %dma_start3A_55 = tpu.memref_slice %arg9[%mul3A_54, %dma_start3A] : memref<10000x8xf32, #tpu.memory_space<vmem_shared>> -> memref<632x8xf32, #tpu.memory_space<vmem_shared>>
        %dma_start3A_56 = arith.constant 0 : i32
        %dma_start3A_57 = tpu.memref_slice %arg4[%mul3A_52, %dma_start3A_56] : memref<10000x8xf32, #tpu.memory_space<hbm>> -> memref<632x8xf32, #tpu.memory_space<hbm>>
        tpu.enqueue_dma source(%dma_start3A_57 : memref<632x8xf32, #tpu.memory_space<hbm>>) target(%dma_start3A_55 : memref<632x8xf32, #tpu.memory_space<vmem_shared>>) target_semaphore(%run_scoped3A : memref<!tpu.dma_semaphore, #tpu.memory_space<semaphore_mem>>)
        %dma_wait3A_58 = arith.constant 0 : i32
        %dma_wait3A_59 = tpu.memref_slice %arg9[%mul3A_54, %dma_wait3A_58] : memref<10000x8xf32, #tpu.memory_space<vmem_shared>> -> memref<632x8xf32, #tpu.memory_space<vmem_shared>>
        %dma_wait3A_60 = arith.constant 0 : i32
        %dma_wait3A_61 = tpu.memref_slice %arg4[%mul3A_52, %dma_wait3A_60] : memref<10000x8xf32, #tpu.memory_space<hbm>> -> memref<632x8xf32, #tpu.memory_space<hbm>>
        tpu.wait_dma2 semaphore(%run_scoped3A : memref<!tpu.dma_semaphore, #tpu.memory_space<semaphore_mem>>) src(%dma_wait3A_61 : memref<632x8xf32, #tpu.memory_space<hbm>>) dst(%dma_wait3A_59 : memref<632x8xf32, #tpu.memory_space<vmem_shared>>)
        tpu.yield
      }) : () -> ()
    } else {
    }
    %eq3A = arith.constant 15 : i32
    %eq3A_3 = arith.cmpi eq, %arg1, %eq3A : i32
    %convert_element_type3A_4 = arith.extui %eq3A_3 : i1 to i32
    %cond3A_5 = arith.constant 0 : i32
    %cond3A_6 = arith.cmpi ne, %convert_element_type3A_4, %cond3A_5 : i32
    scf.if %cond3A_6 {
      "tpu.region"() ({
        %run_scoped3A = tpu.sem_alloc : memref<!tpu.dma_semaphore, #tpu.memory_space<semaphore_mem>>
        %dma_start3A = arith.constant 9480 : i32
        %dma_start3A_51 = arith.constant 0 : i32
        %dma_start3A_52 = tpu.memref_slice %arg9[%dma_start3A, %dma_start3A_51] : memref<10000x8xf32, #tpu.memory_space<vmem_shared>> -> memref<520x8xf32, #tpu.memory_space<vmem_shared>>
        %dma_start3A_53 = arith.constant 9480 : i32
        %dma_start3A_54 = arith.constant 0 : i32
        %dma_start3A_55 = tpu.memref_slice %arg4[%dma_start3A_53, %dma_start3A_54] : memref<10000x8xf32, #tpu.memory_space<hbm>> -> memref<520x8xf32, #tpu.memory_space<hbm>>
        tpu.enqueue_dma source(%dma_start3A_55 : memref<520x8xf32, #tpu.memory_space<hbm>>) target(%dma_start3A_52 : memref<520x8xf32, #tpu.memory_space<vmem_shared>>) target_semaphore(%run_scoped3A : memref<!tpu.dma_semaphore, #tpu.memory_space<semaphore_mem>>)
        %dma_wait3A_56 = arith.constant 9480 : i32
        %dma_wait3A_57 = arith.constant 0 : i32
        %dma_wait3A_58 = tpu.memref_slice %arg9[%dma_wait3A_56, %dma_wait3A_57] : memref<10000x8xf32, #tpu.memory_space<vmem_shared>> -> memref<520x8xf32, #tpu.memory_space<vmem_shared>>
        %dma_wait3A_59 = arith.constant 9480 : i32
        %dma_wait3A_60 = arith.constant 0 : i32
        %dma_wait3A_61 = tpu.memref_slice %arg4[%dma_wait3A_59, %dma_wait3A_60] : memref<10000x8xf32, #tpu.memory_space<hbm>> -> memref<520x8xf32, #tpu.memory_space<hbm>>
        tpu.wait_dma2 semaphore(%run_scoped3A : memref<!tpu.dma_semaphore, #tpu.memory_space<semaphore_mem>>) src(%dma_wait3A_61 : memref<520x8xf32, #tpu.memory_space<hbm>>) dst(%dma_wait3A_58 : memref<520x8xf32, #tpu.memory_space<vmem_shared>>)
        tpu.yield
      }) : () -> ()
    } else {
    }
    %barrier3A = arith.constant 0 : index
    tpu.barrier barrier_id(%barrier3A)
    %scan3A = arith.constant 0 : i32
    %scan3A_7 = arith.constant 0 : i32
    %scan3A_8 = arith.constant 39 : i32
    %scan3A_9 = arith.addi %scan3A_7, %scan3A_8 : i32
    %scan3A_10 = arith.constant 1 : i32
    scf.for %scan3A_51 = %scan3A_7 to %scan3A_9 step %scan3A_10  : i32 {
      %mul3A_52 = arith.constant 2 : i32
      %mul3A_53 = arith.muli %mul3A_52, %scan3A_51 : i32
      %add3A_54 = arith.constant 0 : i32
      %add3A_55 = arith.addi %mul3A_53, %add3A_54 : i32
      %mul3A_56 = arith.constant 32 : i32
      %mul3A_57 = arith.muli %add3A_55, %mul3A_56 : i32
      %add3A_58 = arith.addi %mul3A_57, %add3A : i32
      %mul3A_59 = arith.constant 128 : i32
      %mul3A_60 = arith.muli %add3A_58, %mul3A_59 : i32
      %gt3A = arith.constant 0 : i32
      %gt3A_61 = arith.cmpi sgt, %scan3A_51, %gt3A : i32
      %convert_element_type3A_62 = arith.extui %gt3A_61 : i1 to i32
      %cond3A_63 = arith.constant 0 : i32
      %cond3A_64 = arith.cmpi ne, %convert_element_type3A_62, %cond3A_63 : i32
      scf.if %cond3A_64 {
        %dma_wait3A_202 = arith.constant 0 : i32
        %dma_wait3A_203 = arith.constant 0 : i32
        %dma_wait3A_204 = arith.constant 0 : i32
        %dma_wait3A_205 = arith.constant 0 : i32
        %dma_wait3A_206 = tpu.memref_slice %arg8[%dma_wait3A_202, %dma_wait3A_204, %dma_wait3A_205] : memref<2x128x8xf32, #tpu.memory_space<vmem>> -> memref<1x128x8xf32, #tpu.memory_space<vmem>>
        %dma_wait3A_207 = tpu.memref_squeeze %dma_wait3A_206 : memref<1x128x8xf32, #tpu.memory_space<vmem>> -> memref<128x8xf32, #tpu.memory_space<vmem>>
        %dma_wait3A_208 = arith.constant 0 : i32
        %dma_wait3A_209 = tpu.memref_slice %arg6[%dma_wait3A_203, %dma_wait3A_208] : memref<2x128xi32, #tpu.memory_space<vmem>> -> memref<1x128xi32, #tpu.memory_space<vmem>>
        %dma_wait3A_210 = tpu.memref_squeeze %dma_wait3A_209 : memref<1x128xi32, #tpu.memory_space<vmem>> -> memref<128xi32, #tpu.memory_space<vmem>>
        %dma_wait3A_211 = arith.constant 0 : i32
        %dma_wait3A_212 = arith.constant 0 : i32
        %dma_wait3A_213 = tpu.memref_slice %arg9[%dma_wait3A_211, %dma_wait3A_212] : memref<10000x8xf32, #tpu.memory_space<vmem_shared>> -> memref<10000x8xf32, #tpu.memory_space<vmem_shared>>
        tpu.wait_indirect_dma semaphore(%arg12 : memref<!tpu.dma_semaphore, #tpu.memory_space<semaphore_mem>>) src(%dma_wait3A_207 : memref<128x8xf32, #tpu.memory_space<vmem>>) dst(%dma_wait3A_213 : memref<10000x8xf32, #tpu.memory_space<vmem_shared>>)
      } else {
      }
      %dma_start3A = arith.constant 0 : i32
      %dma_start3A_65 = arith.constant 0 : i32
      %dma_start3A_66 = tpu.memref_slice %arg6[%dma_start3A, %dma_start3A_65] : memref<2x128xi32, #tpu.memory_space<vmem>> -> memref<1x128xi32, #tpu.memory_space<vmem>>
      %dma_start3A_67 = tpu.memref_squeeze %dma_start3A_66 : memref<1x128xi32, #tpu.memory_space<vmem>> -> memref<128xi32, #tpu.memory_space<vmem>>
      %dma_start3A_68 = tpu.memref_slice %arg2[%mul3A_60] : memref<320000xi32, #tpu.memory_space<hbm>> -> memref<128xi32, #tpu.memory_space<hbm>>
      %dma_start3A_69 = arith.constant 0 : i32
      %dma_start3A_70 = tpu.memref_slice %arg6[%dma_start3A, %dma_start3A_69] : memref<2x128xi32, #tpu.memory_space<vmem>> -> memref<1x128xi32, #tpu.memory_space<vmem>>
      %dma_start3A_71 = tpu.memref_squeeze %dma_start3A_70 : memref<1x128xi32, #tpu.memory_space<vmem>> -> memref<128xi32, #tpu.memory_space<vmem>>
      %dma_start3A_72 = tpu.memref_slice %arg2[%mul3A_60] : memref<320000xi32, #tpu.memory_space<hbm>> -> memref<128xi32, #tpu.memory_space<hbm>>
      tpu.enqueue_dma source(%dma_start3A_72 : memref<128xi32, #tpu.memory_space<hbm>>) target(%dma_start3A_71 : memref<128xi32, #tpu.memory_space<vmem>>) target_semaphore(%arg10 : memref<!tpu.dma_semaphore, #tpu.memory_space<semaphore_mem>>)
      %dma_start3A_73 = arith.constant 0 : i32
      %dma_start3A_74 = arith.constant 0 : i32
      %dma_start3A_75 = arith.constant 0 : i32
      %dma_start3A_76 = tpu.memref_slice %arg7[%dma_start3A_73, %dma_start3A_74, %dma_start3A_75] : memref<2x8x128xf32, #tpu.memory_space<vmem>> -> memref<1x8x128xf32, #tpu.memory_space<vmem>>
      %dma_start3A_77 = tpu.memref_squeeze %dma_start3A_76 : memref<1x8x128xf32, #tpu.memory_space<vmem>> -> memref<8x128xf32, #tpu.memory_space<vmem>>
      %dma_start3A_78 = arith.constant 0 : i32
      %dma_start3A_79 = tpu.memref_slice %arg3[%dma_start3A_78, %mul3A_60] : memref<8x320000xf32, #tpu.memory_space<hbm>> -> memref<8x128xf32, #tpu.memory_space<hbm>>
      %dma_start3A_80 = arith.constant 0 : i32
      %dma_start3A_81 = arith.constant 0 : i32
      %dma_start3A_82 = tpu.memref_slice %arg7[%dma_start3A_73, %dma_start3A_80, %dma_start3A_81] : memref<2x8x128xf32, #tpu.memory_space<vmem>> -> memref<1x8x128xf32, #tpu.memory_space<vmem>>
      %dma_start3A_83 = tpu.memref_squeeze %dma_start3A_82 : memref<1x8x128xf32, #tpu.memory_space<vmem>> -> memref<8x128xf32, #tpu.memory_space<vmem>>
      %dma_start3A_84 = arith.constant 0 : i32
      %dma_start3A_85 = tpu.memref_slice %arg3[%dma_start3A_84, %mul3A_60] : memref<8x320000xf32, #tpu.memory_space<hbm>> -> memref<8x128xf32, #tpu.memory_space<hbm>>
      tpu.enqueue_dma source(%dma_start3A_85 : memref<8x128xf32, #tpu.memory_space<hbm>>) target(%dma_start3A_83 : memref<8x128xf32, #tpu.memory_space<vmem>>) target_semaphore(%arg10 : memref<!tpu.dma_semaphore, #tpu.memory_space<semaphore_mem>>)
      %dma_wait3A_86 = arith.constant 0 : i32
      %dma_wait3A_87 = arith.constant 0 : i32
      %dma_wait3A_88 = tpu.memref_slice %arg6[%dma_wait3A_86, %dma_wait3A_87] : memref<2x128xi32, #tpu.memory_space<vmem>> -> memref<1x128xi32, #tpu.memory_space<vmem>>
      %dma_wait3A_89 = tpu.memref_squeeze %dma_wait3A_88 : memref<1x128xi32, #tpu.memory_space<vmem>> -> memref<128xi32, #tpu.memory_space<vmem>>
      %dma_wait3A_90 = tpu.memref_slice %arg2[%mul3A_60] : memref<320000xi32, #tpu.memory_space<hbm>> -> memref<128xi32, #tpu.memory_space<hbm>>
      %dma_wait3A_91 = arith.constant 0 : i32
      %dma_wait3A_92 = tpu.memref_slice %arg6[%dma_wait3A_86, %dma_wait3A_91] : memref<2x128xi32, #tpu.memory_space<vmem>> -> memref<1x128xi32, #tpu.memory_space<vmem>>
      %dma_wait3A_93 = tpu.memref_squeeze %dma_wait3A_92 : memref<1x128xi32, #tpu.memory_space<vmem>> -> memref<128xi32, #tpu.memory_space<vmem>>
      %dma_wait3A_94 = tpu.memref_slice %arg2[%mul3A_60] : memref<320000xi32, #tpu.memory_space<hbm>> -> memref<128xi32, #tpu.memory_space<hbm>>
      tpu.wait_dma2 semaphore(%arg10 : memref<!tpu.dma_semaphore, #tpu.memory_space<semaphore_mem>>) src(%dma_wait3A_94 : memref<128xi32, #tpu.memory_space<hbm>>) dst(%dma_wait3A_93 : memref<128xi32, #tpu.memory_space<vmem>>)
      %dma_wait3A_95 = arith.constant 0 : i32
      %dma_wait3A_96 = arith.constant 0 : i32
      %dma_wait3A_97 = arith.constant 0 : i32
      %dma_wait3A_98 = tpu.memref_slice %arg7[%dma_wait3A_95, %dma_wait3A_96, %dma_wait3A_97] : memref<2x8x128xf32, #tpu.memory_space<vmem>> -> memref<1x8x128xf32, #tpu.memory_space<vmem>>
      %dma_wait3A_99 = tpu.memref_squeeze %dma_wait3A_98 : memref<1x8x128xf32, #tpu.memory_space<vmem>> -> memref<8x128xf32, #tpu.memory_space<vmem>>
      %dma_wait3A_100 = arith.constant 0 : i32
      %dma_wait3A_101 = tpu.memref_slice %arg3[%dma_wait3A_100, %mul3A_60] : memref<8x320000xf32, #tpu.memory_space<hbm>> -> memref<8x128xf32, #tpu.memory_space<hbm>>
      %dma_wait3A_102 = arith.constant 0 : i32
      %dma_wait3A_103 = arith.constant 0 : i32
      %dma_wait3A_104 = tpu.memref_slice %arg7[%dma_wait3A_95, %dma_wait3A_102, %dma_wait3A_103] : memref<2x8x128xf32, #tpu.memory_space<vmem>> -> memref<1x8x128xf32, #tpu.memory_space<vmem>>
      %dma_wait3A_105 = tpu.memref_squeeze %dma_wait3A_104 : memref<1x8x128xf32, #tpu.memory_space<vmem>> -> memref<8x128xf32, #tpu.memory_space<vmem>>
      %dma_wait3A_106 = arith.constant 0 : i32
      %dma_wait3A_107 = tpu.memref_slice %arg3[%dma_wait3A_106, %mul3A_60] : memref<8x320000xf32, #tpu.memory_space<hbm>> -> memref<8x128xf32, #tpu.memory_space<hbm>>
      tpu.wait_dma2 semaphore(%arg10 : memref<!tpu.dma_semaphore, #tpu.memory_space<semaphore_mem>>) src(%dma_wait3A_107 : memref<8x128xf32, #tpu.memory_space<hbm>>) dst(%dma_wait3A_105 : memref<8x128xf32, #tpu.memory_space<vmem>>)
      %scan3A_108 = arith.constant 0 : i32
      %scan3A_109 = arith.constant 0 : i32
      %scan3A_110 = arith.constant 8 : i32
      %scan3A_111 = arith.addi %scan3A_109, %scan3A_110 : i32
      %scan3A_112 = arith.constant 1 : i32
      scf.for %scan3A_202 = %scan3A_109 to %scan3A_111 step %scan3A_112  : i32 {
        %mul3A_203 = arith.constant 16 : i32
        %mul3A_204 = arith.muli %scan3A_202, %mul3A_203 : i32
        %add3A_205 = vector.broadcast %mul3A_204 : i32 to vector<16xi32>
        %add3A_206 = arith.addi %add3A_205, %iota3A : vector<16xi32>
        %mul3A_207 = arith.constant 16 : i32
        %mul3A_208 = arith.muli %scan3A_202, %mul3A_207 : i32
        %get3A = arith.constant 0 : i32
        %get3A_209 = arith.constant 0 : i32
        %get3A_210 = arith.index_cast %get3A : i32 to index
        %get3A_211 = arith.index_cast %get3A_209 : i32 to index
        %get3A_212 = arith.index_cast %mul3A_208 : i32 to index
        %get3A_213 = tpu.vector_load %arg7[%get3A_210, %get3A_211, %get3A_212] {strides = array<i32>} : memref<2x8x128xf32, #tpu.memory_space<vmem>>, vector<16xf32>,
        %broadcast_in_dim3A = arith.constant 0 : i32
        %broadcast_in_dim3A_214 = vector.broadcast %broadcast_in_dim3A : i32 to vector<16xi32>
        %scatter3A = arith.constant 0 : i32
        %scatter3A_215 = arith.constant 0 : i32
        %scatter3A_216 = arith.constant 0 : i32
        %scatter3A_217 = tpu.memref_slice %arg8[%scatter3A, %scatter3A_215, %scatter3A_216] : memref<2x128x8xf32, #tpu.memory_space<vmem>> -> memref<1x128x8xf32, #tpu.memory_space<vmem>>
        %scatter3A_218 = tpu.memref_squeeze %scatter3A_217 : memref<1x128x8xf32, #tpu.memory_space<vmem>> -> memref<128x8xf32, #tpu.memory_space<vmem>>
        tpu.vector_store_idx %scatter3A_218[%add3A_206, %broadcast_in_dim3A_214], %get3A_213 : memref<128x8xf32, #tpu.memory_space<vmem>>[vector<16xi32>, vector<16xi32>], vector<16xf32>,
        %mul3A_219 = arith.constant 16 : i32
        %mul3A_220 = arith.muli %scan3A_202, %mul3A_219 : i32
        %get3A_221 = arith.constant 0 : i32
        %get3A_222 = arith.constant 1 : i32
        %get3A_223 = arith.index_cast %get3A_221 : i32 to index
        %get3A_224 = arith.index_cast %get3A_222 : i32 to index
        %get3A_225 = arith.index_cast %mul3A_220 : i32 to index
        %get3A_226 = tpu.vector_load %arg7[%get3A_223, %get3A_224, %get3A_225] {strides = array<i32>} : memref<2x8x128xf32, #tpu.memory_space<vmem>>, vector<16xf32>,
        %broadcast_in_dim3A_227 = arith.constant 1 : i32
        %broadcast_in_dim3A_228 = vector.broadcast %broadcast_in_dim3A_227 : i32 to vector<16xi32>
        %scatter3A_229 = arith.constant 0 : i32
        %scatter3A_230 = arith.constant 0 : i32
        %scatter3A_231 = arith.constant 0 : i32
        %scatter3A_232 = tpu.memref_slice %arg8[%scatter3A_229, %scatter3A_230, %scatter3A_231] : memref<2x128x8xf32, #tpu.memory_space<vmem>> -> memref<1x128x8xf32, #tpu.memory_space<vmem>>
        %scatter3A_233 = tpu.memref_squeeze %scatter3A_232 : memref<1x128x8xf32, #tpu.memory_space<vmem>> -> memref<128x8xf32, #tpu.memory_space<vmem>>
        tpu.vector_store_idx %scatter3A_233[%add3A_206, %broadcast_in_dim3A_228], %get3A_226 : memref<128x8xf32, #tpu.memory_space<vmem>>[vector<16xi32>, vector<16xi32>], vector<16xf32>,
        %mul3A_234 = arith.constant 16 : i32
        %mul3A_235 = arith.muli %scan3A_202, %mul3A_234 : i32
        %get3A_236 = arith.constant 0 : i32
        %get3A_237 = arith.constant 2 : i32
        %get3A_238 = arith.index_cast %get3A_236 : i32 to index
        %get3A_239 = arith.index_cast %get3A_237 : i32 to index
        %get3A_240 = arith.index_cast %mul3A_235 : i32 to index
        %get3A_241 = tpu.vector_load %arg7[%get3A_238, %get3A_239, %get3A_240] {strides = array<i32>} : memref<2x8x128xf32, #tpu.memory_space<vmem>>, vector<16xf32>,
        %broadcast_in_dim3A_242 = arith.constant 2 : i32
        %broadcast_in_dim3A_243 = vector.broadcast %broadcast_in_dim3A_242 : i32 to vector<16xi32>
        %scatter3A_244 = arith.constant 0 : i32
        %scatter3A_245 = arith.constant 0 : i32
        %scatter3A_246 = arith.constant 0 : i32
        %scatter3A_247 = tpu.memref_slice %arg8[%scatter3A_244, %scatter3A_245, %scatter3A_246] : memref<2x128x8xf32, #tpu.memory_space<vmem>> -> memref<1x128x8xf32, #tpu.memory_space<vmem>>
        %scatter3A_248 = tpu.memref_squeeze %scatter3A_247 : memref<1x128x8xf32, #tpu.memory_space<vmem>> -> memref<128x8xf32, #tpu.memory_space<vmem>>
        tpu.vector_store_idx %scatter3A_248[%add3A_206, %broadcast_in_dim3A_243], %get3A_241 : memref<128x8xf32, #tpu.memory_space<vmem>>[vector<16xi32>, vector<16xi32>], vector<16xf32>,
        %mul3A_249 = arith.constant 16 : i32
        %mul3A_250 = arith.muli %scan3A_202, %mul3A_249 : i32
        %get3A_251 = arith.constant 0 : i32
        %get3A_252 = arith.constant 3 : i32
        %get3A_253 = arith.index_cast %get3A_251 : i32 to index
        %get3A_254 = arith.index_cast %get3A_252 : i32 to index
        %get3A_255 = arith.index_cast %mul3A_250 : i32 to index
        %get3A_256 = tpu.vector_load %arg7[%get3A_253, %get3A_254, %get3A_255] {strides = array<i32>} : memref<2x8x128xf32, #tpu.memory_space<vmem>>, vector<16xf32>,
        %broadcast_in_dim3A_257 = arith.constant 3 : i32
        %broadcast_in_dim3A_258 = vector.broadcast %broadcast_in_dim3A_257 : i32 to vector<16xi32>
        %scatter3A_259 = arith.constant 0 : i32
        %scatter3A_260 = arith.constant 0 : i32
        %scatter3A_261 = arith.constant 0 : i32
        %scatter3A_262 = tpu.memref_slice %arg8[%scatter3A_259, %scatter3A_260, %scatter3A_261] : memref<2x128x8xf32, #tpu.memory_space<vmem>> -> memref<1x128x8xf32, #tpu.memory_space<vmem>>
        %scatter3A_263 = tpu.memref_squeeze %scatter3A_262 : memref<1x128x8xf32, #tpu.memory_space<vmem>> -> memref<128x8xf32, #tpu.memory_space<vmem>>
        tpu.vector_store_idx %scatter3A_263[%add3A_206, %broadcast_in_dim3A_258], %get3A_256 : memref<128x8xf32, #tpu.memory_space<vmem>>[vector<16xi32>, vector<16xi32>], vector<16xf32>,
        %mul3A_264 = arith.constant 16 : i32
        %mul3A_265 = arith.muli %scan3A_202, %mul3A_264 : i32
        %get3A_266 = arith.constant 0 : i32
        %get3A_267 = arith.constant 4 : i32
        %get3A_268 = arith.index_cast %get3A_266 : i32 to index
        %get3A_269 = arith.index_cast %get3A_267 : i32 to index
        %get3A_270 = arith.index_cast %mul3A_265 : i32 to index
        %get3A_271 = tpu.vector_load %arg7[%get3A_268, %get3A_269, %get3A_270] {strides = array<i32>} : memref<2x8x128xf32, #tpu.memory_space<vmem>>, vector<16xf32>,
        %broadcast_in_dim3A_272 = arith.constant 4 : i32
        %broadcast_in_dim3A_273 = vector.broadcast %broadcast_in_dim3A_272 : i32 to vector<16xi32>
        %scatter3A_274 = arith.constant 0 : i32
        %scatter3A_275 = arith.constant 0 : i32
        %scatter3A_276 = arith.constant 0 : i32
        %scatter3A_277 = tpu.memref_slice %arg8[%scatter3A_274, %scatter3A_275, %scatter3A_276] : memref<2x128x8xf32, #tpu.memory_space<vmem>> -> memref<1x128x8xf32, #tpu.memory_space<vmem>>
        %scatter3A_278 = tpu.memref_squeeze %scatter3A_277 : memref<1x128x8xf32, #tpu.memory_space<vmem>> -> memref<128x8xf32, #tpu.memory_space<vmem>>
        tpu.vector_store_idx %scatter3A_278[%add3A_206, %broadcast_in_dim3A_273], %get3A_271 : memref<128x8xf32, #tpu.memory_space<vmem>>[vector<16xi32>, vector<16xi32>], vector<16xf32>,
        %mul3A_279 = arith.constant 16 : i32
        %mul3A_280 = arith.muli %scan3A_202, %mul3A_279 : i32
        %get3A_281 = arith.constant 0 : i32
        %get3A_282 = arith.constant 5 : i32
        %get3A_283 = arith.index_cast %get3A_281 : i32 to index
        %get3A_284 = arith.index_cast %get3A_282 : i32 to index
        %get3A_285 = arith.index_cast %mul3A_280 : i32 to index
        %get3A_286 = tpu.vector_load %arg7[%get3A_283, %get3A_284, %get3A_285] {strides = array<i32>} : memref<2x8x128xf32, #tpu.memory_space<vmem>>, vector<16xf32>,
        %broadcast_in_dim3A_287 = arith.constant 5 : i32
        %broadcast_in_dim3A_288 = vector.broadcast %broadcast_in_dim3A_287 : i32 to vector<16xi32>
        %scatter3A_289 = arith.constant 0 : i32
        %scatter3A_290 = arith.constant 0 : i32
        %scatter3A_291 = arith.constant 0 : i32
        %scatter3A_292 = tpu.memref_slice %arg8[%scatter3A_289, %scatter3A_290, %scatter3A_291] : memref<2x128x8xf32, #tpu.memory_space<vmem>> -> memref<1x128x8xf32, #tpu.memory_space<vmem>>
        %scatter3A_293 = tpu.memref_squeeze %scatter3A_292 : memref<1x128x8xf32, #tpu.memory_space<vmem>> -> memref<128x8xf32, #tpu.memory_space<vmem>>
        tpu.vector_store_idx %scatter3A_293[%add3A_206, %broadcast_in_dim3A_288], %get3A_286 : memref<128x8xf32, #tpu.memory_space<vmem>>[vector<16xi32>, vector<16xi32>], vector<16xf32>,
        %mul3A_294 = arith.constant 16 : i32
        %mul3A_295 = arith.muli %scan3A_202, %mul3A_294 : i32
        %get3A_296 = arith.constant 0 : i32
        %get3A_297 = arith.constant 6 : i32
        %get3A_298 = arith.index_cast %get3A_296 : i32 to index
        %get3A_299 = arith.index_cast %get3A_297 : i32 to index
        %get3A_300 = arith.index_cast %mul3A_295 : i32 to index
        %get3A_301 = tpu.vector_load %arg7[%get3A_298, %get3A_299, %get3A_300] {strides = array<i32>} : memref<2x8x128xf32, #tpu.memory_space<vmem>>, vector<16xf32>,
        %broadcast_in_dim3A_302 = arith.constant 6 : i32
        %broadcast_in_dim3A_303 = vector.broadcast %broadcast_in_dim3A_302 : i32 to vector<16xi32>
        %scatter3A_304 = arith.constant 0 : i32
        %scatter3A_305 = arith.constant 0 : i32
        %scatter3A_306 = arith.constant 0 : i32
        %scatter3A_307 = tpu.memref_slice %arg8[%scatter3A_304, %scatter3A_305, %scatter3A_306] : memref<2x128x8xf32, #tpu.memory_space<vmem>> -> memref<1x128x8xf32, #tpu.memory_space<vmem>>
        %scatter3A_308 = tpu.memref_squeeze %scatter3A_307 : memref<1x128x8xf32, #tpu.memory_space<vmem>> -> memref<128x8xf32, #tpu.memory_space<vmem>>
        tpu.vector_store_idx %scatter3A_308[%add3A_206, %broadcast_in_dim3A_303], %get3A_301 : memref<128x8xf32, #tpu.memory_space<vmem>>[vector<16xi32>, vector<16xi32>], vector<16xf32>,
        %mul3A_309 = arith.constant 16 : i32
        %mul3A_310 = arith.muli %scan3A_202, %mul3A_309 : i32
        %get3A_311 = arith.constant 0 : i32
        %get3A_312 = arith.constant 7 : i32
        %get3A_313 = arith.index_cast %get3A_311 : i32 to index
        %get3A_314 = arith.index_cast %get3A_312 : i32 to index
        %get3A_315 = arith.index_cast %mul3A_310 : i32 to index
        %get3A_316 = tpu.vector_load %arg7[%get3A_313, %get3A_314, %get3A_315] {strides = array<i32>} : memref<2x8x128xf32, #tpu.memory_space<vmem>>, vector<16xf32>,
        %broadcast_in_dim3A_317 = arith.constant 7 : i32
        %broadcast_in_dim3A_318 = vector.broadcast %broadcast_in_dim3A_317 : i32 to vector<16xi32>
        %scatter3A_319 = arith.constant 0 : i32
        %scatter3A_320 = arith.constant 0 : i32
        %scatter3A_321 = arith.constant 0 : i32
        %scatter3A_322 = tpu.memref_slice %arg8[%scatter3A_319, %scatter3A_320, %scatter3A_321] : memref<2x128x8xf32, #tpu.memory_space<vmem>> -> memref<1x128x8xf32, #tpu.memory_space<vmem>>
        %scatter3A_323 = tpu.memref_squeeze %scatter3A_322 : memref<1x128x8xf32, #tpu.memory_space<vmem>> -> memref<128x8xf32, #tpu.memory_space<vmem>>
        tpu.vector_store_idx %scatter3A_323[%add3A_206, %broadcast_in_dim3A_318], %get3A_316 : memref<128x8xf32, #tpu.memory_space<vmem>>[vector<16xi32>, vector<16xi32>], vector<16xf32>,
      }
      %scan3A_113 = arith.constant 8 : i32
      %dma_start3A_114 = arith.constant 0 : i32
      %dma_start3A_115 = arith.constant 0 : i32
      %dma_start3A_116 = arith.constant 0 : i32
      %dma_start3A_117 = arith.constant 0 : i32
      %dma_start3A_118 = tpu.memref_slice %arg8[%dma_start3A_114, %dma_start3A_116, %dma_start3A_117] : memref<2x128x8xf32, #tpu.memory_space<vmem>> -> memref<1x128x8xf32, #tpu.memory_space<vmem>>
      %dma_start3A_119 = tpu.memref_squeeze %dma_start3A_118 : memref<1x128x8xf32, #tpu.memory_space<vmem>> -> memref<128x8xf32, #tpu.memory_space<vmem>>
      %dma_start3A_120 = arith.constant 0 : i32
      %dma_start3A_121 = tpu.memref_slice %arg6[%dma_start3A_115, %dma_start3A_120] : memref<2x128xi32, #tpu.memory_space<vmem>> -> memref<1x128xi32, #tpu.memory_space<vmem>>
      %dma_start3A_122 = tpu.memref_squeeze %dma_start3A_121 : memref<1x128xi32, #tpu.memory_space<vmem>> -> memref<128xi32, #tpu.memory_space<vmem>>
      %dma_start3A_123 = arith.constant 0 : i32
      %dma_start3A_124 = arith.constant 0 : i32
      %dma_start3A_125 = tpu.memref_slice %arg9[%dma_start3A_123, %dma_start3A_124] : memref<10000x8xf32, #tpu.memory_space<vmem_shared>> -> memref<10000x8xf32, #tpu.memory_space<vmem_shared>>
      tpu.enqueue_indirect_dma source(%dma_start3A_119 : memref<128x8xf32, #tpu.memory_space<vmem>>) target(%dma_start3A_125 : memref<10000x8xf32, #tpu.memory_space<vmem_shared>>) offsets(%dma_start3A_122 : memref<128xi32, #tpu.memory_space<vmem>>) semaphore(%arg12 : memref<!tpu.dma_semaphore, #tpu.memory_space<semaphore_mem>>) {add = true}
      %mul3A_126 = arith.constant 2 : i32
      %mul3A_127 = arith.muli %mul3A_126, %scan3A_51 : i32
      %add3A_128 = arith.constant 1 : i32
      %add3A_129 = arith.addi %mul3A_127, %add3A_128 : i32
      %mul3A_130 = arith.constant 32 : i32
      %mul3A_131 = arith.muli %add3A_129, %mul3A_130 : i32
      %add3A_132 = arith.addi %mul3A_131, %add3A : i32
      %mul3A_133 = arith.constant 128 : i32
      %mul3A_134 = arith.muli %add3A_132, %mul3A_133 : i32
      %gt3A_135 = arith.constant 0 : i32
      %gt3A_136 = arith.cmpi sgt, %scan3A_51, %gt3A_135 : i32
      %convert_element_type3A_137 = arith.extui %gt3A_136 : i1 to i32
      %cond3A_138 = arith.constant 0 : i32
      %cond3A_139 = arith.cmpi ne, %convert_element_type3A_137, %cond3A_138 : i32
      scf.if %cond3A_139 {
        %dma_wait3A_202 = arith.constant 1 : i32
        %dma_wait3A_203 = arith.constant 1 : i32
        %dma_wait3A_204 = arith.constant 0 : i32
        %dma_wait3A_205 = arith.constant 0 : i32
        %dma_wait3A_206 = tpu.memref_slice %arg8[%dma_wait3A_202, %dma_wait3A_204, %dma_wait3A_205] : memref<2x128x8xf32, #tpu.memory_space<vmem>> -> memref<1x128x8xf32, #tpu.memory_space<vmem>>
        %dma_wait3A_207 = tpu.memref_squeeze %dma_wait3A_206 : memref<1x128x8xf32, #tpu.memory_space<vmem>> -> memref<128x8xf32, #tpu.memory_space<vmem>>
        %dma_wait3A_208 = arith.constant 0 : i32
        %dma_wait3A_209 = tpu.memref_slice %arg6[%dma_wait3A_203, %dma_wait3A_208] : memref<2x128xi32, #tpu.memory_space<vmem>> -> memref<1x128xi32, #tpu.memory_space<vmem>>
        %dma_wait3A_210 = tpu.memref_squeeze %dma_wait3A_209 : memref<1x128xi32, #tpu.memory_space<vmem>> -> memref<128xi32, #tpu.memory_space<vmem>>
        %dma_wait3A_211 = arith.constant 0 : i32
        %dma_wait3A_212 = arith.constant 0 : i32
        %dma_wait3A_213 = tpu.memref_slice %arg9[%dma_wait3A_211, %dma_wait3A_212] : memref<10000x8xf32, #tpu.memory_space<vmem_shared>> -> memref<10000x8xf32, #tpu.memory_space<vmem_shared>>
        tpu.wait_indirect_dma semaphore(%arg13 : memref<!tpu.dma_semaphore, #tpu.memory_space<semaphore_mem>>) src(%dma_wait3A_207 : memref<128x8xf32, #tpu.memory_space<vmem>>) dst(%dma_wait3A_213 : memref<10000x8xf32, #tpu.memory_space<vmem_shared>>)
      } else {
      }
      %dma_start3A_140 = arith.constant 1 : i32
      %dma_start3A_141 = arith.constant 0 : i32
      %dma_start3A_142 = tpu.memref_slice %arg6[%dma_start3A_140, %dma_start3A_141] : memref<2x128xi32, #tpu.memory_space<vmem>> -> memref<1x128xi32, #tpu.memory_space<vmem>>
      %dma_start3A_143 = tpu.memref_squeeze %dma_start3A_142 : memref<1x128xi32, #tpu.memory_space<vmem>> -> memref<128xi32, #tpu.memory_space<vmem>>
      %dma_start3A_144 = tpu.memref_slice %arg2[%mul3A_134] : memref<320000xi32, #tpu.memory_space<hbm>> -> memref<128xi32, #tpu.memory_space<hbm>>
      %dma_start3A_145 = arith.constant 0 : i32
      %dma_start3A_146 = tpu.memref_slice %arg6[%dma_start3A_140, %dma_start3A_145] : memref<2x128xi32, #tpu.memory_space<vmem>> -> memref<1x128xi32, #tpu.memory_space<vmem>>
      %dma_start3A_147 = tpu.memref_squeeze %dma_start3A_146 : memref<1x128xi32, #tpu.memory_space<vmem>> -> memref<128xi32, #tpu.memory_space<vmem>>
      %dma_start3A_148 = tpu.memref_slice %arg2[%mul3A_134] : memref<320000xi32, #tpu.memory_space<hbm>> -> memref<128xi32, #tpu.memory_space<hbm>>
      tpu.enqueue_dma source(%dma_start3A_148 : memref<128xi32, #tpu.memory_space<hbm>>) target(%dma_start3A_147 : memref<128xi32, #tpu.memory_space<vmem>>) target_semaphore(%arg11 : memref<!tpu.dma_semaphore, #tpu.memory_space<semaphore_mem>>)
      %dma_start3A_149 = arith.constant 1 : i32
      %dma_start3A_150 = arith.constant 0 : i32
      %dma_start3A_151 = arith.constant 0 : i32
      %dma_start3A_152 = tpu.memref_slice %arg7[%dma_start3A_149, %dma_start3A_150, %dma_start3A_151] : memref<2x8x128xf32, #tpu.memory_space<vmem>> -> memref<1x8x128xf32, #tpu.memory_space<vmem>>
      %dma_start3A_153 = tpu.memref_squeeze %dma_start3A_152 : memref<1x8x128xf32, #tpu.memory_space<vmem>> -> memref<8x128xf32, #tpu.memory_space<vmem>>
      %dma_start3A_154 = arith.constant 0 : i32
      %dma_start3A_155 = tpu.memref_slice %arg3[%dma_start3A_154, %mul3A_134] : memref<8x320000xf32, #tpu.memory_space<hbm>> -> memref<8x128xf32, #tpu.memory_space<hbm>>
      %dma_start3A_156 = arith.constant 0 : i32
      %dma_start3A_157 = arith.constant 0 : i32
      %dma_start3A_158 = tpu.memref_slice %arg7[%dma_start3A_149, %dma_start3A_156, %dma_start3A_157] : memref<2x8x128xf32, #tpu.memory_space<vmem>> -> memref<1x8x128xf32, #tpu.memory_space<vmem>>
      %dma_start3A_159 = tpu.memref_squeeze %dma_start3A_158 : memref<1x8x128xf32, #tpu.memory_space<vmem>> -> memref<8x128xf32, #tpu.memory_space<vmem>>
      %dma_start3A_160 = arith.constant 0 : i32
      %dma_start3A_161 = tpu.memref_slice %arg3[%dma_start3A_160, %mul3A_134] : memref<8x320000xf32, #tpu.memory_space<hbm>> -> memref<8x128xf32, #tpu.memory_space<hbm>>
      tpu.enqueue_dma source(%dma_start3A_161 : memref<8x128xf32, #tpu.memory_space<hbm>>) target(%dma_start3A_159 : memref<8x128xf32, #tpu.memory_space<vmem>>) target_semaphore(%arg11 : memref<!tpu.dma_semaphore, #tpu.memory_space<semaphore_mem>>)
      %dma_wait3A_162 = arith.constant 1 : i32
      %dma_wait3A_163 = arith.constant 0 : i32
      %dma_wait3A_164 = tpu.memref_slice %arg6[%dma_wait3A_162, %dma_wait3A_163] : memref<2x128xi32, #tpu.memory_space<vmem>> -> memref<1x128xi32, #tpu.memory_space<vmem>>
      %dma_wait3A_165 = tpu.memref_squeeze %dma_wait3A_164 : memref<1x128xi32, #tpu.memory_space<vmem>> -> memref<128xi32, #tpu.memory_space<vmem>>
      %dma_wait3A_166 = tpu.memref_slice %arg2[%mul3A_134] : memref<320000xi32, #tpu.memory_space<hbm>> -> memref<128xi32, #tpu.memory_space<hbm>>
      %dma_wait3A_167 = arith.constant 0 : i32
      %dma_wait3A_168 = tpu.memref_slice %arg6[%dma_wait3A_162, %dma_wait3A_167] : memref<2x128xi32, #tpu.memory_space<vmem>> -> memref<1x128xi32, #tpu.memory_space<vmem>>
      %dma_wait3A_169 = tpu.memref_squeeze %dma_wait3A_168 : memref<1x128xi32, #tpu.memory_space<vmem>> -> memref<128xi32, #tpu.memory_space<vmem>>
      %dma_wait3A_170 = tpu.memref_slice %arg2[%mul3A_134] : memref<320000xi32, #tpu.memory_space<hbm>> -> memref<128xi32, #tpu.memory_space<hbm>>
      tpu.wait_dma2 semaphore(%arg11 : memref<!tpu.dma_semaphore, #tpu.memory_space<semaphore_mem>>) src(%dma_wait3A_170 : memref<128xi32, #tpu.memory_space<hbm>>) dst(%dma_wait3A_169 : memref<128xi32, #tpu.memory_space<vmem>>)
      %dma_wait3A_171 = arith.constant 1 : i32
      %dma_wait3A_172 = arith.constant 0 : i32
      %dma_wait3A_173 = arith.constant 0 : i32
      %dma_wait3A_174 = tpu.memref_slice %arg7[%dma_wait3A_171, %dma_wait3A_172, %dma_wait3A_173] : memref<2x8x128xf32, #tpu.memory_space<vmem>> -> memref<1x8x128xf32, #tpu.memory_space<vmem>>
      %dma_wait3A_175 = tpu.memref_squeeze %dma_wait3A_174 : memref<1x8x128xf32, #tpu.memory_space<vmem>> -> memref<8x128xf32, #tpu.memory_space<vmem>>
      %dma_wait3A_176 = arith.constant 0 : i32
      %dma_wait3A_177 = tpu.memref_slice %arg3[%dma_wait3A_176, %mul3A_134] : memref<8x320000xf32, #tpu.memory_space<hbm>> -> memref<8x128xf32, #tpu.memory_space<hbm>>
      %dma_wait3A_178 = arith.constant 0 : i32
      %dma_wait3A_179 = arith.constant 0 : i32
      %dma_wait3A_180 = tpu.memref_slice %arg7[%dma_wait3A_171, %dma_wait3A_178, %dma_wait3A_179] : memref<2x8x128xf32, #tpu.memory_space<vmem>> -> memref<1x8x128xf32, #tpu.memory_space<vmem>>
      %dma_wait3A_181 = tpu.memref_squeeze %dma_wait3A_180 : memref<1x8x128xf32, #tpu.memory_space<vmem>> -> memref<8x128xf32, #tpu.memory_space<vmem>>
      %dma_wait3A_182 = arith.constant 0 : i32
      %dma_wait3A_183 = tpu.memref_slice %arg3[%dma_wait3A_182, %mul3A_134] : memref<8x320000xf32, #tpu.memory_space<hbm>> -> memref<8x128xf32, #tpu.memory_space<hbm>>
      tpu.wait_dma2 semaphore(%arg11 : memref<!tpu.dma_semaphore, #tpu.memory_space<semaphore_mem>>) src(%dma_wait3A_183 : memref<8x128xf32, #tpu.memory_space<hbm>>) dst(%dma_wait3A_181 : memref<8x128xf32, #tpu.memory_space<vmem>>)
      %scan3A_184 = arith.constant 0 : i32
      %scan3A_185 = arith.constant 0 : i32
      %scan3A_186 = arith.constant 8 : i32
      %scan3A_187 = arith.addi %scan3A_185, %scan3A_186 : i32
      %scan3A_188 = arith.constant 1 : i32
      scf.for %scan3A_202 = %scan3A_185 to %scan3A_187 step %scan3A_188  : i32 {
        %mul3A_203 = arith.constant 16 : i32
        %mul3A_204 = arith.muli %scan3A_202, %mul3A_203 : i32
        %add3A_205 = vector.broadcast %mul3A_204 : i32 to vector<16xi32>
        %add3A_206 = arith.addi %add3A_205, %iota3A : vector<16xi32>
        %mul3A_207 = arith.constant 16 : i32
        %mul3A_208 = arith.muli %scan3A_202, %mul3A_207 : i32
        %get3A = arith.constant 1 : i32
        %get3A_209 = arith.constant 0 : i32
        %get3A_210 = arith.index_cast %get3A : i32 to index
        %get3A_211 = arith.index_cast %get3A_209 : i32 to index
        %get3A_212 = arith.index_cast %mul3A_208 : i32 to index
        %get3A_213 = tpu.vector_load %arg7[%get3A_210, %get3A_211, %get3A_212] {strides = array<i32>} : memref<2x8x128xf32, #tpu.memory_space<vmem>>, vector<16xf32>,
        %broadcast_in_dim3A = arith.constant 0 : i32
        %broadcast_in_dim3A_214 = vector.broadcast %broadcast_in_dim3A : i32 to vector<16xi32>
        %scatter3A = arith.constant 1 : i32
        %scatter3A_215 = arith.constant 0 : i32
        %scatter3A_216 = arith.constant 0 : i32
        %scatter3A_217 = tpu.memref_slice %arg8[%scatter3A, %scatter3A_215, %scatter3A_216] : memref<2x128x8xf32, #tpu.memory_space<vmem>> -> memref<1x128x8xf32, #tpu.memory_space<vmem>>
        %scatter3A_218 = tpu.memref_squeeze %scatter3A_217 : memref<1x128x8xf32, #tpu.memory_space<vmem>> -> memref<128x8xf32, #tpu.memory_space<vmem>>
        tpu.vector_store_idx %scatter3A_218[%add3A_206, %broadcast_in_dim3A_214], %get3A_213 : memref<128x8xf32, #tpu.memory_space<vmem>>[vector<16xi32>, vector<16xi32>], vector<16xf32>,
        %mul3A_219 = arith.constant 16 : i32
        %mul3A_220 = arith.muli %scan3A_202, %mul3A_219 : i32
        %get3A_221 = arith.constant 1 : i32
        %get3A_222 = arith.constant 1 : i32
        %get3A_223 = arith.index_cast %get3A_221 : i32 to index
        %get3A_224 = arith.index_cast %get3A_222 : i32 to index
        %get3A_225 = arith.index_cast %mul3A_220 : i32 to index
        %get3A_226 = tpu.vector_load %arg7[%get3A_223, %get3A_224, %get3A_225] {strides = array<i32>} : memref<2x8x128xf32, #tpu.memory_space<vmem>>, vector<16xf32>,
        %broadcast_in_dim3A_227 = arith.constant 1 : i32
        %broadcast_in_dim3A_228 = vector.broadcast %broadcast_in_dim3A_227 : i32 to vector<16xi32>
        %scatter3A_229 = arith.constant 1 : i32
        %scatter3A_230 = arith.constant 0 : i32
        %scatter3A_231 = arith.constant 0 : i32
        %scatter3A_232 = tpu.memref_slice %arg8[%scatter3A_229, %scatter3A_230, %scatter3A_231] : memref<2x128x8xf32, #tpu.memory_space<vmem>> -> memref<1x128x8xf32, #tpu.memory_space<vmem>>
        %scatter3A_233 = tpu.memref_squeeze %scatter3A_232 : memref<1x128x8xf32, #tpu.memory_space<vmem>> -> memref<128x8xf32, #tpu.memory_space<vmem>>
        tpu.vector_store_idx %scatter3A_233[%add3A_206, %broadcast_in_dim3A_228], %get3A_226 : memref<128x8xf32, #tpu.memory_space<vmem>>[vector<16xi32>, vector<16xi32>], vector<16xf32>,
        %mul3A_234 = arith.constant 16 : i32
        %mul3A_235 = arith.muli %scan3A_202, %mul3A_234 : i32
        %get3A_236 = arith.constant 1 : i32
        %get3A_237 = arith.constant 2 : i32
        %get3A_238 = arith.index_cast %get3A_236 : i32 to index
        %get3A_239 = arith.index_cast %get3A_237 : i32 to index
        %get3A_240 = arith.index_cast %mul3A_235 : i32 to index
        %get3A_241 = tpu.vector_load %arg7[%get3A_238, %get3A_239, %get3A_240] {strides = array<i32>} : memref<2x8x128xf32, #tpu.memory_space<vmem>>, vector<16xf32>,
        %broadcast_in_dim3A_242 = arith.constant 2 : i32
        %broadcast_in_dim3A_243 = vector.broadcast %broadcast_in_dim3A_242 : i32 to vector<16xi32>
        %scatter3A_244 = arith.constant 1 : i32
        %scatter3A_245 = arith.constant 0 : i32
        %scatter3A_246 = arith.constant 0 : i32
        %scatter3A_247 = tpu.memref_slice %arg8[%scatter3A_244, %scatter3A_245, %scatter3A_246] : memref<2x128x8xf32, #tpu.memory_space<vmem>> -> memref<1x128x8xf32, #tpu.memory_space<vmem>>
        %scatter3A_248 = tpu.memref_squeeze %scatter3A_247 : memref<1x128x8xf32, #tpu.memory_space<vmem>> -> memref<128x8xf32, #tpu.memory_space<vmem>>
        tpu.vector_store_idx %scatter3A_248[%add3A_206, %broadcast_in_dim3A_243], %get3A_241 : memref<128x8xf32, #tpu.memory_space<vmem>>[vector<16xi32>, vector<16xi32>], vector<16xf32>,
        %mul3A_249 = arith.constant 16 : i32
        %mul3A_250 = arith.muli %scan3A_202, %mul3A_249 : i32
        %get3A_251 = arith.constant 1 : i32
        %get3A_252 = arith.constant 3 : i32
        %get3A_253 = arith.index_cast %get3A_251 : i32 to index
        %get3A_254 = arith.index_cast %get3A_252 : i32 to index
        %get3A_255 = arith.index_cast %mul3A_250 : i32 to index
        %get3A_256 = tpu.vector_load %arg7[%get3A_253, %get3A_254, %get3A_255] {strides = array<i32>} : memref<2x8x128xf32, #tpu.memory_space<vmem>>, vector<16xf32>,
        %broadcast_in_dim3A_257 = arith.constant 3 : i32
        %broadcast_in_dim3A_258 = vector.broadcast %broadcast_in_dim3A_257 : i32 to vector<16xi32>
        %scatter3A_259 = arith.constant 1 : i32
        %scatter3A_260 = arith.constant 0 : i32
        %scatter3A_261 = arith.constant 0 : i32
        %scatter3A_262 = tpu.memref_slice %arg8[%scatter3A_259, %scatter3A_260, %scatter3A_261] : memref<2x128x8xf32, #tpu.memory_space<vmem>> -> memref<1x128x8xf32, #tpu.memory_space<vmem>>
        %scatter3A_263 = tpu.memref_squeeze %scatter3A_262 : memref<1x128x8xf32, #tpu.memory_space<vmem>> -> memref<128x8xf32, #tpu.memory_space<vmem>>
        tpu.vector_store_idx %scatter3A_263[%add3A_206, %broadcast_in_dim3A_258], %get3A_256 : memref<128x8xf32, #tpu.memory_space<vmem>>[vector<16xi32>, vector<16xi32>], vector<16xf32>,
        %mul3A_264 = arith.constant 16 : i32
        %mul3A_265 = arith.muli %scan3A_202, %mul3A_264 : i32
        %get3A_266 = arith.constant 1 : i32
        %get3A_267 = arith.constant 4 : i32
        %get3A_268 = arith.index_cast %get3A_266 : i32 to index
        %get3A_269 = arith.index_cast %get3A_267 : i32 to index
        %get3A_270 = arith.index_cast %mul3A_265 : i32 to index
        %get3A_271 = tpu.vector_load %arg7[%get3A_268, %get3A_269, %get3A_270] {strides = array<i32>} : memref<2x8x128xf32, #tpu.memory_space<vmem>>, vector<16xf32>,
        %broadcast_in_dim3A_272 = arith.constant 4 : i32
        %broadcast_in_dim3A_273 = vector.broadcast %broadcast_in_dim3A_272 : i32 to vector<16xi32>
        %scatter3A_274 = arith.constant 1 : i32
        %scatter3A_275 = arith.constant 0 : i32
        %scatter3A_276 = arith.constant 0 : i32
        %scatter3A_277 = tpu.memref_slice %arg8[%scatter3A_274, %scatter3A_275, %scatter3A_276] : memref<2x128x8xf32, #tpu.memory_space<vmem>> -> memref<1x128x8xf32, #tpu.memory_space<vmem>>
        %scatter3A_278 = tpu.memref_squeeze %scatter3A_277 : memref<1x128x8xf32, #tpu.memory_space<vmem>> -> memref<128x8xf32, #tpu.memory_space<vmem>>
        tpu.vector_store_idx %scatter3A_278[%add3A_206, %broadcast_in_dim3A_273], %get3A_271 : memref<128x8xf32, #tpu.memory_space<vmem>>[vector<16xi32>, vector<16xi32>], vector<16xf32>,
        %mul3A_279 = arith.constant 16 : i32
        %mul3A_280 = arith.muli %scan3A_202, %mul3A_279 : i32
        %get3A_281 = arith.constant 1 : i32
        %get3A_282 = arith.constant 5 : i32
        %get3A_283 = arith.index_cast %get3A_281 : i32 to index
        %get3A_284 = arith.index_cast %get3A_282 : i32 to index
        %get3A_285 = arith.index_cast %mul3A_280 : i32 to index
        %get3A_286 = tpu.vector_load %arg7[%get3A_283, %get3A_284, %get3A_285] {strides = array<i32>} : memref<2x8x128xf32, #tpu.memory_space<vmem>>, vector<16xf32>,
        %broadcast_in_dim3A_287 = arith.constant 5 : i32
        %broadcast_in_dim3A_288 = vector.broadcast %broadcast_in_dim3A_287 : i32 to vector<16xi32>
        %scatter3A_289 = arith.constant 1 : i32
        %scatter3A_290 = arith.constant 0 : i32
        %scatter3A_291 = arith.constant 0 : i32
        %scatter3A_292 = tpu.memref_slice %arg8[%scatter3A_289, %scatter3A_290, %scatter3A_291] : memref<2x128x8xf32, #tpu.memory_space<vmem>> -> memref<1x128x8xf32, #tpu.memory_space<vmem>>
        %scatter3A_293 = tpu.memref_squeeze %scatter3A_292 : memref<1x128x8xf32, #tpu.memory_space<vmem>> -> memref<128x8xf32, #tpu.memory_space<vmem>>
        tpu.vector_store_idx %scatter3A_293[%add3A_206, %broadcast_in_dim3A_288], %get3A_286 : memref<128x8xf32, #tpu.memory_space<vmem>>[vector<16xi32>, vector<16xi32>], vector<16xf32>,
        %mul3A_294 = arith.constant 16 : i32
        %mul3A_295 = arith.muli %scan3A_202, %mul3A_294 : i32
        %get3A_296 = arith.constant 1 : i32
        %get3A_297 = arith.constant 6 : i32
        %get3A_298 = arith.index_cast %get3A_296 : i32 to index
        %get3A_299 = arith.index_cast %get3A_297 : i32 to index
        %get3A_300 = arith.index_cast %mul3A_295 : i32 to index
        %get3A_301 = tpu.vector_load %arg7[%get3A_298, %get3A_299, %get3A_300] {strides = array<i32>} : memref<2x8x128xf32, #tpu.memory_space<vmem>>, vector<16xf32>,
        %broadcast_in_dim3A_302 = arith.constant 6 : i32
        %broadcast_in_dim3A_303 = vector.broadcast %broadcast_in_dim3A_302 : i32 to vector<16xi32>
        %scatter3A_304 = arith.constant 1 : i32
        %scatter3A_305 = arith.constant 0 : i32
        %scatter3A_306 = arith.constant 0 : i32
        %scatter3A_307 = tpu.memref_slice %arg8[%scatter3A_304, %scatter3A_305, %scatter3A_306] : memref<2x128x8xf32, #tpu.memory_space<vmem>> -> memref<1x128x8xf32, #tpu.memory_space<vmem>>
        %scatter3A_308 = tpu.memref_squeeze %scatter3A_307 : memref<1x128x8xf32, #tpu.memory_space<vmem>> -> memref<128x8xf32, #tpu.memory_space<vmem>>
        tpu.vector_store_idx %scatter3A_308[%add3A_206, %broadcast_in_dim3A_303], %get3A_301 : memref<128x8xf32, #tpu.memory_space<vmem>>[vector<16xi32>, vector<16xi32>], vector<16xf32>,
        %mul3A_309 = arith.constant 16 : i32
        %mul3A_310 = arith.muli %scan3A_202, %mul3A_309 : i32
        %get3A_311 = arith.constant 1 : i32
        %get3A_312 = arith.constant 7 : i32
        %get3A_313 = arith.index_cast %get3A_311 : i32 to index
        %get3A_314 = arith.index_cast %get3A_312 : i32 to index
        %get3A_315 = arith.index_cast %mul3A_310 : i32 to index
        %get3A_316 = tpu.vector_load %arg7[%get3A_313, %get3A_314, %get3A_315] {strides = array<i32>} : memref<2x8x128xf32, #tpu.memory_space<vmem>>, vector<16xf32>,
        %broadcast_in_dim3A_317 = arith.constant 7 : i32
        %broadcast_in_dim3A_318 = vector.broadcast %broadcast_in_dim3A_317 : i32 to vector<16xi32>
        %scatter3A_319 = arith.constant 1 : i32
        %scatter3A_320 = arith.constant 0 : i32
        %scatter3A_321 = arith.constant 0 : i32
        %scatter3A_322 = tpu.memref_slice %arg8[%scatter3A_319, %scatter3A_320, %scatter3A_321] : memref<2x128x8xf32, #tpu.memory_space<vmem>> -> memref<1x128x8xf32, #tpu.memory_space<vmem>>
        %scatter3A_323 = tpu.memref_squeeze %scatter3A_322 : memref<1x128x8xf32, #tpu.memory_space<vmem>> -> memref<128x8xf32, #tpu.memory_space<vmem>>
        tpu.vector_store_idx %scatter3A_323[%add3A_206, %broadcast_in_dim3A_318], %get3A_316 : memref<128x8xf32, #tpu.memory_space<vmem>>[vector<16xi32>, vector<16xi32>], vector<16xf32>,
      }
      %scan3A_189 = arith.constant 8 : i32
      %dma_start3A_190 = arith.constant 1 : i32
      %dma_start3A_191 = arith.constant 1 : i32
      %dma_start3A_192 = arith.constant 0 : i32
      %dma_start3A_193 = arith.constant 0 : i32
      %dma_start3A_194 = tpu.memref_slice %arg8[%dma_start3A_190, %dma_start3A_192, %dma_start3A_193] : memref<2x128x8xf32, #tpu.memory_space<vmem>> -> memref<1x128x8xf32, #tpu.memory_space<vmem>>
      %dma_start3A_195 = tpu.memref_squeeze %dma_start3A_194 : memref<1x128x8xf32, #tpu.memory_space<vmem>> -> memref<128x8xf32, #tpu.memory_space<vmem>>
      %dma_start3A_196 = arith.constant 0 : i32
      %dma_start3A_197 = tpu.memref_slice %arg6[%dma_start3A_191, %dma_start3A_196] : memref<2x128xi32, #tpu.memory_space<vmem>> -> memref<1x128xi32, #tpu.memory_space<vmem>>
      %dma_start3A_198 = tpu.memref_squeeze %dma_start3A_197 : memref<1x128xi32, #tpu.memory_space<vmem>> -> memref<128xi32, #tpu.memory_space<vmem>>
      %dma_start3A_199 = arith.constant 0 : i32
      %dma_start3A_200 = arith.constant 0 : i32
      %dma_start3A_201 = tpu.memref_slice %arg9[%dma_start3A_199, %dma_start3A_200] : memref<10000x8xf32, #tpu.memory_space<vmem_shared>> -> memref<10000x8xf32, #tpu.memory_space<vmem_shared>>
      tpu.enqueue_indirect_dma source(%dma_start3A_195 : memref<128x8xf32, #tpu.memory_space<vmem>>) target(%dma_start3A_201 : memref<10000x8xf32, #tpu.memory_space<vmem_shared>>) offsets(%dma_start3A_198 : memref<128xi32, #tpu.memory_space<vmem>>) semaphore(%arg13 : memref<!tpu.dma_semaphore, #tpu.memory_space<semaphore_mem>>) {add = true}
    }
    %scan3A_11 = arith.constant 39 : i32
    %dma_wait3A = arith.constant 0 : i32
    %dma_wait3A_12 = arith.constant 0 : i32
    %dma_wait3A_13 = arith.constant 0 : i32
    %dma_wait3A_14 = arith.constant 0 : i32
    %dma_wait3A_15 = tpu.memref_slice %arg8[%dma_wait3A, %dma_wait3A_13, %dma_wait3A_14] : memref<2x128x8xf32, #tpu.memory_space<vmem>> -> memref<1x128x8xf32, #tpu.memory_space<vmem>>
    %dma_wait3A_16 = tpu.memref_squeeze %dma_wait3A_15 : memref<1x128x8xf32, #tpu.memory_space<vmem>> -> memref<128x8xf32, #tpu.memory_space<vmem>>
    %dma_wait3A_17 = arith.constant 0 : i32
    %dma_wait3A_18 = tpu.memref_slice %arg6[%dma_wait3A_12, %dma_wait3A_17] : memref<2x128xi32, #tpu.memory_space<vmem>> -> memref<1x128xi32, #tpu.memory_space<vmem>>
    %dma_wait3A_19 = tpu.memref_squeeze %dma_wait3A_18 : memref<1x128xi32, #tpu.memory_space<vmem>> -> memref<128xi32, #tpu.memory_space<vmem>>
    %dma_wait3A_20 = arith.constant 0 : i32
    %dma_wait3A_21 = arith.constant 0 : i32
    %dma_wait3A_22 = tpu.memref_slice %arg9[%dma_wait3A_20, %dma_wait3A_21] : memref<10000x8xf32, #tpu.memory_space<vmem_shared>> -> memref<10000x8xf32, #tpu.memory_space<vmem_shared>>
    tpu.wait_indirect_dma semaphore(%arg12 : memref<!tpu.dma_semaphore, #tpu.memory_space<semaphore_mem>>) src(%dma_wait3A_16 : memref<128x8xf32, #tpu.memory_space<vmem>>) dst(%dma_wait3A_22 : memref<10000x8xf32, #tpu.memory_space<vmem_shared>>)
    %dma_wait3A_23 = arith.constant 1 : i32
    %dma_wait3A_24 = arith.constant 1 : i32
    %dma_wait3A_25 = arith.constant 0 : i32
    %dma_wait3A_26 = arith.constant 0 : i32
    %dma_wait3A_27 = tpu.memref_slice %arg8[%dma_wait3A_23, %dma_wait3A_25, %dma_wait3A_26] : memref<2x128x8xf32, #tpu.memory_space<vmem>> -> memref<1x128x8xf32, #tpu.memory_space<vmem>>
    %dma_wait3A_28 = tpu.memref_squeeze %dma_wait3A_27 : memref<1x128x8xf32, #tpu.memory_space<vmem>> -> memref<128x8xf32, #tpu.memory_space<vmem>>
    %dma_wait3A_29 = arith.constant 0 : i32
    %dma_wait3A_30 = tpu.memref_slice %arg6[%dma_wait3A_24, %dma_wait3A_29] : memref<2x128xi32, #tpu.memory_space<vmem>> -> memref<1x128xi32, #tpu.memory_space<vmem>>
    %dma_wait3A_31 = tpu.memref_squeeze %dma_wait3A_30 : memref<1x128xi32, #tpu.memory_space<vmem>> -> memref<128xi32, #tpu.memory_space<vmem>>
    %dma_wait3A_32 = arith.constant 0 : i32
    %dma_wait3A_33 = arith.constant 0 : i32
    %dma_wait3A_34 = tpu.memref_slice %arg9[%dma_wait3A_32, %dma_wait3A_33] : memref<10000x8xf32, #tpu.memory_space<vmem_shared>> -> memref<10000x8xf32, #tpu.memory_space<vmem_shared>>
    tpu.wait_indirect_dma semaphore(%arg13 : memref<!tpu.dma_semaphore, #tpu.memory_space<semaphore_mem>>) src(%dma_wait3A_28 : memref<128x8xf32, #tpu.memory_space<vmem>>) dst(%dma_wait3A_34 : memref<10000x8xf32, #tpu.memory_space<vmem_shared>>)
    %lt3A_35 = arith.constant 4 : i32
    %lt3A_36 = arith.cmpi slt, %add3A, %lt3A_35 : i32
    %convert_element_type3A_37 = arith.extui %lt3A_36 : i1 to i32
    %cond3A_38 = arith.constant 0 : i32
    %cond3A_39 = arith.cmpi ne, %convert_element_type3A_37, %cond3A_38 : i32
    scf.if %cond3A_39 {
      %add3A_51 = arith.constant 2496 : i32
      %add3A_52 = arith.addi %add3A_51, %add3A : i32
      %mul3A_53 = arith.constant 128 : i32
      %mul3A_54 = arith.muli %add3A_52, %mul3A_53 : i32
      %run_scoped3A = arith.constant 0 : i32
      "tpu.region"() ({
        %run_scoped3A_64 = tpu.sem_alloc : memref<!tpu.dma_semaphore, #tpu.memory_space<semaphore_mem>>
        %dma_start3A = arith.constant 0 : i32
        %dma_start3A_65 = tpu.memref_slice %arg6[%run_scoped3A, %dma_start3A] : memref<2x128xi32, #tpu.memory_space<vmem>> -> memref<1x128xi32, #tpu.memory_space<vmem>>
        %dma_start3A_66 = tpu.memref_squeeze %dma_start3A_65 : memref<1x128xi32, #tpu.memory_space<vmem>> -> memref<128xi32, #tpu.memory_space<vmem>>
        %dma_start3A_67 = tpu.memref_slice %arg2[%mul3A_54] : memref<320000xi32, #tpu.memory_space<hbm>> -> memref<128xi32, #tpu.memory_space<hbm>>
        %dma_start3A_68 = arith.constant 0 : i32
        %dma_start3A_69 = tpu.memref_slice %arg6[%run_scoped3A, %dma_start3A_68] : memref<2x128xi32, #tpu.memory_space<vmem>> -> memref<1x128xi32, #tpu.memory_space<vmem>>
        %dma_start3A_70 = tpu.memref_squeeze %dma_start3A_69 : memref<1x128xi32, #tpu.memory_space<vmem>> -> memref<128xi32, #tpu.memory_space<vmem>>
        %dma_start3A_71 = tpu.memref_slice %arg2[%mul3A_54] : memref<320000xi32, #tpu.memory_space<hbm>> -> memref<128xi32, #tpu.memory_space<hbm>>
        tpu.enqueue_dma source(%dma_start3A_71 : memref<128xi32, #tpu.memory_space<hbm>>) target(%dma_start3A_70 : memref<128xi32, #tpu.memory_space<vmem>>) target_semaphore(%run_scoped3A_64 : memref<!tpu.dma_semaphore, #tpu.memory_space<semaphore_mem>>)
        %dma_wait3A_72 = arith.constant 0 : i32
        %dma_wait3A_73 = tpu.memref_slice %arg6[%run_scoped3A, %dma_wait3A_72] : memref<2x128xi32, #tpu.memory_space<vmem>> -> memref<1x128xi32, #tpu.memory_space<vmem>>
        %dma_wait3A_74 = tpu.memref_squeeze %dma_wait3A_73 : memref<1x128xi32, #tpu.memory_space<vmem>> -> memref<128xi32, #tpu.memory_space<vmem>>
        %dma_wait3A_75 = tpu.memref_slice %arg2[%mul3A_54] : memref<320000xi32, #tpu.memory_space<hbm>> -> memref<128xi32, #tpu.memory_space<hbm>>
        %dma_wait3A_76 = arith.constant 0 : i32
        %dma_wait3A_77 = tpu.memref_slice %arg6[%run_scoped3A, %dma_wait3A_76] : memref<2x128xi32, #tpu.memory_space<vmem>> -> memref<1x128xi32, #tpu.memory_space<vmem>>
        %dma_wait3A_78 = tpu.memref_squeeze %dma_wait3A_77 : memref<1x128xi32, #tpu.memory_space<vmem>> -> memref<128xi32, #tpu.memory_space<vmem>>
        %dma_wait3A_79 = tpu.memref_slice %arg2[%mul3A_54] : memref<320000xi32, #tpu.memory_space<hbm>> -> memref<128xi32, #tpu.memory_space<hbm>>
        tpu.wait_dma2 semaphore(%run_scoped3A_64 : memref<!tpu.dma_semaphore, #tpu.memory_space<semaphore_mem>>) src(%dma_wait3A_79 : memref<128xi32, #tpu.memory_space<hbm>>) dst(%dma_wait3A_78 : memref<128xi32, #tpu.memory_space<vmem>>)
        tpu.yield
      }) : () -> ()
      %run_scoped3A_55 = arith.constant 0 : i32
      "tpu.region"() ({
        %run_scoped3A_64 = tpu.sem_alloc : memref<!tpu.dma_semaphore, #tpu.memory_space<semaphore_mem>>
        %dma_start3A = arith.constant 0 : i32
        %dma_start3A_65 = arith.constant 0 : i32
        %dma_start3A_66 = tpu.memref_slice %arg7[%run_scoped3A_55, %dma_start3A, %dma_start3A_65] : memref<2x8x128xf32, #tpu.memory_space<vmem>> -> memref<1x8x128xf32, #tpu.memory_space<vmem>>
        %dma_start3A_67 = tpu.memref_squeeze %dma_start3A_66 : memref<1x8x128xf32, #tpu.memory_space<vmem>> -> memref<8x128xf32, #tpu.memory_space<vmem>>
        %dma_start3A_68 = arith.constant 0 : i32
        %dma_start3A_69 = tpu.memref_slice %arg3[%dma_start3A_68, %mul3A_54] : memref<8x320000xf32, #tpu.memory_space<hbm>> -> memref<8x128xf32, #tpu.memory_space<hbm>>
        %dma_start3A_70 = arith.constant 0 : i32
        %dma_start3A_71 = arith.constant 0 : i32
        %dma_start3A_72 = tpu.memref_slice %arg7[%run_scoped3A_55, %dma_start3A_70, %dma_start3A_71] : memref<2x8x128xf32, #tpu.memory_space<vmem>> -> memref<1x8x128xf32, #tpu.memory_space<vmem>>
        %dma_start3A_73 = tpu.memref_squeeze %dma_start3A_72 : memref<1x8x128xf32, #tpu.memory_space<vmem>> -> memref<8x128xf32, #tpu.memory_space<vmem>>
        %dma_start3A_74 = arith.constant 0 : i32
        %dma_start3A_75 = tpu.memref_slice %arg3[%dma_start3A_74, %mul3A_54] : memref<8x320000xf32, #tpu.memory_space<hbm>> -> memref<8x128xf32, #tpu.memory_space<hbm>>
        tpu.enqueue_dma source(%dma_start3A_75 : memref<8x128xf32, #tpu.memory_space<hbm>>) target(%dma_start3A_73 : memref<8x128xf32, #tpu.memory_space<vmem>>) target_semaphore(%run_scoped3A_64 : memref<!tpu.dma_semaphore, #tpu.memory_space<semaphore_mem>>)
        %dma_wait3A_76 = arith.constant 0 : i32
        %dma_wait3A_77 = arith.constant 0 : i32
        %dma_wait3A_78 = tpu.memref_slice %arg7[%run_scoped3A_55, %dma_wait3A_76, %dma_wait3A_77] : memref<2x8x128xf32, #tpu.memory_space<vmem>> -> memref<1x8x128xf32, #tpu.memory_space<vmem>>
        %dma_wait3A_79 = tpu.memref_squeeze %dma_wait3A_78 : memref<1x8x128xf32, #tpu.memory_space<vmem>> -> memref<8x128xf32, #tpu.memory_space<vmem>>
        %dma_wait3A_80 = arith.constant 0 : i32
        %dma_wait3A_81 = tpu.memref_slice %arg3[%dma_wait3A_80, %mul3A_54] : memref<8x320000xf32, #tpu.memory_space<hbm>> -> memref<8x128xf32, #tpu.memory_space<hbm>>
        %dma_wait3A_82 = arith.constant 0 : i32
        %dma_wait3A_83 = arith.constant 0 : i32
        %dma_wait3A_84 = tpu.memref_slice %arg7[%run_scoped3A_55, %dma_wait3A_82, %dma_wait3A_83] : memref<2x8x128xf32, #tpu.memory_space<vmem>> -> memref<1x8x128xf32, #tpu.memory_space<vmem>>
        %dma_wait3A_85 = tpu.memref_squeeze %dma_wait3A_84 : memref<1x8x128xf32, #tpu.memory_space<vmem>> -> memref<8x128xf32, #tpu.memory_space<vmem>>
        %dma_wait3A_86 = arith.constant 0 : i32
        %dma_wait3A_87 = tpu.memref_slice %arg3[%dma_wait3A_86, %mul3A_54] : memref<8x320000xf32, #tpu.memory_space<hbm>> -> memref<8x128xf32, #tpu.memory_space<hbm>>
        tpu.wait_dma2 semaphore(%run_scoped3A_64 : memref<!tpu.dma_semaphore, #tpu.memory_space<semaphore_mem>>) src(%dma_wait3A_87 : memref<8x128xf32, #tpu.memory_space<hbm>>) dst(%dma_wait3A_85 : memref<8x128xf32, #tpu.memory_space<vmem>>)
        tpu.yield
      }) : () -> ()
      %scan3A_56 = arith.constant 0 : i32
      %scan3A_57 = arith.constant 0 : i32
      %scan3A_58 = arith.constant 8 : i32
      %scan3A_59 = arith.addi %scan3A_57, %scan3A_58 : i32
      %scan3A_60 = arith.constant 1 : i32
      scf.for %scan3A_64 = %scan3A_57 to %scan3A_59 step %scan3A_60  : i32 {
        %mul3A_65 = arith.constant 16 : i32
        %mul3A_66 = arith.muli %scan3A_64, %mul3A_65 : i32
        %add3A_67 = vector.broadcast %mul3A_66 : i32 to vector<16xi32>
        %add3A_68 = arith.addi %add3A_67, %iota3A : vector<16xi32>
        %mul3A_69 = arith.constant 16 : i32
        %mul3A_70 = arith.muli %scan3A_64, %mul3A_69 : i32
        %get3A = arith.constant 0 : i32
        %get3A_71 = arith.constant 0 : i32
        %get3A_72 = arith.index_cast %get3A : i32 to index
        %get3A_73 = arith.index_cast %get3A_71 : i32 to index
        %get3A_74 = arith.index_cast %mul3A_70 : i32 to index
        %get3A_75 = tpu.vector_load %arg7[%get3A_72, %get3A_73, %get3A_74] {strides = array<i32>} : memref<2x8x128xf32, #tpu.memory_space<vmem>>, vector<16xf32>,
        %broadcast_in_dim3A = arith.constant 0 : i32
        %broadcast_in_dim3A_76 = vector.broadcast %broadcast_in_dim3A : i32 to vector<16xi32>
        %scatter3A = arith.constant 0 : i32
        %scatter3A_77 = arith.constant 0 : i32
        %scatter3A_78 = arith.constant 0 : i32
        %scatter3A_79 = tpu.memref_slice %arg8[%scatter3A, %scatter3A_77, %scatter3A_78] : memref<2x128x8xf32, #tpu.memory_space<vmem>> -> memref<1x128x8xf32, #tpu.memory_space<vmem>>
        %scatter3A_80 = tpu.memref_squeeze %scatter3A_79 : memref<1x128x8xf32, #tpu.memory_space<vmem>> -> memref<128x8xf32, #tpu.memory_space<vmem>>
        tpu.vector_store_idx %scatter3A_80[%add3A_68, %broadcast_in_dim3A_76], %get3A_75 : memref<128x8xf32, #tpu.memory_space<vmem>>[vector<16xi32>, vector<16xi32>], vector<16xf32>,
        %mul3A_81 = arith.constant 16 : i32
        %mul3A_82 = arith.muli %scan3A_64, %mul3A_81 : i32
        %get3A_83 = arith.constant 0 : i32
        %get3A_84 = arith.constant 1 : i32
        %get3A_85 = arith.index_cast %get3A_83 : i32 to index
        %get3A_86 = arith.index_cast %get3A_84 : i32 to index
        %get3A_87 = arith.index_cast %mul3A_82 : i32 to index
        %get3A_88 = tpu.vector_load %arg7[%get3A_85, %get3A_86, %get3A_87] {strides = array<i32>} : memref<2x8x128xf32, #tpu.memory_space<vmem>>, vector<16xf32>,
        %broadcast_in_dim3A_89 = arith.constant 1 : i32
        %broadcast_in_dim3A_90 = vector.broadcast %broadcast_in_dim3A_89 : i32 to vector<16xi32>
        %scatter3A_91 = arith.constant 0 : i32
        %scatter3A_92 = arith.constant 0 : i32
        %scatter3A_93 = arith.constant 0 : i32
        %scatter3A_94 = tpu.memref_slice %arg8[%scatter3A_91, %scatter3A_92, %scatter3A_93] : memref<2x128x8xf32, #tpu.memory_space<vmem>> -> memref<1x128x8xf32, #tpu.memory_space<vmem>>
        %scatter3A_95 = tpu.memref_squeeze %scatter3A_94 : memref<1x128x8xf32, #tpu.memory_space<vmem>> -> memref<128x8xf32, #tpu.memory_space<vmem>>
        tpu.vector_store_idx %scatter3A_95[%add3A_68, %broadcast_in_dim3A_90], %get3A_88 : memref<128x8xf32, #tpu.memory_space<vmem>>[vector<16xi32>, vector<16xi32>], vector<16xf32>,
        %mul3A_96 = arith.constant 16 : i32
        %mul3A_97 = arith.muli %scan3A_64, %mul3A_96 : i32
        %get3A_98 = arith.constant 0 : i32
        %get3A_99 = arith.constant 2 : i32
        %get3A_100 = arith.index_cast %get3A_98 : i32 to index
        %get3A_101 = arith.index_cast %get3A_99 : i32 to index
        %get3A_102 = arith.index_cast %mul3A_97 : i32 to index
        %get3A_103 = tpu.vector_load %arg7[%get3A_100, %get3A_101, %get3A_102] {strides = array<i32>} : memref<2x8x128xf32, #tpu.memory_space<vmem>>, vector<16xf32>,
        %broadcast_in_dim3A_104 = arith.constant 2 : i32
        %broadcast_in_dim3A_105 = vector.broadcast %broadcast_in_dim3A_104 : i32 to vector<16xi32>
        %scatter3A_106 = arith.constant 0 : i32
        %scatter3A_107 = arith.constant 0 : i32
        %scatter3A_108 = arith.constant 0 : i32
        %scatter3A_109 = tpu.memref_slice %arg8[%scatter3A_106, %scatter3A_107, %scatter3A_108] : memref<2x128x8xf32, #tpu.memory_space<vmem>> -> memref<1x128x8xf32, #tpu.memory_space<vmem>>
        %scatter3A_110 = tpu.memref_squeeze %scatter3A_109 : memref<1x128x8xf32, #tpu.memory_space<vmem>> -> memref<128x8xf32, #tpu.memory_space<vmem>>
        tpu.vector_store_idx %scatter3A_110[%add3A_68, %broadcast_in_dim3A_105], %get3A_103 : memref<128x8xf32, #tpu.memory_space<vmem>>[vector<16xi32>, vector<16xi32>], vector<16xf32>,
        %mul3A_111 = arith.constant 16 : i32
        %mul3A_112 = arith.muli %scan3A_64, %mul3A_111 : i32
        %get3A_113 = arith.constant 0 : i32
        %get3A_114 = arith.constant 3 : i32
        %get3A_115 = arith.index_cast %get3A_113 : i32 to index
        %get3A_116 = arith.index_cast %get3A_114 : i32 to index
        %get3A_117 = arith.index_cast %mul3A_112 : i32 to index
        %get3A_118 = tpu.vector_load %arg7[%get3A_115, %get3A_116, %get3A_117] {strides = array<i32>} : memref<2x8x128xf32, #tpu.memory_space<vmem>>, vector<16xf32>,
        %broadcast_in_dim3A_119 = arith.constant 3 : i32
        %broadcast_in_dim3A_120 = vector.broadcast %broadcast_in_dim3A_119 : i32 to vector<16xi32>
        %scatter3A_121 = arith.constant 0 : i32
        %scatter3A_122 = arith.constant 0 : i32
        %scatter3A_123 = arith.constant 0 : i32
        %scatter3A_124 = tpu.memref_slice %arg8[%scatter3A_121, %scatter3A_122, %scatter3A_123] : memref<2x128x8xf32, #tpu.memory_space<vmem>> -> memref<1x128x8xf32, #tpu.memory_space<vmem>>
        %scatter3A_125 = tpu.memref_squeeze %scatter3A_124 : memref<1x128x8xf32, #tpu.memory_space<vmem>> -> memref<128x8xf32, #tpu.memory_space<vmem>>
        tpu.vector_store_idx %scatter3A_125[%add3A_68, %broadcast_in_dim3A_120], %get3A_118 : memref<128x8xf32, #tpu.memory_space<vmem>>[vector<16xi32>, vector<16xi32>], vector<16xf32>,
        %mul3A_126 = arith.constant 16 : i32
        %mul3A_127 = arith.muli %scan3A_64, %mul3A_126 : i32
        %get3A_128 = arith.constant 0 : i32
        %get3A_129 = arith.constant 4 : i32
        %get3A_130 = arith.index_cast %get3A_128 : i32 to index
        %get3A_131 = arith.index_cast %get3A_129 : i32 to index
        %get3A_132 = arith.index_cast %mul3A_127 : i32 to index
        %get3A_133 = tpu.vector_load %arg7[%get3A_130, %get3A_131, %get3A_132] {strides = array<i32>} : memref<2x8x128xf32, #tpu.memory_space<vmem>>, vector<16xf32>,
        %broadcast_in_dim3A_134 = arith.constant 4 : i32
        %broadcast_in_dim3A_135 = vector.broadcast %broadcast_in_dim3A_134 : i32 to vector<16xi32>
        %scatter3A_136 = arith.constant 0 : i32
        %scatter3A_137 = arith.constant 0 : i32
        %scatter3A_138 = arith.constant 0 : i32
        %scatter3A_139 = tpu.memref_slice %arg8[%scatter3A_136, %scatter3A_137, %scatter3A_138] : memref<2x128x8xf32, #tpu.memory_space<vmem>> -> memref<1x128x8xf32, #tpu.memory_space<vmem>>
        %scatter3A_140 = tpu.memref_squeeze %scatter3A_139 : memref<1x128x8xf32, #tpu.memory_space<vmem>> -> memref<128x8xf32, #tpu.memory_space<vmem>>
        tpu.vector_store_idx %scatter3A_140[%add3A_68, %broadcast_in_dim3A_135], %get3A_133 : memref<128x8xf32, #tpu.memory_space<vmem>>[vector<16xi32>, vector<16xi32>], vector<16xf32>,
        %mul3A_141 = arith.constant 16 : i32
        %mul3A_142 = arith.muli %scan3A_64, %mul3A_141 : i32
        %get3A_143 = arith.constant 0 : i32
        %get3A_144 = arith.constant 5 : i32
        %get3A_145 = arith.index_cast %get3A_143 : i32 to index
        %get3A_146 = arith.index_cast %get3A_144 : i32 to index
        %get3A_147 = arith.index_cast %mul3A_142 : i32 to index
        %get3A_148 = tpu.vector_load %arg7[%get3A_145, %get3A_146, %get3A_147] {strides = array<i32>} : memref<2x8x128xf32, #tpu.memory_space<vmem>>, vector<16xf32>,
        %broadcast_in_dim3A_149 = arith.constant 5 : i32
        %broadcast_in_dim3A_150 = vector.broadcast %broadcast_in_dim3A_149 : i32 to vector<16xi32>
        %scatter3A_151 = arith.constant 0 : i32
        %scatter3A_152 = arith.constant 0 : i32
        %scatter3A_153 = arith.constant 0 : i32
        %scatter3A_154 = tpu.memref_slice %arg8[%scatter3A_151, %scatter3A_152, %scatter3A_153] : memref<2x128x8xf32, #tpu.memory_space<vmem>> -> memref<1x128x8xf32, #tpu.memory_space<vmem>>
        %scatter3A_155 = tpu.memref_squeeze %scatter3A_154 : memref<1x128x8xf32, #tpu.memory_space<vmem>> -> memref<128x8xf32, #tpu.memory_space<vmem>>
        tpu.vector_store_idx %scatter3A_155[%add3A_68, %broadcast_in_dim3A_150], %get3A_148 : memref<128x8xf32, #tpu.memory_space<vmem>>[vector<16xi32>, vector<16xi32>], vector<16xf32>,
        %mul3A_156 = arith.constant 16 : i32
        %mul3A_157 = arith.muli %scan3A_64, %mul3A_156 : i32
        %get3A_158 = arith.constant 0 : i32
        %get3A_159 = arith.constant 6 : i32
        %get3A_160 = arith.index_cast %get3A_158 : i32 to index
        %get3A_161 = arith.index_cast %get3A_159 : i32 to index
        %get3A_162 = arith.index_cast %mul3A_157 : i32 to index
        %get3A_163 = tpu.vector_load %arg7[%get3A_160, %get3A_161, %get3A_162] {strides = array<i32>} : memref<2x8x128xf32, #tpu.memory_space<vmem>>, vector<16xf32>,
        %broadcast_in_dim3A_164 = arith.constant 6 : i32
        %broadcast_in_dim3A_165 = vector.broadcast %broadcast_in_dim3A_164 : i32 to vector<16xi32>
        %scatter3A_166 = arith.constant 0 : i32
        %scatter3A_167 = arith.constant 0 : i32
        %scatter3A_168 = arith.constant 0 : i32
        %scatter3A_169 = tpu.memref_slice %arg8[%scatter3A_166, %scatter3A_167, %scatter3A_168] : memref<2x128x8xf32, #tpu.memory_space<vmem>> -> memref<1x128x8xf32, #tpu.memory_space<vmem>>
        %scatter3A_170 = tpu.memref_squeeze %scatter3A_169 : memref<1x128x8xf32, #tpu.memory_space<vmem>> -> memref<128x8xf32, #tpu.memory_space<vmem>>
        tpu.vector_store_idx %scatter3A_170[%add3A_68, %broadcast_in_dim3A_165], %get3A_163 : memref<128x8xf32, #tpu.memory_space<vmem>>[vector<16xi32>, vector<16xi32>], vector<16xf32>,
        %mul3A_171 = arith.constant 16 : i32
        %mul3A_172 = arith.muli %scan3A_64, %mul3A_171 : i32
        %get3A_173 = arith.constant 0 : i32
        %get3A_174 = arith.constant 7 : i32
        %get3A_175 = arith.index_cast %get3A_173 : i32 to index
        %get3A_176 = arith.index_cast %get3A_174 : i32 to index
        %get3A_177 = arith.index_cast %mul3A_172 : i32 to index
        %get3A_178 = tpu.vector_load %arg7[%get3A_175, %get3A_176, %get3A_177] {strides = array<i32>} : memref<2x8x128xf32, #tpu.memory_space<vmem>>, vector<16xf32>,
        %broadcast_in_dim3A_179 = arith.constant 7 : i32
        %broadcast_in_dim3A_180 = vector.broadcast %broadcast_in_dim3A_179 : i32 to vector<16xi32>
        %scatter3A_181 = arith.constant 0 : i32
        %scatter3A_182 = arith.constant 0 : i32
        %scatter3A_183 = arith.constant 0 : i32
        %scatter3A_184 = tpu.memref_slice %arg8[%scatter3A_181, %scatter3A_182, %scatter3A_183] : memref<2x128x8xf32, #tpu.memory_space<vmem>> -> memref<1x128x8xf32, #tpu.memory_space<vmem>>
        %scatter3A_185 = tpu.memref_squeeze %scatter3A_184 : memref<1x128x8xf32, #tpu.memory_space<vmem>> -> memref<128x8xf32, #tpu.memory_space<vmem>>
        tpu.vector_store_idx %scatter3A_185[%add3A_68, %broadcast_in_dim3A_180], %get3A_178 : memref<128x8xf32, #tpu.memory_space<vmem>>[vector<16xi32>, vector<16xi32>], vector<16xf32>,
      }
      %scan3A_61 = arith.constant 8 : i32
      %run_scoped3A_62 = arith.constant 0 : i32
      %run_scoped3A_63 = arith.constant 0 : i32
      "tpu.region"() ({
        %run_scoped3A_64 = tpu.sem_alloc : memref<!tpu.dma_semaphore, #tpu.memory_space<semaphore_mem>>
        %dma_start3A = arith.constant 0 : i32
        %dma_start3A_65 = arith.constant 0 : i32
        %dma_start3A_66 = tpu.memref_slice %arg8[%run_scoped3A_62, %dma_start3A, %dma_start3A_65] : memref<2x128x8xf32, #tpu.memory_space<vmem>> -> memref<1x128x8xf32, #tpu.memory_space<vmem>>
        %dma_start3A_67 = tpu.memref_squeeze %dma_start3A_66 : memref<1x128x8xf32, #tpu.memory_space<vmem>> -> memref<128x8xf32, #tpu.memory_space<vmem>>
        %dma_start3A_68 = arith.constant 0 : i32
        %dma_start3A_69 = tpu.memref_slice %arg6[%run_scoped3A_63, %dma_start3A_68] : memref<2x128xi32, #tpu.memory_space<vmem>> -> memref<1x128xi32, #tpu.memory_space<vmem>>
        %dma_start3A_70 = tpu.memref_squeeze %dma_start3A_69 : memref<1x128xi32, #tpu.memory_space<vmem>> -> memref<128xi32, #tpu.memory_space<vmem>>
        %dma_start3A_71 = arith.constant 0 : i32
        %dma_start3A_72 = arith.constant 0 : i32
        %dma_start3A_73 = tpu.memref_slice %arg9[%dma_start3A_71, %dma_start3A_72] : memref<10000x8xf32, #tpu.memory_space<vmem_shared>> -> memref<10000x8xf32, #tpu.memory_space<vmem_shared>>
        tpu.enqueue_indirect_dma source(%dma_start3A_67 : memref<128x8xf32, #tpu.memory_space<vmem>>) target(%dma_start3A_73 : memref<10000x8xf32, #tpu.memory_space<vmem_shared>>) offsets(%dma_start3A_70 : memref<128xi32, #tpu.memory_space<vmem>>) semaphore(%run_scoped3A_64 : memref<!tpu.dma_semaphore, #tpu.memory_space<semaphore_mem>>) {add = true}
        %dma_wait3A_74 = arith.constant 0 : i32
        %dma_wait3A_75 = arith.constant 0 : i32
        %dma_wait3A_76 = tpu.memref_slice %arg8[%run_scoped3A_62, %dma_wait3A_74, %dma_wait3A_75] : memref<2x128x8xf32, #tpu.memory_space<vmem>> -> memref<1x128x8xf32, #tpu.memory_space<vmem>>
        %dma_wait3A_77 = tpu.memref_squeeze %dma_wait3A_76 : memref<1x128x8xf32, #tpu.memory_space<vmem>> -> memref<128x8xf32, #tpu.memory_space<vmem>>
        %dma_wait3A_78 = arith.constant 0 : i32
        %dma_wait3A_79 = tpu.memref_slice %arg6[%run_scoped3A_63, %dma_wait3A_78] : memref<2x128xi32, #tpu.memory_space<vmem>> -> memref<1x128xi32, #tpu.memory_space<vmem>>
        %dma_wait3A_80 = tpu.memref_squeeze %dma_wait3A_79 : memref<1x128xi32, #tpu.memory_space<vmem>> -> memref<128xi32, #tpu.memory_space<vmem>>
        %dma_wait3A_81 = arith.constant 0 : i32
        %dma_wait3A_82 = arith.constant 0 : i32
        %dma_wait3A_83 = tpu.memref_slice %arg9[%dma_wait3A_81, %dma_wait3A_82] : memref<10000x8xf32, #tpu.memory_space<vmem_shared>> -> memref<10000x8xf32, #tpu.memory_space<vmem_shared>>
        tpu.wait_indirect_dma semaphore(%run_scoped3A_64 : memref<!tpu.dma_semaphore, #tpu.memory_space<semaphore_mem>>) src(%dma_wait3A_77 : memref<128x8xf32, #tpu.memory_space<vmem>>) dst(%dma_wait3A_83 : memref<10000x8xf32, #tpu.memory_space<vmem_shared>>)
        tpu.yield
      }) : () -> ()
    } else {
    }
    %barrier3A_40 = arith.constant 0 : index
    tpu.barrier barrier_id(%barrier3A_40)
    %lt3A_41 = arith.constant 15 : i32
    %lt3A_42 = arith.cmpi slt, %arg1, %lt3A_41 : i32
    %convert_element_type3A_43 = arith.extui %lt3A_42 : i1 to i32
    %cond3A_44 = arith.constant 0 : i32
    %cond3A_45 = arith.cmpi ne, %convert_element_type3A_43, %cond3A_44 : i32
    scf.if %cond3A_45 {
      %mul3A_51 = arith.constant 632 : i32
      %mul3A_52 = arith.muli %arg1, %mul3A_51 : i32
      %mul3A_53 = arith.constant 632 : i32
      %mul3A_54 = arith.muli %arg1, %mul3A_53 : i32
      "tpu.region"() ({
        %run_scoped3A = tpu.sem_alloc : memref<!tpu.dma_semaphore, #tpu.memory_space<semaphore_mem>>
        %dma_start3A = arith.constant 0 : i32
        %dma_start3A_55 = tpu.memref_slice %arg5[%arg0, %mul3A_54, %dma_start3A] : memref<2x10000x8xf32, #tpu.memory_space<hbm>> -> memref<1x632x8xf32, #tpu.memory_space<hbm>>
        %dma_start3A_56 = tpu.memref_squeeze %dma_start3A_55 : memref<1x632x8xf32, #tpu.memory_space<hbm>> -> memref<632x8xf32, #tpu.memory_space<hbm>>
        %dma_start3A_57 = arith.constant 0 : i32
        %dma_start3A_58 = tpu.memref_slice %arg9[%mul3A_52, %dma_start3A_57] : memref<10000x8xf32, #tpu.memory_space<vmem_shared>> -> memref<632x8xf32, #tpu.memory_space<vmem_shared>>
        tpu.enqueue_dma source(%dma_start3A_58 : memref<632x8xf32, #tpu.memory_space<vmem_shared>>) target(%dma_start3A_56 : memref<632x8xf32, #tpu.memory_space<hbm>>) target_semaphore(%run_scoped3A : memref<!tpu.dma_semaphore, #tpu.memory_space<semaphore_mem>>)
        %dma_wait3A_59 = arith.constant 0 : i32
        %dma_wait3A_60 = tpu.memref_slice %arg5[%arg0, %mul3A_54, %dma_wait3A_59] : memref<2x10000x8xf32, #tpu.memory_space<hbm>> -> memref<1x632x8xf32, #tpu.memory_space<hbm>>
        %dma_wait3A_61 = tpu.memref_squeeze %dma_wait3A_60 : memref<1x632x8xf32, #tpu.memory_space<hbm>> -> memref<632x8xf32, #tpu.memory_space<hbm>>
        %dma_wait3A_62 = arith.constant 0 : i32
        %dma_wait3A_63 = tpu.memref_slice %arg9[%mul3A_52, %dma_wait3A_62] : memref<10000x8xf32, #tpu.memory_space<vmem_shared>> -> memref<632x8xf32, #tpu.memory_space<vmem_shared>>
        tpu.wait_dma2 semaphore(%run_scoped3A : memref<!tpu.dma_semaphore, #tpu.memory_space<semaphore_mem>>) src(%dma_wait3A_63 : memref<632x8xf32, #tpu.memory_space<vmem_shared>>) dst(%dma_wait3A_61 : memref<632x8xf32, #tpu.memory_space<hbm>>)
        tpu.yield
      }) : () -> ()
    } else {
    }
    %eq3A_46 = arith.constant 15 : i32
    %eq3A_47 = arith.cmpi eq, %arg1, %eq3A_46 : i32
    %convert_element_type3A_48 = arith.extui %eq3A_47 : i1 to i32
    %cond3A_49 = arith.constant 0 : i32
    %cond3A_50 = arith.cmpi ne, %convert_element_type3A_48, %cond3A_49 : i32
    scf.if %cond3A_50 {
      "tpu.region"() ({
        %run_scoped3A = tpu.sem_alloc : memref<!tpu.dma_semaphore, #tpu.memory_space<semaphore_mem>>
        %dma_start3A = arith.constant 9480 : i32
        %dma_start3A_51 = arith.constant 0 : i32
        %dma_start3A_52 = tpu.memref_slice %arg5[%arg0, %dma_start3A, %dma_start3A_51] : memref<2x10000x8xf32, #tpu.memory_space<hbm>> -> memref<1x520x8xf32, #tpu.memory_space<hbm>>
        %dma_start3A_53 = tpu.memref_squeeze %dma_start3A_52 : memref<1x520x8xf32, #tpu.memory_space<hbm>> -> memref<520x8xf32, #tpu.memory_space<hbm>>
        %dma_start3A_54 = arith.constant 9480 : i32
        %dma_start3A_55 = arith.constant 0 : i32
        %dma_start3A_56 = tpu.memref_slice %arg9[%dma_start3A_54, %dma_start3A_55] : memref<10000x8xf32, #tpu.memory_space<vmem_shared>> -> memref<520x8xf32, #tpu.memory_space<vmem_shared>>
        tpu.enqueue_dma source(%dma_start3A_56 : memref<520x8xf32, #tpu.memory_space<vmem_shared>>) target(%dma_start3A_53 : memref<520x8xf32, #tpu.memory_space<hbm>>) target_semaphore(%run_scoped3A : memref<!tpu.dma_semaphore, #tpu.memory_space<semaphore_mem>>)
        %dma_wait3A_57 = arith.constant 9480 : i32
        %dma_wait3A_58 = arith.constant 0 : i32
        %dma_wait3A_59 = tpu.memref_slice %arg5[%arg0, %dma_wait3A_57, %dma_wait3A_58] : memref<2x10000x8xf32, #tpu.memory_space<hbm>> -> memref<1x520x8xf32, #tpu.memory_space<hbm>>
        %dma_wait3A_60 = tpu.memref_squeeze %dma_wait3A_59 : memref<1x520x8xf32, #tpu.memory_space<hbm>> -> memref<520x8xf32, #tpu.memory_space<hbm>>
        %dma_wait3A_61 = arith.constant 9480 : i32
        %dma_wait3A_62 = arith.constant 0 : i32
        %dma_wait3A_63 = tpu.memref_slice %arg9[%dma_wait3A_61, %dma_wait3A_62] : memref<10000x8xf32, #tpu.memory_space<vmem_shared>> -> memref<520x8xf32, #tpu.memory_space<vmem_shared>>
        tpu.wait_dma2 semaphore(%run_scoped3A : memref<!tpu.dma_semaphore, #tpu.memory_space<semaphore_mem>>) src(%dma_wait3A_63 : memref<520x8xf32, #tpu.memory_space<vmem_shared>>) dst(%dma_wait3A_60 : memref<520x8xf32, #tpu.memory_space<hbm>>)
        tpu.yield
      }) : () -> ()
    } else {
    }
    return
  }
}

#map = affine_map<(d0, d1) -> (0)>
#map1 = affine_map<(d0, d1) -> (0, 0, 0, 0)>
#map2 = affine_map<(d0, d1) -> (0, 0)>
module attributes {stable_mosaic.version = 14 : i64} {
  func.func @_k5(%arg0: i32, %arg1: i32, %arg2: memref<320000xi32, #tpu.memory_space<hbm>>, %arg3: memref<4x2500x8x128xf32, #tpu.memory_space<hbm>>, %arg4: memref<10000x16xf32, #tpu.memory_space<hbm>>, %arg5: memref<10000x32xf32, #tpu.memory_space<hbm>>, %arg6: memref<2x128xi32, #tpu.memory_space<vmem>>, %arg7: memref<2x2x8x128xf32, #tpu.memory_space<vmem>>, %arg8: memref<2x128x16xf32, #tpu.memory_space<vmem>>, %arg9: memref<10000x16xf32, #tpu.memory_space<vmem_shared>>, %arg10: memref<!tpu.dma_semaphore, #tpu.memory_space<semaphore_mem>>, %arg11: memref<!tpu.dma_semaphore, #tpu.memory_space<semaphore_mem>>, %arg12: memref<!tpu.dma_semaphore, #tpu.memory_space<semaphore_mem>>, %arg13: memref<!tpu.dma_semaphore, #tpu.memory_space<semaphore_mem>>) attributes {dimension_semantics = [#tpu.dimension_semantics<core_parallel>, #tpu.dimension_semantics<subcore_parallel>], iteration_bounds = array<i64: 2, 16>, scalar_prefetch = 0 : i64, scratch_operands = 8 : i64, tpu.core_type = #tpu.core_type<sc_vector_subcore>, window_params = [{transform_indices = #map}, {transform_indices = #map1}, {transform_indices = #map2}, {transform_indices = #map2}]} {
    %mul3A = arith.constant 16 : i32
    %mul3A_0 = arith.muli %arg0, %mul3A : i32
    %iota3A = tpu.iota {dimensions = array<i32: 0>} : vector<16xi32>
    %lt3A = arith.constant 15 : i32
    %lt3A_1 = arith.cmpi slt, %arg1, %lt3A : i32
    %convert_element_type3A = arith.extui %lt3A_1 : i1 to i32
    %cond3A = arith.constant 0 : i32
    %cond3A_2 = arith.cmpi ne, %convert_element_type3A, %cond3A : i32
    scf.if %cond3A_2 {
      %mul3A_51 = arith.constant 632 : i32
      %mul3A_52 = arith.muli %arg1, %mul3A_51 : i32
      %mul3A_53 = arith.constant 632 : i32
      %mul3A_54 = arith.muli %arg1, %mul3A_53 : i32
      "tpu.region"() ({
        %run_scoped3A = tpu.sem_alloc : memref<!tpu.dma_semaphore, #tpu.memory_space<semaphore_mem>>
        %dma_start3A = arith.constant 0 : i32
        %dma_start3A_55 = tpu.memref_slice %arg9[%mul3A_54, %dma_start3A] : memref<10000x16xf32, #tpu.memory_space<vmem_shared>> -> memref<632x16xf32, #tpu.memory_space<vmem_shared>>
        %dma_start3A_56 = arith.constant 0 : i32
        %dma_start3A_57 = tpu.memref_slice %arg4[%mul3A_52, %dma_start3A_56] : memref<10000x16xf32, #tpu.memory_space<hbm>> -> memref<632x16xf32, #tpu.memory_space<hbm>>
        tpu.enqueue_dma source(%dma_start3A_57 : memref<632x16xf32, #tpu.memory_space<hbm>>) target(%dma_start3A_55 : memref<632x16xf32, #tpu.memory_space<vmem_shared>>) target_semaphore(%run_scoped3A : memref<!tpu.dma_semaphore, #tpu.memory_space<semaphore_mem>>)
        %dma_wait3A_58 = arith.constant 0 : i32
        %dma_wait3A_59 = tpu.memref_slice %arg9[%mul3A_54, %dma_wait3A_58] : memref<10000x16xf32, #tpu.memory_space<vmem_shared>> -> memref<632x16xf32, #tpu.memory_space<vmem_shared>>
        %dma_wait3A_60 = arith.constant 0 : i32
        %dma_wait3A_61 = tpu.memref_slice %arg4[%mul3A_52, %dma_wait3A_60] : memref<10000x16xf32, #tpu.memory_space<hbm>> -> memref<632x16xf32, #tpu.memory_space<hbm>>
        tpu.wait_dma2 semaphore(%run_scoped3A : memref<!tpu.dma_semaphore, #tpu.memory_space<semaphore_mem>>) src(%dma_wait3A_61 : memref<632x16xf32, #tpu.memory_space<hbm>>) dst(%dma_wait3A_59 : memref<632x16xf32, #tpu.memory_space<vmem_shared>>)
        tpu.yield
      }) : () -> ()
    } else {
    }
    %eq3A = arith.constant 15 : i32
    %eq3A_3 = arith.cmpi eq, %arg1, %eq3A : i32
    %convert_element_type3A_4 = arith.extui %eq3A_3 : i1 to i32
    %cond3A_5 = arith.constant 0 : i32
    %cond3A_6 = arith.cmpi ne, %convert_element_type3A_4, %cond3A_5 : i32
    scf.if %cond3A_6 {
      "tpu.region"() ({
        %run_scoped3A = tpu.sem_alloc : memref<!tpu.dma_semaphore, #tpu.memory_space<semaphore_mem>>
        %dma_start3A = arith.constant 9480 : i32
        %dma_start3A_51 = arith.constant 0 : i32
        %dma_start3A_52 = tpu.memref_slice %arg9[%dma_start3A, %dma_start3A_51] : memref<10000x16xf32, #tpu.memory_space<vmem_shared>> -> memref<520x16xf32, #tpu.memory_space<vmem_shared>>
        %dma_start3A_53 = arith.constant 9480 : i32
        %dma_start3A_54 = arith.constant 0 : i32
        %dma_start3A_55 = tpu.memref_slice %arg4[%dma_start3A_53, %dma_start3A_54] : memref<10000x16xf32, #tpu.memory_space<hbm>> -> memref<520x16xf32, #tpu.memory_space<hbm>>
        tpu.enqueue_dma source(%dma_start3A_55 : memref<520x16xf32, #tpu.memory_space<hbm>>) target(%dma_start3A_52 : memref<520x16xf32, #tpu.memory_space<vmem_shared>>) target_semaphore(%run_scoped3A : memref<!tpu.dma_semaphore, #tpu.memory_space<semaphore_mem>>)
        %dma_wait3A_56 = arith.constant 9480 : i32
        %dma_wait3A_57 = arith.constant 0 : i32
        %dma_wait3A_58 = tpu.memref_slice %arg9[%dma_wait3A_56, %dma_wait3A_57] : memref<10000x16xf32, #tpu.memory_space<vmem_shared>> -> memref<520x16xf32, #tpu.memory_space<vmem_shared>>
        %dma_wait3A_59 = arith.constant 9480 : i32
        %dma_wait3A_60 = arith.constant 0 : i32
        %dma_wait3A_61 = tpu.memref_slice %arg4[%dma_wait3A_59, %dma_wait3A_60] : memref<10000x16xf32, #tpu.memory_space<hbm>> -> memref<520x16xf32, #tpu.memory_space<hbm>>
        tpu.wait_dma2 semaphore(%run_scoped3A : memref<!tpu.dma_semaphore, #tpu.memory_space<semaphore_mem>>) src(%dma_wait3A_61 : memref<520x16xf32, #tpu.memory_space<hbm>>) dst(%dma_wait3A_58 : memref<520x16xf32, #tpu.memory_space<vmem_shared>>)
        tpu.yield
      }) : () -> ()
    } else {
    }
    %barrier3A = arith.constant 0 : index
    tpu.barrier barrier_id(%barrier3A)
    %scan3A = arith.constant 0 : i32
    %scan3A_7 = arith.constant 0 : i32
    %scan3A_8 = arith.constant 78 : i32
    %scan3A_9 = arith.addi %scan3A_7, %scan3A_8 : i32
    %scan3A_10 = arith.constant 1 : i32
    scf.for %scan3A_51 = %scan3A_7 to %scan3A_9 step %scan3A_10  : i32 {
      %mul3A_52 = arith.constant 2 : i32
      %mul3A_53 = arith.muli %mul3A_52, %scan3A_51 : i32
      %add3A = arith.constant 0 : i32
      %add3A_54 = arith.addi %mul3A_53, %add3A : i32
      %gt3A = arith.constant 0 : i32
      %gt3A_55 = arith.cmpi sgt, %scan3A_51, %gt3A : i32
      %convert_element_type3A_56 = arith.extui %gt3A_55 : i1 to i32
      %cond3A_57 = arith.constant 0 : i32
      %cond3A_58 = arith.cmpi ne, %convert_element_type3A_56, %cond3A_57 : i32
      scf.if %cond3A_58 {
        %dma_wait3A_233 = arith.constant 0 : i32
        %dma_wait3A_234 = arith.constant 0 : i32
        %dma_wait3A_235 = arith.constant 0 : i32
        %dma_wait3A_236 = arith.constant 0 : i32
        %dma_wait3A_237 = tpu.memref_slice %arg8[%dma_wait3A_233, %dma_wait3A_235, %dma_wait3A_236] : memref<2x128x16xf32, #tpu.memory_space<vmem>> -> memref<1x128x16xf32, #tpu.memory_space<vmem>>
        %dma_wait3A_238 = tpu.memref_squeeze %dma_wait3A_237 : memref<1x128x16xf32, #tpu.memory_space<vmem>> -> memref<128x16xf32, #tpu.memory_space<vmem>>
        %dma_wait3A_239 = arith.constant 0 : i32
        %dma_wait3A_240 = tpu.memref_slice %arg6[%dma_wait3A_234, %dma_wait3A_239] : memref<2x128xi32, #tpu.memory_space<vmem>> -> memref<1x128xi32, #tpu.memory_space<vmem>>
        %dma_wait3A_241 = tpu.memref_squeeze %dma_wait3A_240 : memref<1x128xi32, #tpu.memory_space<vmem>> -> memref<128xi32, #tpu.memory_space<vmem>>
        %dma_wait3A_242 = arith.constant 0 : i32
        %dma_wait3A_243 = arith.constant 0 : i32
        %dma_wait3A_244 = tpu.memref_slice %arg9[%dma_wait3A_242, %dma_wait3A_243] : memref<10000x16xf32, #tpu.memory_space<vmem_shared>> -> memref<10000x16xf32, #tpu.memory_space<vmem_shared>>
        tpu.wait_indirect_dma semaphore(%arg12 : memref<!tpu.dma_semaphore, #tpu.memory_space<semaphore_mem>>) src(%dma_wait3A_238 : memref<128x16xf32, #tpu.memory_space<vmem>>) dst(%dma_wait3A_244 : memref<10000x16xf32, #tpu.memory_space<vmem_shared>>)
      } else {
      }
      %mul3A_59 = arith.constant 16 : i32
      %mul3A_60 = arith.muli %add3A_54, %mul3A_59 : i32
      %add3A_61 = arith.addi %mul3A_60, %arg1 : i32
      %mul3A_62 = arith.constant 128 : i32
      %mul3A_63 = arith.muli %add3A_61, %mul3A_62 : i32
      %dma_start3A = arith.constant 0 : i32
      %dma_start3A_64 = arith.constant 0 : i32
      %dma_start3A_65 = tpu.memref_slice %arg6[%dma_start3A, %dma_start3A_64] : memref<2x128xi32, #tpu.memory_space<vmem>> -> memref<1x128xi32, #tpu.memory_space<vmem>>
      %dma_start3A_66 = tpu.memref_squeeze %dma_start3A_65 : memref<1x128xi32, #tpu.memory_space<vmem>> -> memref<128xi32, #tpu.memory_space<vmem>>
      %dma_start3A_67 = tpu.memref_slice %arg2[%mul3A_63] : memref<320000xi32, #tpu.memory_space<hbm>> -> memref<128xi32, #tpu.memory_space<hbm>>
      %dma_start3A_68 = arith.constant 0 : i32
      %dma_start3A_69 = tpu.memref_slice %arg6[%dma_start3A, %dma_start3A_68] : memref<2x128xi32, #tpu.memory_space<vmem>> -> memref<1x128xi32, #tpu.memory_space<vmem>>
      %dma_start3A_70 = tpu.memref_squeeze %dma_start3A_69 : memref<1x128xi32, #tpu.memory_space<vmem>> -> memref<128xi32, #tpu.memory_space<vmem>>
      %dma_start3A_71 = tpu.memref_slice %arg2[%mul3A_63] : memref<320000xi32, #tpu.memory_space<hbm>> -> memref<128xi32, #tpu.memory_space<hbm>>
      tpu.enqueue_dma source(%dma_start3A_71 : memref<128xi32, #tpu.memory_space<hbm>>) target(%dma_start3A_70 : memref<128xi32, #tpu.memory_space<vmem>>) target_semaphore(%arg10 : memref<!tpu.dma_semaphore, #tpu.memory_space<semaphore_mem>>)
      %mul3A_72 = arith.constant 2 : i32
      %mul3A_73 = arith.muli %mul3A_72, %arg0 : i32
      %dma_start3A_74 = arith.constant 0 : i32
      %dma_start3A_75 = arith.constant 0 : i32
      %dma_start3A_76 = arith.constant 0 : i32
      %dma_start3A_77 = arith.constant 0 : i32
      %dma_start3A_78 = tpu.memref_slice %arg7[%dma_start3A_74, %dma_start3A_75, %dma_start3A_76, %dma_start3A_77] : memref<2x2x8x128xf32, #tpu.memory_space<vmem>> -> memref<1x2x8x128xf32, #tpu.memory_space<vmem>>
      %dma_start3A_79 = tpu.memref_squeeze %dma_start3A_78 : memref<1x2x8x128xf32, #tpu.memory_space<vmem>> -> memref<2x8x128xf32, #tpu.memory_space<vmem>>
      %dma_start3A_80 = arith.constant 0 : i32
      %dma_start3A_81 = arith.constant 0 : i32
      %dma_start3A_82 = tpu.memref_slice %arg3[%mul3A_73, %add3A_61, %dma_start3A_80, %dma_start3A_81] : memref<4x2500x8x128xf32, #tpu.memory_space<hbm>> -> memref<2x1x8x128xf32, #tpu.memory_space<hbm>>
      %dma_start3A_83 = tpu.memref_squeeze %dma_start3A_82 : memref<2x1x8x128xf32, #tpu.memory_space<hbm>> -> memref<2x8x128xf32, #tpu.memory_space<hbm>>
      %dma_start3A_84 = arith.constant 0 : i32
      %dma_start3A_85 = arith.constant 0 : i32
      %dma_start3A_86 = arith.constant 0 : i32
      %dma_start3A_87 = tpu.memref_slice %arg7[%dma_start3A_74, %dma_start3A_84, %dma_start3A_85, %dma_start3A_86] : memref<2x2x8x128xf32, #tpu.memory_space<vmem>> -> memref<1x2x8x128xf32, #tpu.memory_space<vmem>>
      %dma_start3A_88 = tpu.memref_squeeze %dma_start3A_87 : memref<1x2x8x128xf32, #tpu.memory_space<vmem>> -> memref<2x8x128xf32, #tpu.memory_space<vmem>>
      %dma_start3A_89 = arith.constant 0 : i32
      %dma_start3A_90 = arith.constant 0 : i32
      %dma_start3A_91 = tpu.memref_slice %arg3[%mul3A_73, %add3A_61, %dma_start3A_89, %dma_start3A_90] : memref<4x2500x8x128xf32, #tpu.memory_space<hbm>> -> memref<2x1x8x128xf32, #tpu.memory_space<hbm>>
      %dma_start3A_92 = tpu.memref_squeeze %dma_start3A_91 : memref<2x1x8x128xf32, #tpu.memory_space<hbm>> -> memref<2x8x128xf32, #tpu.memory_space<hbm>>
      tpu.enqueue_dma source(%dma_start3A_92 : memref<2x8x128xf32, #tpu.memory_space<hbm>>) target(%dma_start3A_88 : memref<2x8x128xf32, #tpu.memory_space<vmem>>) target_semaphore(%arg10 : memref<!tpu.dma_semaphore, #tpu.memory_space<semaphore_mem>>)
      %dma_wait3A_93 = arith.constant 0 : i32
      %dma_wait3A_94 = arith.constant 0 : i32
      %dma_wait3A_95 = tpu.memref_slice %arg6[%dma_wait3A_93, %dma_wait3A_94] : memref<2x128xi32, #tpu.memory_space<vmem>> -> memref<1x128xi32, #tpu.memory_space<vmem>>
      %dma_wait3A_96 = tpu.memref_squeeze %dma_wait3A_95 : memref<1x128xi32, #tpu.memory_space<vmem>> -> memref<128xi32, #tpu.memory_space<vmem>>
      %dma_wait3A_97 = tpu.memref_slice %arg2[%mul3A_63] : memref<320000xi32, #tpu.memory_space<hbm>> -> memref<128xi32, #tpu.memory_space<hbm>>
      %dma_wait3A_98 = arith.constant 0 : i32
      %dma_wait3A_99 = tpu.memref_slice %arg6[%dma_wait3A_93, %dma_wait3A_98] : memref<2x128xi32, #tpu.memory_space<vmem>> -> memref<1x128xi32, #tpu.memory_space<vmem>>
      %dma_wait3A_100 = tpu.memref_squeeze %dma_wait3A_99 : memref<1x128xi32, #tpu.memory_space<vmem>> -> memref<128xi32, #tpu.memory_space<vmem>>
      %dma_wait3A_101 = tpu.memref_slice %arg2[%mul3A_63] : memref<320000xi32, #tpu.memory_space<hbm>> -> memref<128xi32, #tpu.memory_space<hbm>>
      tpu.wait_dma2 semaphore(%arg10 : memref<!tpu.dma_semaphore, #tpu.memory_space<semaphore_mem>>) src(%dma_wait3A_101 : memref<128xi32, #tpu.memory_space<hbm>>) dst(%dma_wait3A_100 : memref<128xi32, #tpu.memory_space<vmem>>)
      %mul3A_102 = arith.constant 2 : i32
      %mul3A_103 = arith.muli %mul3A_102, %arg0 : i32
      %dma_wait3A_104 = arith.constant 0 : i32
      %dma_wait3A_105 = arith.constant 0 : i32
      %dma_wait3A_106 = arith.constant 0 : i32
      %dma_wait3A_107 = arith.constant 0 : i32
      %dma_wait3A_108 = tpu.memref_slice %arg7[%dma_wait3A_104, %dma_wait3A_105, %dma_wait3A_106, %dma_wait3A_107] : memref<2x2x8x128xf32, #tpu.memory_space<vmem>> -> memref<1x2x8x128xf32, #tpu.memory_space<vmem>>
      %dma_wait3A_109 = tpu.memref_squeeze %dma_wait3A_108 : memref<1x2x8x128xf32, #tpu.memory_space<vmem>> -> memref<2x8x128xf32, #tpu.memory_space<vmem>>
      %dma_wait3A_110 = arith.constant 0 : i32
      %dma_wait3A_111 = arith.constant 0 : i32
      %dma_wait3A_112 = tpu.memref_slice %arg3[%mul3A_103, %add3A_61, %dma_wait3A_110, %dma_wait3A_111] : memref<4x2500x8x128xf32, #tpu.memory_space<hbm>> -> memref<2x1x8x128xf32, #tpu.memory_space<hbm>>
      %dma_wait3A_113 = tpu.memref_squeeze %dma_wait3A_112 : memref<2x1x8x128xf32, #tpu.memory_space<hbm>> -> memref<2x8x128xf32, #tpu.memory_space<hbm>>
      %dma_wait3A_114 = arith.constant 0 : i32
      %dma_wait3A_115 = arith.constant 0 : i32
      %dma_wait3A_116 = arith.constant 0 : i32
      %dma_wait3A_117 = tpu.memref_slice %arg7[%dma_wait3A_104, %dma_wait3A_114, %dma_wait3A_115, %dma_wait3A_116] : memref<2x2x8x128xf32, #tpu.memory_space<vmem>> -> memref<1x2x8x128xf32, #tpu.memory_space<vmem>>
      %dma_wait3A_118 = tpu.memref_squeeze %dma_wait3A_117 : memref<1x2x8x128xf32, #tpu.memory_space<vmem>> -> memref<2x8x128xf32, #tpu.memory_space<vmem>>
      %dma_wait3A_119 = arith.constant 0 : i32
      %dma_wait3A_120 = arith.constant 0 : i32
      %dma_wait3A_121 = tpu.memref_slice %arg3[%mul3A_103, %add3A_61, %dma_wait3A_119, %dma_wait3A_120] : memref<4x2500x8x128xf32, #tpu.memory_space<hbm>> -> memref<2x1x8x128xf32, #tpu.memory_space<hbm>>
      %dma_wait3A_122 = tpu.memref_squeeze %dma_wait3A_121 : memref<2x1x8x128xf32, #tpu.memory_space<hbm>> -> memref<2x8x128xf32, #tpu.memory_space<hbm>>
      tpu.wait_dma2 semaphore(%arg10 : memref<!tpu.dma_semaphore, #tpu.memory_space<semaphore_mem>>) src(%dma_wait3A_122 : memref<2x8x128xf32, #tpu.memory_space<hbm>>) dst(%dma_wait3A_118 : memref<2x8x128xf32, #tpu.memory_space<vmem>>)
      %scan3A_123 = arith.constant 0 : i32
      %scan3A_124 = arith.constant 0 : i32
      %scan3A_125 = arith.constant 8 : i32
      %scan3A_126 = arith.addi %scan3A_124, %scan3A_125 : i32
      %scan3A_127 = arith.constant 1 : i32
      scf.for %scan3A_233 = %scan3A_124 to %scan3A_126 step %scan3A_127  : i32 {
        %mul3A_234 = arith.constant 16 : i32
        %mul3A_235 = arith.muli %scan3A_233, %mul3A_234 : i32
        %add3A_236 = vector.broadcast %mul3A_235 : i32 to vector<16xi32>
        %add3A_237 = arith.addi %add3A_236, %iota3A : vector<16xi32>
        %mul3A_238 = arith.constant 16 : i32
        %mul3A_239 = arith.muli %scan3A_233, %mul3A_238 : i32
        %get3A = arith.constant 0 : i32
        %get3A_240 = arith.constant 0 : i32
        %get3A_241 = arith.constant 0 : i32
        %get3A_242 = arith.index_cast %get3A : i32 to index
        %get3A_243 = arith.index_cast %get3A_240 : i32 to index
        %get3A_244 = arith.index_cast %get3A_241 : i32 to index
        %get3A_245 = arith.index_cast %mul3A_239 : i32 to index
        %get3A_246 = tpu.vector_load %arg7[%get3A_242, %get3A_243, %get3A_244, %get3A_245] {strides = array<i32>} : memref<2x2x8x128xf32, #tpu.memory_space<vmem>>, vector<16xf32>,
        %broadcast_in_dim3A = arith.constant 0 : i32
        %broadcast_in_dim3A_247 = vector.broadcast %broadcast_in_dim3A : i32 to vector<16xi32>
        %scatter3A = arith.constant 0 : i32
        %scatter3A_248 = arith.constant 0 : i32
        %scatter3A_249 = arith.constant 0 : i32
        %scatter3A_250 = tpu.memref_slice %arg8[%scatter3A, %scatter3A_248, %scatter3A_249] : memref<2x128x16xf32, #tpu.memory_space<vmem>> -> memref<1x128x16xf32, #tpu.memory_space<vmem>>
        %scatter3A_251 = tpu.memref_squeeze %scatter3A_250 : memref<1x128x16xf32, #tpu.memory_space<vmem>> -> memref<128x16xf32, #tpu.memory_space<vmem>>
        tpu.vector_store_idx %scatter3A_251[%add3A_237, %broadcast_in_dim3A_247], %get3A_246 : memref<128x16xf32, #tpu.memory_space<vmem>>[vector<16xi32>, vector<16xi32>], vector<16xf32>,
        %mul3A_252 = arith.constant 16 : i32
        %mul3A_253 = arith.muli %scan3A_233, %mul3A_252 : i32
        %get3A_254 = arith.constant 0 : i32
        %get3A_255 = arith.constant 0 : i32
        %get3A_256 = arith.constant 1 : i32
        %get3A_257 = arith.index_cast %get3A_254 : i32 to index
        %get3A_258 = arith.index_cast %get3A_255 : i32 to index
        %get3A_259 = arith.index_cast %get3A_256 : i32 to index
        %get3A_260 = arith.index_cast %mul3A_253 : i32 to index
        %get3A_261 = tpu.vector_load %arg7[%get3A_257, %get3A_258, %get3A_259, %get3A_260] {strides = array<i32>} : memref<2x2x8x128xf32, #tpu.memory_space<vmem>>, vector<16xf32>,
        %broadcast_in_dim3A_262 = arith.constant 1 : i32
        %broadcast_in_dim3A_263 = vector.broadcast %broadcast_in_dim3A_262 : i32 to vector<16xi32>
        %scatter3A_264 = arith.constant 0 : i32
        %scatter3A_265 = arith.constant 0 : i32
        %scatter3A_266 = arith.constant 0 : i32
        %scatter3A_267 = tpu.memref_slice %arg8[%scatter3A_264, %scatter3A_265, %scatter3A_266] : memref<2x128x16xf32, #tpu.memory_space<vmem>> -> memref<1x128x16xf32, #tpu.memory_space<vmem>>
        %scatter3A_268 = tpu.memref_squeeze %scatter3A_267 : memref<1x128x16xf32, #tpu.memory_space<vmem>> -> memref<128x16xf32, #tpu.memory_space<vmem>>
        tpu.vector_store_idx %scatter3A_268[%add3A_237, %broadcast_in_dim3A_263], %get3A_261 : memref<128x16xf32, #tpu.memory_space<vmem>>[vector<16xi32>, vector<16xi32>], vector<16xf32>,
        %mul3A_269 = arith.constant 16 : i32
        %mul3A_270 = arith.muli %scan3A_233, %mul3A_269 : i32
        %get3A_271 = arith.constant 0 : i32
        %get3A_272 = arith.constant 0 : i32
        %get3A_273 = arith.constant 2 : i32
        %get3A_274 = arith.index_cast %get3A_271 : i32 to index
        %get3A_275 = arith.index_cast %get3A_272 : i32 to index
        %get3A_276 = arith.index_cast %get3A_273 : i32 to index
        %get3A_277 = arith.index_cast %mul3A_270 : i32 to index
        %get3A_278 = tpu.vector_load %arg7[%get3A_274, %get3A_275, %get3A_276, %get3A_277] {strides = array<i32>} : memref<2x2x8x128xf32, #tpu.memory_space<vmem>>, vector<16xf32>,
        %broadcast_in_dim3A_279 = arith.constant 2 : i32
        %broadcast_in_dim3A_280 = vector.broadcast %broadcast_in_dim3A_279 : i32 to vector<16xi32>
        %scatter3A_281 = arith.constant 0 : i32
        %scatter3A_282 = arith.constant 0 : i32
        %scatter3A_283 = arith.constant 0 : i32
        %scatter3A_284 = tpu.memref_slice %arg8[%scatter3A_281, %scatter3A_282, %scatter3A_283] : memref<2x128x16xf32, #tpu.memory_space<vmem>> -> memref<1x128x16xf32, #tpu.memory_space<vmem>>
        %scatter3A_285 = tpu.memref_squeeze %scatter3A_284 : memref<1x128x16xf32, #tpu.memory_space<vmem>> -> memref<128x16xf32, #tpu.memory_space<vmem>>
        tpu.vector_store_idx %scatter3A_285[%add3A_237, %broadcast_in_dim3A_280], %get3A_278 : memref<128x16xf32, #tpu.memory_space<vmem>>[vector<16xi32>, vector<16xi32>], vector<16xf32>,
        %mul3A_286 = arith.constant 16 : i32
        %mul3A_287 = arith.muli %scan3A_233, %mul3A_286 : i32
        %get3A_288 = arith.constant 0 : i32
        %get3A_289 = arith.constant 0 : i32
        %get3A_290 = arith.constant 3 : i32
        %get3A_291 = arith.index_cast %get3A_288 : i32 to index
        %get3A_292 = arith.index_cast %get3A_289 : i32 to index
        %get3A_293 = arith.index_cast %get3A_290 : i32 to index
        %get3A_294 = arith.index_cast %mul3A_287 : i32 to index
        %get3A_295 = tpu.vector_load %arg7[%get3A_291, %get3A_292, %get3A_293, %get3A_294] {strides = array<i32>} : memref<2x2x8x128xf32, #tpu.memory_space<vmem>>, vector<16xf32>,
        %broadcast_in_dim3A_296 = arith.constant 3 : i32
        %broadcast_in_dim3A_297 = vector.broadcast %broadcast_in_dim3A_296 : i32 to vector<16xi32>
        %scatter3A_298 = arith.constant 0 : i32
        %scatter3A_299 = arith.constant 0 : i32
        %scatter3A_300 = arith.constant 0 : i32
        %scatter3A_301 = tpu.memref_slice %arg8[%scatter3A_298, %scatter3A_299, %scatter3A_300] : memref<2x128x16xf32, #tpu.memory_space<vmem>> -> memref<1x128x16xf32, #tpu.memory_space<vmem>>
        %scatter3A_302 = tpu.memref_squeeze %scatter3A_301 : memref<1x128x16xf32, #tpu.memory_space<vmem>> -> memref<128x16xf32, #tpu.memory_space<vmem>>
        tpu.vector_store_idx %scatter3A_302[%add3A_237, %broadcast_in_dim3A_297], %get3A_295 : memref<128x16xf32, #tpu.memory_space<vmem>>[vector<16xi32>, vector<16xi32>], vector<16xf32>,
        %mul3A_303 = arith.constant 16 : i32
        %mul3A_304 = arith.muli %scan3A_233, %mul3A_303 : i32
        %get3A_305 = arith.constant 0 : i32
        %get3A_306 = arith.constant 0 : i32
        %get3A_307 = arith.constant 4 : i32
        %get3A_308 = arith.index_cast %get3A_305 : i32 to index
        %get3A_309 = arith.index_cast %get3A_306 : i32 to index
        %get3A_310 = arith.index_cast %get3A_307 : i32 to index
        %get3A_311 = arith.index_cast %mul3A_304 : i32 to index
        %get3A_312 = tpu.vector_load %arg7[%get3A_308, %get3A_309, %get3A_310, %get3A_311] {strides = array<i32>} : memref<2x2x8x128xf32, #tpu.memory_space<vmem>>, vector<16xf32>,
        %broadcast_in_dim3A_313 = arith.constant 4 : i32
        %broadcast_in_dim3A_314 = vector.broadcast %broadcast_in_dim3A_313 : i32 to vector<16xi32>
        %scatter3A_315 = arith.constant 0 : i32
        %scatter3A_316 = arith.constant 0 : i32
        %scatter3A_317 = arith.constant 0 : i32
        %scatter3A_318 = tpu.memref_slice %arg8[%scatter3A_315, %scatter3A_316, %scatter3A_317] : memref<2x128x16xf32, #tpu.memory_space<vmem>> -> memref<1x128x16xf32, #tpu.memory_space<vmem>>
        %scatter3A_319 = tpu.memref_squeeze %scatter3A_318 : memref<1x128x16xf32, #tpu.memory_space<vmem>> -> memref<128x16xf32, #tpu.memory_space<vmem>>
        tpu.vector_store_idx %scatter3A_319[%add3A_237, %broadcast_in_dim3A_314], %get3A_312 : memref<128x16xf32, #tpu.memory_space<vmem>>[vector<16xi32>, vector<16xi32>], vector<16xf32>,
        %mul3A_320 = arith.constant 16 : i32
        %mul3A_321 = arith.muli %scan3A_233, %mul3A_320 : i32
        %get3A_322 = arith.constant 0 : i32
        %get3A_323 = arith.constant 0 : i32
        %get3A_324 = arith.constant 5 : i32
        %get3A_325 = arith.index_cast %get3A_322 : i32 to index
        %get3A_326 = arith.index_cast %get3A_323 : i32 to index
        %get3A_327 = arith.index_cast %get3A_324 : i32 to index
        %get3A_328 = arith.index_cast %mul3A_321 : i32 to index
        %get3A_329 = tpu.vector_load %arg7[%get3A_325, %get3A_326, %get3A_327, %get3A_328] {strides = array<i32>} : memref<2x2x8x128xf32, #tpu.memory_space<vmem>>, vector<16xf32>,
        %broadcast_in_dim3A_330 = arith.constant 5 : i32
        %broadcast_in_dim3A_331 = vector.broadcast %broadcast_in_dim3A_330 : i32 to vector<16xi32>
        %scatter3A_332 = arith.constant 0 : i32
        %scatter3A_333 = arith.constant 0 : i32
        %scatter3A_334 = arith.constant 0 : i32
        %scatter3A_335 = tpu.memref_slice %arg8[%scatter3A_332, %scatter3A_333, %scatter3A_334] : memref<2x128x16xf32, #tpu.memory_space<vmem>> -> memref<1x128x16xf32, #tpu.memory_space<vmem>>
        %scatter3A_336 = tpu.memref_squeeze %scatter3A_335 : memref<1x128x16xf32, #tpu.memory_space<vmem>> -> memref<128x16xf32, #tpu.memory_space<vmem>>
        tpu.vector_store_idx %scatter3A_336[%add3A_237, %broadcast_in_dim3A_331], %get3A_329 : memref<128x16xf32, #tpu.memory_space<vmem>>[vector<16xi32>, vector<16xi32>], vector<16xf32>,
        %mul3A_337 = arith.constant 16 : i32
        %mul3A_338 = arith.muli %scan3A_233, %mul3A_337 : i32
        %get3A_339 = arith.constant 0 : i32
        %get3A_340 = arith.constant 0 : i32
        %get3A_341 = arith.constant 6 : i32
        %get3A_342 = arith.index_cast %get3A_339 : i32 to index
        %get3A_343 = arith.index_cast %get3A_340 : i32 to index
        %get3A_344 = arith.index_cast %get3A_341 : i32 to index
        %get3A_345 = arith.index_cast %mul3A_338 : i32 to index
        %get3A_346 = tpu.vector_load %arg7[%get3A_342, %get3A_343, %get3A_344, %get3A_345] {strides = array<i32>} : memref<2x2x8x128xf32, #tpu.memory_space<vmem>>, vector<16xf32>,
        %broadcast_in_dim3A_347 = arith.constant 6 : i32
        %broadcast_in_dim3A_348 = vector.broadcast %broadcast_in_dim3A_347 : i32 to vector<16xi32>
        %scatter3A_349 = arith.constant 0 : i32
        %scatter3A_350 = arith.constant 0 : i32
        %scatter3A_351 = arith.constant 0 : i32
        %scatter3A_352 = tpu.memref_slice %arg8[%scatter3A_349, %scatter3A_350, %scatter3A_351] : memref<2x128x16xf32, #tpu.memory_space<vmem>> -> memref<1x128x16xf32, #tpu.memory_space<vmem>>
        %scatter3A_353 = tpu.memref_squeeze %scatter3A_352 : memref<1x128x16xf32, #tpu.memory_space<vmem>> -> memref<128x16xf32, #tpu.memory_space<vmem>>
        tpu.vector_store_idx %scatter3A_353[%add3A_237, %broadcast_in_dim3A_348], %get3A_346 : memref<128x16xf32, #tpu.memory_space<vmem>>[vector<16xi32>, vector<16xi32>], vector<16xf32>,
        %mul3A_354 = arith.constant 16 : i32
        %mul3A_355 = arith.muli %scan3A_233, %mul3A_354 : i32
        %get3A_356 = arith.constant 0 : i32
        %get3A_357 = arith.constant 0 : i32
        %get3A_358 = arith.constant 7 : i32
        %get3A_359 = arith.index_cast %get3A_356 : i32 to index
        %get3A_360 = arith.index_cast %get3A_357 : i32 to index
        %get3A_361 = arith.index_cast %get3A_358 : i32 to index
        %get3A_362 = arith.index_cast %mul3A_355 : i32 to index
        %get3A_363 = tpu.vector_load %arg7[%get3A_359, %get3A_360, %get3A_361, %get3A_362] {strides = array<i32>} : memref<2x2x8x128xf32, #tpu.memory_space<vmem>>, vector<16xf32>,
        %broadcast_in_dim3A_364 = arith.constant 7 : i32
        %broadcast_in_dim3A_365 = vector.broadcast %broadcast_in_dim3A_364 : i32 to vector<16xi32>
        %scatter3A_366 = arith.constant 0 : i32
        %scatter3A_367 = arith.constant 0 : i32
        %scatter3A_368 = arith.constant 0 : i32
        %scatter3A_369 = tpu.memref_slice %arg8[%scatter3A_366, %scatter3A_367, %scatter3A_368] : memref<2x128x16xf32, #tpu.memory_space<vmem>> -> memref<1x128x16xf32, #tpu.memory_space<vmem>>
        %scatter3A_370 = tpu.memref_squeeze %scatter3A_369 : memref<1x128x16xf32, #tpu.memory_space<vmem>> -> memref<128x16xf32, #tpu.memory_space<vmem>>
        tpu.vector_store_idx %scatter3A_370[%add3A_237, %broadcast_in_dim3A_365], %get3A_363 : memref<128x16xf32, #tpu.memory_space<vmem>>[vector<16xi32>, vector<16xi32>], vector<16xf32>,
        %mul3A_371 = arith.constant 16 : i32
        %mul3A_372 = arith.muli %scan3A_233, %mul3A_371 : i32
        %get3A_373 = arith.constant 0 : i32
        %get3A_374 = arith.constant 1 : i32
        %get3A_375 = arith.constant 0 : i32
        %get3A_376 = arith.index_cast %get3A_373 : i32 to index
        %get3A_377 = arith.index_cast %get3A_374 : i32 to index
        %get3A_378 = arith.index_cast %get3A_375 : i32 to index
        %get3A_379 = arith.index_cast %mul3A_372 : i32 to index
        %get3A_380 = tpu.vector_load %arg7[%get3A_376, %get3A_377, %get3A_378, %get3A_379] {strides = array<i32>} : memref<2x2x8x128xf32, #tpu.memory_space<vmem>>, vector<16xf32>,
        %broadcast_in_dim3A_381 = arith.constant 8 : i32
        %broadcast_in_dim3A_382 = vector.broadcast %broadcast_in_dim3A_381 : i32 to vector<16xi32>
        %scatter3A_383 = arith.constant 0 : i32
        %scatter3A_384 = arith.constant 0 : i32
        %scatter3A_385 = arith.constant 0 : i32
        %scatter3A_386 = tpu.memref_slice %arg8[%scatter3A_383, %scatter3A_384, %scatter3A_385] : memref<2x128x16xf32, #tpu.memory_space<vmem>> -> memref<1x128x16xf32, #tpu.memory_space<vmem>>
        %scatter3A_387 = tpu.memref_squeeze %scatter3A_386 : memref<1x128x16xf32, #tpu.memory_space<vmem>> -> memref<128x16xf32, #tpu.memory_space<vmem>>
        tpu.vector_store_idx %scatter3A_387[%add3A_237, %broadcast_in_dim3A_382], %get3A_380 : memref<128x16xf32, #tpu.memory_space<vmem>>[vector<16xi32>, vector<16xi32>], vector<16xf32>,
        %mul3A_388 = arith.constant 16 : i32
        %mul3A_389 = arith.muli %scan3A_233, %mul3A_388 : i32
        %get3A_390 = arith.constant 0 : i32
        %get3A_391 = arith.constant 1 : i32
        %get3A_392 = arith.constant 1 : i32
        %get3A_393 = arith.index_cast %get3A_390 : i32 to index
        %get3A_394 = arith.index_cast %get3A_391 : i32 to index
        %get3A_395 = arith.index_cast %get3A_392 : i32 to index
        %get3A_396 = arith.index_cast %mul3A_389 : i32 to index
        %get3A_397 = tpu.vector_load %arg7[%get3A_393, %get3A_394, %get3A_395, %get3A_396] {strides = array<i32>} : memref<2x2x8x128xf32, #tpu.memory_space<vmem>>, vector<16xf32>,
        %broadcast_in_dim3A_398 = arith.constant 9 : i32
        %broadcast_in_dim3A_399 = vector.broadcast %broadcast_in_dim3A_398 : i32 to vector<16xi32>
        %scatter3A_400 = arith.constant 0 : i32
        %scatter3A_401 = arith.constant 0 : i32
        %scatter3A_402 = arith.constant 0 : i32
        %scatter3A_403 = tpu.memref_slice %arg8[%scatter3A_400, %scatter3A_401, %scatter3A_402] : memref<2x128x16xf32, #tpu.memory_space<vmem>> -> memref<1x128x16xf32, #tpu.memory_space<vmem>>
        %scatter3A_404 = tpu.memref_squeeze %scatter3A_403 : memref<1x128x16xf32, #tpu.memory_space<vmem>> -> memref<128x16xf32, #tpu.memory_space<vmem>>
        tpu.vector_store_idx %scatter3A_404[%add3A_237, %broadcast_in_dim3A_399], %get3A_397 : memref<128x16xf32, #tpu.memory_space<vmem>>[vector<16xi32>, vector<16xi32>], vector<16xf32>,
        %mul3A_405 = arith.constant 16 : i32
        %mul3A_406 = arith.muli %scan3A_233, %mul3A_405 : i32
        %get3A_407 = arith.constant 0 : i32
        %get3A_408 = arith.constant 1 : i32
        %get3A_409 = arith.constant 2 : i32
        %get3A_410 = arith.index_cast %get3A_407 : i32 to index
        %get3A_411 = arith.index_cast %get3A_408 : i32 to index
        %get3A_412 = arith.index_cast %get3A_409 : i32 to index
        %get3A_413 = arith.index_cast %mul3A_406 : i32 to index
        %get3A_414 = tpu.vector_load %arg7[%get3A_410, %get3A_411, %get3A_412, %get3A_413] {strides = array<i32>} : memref<2x2x8x128xf32, #tpu.memory_space<vmem>>, vector<16xf32>,
        %broadcast_in_dim3A_415 = arith.constant 10 : i32
        %broadcast_in_dim3A_416 = vector.broadcast %broadcast_in_dim3A_415 : i32 to vector<16xi32>
        %scatter3A_417 = arith.constant 0 : i32
        %scatter3A_418 = arith.constant 0 : i32
        %scatter3A_419 = arith.constant 0 : i32
        %scatter3A_420 = tpu.memref_slice %arg8[%scatter3A_417, %scatter3A_418, %scatter3A_419] : memref<2x128x16xf32, #tpu.memory_space<vmem>> -> memref<1x128x16xf32, #tpu.memory_space<vmem>>
        %scatter3A_421 = tpu.memref_squeeze %scatter3A_420 : memref<1x128x16xf32, #tpu.memory_space<vmem>> -> memref<128x16xf32, #tpu.memory_space<vmem>>
        tpu.vector_store_idx %scatter3A_421[%add3A_237, %broadcast_in_dim3A_416], %get3A_414 : memref<128x16xf32, #tpu.memory_space<vmem>>[vector<16xi32>, vector<16xi32>], vector<16xf32>,
        %mul3A_422 = arith.constant 16 : i32
        %mul3A_423 = arith.muli %scan3A_233, %mul3A_422 : i32
        %get3A_424 = arith.constant 0 : i32
        %get3A_425 = arith.constant 1 : i32
        %get3A_426 = arith.constant 3 : i32
        %get3A_427 = arith.index_cast %get3A_424 : i32 to index
        %get3A_428 = arith.index_cast %get3A_425 : i32 to index
        %get3A_429 = arith.index_cast %get3A_426 : i32 to index
        %get3A_430 = arith.index_cast %mul3A_423 : i32 to index
        %get3A_431 = tpu.vector_load %arg7[%get3A_427, %get3A_428, %get3A_429, %get3A_430] {strides = array<i32>} : memref<2x2x8x128xf32, #tpu.memory_space<vmem>>, vector<16xf32>,
        %broadcast_in_dim3A_432 = arith.constant 11 : i32
        %broadcast_in_dim3A_433 = vector.broadcast %broadcast_in_dim3A_432 : i32 to vector<16xi32>
        %scatter3A_434 = arith.constant 0 : i32
        %scatter3A_435 = arith.constant 0 : i32
        %scatter3A_436 = arith.constant 0 : i32
        %scatter3A_437 = tpu.memref_slice %arg8[%scatter3A_434, %scatter3A_435, %scatter3A_436] : memref<2x128x16xf32, #tpu.memory_space<vmem>> -> memref<1x128x16xf32, #tpu.memory_space<vmem>>
        %scatter3A_438 = tpu.memref_squeeze %scatter3A_437 : memref<1x128x16xf32, #tpu.memory_space<vmem>> -> memref<128x16xf32, #tpu.memory_space<vmem>>
        tpu.vector_store_idx %scatter3A_438[%add3A_237, %broadcast_in_dim3A_433], %get3A_431 : memref<128x16xf32, #tpu.memory_space<vmem>>[vector<16xi32>, vector<16xi32>], vector<16xf32>,
        %mul3A_439 = arith.constant 16 : i32
        %mul3A_440 = arith.muli %scan3A_233, %mul3A_439 : i32
        %get3A_441 = arith.constant 0 : i32
        %get3A_442 = arith.constant 1 : i32
        %get3A_443 = arith.constant 4 : i32
        %get3A_444 = arith.index_cast %get3A_441 : i32 to index
        %get3A_445 = arith.index_cast %get3A_442 : i32 to index
        %get3A_446 = arith.index_cast %get3A_443 : i32 to index
        %get3A_447 = arith.index_cast %mul3A_440 : i32 to index
        %get3A_448 = tpu.vector_load %arg7[%get3A_444, %get3A_445, %get3A_446, %get3A_447] {strides = array<i32>} : memref<2x2x8x128xf32, #tpu.memory_space<vmem>>, vector<16xf32>,
        %broadcast_in_dim3A_449 = arith.constant 12 : i32
        %broadcast_in_dim3A_450 = vector.broadcast %broadcast_in_dim3A_449 : i32 to vector<16xi32>
        %scatter3A_451 = arith.constant 0 : i32
        %scatter3A_452 = arith.constant 0 : i32
        %scatter3A_453 = arith.constant 0 : i32
        %scatter3A_454 = tpu.memref_slice %arg8[%scatter3A_451, %scatter3A_452, %scatter3A_453] : memref<2x128x16xf32, #tpu.memory_space<vmem>> -> memref<1x128x16xf32, #tpu.memory_space<vmem>>
        %scatter3A_455 = tpu.memref_squeeze %scatter3A_454 : memref<1x128x16xf32, #tpu.memory_space<vmem>> -> memref<128x16xf32, #tpu.memory_space<vmem>>
        tpu.vector_store_idx %scatter3A_455[%add3A_237, %broadcast_in_dim3A_450], %get3A_448 : memref<128x16xf32, #tpu.memory_space<vmem>>[vector<16xi32>, vector<16xi32>], vector<16xf32>,
        %mul3A_456 = arith.constant 16 : i32
        %mul3A_457 = arith.muli %scan3A_233, %mul3A_456 : i32
        %get3A_458 = arith.constant 0 : i32
        %get3A_459 = arith.constant 1 : i32
        %get3A_460 = arith.constant 5 : i32
        %get3A_461 = arith.index_cast %get3A_458 : i32 to index
        %get3A_462 = arith.index_cast %get3A_459 : i32 to index
        %get3A_463 = arith.index_cast %get3A_460 : i32 to index
        %get3A_464 = arith.index_cast %mul3A_457 : i32 to index
        %get3A_465 = tpu.vector_load %arg7[%get3A_461, %get3A_462, %get3A_463, %get3A_464] {strides = array<i32>} : memref<2x2x8x128xf32, #tpu.memory_space<vmem>>, vector<16xf32>,
        %broadcast_in_dim3A_466 = arith.constant 13 : i32
        %broadcast_in_dim3A_467 = vector.broadcast %broadcast_in_dim3A_466 : i32 to vector<16xi32>
        %scatter3A_468 = arith.constant 0 : i32
        %scatter3A_469 = arith.constant 0 : i32
        %scatter3A_470 = arith.constant 0 : i32
        %scatter3A_471 = tpu.memref_slice %arg8[%scatter3A_468, %scatter3A_469, %scatter3A_470] : memref<2x128x16xf32, #tpu.memory_space<vmem>> -> memref<1x128x16xf32, #tpu.memory_space<vmem>>
        %scatter3A_472 = tpu.memref_squeeze %scatter3A_471 : memref<1x128x16xf32, #tpu.memory_space<vmem>> -> memref<128x16xf32, #tpu.memory_space<vmem>>
        tpu.vector_store_idx %scatter3A_472[%add3A_237, %broadcast_in_dim3A_467], %get3A_465 : memref<128x16xf32, #tpu.memory_space<vmem>>[vector<16xi32>, vector<16xi32>], vector<16xf32>,
        %mul3A_473 = arith.constant 16 : i32
        %mul3A_474 = arith.muli %scan3A_233, %mul3A_473 : i32
        %get3A_475 = arith.constant 0 : i32
        %get3A_476 = arith.constant 1 : i32
        %get3A_477 = arith.constant 6 : i32
        %get3A_478 = arith.index_cast %get3A_475 : i32 to index
        %get3A_479 = arith.index_cast %get3A_476 : i32 to index
        %get3A_480 = arith.index_cast %get3A_477 : i32 to index
        %get3A_481 = arith.index_cast %mul3A_474 : i32 to index
        %get3A_482 = tpu.vector_load %arg7[%get3A_478, %get3A_479, %get3A_480, %get3A_481] {strides = array<i32>} : memref<2x2x8x128xf32, #tpu.memory_space<vmem>>, vector<16xf32>,
        %broadcast_in_dim3A_483 = arith.constant 14 : i32
        %broadcast_in_dim3A_484 = vector.broadcast %broadcast_in_dim3A_483 : i32 to vector<16xi32>
        %scatter3A_485 = arith.constant 0 : i32
        %scatter3A_486 = arith.constant 0 : i32
        %scatter3A_487 = arith.constant 0 : i32
        %scatter3A_488 = tpu.memref_slice %arg8[%scatter3A_485, %scatter3A_486, %scatter3A_487] : memref<2x128x16xf32, #tpu.memory_space<vmem>> -> memref<1x128x16xf32, #tpu.memory_space<vmem>>
        %scatter3A_489 = tpu.memref_squeeze %scatter3A_488 : memref<1x128x16xf32, #tpu.memory_space<vmem>> -> memref<128x16xf32, #tpu.memory_space<vmem>>
        tpu.vector_store_idx %scatter3A_489[%add3A_237, %broadcast_in_dim3A_484], %get3A_482 : memref<128x16xf32, #tpu.memory_space<vmem>>[vector<16xi32>, vector<16xi32>], vector<16xf32>,
        %mul3A_490 = arith.constant 16 : i32
        %mul3A_491 = arith.muli %scan3A_233, %mul3A_490 : i32
        %get3A_492 = arith.constant 0 : i32
        %get3A_493 = arith.constant 1 : i32
        %get3A_494 = arith.constant 7 : i32
        %get3A_495 = arith.index_cast %get3A_492 : i32 to index
        %get3A_496 = arith.index_cast %get3A_493 : i32 to index
        %get3A_497 = arith.index_cast %get3A_494 : i32 to index
        %get3A_498 = arith.index_cast %mul3A_491 : i32 to index
        %get3A_499 = tpu.vector_load %arg7[%get3A_495, %get3A_496, %get3A_497, %get3A_498] {strides = array<i32>} : memref<2x2x8x128xf32, #tpu.memory_space<vmem>>, vector<16xf32>,
        %broadcast_in_dim3A_500 = arith.constant 15 : i32
        %broadcast_in_dim3A_501 = vector.broadcast %broadcast_in_dim3A_500 : i32 to vector<16xi32>
        %scatter3A_502 = arith.constant 0 : i32
        %scatter3A_503 = arith.constant 0 : i32
        %scatter3A_504 = arith.constant 0 : i32
        %scatter3A_505 = tpu.memref_slice %arg8[%scatter3A_502, %scatter3A_503, %scatter3A_504] : memref<2x128x16xf32, #tpu.memory_space<vmem>> -> memref<1x128x16xf32, #tpu.memory_space<vmem>>
        %scatter3A_506 = tpu.memref_squeeze %scatter3A_505 : memref<1x128x16xf32, #tpu.memory_space<vmem>> -> memref<128x16xf32, #tpu.memory_space<vmem>>
        tpu.vector_store_idx %scatter3A_506[%add3A_237, %broadcast_in_dim3A_501], %get3A_499 : memref<128x16xf32, #tpu.memory_space<vmem>>[vector<16xi32>, vector<16xi32>], vector<16xf32>,
      }
      %scan3A_128 = arith.constant 8 : i32
      %dma_start3A_129 = arith.constant 0 : i32
      %dma_start3A_130 = arith.constant 0 : i32
      %dma_start3A_131 = arith.constant 0 : i32
      %dma_start3A_132 = arith.constant 0 : i32
      %dma_start3A_133 = tpu.memref_slice %arg8[%dma_start3A_129, %dma_start3A_131, %dma_start3A_132] : memref<2x128x16xf32, #tpu.memory_space<vmem>> -> memref<1x128x16xf32, #tpu.memory_space<vmem>>
      %dma_start3A_134 = tpu.memref_squeeze %dma_start3A_133 : memref<1x128x16xf32, #tpu.memory_space<vmem>> -> memref<128x16xf32, #tpu.memory_space<vmem>>
      %dma_start3A_135 = arith.constant 0 : i32
      %dma_start3A_136 = tpu.memref_slice %arg6[%dma_start3A_130, %dma_start3A_135] : memref<2x128xi32, #tpu.memory_space<vmem>> -> memref<1x128xi32, #tpu.memory_space<vmem>>
      %dma_start3A_137 = tpu.memref_squeeze %dma_start3A_136 : memref<1x128xi32, #tpu.memory_space<vmem>> -> memref<128xi32, #tpu.memory_space<vmem>>
      %dma_start3A_138 = arith.constant 0 : i32
      %dma_start3A_139 = arith.constant 0 : i32
      %dma_start3A_140 = tpu.memref_slice %arg9[%dma_start3A_138, %dma_start3A_139] : memref<10000x16xf32, #tpu.memory_space<vmem_shared>> -> memref<10000x16xf32, #tpu.memory_space<vmem_shared>>
      tpu.enqueue_indirect_dma source(%dma_start3A_134 : memref<128x16xf32, #tpu.memory_space<vmem>>) target(%dma_start3A_140 : memref<10000x16xf32, #tpu.memory_space<vmem_shared>>) offsets(%dma_start3A_137 : memref<128xi32, #tpu.memory_space<vmem>>) semaphore(%arg12 : memref<!tpu.dma_semaphore, #tpu.memory_space<semaphore_mem>>) {add = true}
      %mul3A_141 = arith.constant 2 : i32
      %mul3A_142 = arith.muli %mul3A_141, %scan3A_51 : i32
      %add3A_143 = arith.constant 1 : i32
      %add3A_144 = arith.addi %mul3A_142, %add3A_143 : i32
      %gt3A_145 = arith.constant 0 : i32
      %gt3A_146 = arith.cmpi sgt, %scan3A_51, %gt3A_145 : i32
      %convert_element_type3A_147 = arith.extui %gt3A_146 : i1 to i32
      %cond3A_148 = arith.constant 0 : i32
      %cond3A_149 = arith.cmpi ne, %convert_element_type3A_147, %cond3A_148 : i32
      scf.if %cond3A_149 {
        %dma_wait3A_233 = arith.constant 1 : i32
        %dma_wait3A_234 = arith.constant 1 : i32
        %dma_wait3A_235 = arith.constant 0 : i32
        %dma_wait3A_236 = arith.constant 0 : i32
        %dma_wait3A_237 = tpu.memref_slice %arg8[%dma_wait3A_233, %dma_wait3A_235, %dma_wait3A_236] : memref<2x128x16xf32, #tpu.memory_space<vmem>> -> memref<1x128x16xf32, #tpu.memory_space<vmem>>
        %dma_wait3A_238 = tpu.memref_squeeze %dma_wait3A_237 : memref<1x128x16xf32, #tpu.memory_space<vmem>> -> memref<128x16xf32, #tpu.memory_space<vmem>>
        %dma_wait3A_239 = arith.constant 0 : i32
        %dma_wait3A_240 = tpu.memref_slice %arg6[%dma_wait3A_234, %dma_wait3A_239] : memref<2x128xi32, #tpu.memory_space<vmem>> -> memref<1x128xi32, #tpu.memory_space<vmem>>
        %dma_wait3A_241 = tpu.memref_squeeze %dma_wait3A_240 : memref<1x128xi32, #tpu.memory_space<vmem>> -> memref<128xi32, #tpu.memory_space<vmem>>
        %dma_wait3A_242 = arith.constant 0 : i32
        %dma_wait3A_243 = arith.constant 0 : i32
        %dma_wait3A_244 = tpu.memref_slice %arg9[%dma_wait3A_242, %dma_wait3A_243] : memref<10000x16xf32, #tpu.memory_space<vmem_shared>> -> memref<10000x16xf32, #tpu.memory_space<vmem_shared>>
        tpu.wait_indirect_dma semaphore(%arg13 : memref<!tpu.dma_semaphore, #tpu.memory_space<semaphore_mem>>) src(%dma_wait3A_238 : memref<128x16xf32, #tpu.memory_space<vmem>>) dst(%dma_wait3A_244 : memref<10000x16xf32, #tpu.memory_space<vmem_shared>>)
      } else {
      }
      %mul3A_150 = arith.constant 16 : i32
      %mul3A_151 = arith.muli %add3A_144, %mul3A_150 : i32
      %add3A_152 = arith.addi %mul3A_151, %arg1 : i32
      %mul3A_153 = arith.constant 128 : i32
      %mul3A_154 = arith.muli %add3A_152, %mul3A_153 : i32
      %dma_start3A_155 = arith.constant 1 : i32
      %dma_start3A_156 = arith.constant 0 : i32
      %dma_start3A_157 = tpu.memref_slice %arg6[%dma_start3A_155, %dma_start3A_156] : memref<2x128xi32, #tpu.memory_space<vmem>> -> memref<1x128xi32, #tpu.memory_space<vmem>>
      %dma_start3A_158 = tpu.memref_squeeze %dma_start3A_157 : memref<1x128xi32, #tpu.memory_space<vmem>> -> memref<128xi32, #tpu.memory_space<vmem>>
      %dma_start3A_159 = tpu.memref_slice %arg2[%mul3A_154] : memref<320000xi32, #tpu.memory_space<hbm>> -> memref<128xi32, #tpu.memory_space<hbm>>
      %dma_start3A_160 = arith.constant 0 : i32
      %dma_start3A_161 = tpu.memref_slice %arg6[%dma_start3A_155, %dma_start3A_160] : memref<2x128xi32, #tpu.memory_space<vmem>> -> memref<1x128xi32, #tpu.memory_space<vmem>>
      %dma_start3A_162 = tpu.memref_squeeze %dma_start3A_161 : memref<1x128xi32, #tpu.memory_space<vmem>> -> memref<128xi32, #tpu.memory_space<vmem>>
      %dma_start3A_163 = tpu.memref_slice %arg2[%mul3A_154] : memref<320000xi32, #tpu.memory_space<hbm>> -> memref<128xi32, #tpu.memory_space<hbm>>
      tpu.enqueue_dma source(%dma_start3A_163 : memref<128xi32, #tpu.memory_space<hbm>>) target(%dma_start3A_162 : memref<128xi32, #tpu.memory_space<vmem>>) target_semaphore(%arg11 : memref<!tpu.dma_semaphore, #tpu.memory_space<semaphore_mem>>)
      %mul3A_164 = arith.constant 2 : i32
      %mul3A_165 = arith.muli %mul3A_164, %arg0 : i32
      %dma_start3A_166 = arith.constant 1 : i32
      %dma_start3A_167 = arith.constant 0 : i32
      %dma_start3A_168 = arith.constant 0 : i32
      %dma_start3A_169 = arith.constant 0 : i32
      %dma_start3A_170 = tpu.memref_slice %arg7[%dma_start3A_166, %dma_start3A_167, %dma_start3A_168, %dma_start3A_169] : memref<2x2x8x128xf32, #tpu.memory_space<vmem>> -> memref<1x2x8x128xf32, #tpu.memory_space<vmem>>
      %dma_start3A_171 = tpu.memref_squeeze %dma_start3A_170 : memref<1x2x8x128xf32, #tpu.memory_space<vmem>> -> memref<2x8x128xf32, #tpu.memory_space<vmem>>
      %dma_start3A_172 = arith.constant 0 : i32
      %dma_start3A_173 = arith.constant 0 : i32
      %dma_start3A_174 = tpu.memref_slice %arg3[%mul3A_165, %add3A_152, %dma_start3A_172, %dma_start3A_173] : memref<4x2500x8x128xf32, #tpu.memory_space<hbm>> -> memref<2x1x8x128xf32, #tpu.memory_space<hbm>>
      %dma_start3A_175 = tpu.memref_squeeze %dma_start3A_174 : memref<2x1x8x128xf32, #tpu.memory_space<hbm>> -> memref<2x8x128xf32, #tpu.memory_space<hbm>>
      %dma_start3A_176 = arith.constant 0 : i32
      %dma_start3A_177 = arith.constant 0 : i32
      %dma_start3A_178 = arith.constant 0 : i32
      %dma_start3A_179 = tpu.memref_slice %arg7[%dma_start3A_166, %dma_start3A_176, %dma_start3A_177, %dma_start3A_178] : memref<2x2x8x128xf32, #tpu.memory_space<vmem>> -> memref<1x2x8x128xf32, #tpu.memory_space<vmem>>
      %dma_start3A_180 = tpu.memref_squeeze %dma_start3A_179 : memref<1x2x8x128xf32, #tpu.memory_space<vmem>> -> memref<2x8x128xf32, #tpu.memory_space<vmem>>
      %dma_start3A_181 = arith.constant 0 : i32
      %dma_start3A_182 = arith.constant 0 : i32
      %dma_start3A_183 = tpu.memref_slice %arg3[%mul3A_165, %add3A_152, %dma_start3A_181, %dma_start3A_182] : memref<4x2500x8x128xf32, #tpu.memory_space<hbm>> -> memref<2x1x8x128xf32, #tpu.memory_space<hbm>>
      %dma_start3A_184 = tpu.memref_squeeze %dma_start3A_183 : memref<2x1x8x128xf32, #tpu.memory_space<hbm>> -> memref<2x8x128xf32, #tpu.memory_space<hbm>>
      tpu.enqueue_dma source(%dma_start3A_184 : memref<2x8x128xf32, #tpu.memory_space<hbm>>) target(%dma_start3A_180 : memref<2x8x128xf32, #tpu.memory_space<vmem>>) target_semaphore(%arg11 : memref<!tpu.dma_semaphore, #tpu.memory_space<semaphore_mem>>)
      %dma_wait3A_185 = arith.constant 1 : i32
      %dma_wait3A_186 = arith.constant 0 : i32
      %dma_wait3A_187 = tpu.memref_slice %arg6[%dma_wait3A_185, %dma_wait3A_186] : memref<2x128xi32, #tpu.memory_space<vmem>> -> memref<1x128xi32, #tpu.memory_space<vmem>>
      %dma_wait3A_188 = tpu.memref_squeeze %dma_wait3A_187 : memref<1x128xi32, #tpu.memory_space<vmem>> -> memref<128xi32, #tpu.memory_space<vmem>>
      %dma_wait3A_189 = tpu.memref_slice %arg2[%mul3A_154] : memref<320000xi32, #tpu.memory_space<hbm>> -> memref<128xi32, #tpu.memory_space<hbm>>
      %dma_wait3A_190 = arith.constant 0 : i32
      %dma_wait3A_191 = tpu.memref_slice %arg6[%dma_wait3A_185, %dma_wait3A_190] : memref<2x128xi32, #tpu.memory_space<vmem>> -> memref<1x128xi32, #tpu.memory_space<vmem>>
      %dma_wait3A_192 = tpu.memref_squeeze %dma_wait3A_191 : memref<1x128xi32, #tpu.memory_space<vmem>> -> memref<128xi32, #tpu.memory_space<vmem>>
      %dma_wait3A_193 = tpu.memref_slice %arg2[%mul3A_154] : memref<320000xi32, #tpu.memory_space<hbm>> -> memref<128xi32, #tpu.memory_space<hbm>>
      tpu.wait_dma2 semaphore(%arg11 : memref<!tpu.dma_semaphore, #tpu.memory_space<semaphore_mem>>) src(%dma_wait3A_193 : memref<128xi32, #tpu.memory_space<hbm>>) dst(%dma_wait3A_192 : memref<128xi32, #tpu.memory_space<vmem>>)
      %mul3A_194 = arith.constant 2 : i32
      %mul3A_195 = arith.muli %mul3A_194, %arg0 : i32
      %dma_wait3A_196 = arith.constant 1 : i32
      %dma_wait3A_197 = arith.constant 0 : i32
      %dma_wait3A_198 = arith.constant 0 : i32
      %dma_wait3A_199 = arith.constant 0 : i32
      %dma_wait3A_200 = tpu.memref_slice %arg7[%dma_wait3A_196, %dma_wait3A_197, %dma_wait3A_198, %dma_wait3A_199] : memref<2x2x8x128xf32, #tpu.memory_space<vmem>> -> memref<1x2x8x128xf32, #tpu.memory_space<vmem>>
      %dma_wait3A_201 = tpu.memref_squeeze %dma_wait3A_200 : memref<1x2x8x128xf32, #tpu.memory_space<vmem>> -> memref<2x8x128xf32, #tpu.memory_space<vmem>>
      %dma_wait3A_202 = arith.constant 0 : i32
      %dma_wait3A_203 = arith.constant 0 : i32
      %dma_wait3A_204 = tpu.memref_slice %arg3[%mul3A_195, %add3A_152, %dma_wait3A_202, %dma_wait3A_203] : memref<4x2500x8x128xf32, #tpu.memory_space<hbm>> -> memref<2x1x8x128xf32, #tpu.memory_space<hbm>>
      %dma_wait3A_205 = tpu.memref_squeeze %dma_wait3A_204 : memref<2x1x8x128xf32, #tpu.memory_space<hbm>> -> memref<2x8x128xf32, #tpu.memory_space<hbm>>
      %dma_wait3A_206 = arith.constant 0 : i32
      %dma_wait3A_207 = arith.constant 0 : i32
      %dma_wait3A_208 = arith.constant 0 : i32
      %dma_wait3A_209 = tpu.memref_slice %arg7[%dma_wait3A_196, %dma_wait3A_206, %dma_wait3A_207, %dma_wait3A_208] : memref<2x2x8x128xf32, #tpu.memory_space<vmem>> -> memref<1x2x8x128xf32, #tpu.memory_space<vmem>>
      %dma_wait3A_210 = tpu.memref_squeeze %dma_wait3A_209 : memref<1x2x8x128xf32, #tpu.memory_space<vmem>> -> memref<2x8x128xf32, #tpu.memory_space<vmem>>
      %dma_wait3A_211 = arith.constant 0 : i32
      %dma_wait3A_212 = arith.constant 0 : i32
      %dma_wait3A_213 = tpu.memref_slice %arg3[%mul3A_195, %add3A_152, %dma_wait3A_211, %dma_wait3A_212] : memref<4x2500x8x128xf32, #tpu.memory_space<hbm>> -> memref<2x1x8x128xf32, #tpu.memory_space<hbm>>
      %dma_wait3A_214 = tpu.memref_squeeze %dma_wait3A_213 : memref<2x1x8x128xf32, #tpu.memory_space<hbm>> -> memref<2x8x128xf32, #tpu.memory_space<hbm>>
      tpu.wait_dma2 semaphore(%arg11 : memref<!tpu.dma_semaphore, #tpu.memory_space<semaphore_mem>>) src(%dma_wait3A_214 : memref<2x8x128xf32, #tpu.memory_space<hbm>>) dst(%dma_wait3A_210 : memref<2x8x128xf32, #tpu.memory_space<vmem>>)
      %scan3A_215 = arith.constant 0 : i32
      %scan3A_216 = arith.constant 0 : i32
      %scan3A_217 = arith.constant 8 : i32
      %scan3A_218 = arith.addi %scan3A_216, %scan3A_217 : i32
      %scan3A_219 = arith.constant 1 : i32
      scf.for %scan3A_233 = %scan3A_216 to %scan3A_218 step %scan3A_219  : i32 {
        %mul3A_234 = arith.constant 16 : i32
        %mul3A_235 = arith.muli %scan3A_233, %mul3A_234 : i32
        %add3A_236 = vector.broadcast %mul3A_235 : i32 to vector<16xi32>
        %add3A_237 = arith.addi %add3A_236, %iota3A : vector<16xi32>
        %mul3A_238 = arith.constant 16 : i32
        %mul3A_239 = arith.muli %scan3A_233, %mul3A_238 : i32
        %get3A = arith.constant 1 : i32
        %get3A_240 = arith.constant 0 : i32
        %get3A_241 = arith.constant 0 : i32
        %get3A_242 = arith.index_cast %get3A : i32 to index
        %get3A_243 = arith.index_cast %get3A_240 : i32 to index
        %get3A_244 = arith.index_cast %get3A_241 : i32 to index
        %get3A_245 = arith.index_cast %mul3A_239 : i32 to index
        %get3A_246 = tpu.vector_load %arg7[%get3A_242, %get3A_243, %get3A_244, %get3A_245] {strides = array<i32>} : memref<2x2x8x128xf32, #tpu.memory_space<vmem>>, vector<16xf32>,
        %broadcast_in_dim3A = arith.constant 0 : i32
        %broadcast_in_dim3A_247 = vector.broadcast %broadcast_in_dim3A : i32 to vector<16xi32>
        %scatter3A = arith.constant 1 : i32
        %scatter3A_248 = arith.constant 0 : i32
        %scatter3A_249 = arith.constant 0 : i32
        %scatter3A_250 = tpu.memref_slice %arg8[%scatter3A, %scatter3A_248, %scatter3A_249] : memref<2x128x16xf32, #tpu.memory_space<vmem>> -> memref<1x128x16xf32, #tpu.memory_space<vmem>>
        %scatter3A_251 = tpu.memref_squeeze %scatter3A_250 : memref<1x128x16xf32, #tpu.memory_space<vmem>> -> memref<128x16xf32, #tpu.memory_space<vmem>>
        tpu.vector_store_idx %scatter3A_251[%add3A_237, %broadcast_in_dim3A_247], %get3A_246 : memref<128x16xf32, #tpu.memory_space<vmem>>[vector<16xi32>, vector<16xi32>], vector<16xf32>,
        %mul3A_252 = arith.constant 16 : i32
        %mul3A_253 = arith.muli %scan3A_233, %mul3A_252 : i32
        %get3A_254 = arith.constant 1 : i32
        %get3A_255 = arith.constant 0 : i32
        %get3A_256 = arith.constant 1 : i32
        %get3A_257 = arith.index_cast %get3A_254 : i32 to index
        %get3A_258 = arith.index_cast %get3A_255 : i32 to index
        %get3A_259 = arith.index_cast %get3A_256 : i32 to index
        %get3A_260 = arith.index_cast %mul3A_253 : i32 to index
        %get3A_261 = tpu.vector_load %arg7[%get3A_257, %get3A_258, %get3A_259, %get3A_260] {strides = array<i32>} : memref<2x2x8x128xf32, #tpu.memory_space<vmem>>, vector<16xf32>,
        %broadcast_in_dim3A_262 = arith.constant 1 : i32
        %broadcast_in_dim3A_263 = vector.broadcast %broadcast_in_dim3A_262 : i32 to vector<16xi32>
        %scatter3A_264 = arith.constant 1 : i32
        %scatter3A_265 = arith.constant 0 : i32
        %scatter3A_266 = arith.constant 0 : i32
        %scatter3A_267 = tpu.memref_slice %arg8[%scatter3A_264, %scatter3A_265, %scatter3A_266] : memref<2x128x16xf32, #tpu.memory_space<vmem>> -> memref<1x128x16xf32, #tpu.memory_space<vmem>>
        %scatter3A_268 = tpu.memref_squeeze %scatter3A_267 : memref<1x128x16xf32, #tpu.memory_space<vmem>> -> memref<128x16xf32, #tpu.memory_space<vmem>>
        tpu.vector_store_idx %scatter3A_268[%add3A_237, %broadcast_in_dim3A_263], %get3A_261 : memref<128x16xf32, #tpu.memory_space<vmem>>[vector<16xi32>, vector<16xi32>], vector<16xf32>,
        %mul3A_269 = arith.constant 16 : i32
        %mul3A_270 = arith.muli %scan3A_233, %mul3A_269 : i32
        %get3A_271 = arith.constant 1 : i32
        %get3A_272 = arith.constant 0 : i32
        %get3A_273 = arith.constant 2 : i32
        %get3A_274 = arith.index_cast %get3A_271 : i32 to index
        %get3A_275 = arith.index_cast %get3A_272 : i32 to index
        %get3A_276 = arith.index_cast %get3A_273 : i32 to index
        %get3A_277 = arith.index_cast %mul3A_270 : i32 to index
        %get3A_278 = tpu.vector_load %arg7[%get3A_274, %get3A_275, %get3A_276, %get3A_277] {strides = array<i32>} : memref<2x2x8x128xf32, #tpu.memory_space<vmem>>, vector<16xf32>,
        %broadcast_in_dim3A_279 = arith.constant 2 : i32
        %broadcast_in_dim3A_280 = vector.broadcast %broadcast_in_dim3A_279 : i32 to vector<16xi32>
        %scatter3A_281 = arith.constant 1 : i32
        %scatter3A_282 = arith.constant 0 : i32
        %scatter3A_283 = arith.constant 0 : i32
        %scatter3A_284 = tpu.memref_slice %arg8[%scatter3A_281, %scatter3A_282, %scatter3A_283] : memref<2x128x16xf32, #tpu.memory_space<vmem>> -> memref<1x128x16xf32, #tpu.memory_space<vmem>>
        %scatter3A_285 = tpu.memref_squeeze %scatter3A_284 : memref<1x128x16xf32, #tpu.memory_space<vmem>> -> memref<128x16xf32, #tpu.memory_space<vmem>>
        tpu.vector_store_idx %scatter3A_285[%add3A_237, %broadcast_in_dim3A_280], %get3A_278 : memref<128x16xf32, #tpu.memory_space<vmem>>[vector<16xi32>, vector<16xi32>], vector<16xf32>,
        %mul3A_286 = arith.constant 16 : i32
        %mul3A_287 = arith.muli %scan3A_233, %mul3A_286 : i32
        %get3A_288 = arith.constant 1 : i32
        %get3A_289 = arith.constant 0 : i32
        %get3A_290 = arith.constant 3 : i32
        %get3A_291 = arith.index_cast %get3A_288 : i32 to index
        %get3A_292 = arith.index_cast %get3A_289 : i32 to index
        %get3A_293 = arith.index_cast %get3A_290 : i32 to index
        %get3A_294 = arith.index_cast %mul3A_287 : i32 to index
        %get3A_295 = tpu.vector_load %arg7[%get3A_291, %get3A_292, %get3A_293, %get3A_294] {strides = array<i32>} : memref<2x2x8x128xf32, #tpu.memory_space<vmem>>, vector<16xf32>,
        %broadcast_in_dim3A_296 = arith.constant 3 : i32
        %broadcast_in_dim3A_297 = vector.broadcast %broadcast_in_dim3A_296 : i32 to vector<16xi32>
        %scatter3A_298 = arith.constant 1 : i32
        %scatter3A_299 = arith.constant 0 : i32
        %scatter3A_300 = arith.constant 0 : i32
        %scatter3A_301 = tpu.memref_slice %arg8[%scatter3A_298, %scatter3A_299, %scatter3A_300] : memref<2x128x16xf32, #tpu.memory_space<vmem>> -> memref<1x128x16xf32, #tpu.memory_space<vmem>>
        %scatter3A_302 = tpu.memref_squeeze %scatter3A_301 : memref<1x128x16xf32, #tpu.memory_space<vmem>> -> memref<128x16xf32, #tpu.memory_space<vmem>>
        tpu.vector_store_idx %scatter3A_302[%add3A_237, %broadcast_in_dim3A_297], %get3A_295 : memref<128x16xf32, #tpu.memory_space<vmem>>[vector<16xi32>, vector<16xi32>], vector<16xf32>,
        %mul3A_303 = arith.constant 16 : i32
        %mul3A_304 = arith.muli %scan3A_233, %mul3A_303 : i32
        %get3A_305 = arith.constant 1 : i32
        %get3A_306 = arith.constant 0 : i32
        %get3A_307 = arith.constant 4 : i32
        %get3A_308 = arith.index_cast %get3A_305 : i32 to index
        %get3A_309 = arith.index_cast %get3A_306 : i32 to index
        %get3A_310 = arith.index_cast %get3A_307 : i32 to index
        %get3A_311 = arith.index_cast %mul3A_304 : i32 to index
        %get3A_312 = tpu.vector_load %arg7[%get3A_308, %get3A_309, %get3A_310, %get3A_311] {strides = array<i32>} : memref<2x2x8x128xf32, #tpu.memory_space<vmem>>, vector<16xf32>,
        %broadcast_in_dim3A_313 = arith.constant 4 : i32
        %broadcast_in_dim3A_314 = vector.broadcast %broadcast_in_dim3A_313 : i32 to vector<16xi32>
        %scatter3A_315 = arith.constant 1 : i32
        %scatter3A_316 = arith.constant 0 : i32
        %scatter3A_317 = arith.constant 0 : i32
        %scatter3A_318 = tpu.memref_slice %arg8[%scatter3A_315, %scatter3A_316, %scatter3A_317] : memref<2x128x16xf32, #tpu.memory_space<vmem>> -> memref<1x128x16xf32, #tpu.memory_space<vmem>>
        %scatter3A_319 = tpu.memref_squeeze %scatter3A_318 : memref<1x128x16xf32, #tpu.memory_space<vmem>> -> memref<128x16xf32, #tpu.memory_space<vmem>>
        tpu.vector_store_idx %scatter3A_319[%add3A_237, %broadcast_in_dim3A_314], %get3A_312 : memref<128x16xf32, #tpu.memory_space<vmem>>[vector<16xi32>, vector<16xi32>], vector<16xf32>,
        %mul3A_320 = arith.constant 16 : i32
        %mul3A_321 = arith.muli %scan3A_233, %mul3A_320 : i32
        %get3A_322 = arith.constant 1 : i32
        %get3A_323 = arith.constant 0 : i32
        %get3A_324 = arith.constant 5 : i32
        %get3A_325 = arith.index_cast %get3A_322 : i32 to index
        %get3A_326 = arith.index_cast %get3A_323 : i32 to index
        %get3A_327 = arith.index_cast %get3A_324 : i32 to index
        %get3A_328 = arith.index_cast %mul3A_321 : i32 to index
        %get3A_329 = tpu.vector_load %arg7[%get3A_325, %get3A_326, %get3A_327, %get3A_328] {strides = array<i32>} : memref<2x2x8x128xf32, #tpu.memory_space<vmem>>, vector<16xf32>,
        %broadcast_in_dim3A_330 = arith.constant 5 : i32
        %broadcast_in_dim3A_331 = vector.broadcast %broadcast_in_dim3A_330 : i32 to vector<16xi32>
        %scatter3A_332 = arith.constant 1 : i32
        %scatter3A_333 = arith.constant 0 : i32
        %scatter3A_334 = arith.constant 0 : i32
        %scatter3A_335 = tpu.memref_slice %arg8[%scatter3A_332, %scatter3A_333, %scatter3A_334] : memref<2x128x16xf32, #tpu.memory_space<vmem>> -> memref<1x128x16xf32, #tpu.memory_space<vmem>>
        %scatter3A_336 = tpu.memref_squeeze %scatter3A_335 : memref<1x128x16xf32, #tpu.memory_space<vmem>> -> memref<128x16xf32, #tpu.memory_space<vmem>>
        tpu.vector_store_idx %scatter3A_336[%add3A_237, %broadcast_in_dim3A_331], %get3A_329 : memref<128x16xf32, #tpu.memory_space<vmem>>[vector<16xi32>, vector<16xi32>], vector<16xf32>,
        %mul3A_337 = arith.constant 16 : i32
        %mul3A_338 = arith.muli %scan3A_233, %mul3A_337 : i32
        %get3A_339 = arith.constant 1 : i32
        %get3A_340 = arith.constant 0 : i32
        %get3A_341 = arith.constant 6 : i32
        %get3A_342 = arith.index_cast %get3A_339 : i32 to index
        %get3A_343 = arith.index_cast %get3A_340 : i32 to index
        %get3A_344 = arith.index_cast %get3A_341 : i32 to index
        %get3A_345 = arith.index_cast %mul3A_338 : i32 to index
        %get3A_346 = tpu.vector_load %arg7[%get3A_342, %get3A_343, %get3A_344, %get3A_345] {strides = array<i32>} : memref<2x2x8x128xf32, #tpu.memory_space<vmem>>, vector<16xf32>,
        %broadcast_in_dim3A_347 = arith.constant 6 : i32
        %broadcast_in_dim3A_348 = vector.broadcast %broadcast_in_dim3A_347 : i32 to vector<16xi32>
        %scatter3A_349 = arith.constant 1 : i32
        %scatter3A_350 = arith.constant 0 : i32
        %scatter3A_351 = arith.constant 0 : i32
        %scatter3A_352 = tpu.memref_slice %arg8[%scatter3A_349, %scatter3A_350, %scatter3A_351] : memref<2x128x16xf32, #tpu.memory_space<vmem>> -> memref<1x128x16xf32, #tpu.memory_space<vmem>>
        %scatter3A_353 = tpu.memref_squeeze %scatter3A_352 : memref<1x128x16xf32, #tpu.memory_space<vmem>> -> memref<128x16xf32, #tpu.memory_space<vmem>>
        tpu.vector_store_idx %scatter3A_353[%add3A_237, %broadcast_in_dim3A_348], %get3A_346 : memref<128x16xf32, #tpu.memory_space<vmem>>[vector<16xi32>, vector<16xi32>], vector<16xf32>,
        %mul3A_354 = arith.constant 16 : i32
        %mul3A_355 = arith.muli %scan3A_233, %mul3A_354 : i32
        %get3A_356 = arith.constant 1 : i32
        %get3A_357 = arith.constant 0 : i32
        %get3A_358 = arith.constant 7 : i32
        %get3A_359 = arith.index_cast %get3A_356 : i32 to index
        %get3A_360 = arith.index_cast %get3A_357 : i32 to index
        %get3A_361 = arith.index_cast %get3A_358 : i32 to index
        %get3A_362 = arith.index_cast %mul3A_355 : i32 to index
        %get3A_363 = tpu.vector_load %arg7[%get3A_359, %get3A_360, %get3A_361, %get3A_362] {strides = array<i32>} : memref<2x2x8x128xf32, #tpu.memory_space<vmem>>, vector<16xf32>,
        %broadcast_in_dim3A_364 = arith.constant 7 : i32
        %broadcast_in_dim3A_365 = vector.broadcast %broadcast_in_dim3A_364 : i32 to vector<16xi32>
        %scatter3A_366 = arith.constant 1 : i32
        %scatter3A_367 = arith.constant 0 : i32
        %scatter3A_368 = arith.constant 0 : i32
        %scatter3A_369 = tpu.memref_slice %arg8[%scatter3A_366, %scatter3A_367, %scatter3A_368] : memref<2x128x16xf32, #tpu.memory_space<vmem>> -> memref<1x128x16xf32, #tpu.memory_space<vmem>>
        %scatter3A_370 = tpu.memref_squeeze %scatter3A_369 : memref<1x128x16xf32, #tpu.memory_space<vmem>> -> memref<128x16xf32, #tpu.memory_space<vmem>>
        tpu.vector_store_idx %scatter3A_370[%add3A_237, %broadcast_in_dim3A_365], %get3A_363 : memref<128x16xf32, #tpu.memory_space<vmem>>[vector<16xi32>, vector<16xi32>], vector<16xf32>,
        %mul3A_371 = arith.constant 16 : i32
        %mul3A_372 = arith.muli %scan3A_233, %mul3A_371 : i32
        %get3A_373 = arith.constant 1 : i32
        %get3A_374 = arith.constant 1 : i32
        %get3A_375 = arith.constant 0 : i32
        %get3A_376 = arith.index_cast %get3A_373 : i32 to index
        %get3A_377 = arith.index_cast %get3A_374 : i32 to index
        %get3A_378 = arith.index_cast %get3A_375 : i32 to index
        %get3A_379 = arith.index_cast %mul3A_372 : i32 to index
        %get3A_380 = tpu.vector_load %arg7[%get3A_376, %get3A_377, %get3A_378, %get3A_379] {strides = array<i32>} : memref<2x2x8x128xf32, #tpu.memory_space<vmem>>, vector<16xf32>,
        %broadcast_in_dim3A_381 = arith.constant 8 : i32
        %broadcast_in_dim3A_382 = vector.broadcast %broadcast_in_dim3A_381 : i32 to vector<16xi32>
        %scatter3A_383 = arith.constant 1 : i32
        %scatter3A_384 = arith.constant 0 : i32
        %scatter3A_385 = arith.constant 0 : i32
        %scatter3A_386 = tpu.memref_slice %arg8[%scatter3A_383, %scatter3A_384, %scatter3A_385] : memref<2x128x16xf32, #tpu.memory_space<vmem>> -> memref<1x128x16xf32, #tpu.memory_space<vmem>>
        %scatter3A_387 = tpu.memref_squeeze %scatter3A_386 : memref<1x128x16xf32, #tpu.memory_space<vmem>> -> memref<128x16xf32, #tpu.memory_space<vmem>>
        tpu.vector_store_idx %scatter3A_387[%add3A_237, %broadcast_in_dim3A_382], %get3A_380 : memref<128x16xf32, #tpu.memory_space<vmem>>[vector<16xi32>, vector<16xi32>], vector<16xf32>,
        %mul3A_388 = arith.constant 16 : i32
        %mul3A_389 = arith.muli %scan3A_233, %mul3A_388 : i32
        %get3A_390 = arith.constant 1 : i32
        %get3A_391 = arith.constant 1 : i32
        %get3A_392 = arith.constant 1 : i32
        %get3A_393 = arith.index_cast %get3A_390 : i32 to index
        %get3A_394 = arith.index_cast %get3A_391 : i32 to index
        %get3A_395 = arith.index_cast %get3A_392 : i32 to index
        %get3A_396 = arith.index_cast %mul3A_389 : i32 to index
        %get3A_397 = tpu.vector_load %arg7[%get3A_393, %get3A_394, %get3A_395, %get3A_396] {strides = array<i32>} : memref<2x2x8x128xf32, #tpu.memory_space<vmem>>, vector<16xf32>,
        %broadcast_in_dim3A_398 = arith.constant 9 : i32
        %broadcast_in_dim3A_399 = vector.broadcast %broadcast_in_dim3A_398 : i32 to vector<16xi32>
        %scatter3A_400 = arith.constant 1 : i32
        %scatter3A_401 = arith.constant 0 : i32
        %scatter3A_402 = arith.constant 0 : i32
        %scatter3A_403 = tpu.memref_slice %arg8[%scatter3A_400, %scatter3A_401, %scatter3A_402] : memref<2x128x16xf32, #tpu.memory_space<vmem>> -> memref<1x128x16xf32, #tpu.memory_space<vmem>>
        %scatter3A_404 = tpu.memref_squeeze %scatter3A_403 : memref<1x128x16xf32, #tpu.memory_space<vmem>> -> memref<128x16xf32, #tpu.memory_space<vmem>>
        tpu.vector_store_idx %scatter3A_404[%add3A_237, %broadcast_in_dim3A_399], %get3A_397 : memref<128x16xf32, #tpu.memory_space<vmem>>[vector<16xi32>, vector<16xi32>], vector<16xf32>,
        %mul3A_405 = arith.constant 16 : i32
        %mul3A_406 = arith.muli %scan3A_233, %mul3A_405 : i32
        %get3A_407 = arith.constant 1 : i32
        %get3A_408 = arith.constant 1 : i32
        %get3A_409 = arith.constant 2 : i32
        %get3A_410 = arith.index_cast %get3A_407 : i32 to index
        %get3A_411 = arith.index_cast %get3A_408 : i32 to index
        %get3A_412 = arith.index_cast %get3A_409 : i32 to index
        %get3A_413 = arith.index_cast %mul3A_406 : i32 to index
        %get3A_414 = tpu.vector_load %arg7[%get3A_410, %get3A_411, %get3A_412, %get3A_413] {strides = array<i32>} : memref<2x2x8x128xf32, #tpu.memory_space<vmem>>, vector<16xf32>,
        %broadcast_in_dim3A_415 = arith.constant 10 : i32
        %broadcast_in_dim3A_416 = vector.broadcast %broadcast_in_dim3A_415 : i32 to vector<16xi32>
        %scatter3A_417 = arith.constant 1 : i32
        %scatter3A_418 = arith.constant 0 : i32
        %scatter3A_419 = arith.constant 0 : i32
        %scatter3A_420 = tpu.memref_slice %arg8[%scatter3A_417, %scatter3A_418, %scatter3A_419] : memref<2x128x16xf32, #tpu.memory_space<vmem>> -> memref<1x128x16xf32, #tpu.memory_space<vmem>>
        %scatter3A_421 = tpu.memref_squeeze %scatter3A_420 : memref<1x128x16xf32, #tpu.memory_space<vmem>> -> memref<128x16xf32, #tpu.memory_space<vmem>>
        tpu.vector_store_idx %scatter3A_421[%add3A_237, %broadcast_in_dim3A_416], %get3A_414 : memref<128x16xf32, #tpu.memory_space<vmem>>[vector<16xi32>, vector<16xi32>], vector<16xf32>,
        %mul3A_422 = arith.constant 16 : i32
        %mul3A_423 = arith.muli %scan3A_233, %mul3A_422 : i32
        %get3A_424 = arith.constant 1 : i32
        %get3A_425 = arith.constant 1 : i32
        %get3A_426 = arith.constant 3 : i32
        %get3A_427 = arith.index_cast %get3A_424 : i32 to index
        %get3A_428 = arith.index_cast %get3A_425 : i32 to index
        %get3A_429 = arith.index_cast %get3A_426 : i32 to index
        %get3A_430 = arith.index_cast %mul3A_423 : i32 to index
        %get3A_431 = tpu.vector_load %arg7[%get3A_427, %get3A_428, %get3A_429, %get3A_430] {strides = array<i32>} : memref<2x2x8x128xf32, #tpu.memory_space<vmem>>, vector<16xf32>,
        %broadcast_in_dim3A_432 = arith.constant 11 : i32
        %broadcast_in_dim3A_433 = vector.broadcast %broadcast_in_dim3A_432 : i32 to vector<16xi32>
        %scatter3A_434 = arith.constant 1 : i32
        %scatter3A_435 = arith.constant 0 : i32
        %scatter3A_436 = arith.constant 0 : i32
        %scatter3A_437 = tpu.memref_slice %arg8[%scatter3A_434, %scatter3A_435, %scatter3A_436] : memref<2x128x16xf32, #tpu.memory_space<vmem>> -> memref<1x128x16xf32, #tpu.memory_space<vmem>>
        %scatter3A_438 = tpu.memref_squeeze %scatter3A_437 : memref<1x128x16xf32, #tpu.memory_space<vmem>> -> memref<128x16xf32, #tpu.memory_space<vmem>>
        tpu.vector_store_idx %scatter3A_438[%add3A_237, %broadcast_in_dim3A_433], %get3A_431 : memref<128x16xf32, #tpu.memory_space<vmem>>[vector<16xi32>, vector<16xi32>], vector<16xf32>,
        %mul3A_439 = arith.constant 16 : i32
        %mul3A_440 = arith.muli %scan3A_233, %mul3A_439 : i32
        %get3A_441 = arith.constant 1 : i32
        %get3A_442 = arith.constant 1 : i32
        %get3A_443 = arith.constant 4 : i32
        %get3A_444 = arith.index_cast %get3A_441 : i32 to index
        %get3A_445 = arith.index_cast %get3A_442 : i32 to index
        %get3A_446 = arith.index_cast %get3A_443 : i32 to index
        %get3A_447 = arith.index_cast %mul3A_440 : i32 to index
        %get3A_448 = tpu.vector_load %arg7[%get3A_444, %get3A_445, %get3A_446, %get3A_447] {strides = array<i32>} : memref<2x2x8x128xf32, #tpu.memory_space<vmem>>, vector<16xf32>,
        %broadcast_in_dim3A_449 = arith.constant 12 : i32
        %broadcast_in_dim3A_450 = vector.broadcast %broadcast_in_dim3A_449 : i32 to vector<16xi32>
        %scatter3A_451 = arith.constant 1 : i32
        %scatter3A_452 = arith.constant 0 : i32
        %scatter3A_453 = arith.constant 0 : i32
        %scatter3A_454 = tpu.memref_slice %arg8[%scatter3A_451, %scatter3A_452, %scatter3A_453] : memref<2x128x16xf32, #tpu.memory_space<vmem>> -> memref<1x128x16xf32, #tpu.memory_space<vmem>>
        %scatter3A_455 = tpu.memref_squeeze %scatter3A_454 : memref<1x128x16xf32, #tpu.memory_space<vmem>> -> memref<128x16xf32, #tpu.memory_space<vmem>>
        tpu.vector_store_idx %scatter3A_455[%add3A_237, %broadcast_in_dim3A_450], %get3A_448 : memref<128x16xf32, #tpu.memory_space<vmem>>[vector<16xi32>, vector<16xi32>], vector<16xf32>,
        %mul3A_456 = arith.constant 16 : i32
        %mul3A_457 = arith.muli %scan3A_233, %mul3A_456 : i32
        %get3A_458 = arith.constant 1 : i32
        %get3A_459 = arith.constant 1 : i32
        %get3A_460 = arith.constant 5 : i32
        %get3A_461 = arith.index_cast %get3A_458 : i32 to index
        %get3A_462 = arith.index_cast %get3A_459 : i32 to index
        %get3A_463 = arith.index_cast %get3A_460 : i32 to index
        %get3A_464 = arith.index_cast %mul3A_457 : i32 to index
        %get3A_465 = tpu.vector_load %arg7[%get3A_461, %get3A_462, %get3A_463, %get3A_464] {strides = array<i32>} : memref<2x2x8x128xf32, #tpu.memory_space<vmem>>, vector<16xf32>,
        %broadcast_in_dim3A_466 = arith.constant 13 : i32
        %broadcast_in_dim3A_467 = vector.broadcast %broadcast_in_dim3A_466 : i32 to vector<16xi32>
        %scatter3A_468 = arith.constant 1 : i32
        %scatter3A_469 = arith.constant 0 : i32
        %scatter3A_470 = arith.constant 0 : i32
        %scatter3A_471 = tpu.memref_slice %arg8[%scatter3A_468, %scatter3A_469, %scatter3A_470] : memref<2x128x16xf32, #tpu.memory_space<vmem>> -> memref<1x128x16xf32, #tpu.memory_space<vmem>>
        %scatter3A_472 = tpu.memref_squeeze %scatter3A_471 : memref<1x128x16xf32, #tpu.memory_space<vmem>> -> memref<128x16xf32, #tpu.memory_space<vmem>>
        tpu.vector_store_idx %scatter3A_472[%add3A_237, %broadcast_in_dim3A_467], %get3A_465 : memref<128x16xf32, #tpu.memory_space<vmem>>[vector<16xi32>, vector<16xi32>], vector<16xf32>,
        %mul3A_473 = arith.constant 16 : i32
        %mul3A_474 = arith.muli %scan3A_233, %mul3A_473 : i32
        %get3A_475 = arith.constant 1 : i32
        %get3A_476 = arith.constant 1 : i32
        %get3A_477 = arith.constant 6 : i32
        %get3A_478 = arith.index_cast %get3A_475 : i32 to index
        %get3A_479 = arith.index_cast %get3A_476 : i32 to index
        %get3A_480 = arith.index_cast %get3A_477 : i32 to index
        %get3A_481 = arith.index_cast %mul3A_474 : i32 to index
        %get3A_482 = tpu.vector_load %arg7[%get3A_478, %get3A_479, %get3A_480, %get3A_481] {strides = array<i32>} : memref<2x2x8x128xf32, #tpu.memory_space<vmem>>, vector<16xf32>,
        %broadcast_in_dim3A_483 = arith.constant 14 : i32
        %broadcast_in_dim3A_484 = vector.broadcast %broadcast_in_dim3A_483 : i32 to vector<16xi32>
        %scatter3A_485 = arith.constant 1 : i32
        %scatter3A_486 = arith.constant 0 : i32
        %scatter3A_487 = arith.constant 0 : i32
        %scatter3A_488 = tpu.memref_slice %arg8[%scatter3A_485, %scatter3A_486, %scatter3A_487] : memref<2x128x16xf32, #tpu.memory_space<vmem>> -> memref<1x128x16xf32, #tpu.memory_space<vmem>>
        %scatter3A_489 = tpu.memref_squeeze %scatter3A_488 : memref<1x128x16xf32, #tpu.memory_space<vmem>> -> memref<128x16xf32, #tpu.memory_space<vmem>>
        tpu.vector_store_idx %scatter3A_489[%add3A_237, %broadcast_in_dim3A_484], %get3A_482 : memref<128x16xf32, #tpu.memory_space<vmem>>[vector<16xi32>, vector<16xi32>], vector<16xf32>,
        %mul3A_490 = arith.constant 16 : i32
        %mul3A_491 = arith.muli %scan3A_233, %mul3A_490 : i32
        %get3A_492 = arith.constant 1 : i32
        %get3A_493 = arith.constant 1 : i32
        %get3A_494 = arith.constant 7 : i32
        %get3A_495 = arith.index_cast %get3A_492 : i32 to index
        %get3A_496 = arith.index_cast %get3A_493 : i32 to index
        %get3A_497 = arith.index_cast %get3A_494 : i32 to index
        %get3A_498 = arith.index_cast %mul3A_491 : i32 to index
        %get3A_499 = tpu.vector_load %arg7[%get3A_495, %get3A_496, %get3A_497, %get3A_498] {strides = array<i32>} : memref<2x2x8x128xf32, #tpu.memory_space<vmem>>, vector<16xf32>,
        %broadcast_in_dim3A_500 = arith.constant 15 : i32
        %broadcast_in_dim3A_501 = vector.broadcast %broadcast_in_dim3A_500 : i32 to vector<16xi32>
        %scatter3A_502 = arith.constant 1 : i32
        %scatter3A_503 = arith.constant 0 : i32
        %scatter3A_504 = arith.constant 0 : i32
        %scatter3A_505 = tpu.memref_slice %arg8[%scatter3A_502, %scatter3A_503, %scatter3A_504] : memref<2x128x16xf32, #tpu.memory_space<vmem>> -> memref<1x128x16xf32, #tpu.memory_space<vmem>>
        %scatter3A_506 = tpu.memref_squeeze %scatter3A_505 : memref<1x128x16xf32, #tpu.memory_space<vmem>> -> memref<128x16xf32, #tpu.memory_space<vmem>>
        tpu.vector_store_idx %scatter3A_506[%add3A_237, %broadcast_in_dim3A_501], %get3A_499 : memref<128x16xf32, #tpu.memory_space<vmem>>[vector<16xi32>, vector<16xi32>], vector<16xf32>,
      }
      %scan3A_220 = arith.constant 8 : i32
      %dma_start3A_221 = arith.constant 1 : i32
      %dma_start3A_222 = arith.constant 1 : i32
      %dma_start3A_223 = arith.constant 0 : i32
      %dma_start3A_224 = arith.constant 0 : i32
      %dma_start3A_225 = tpu.memref_slice %arg8[%dma_start3A_221, %dma_start3A_223, %dma_start3A_224] : memref<2x128x16xf32, #tpu.memory_space<vmem>> -> memref<1x128x16xf32, #tpu.memory_space<vmem>>
      %dma_start3A_226 = tpu.memref_squeeze %dma_start3A_225 : memref<1x128x16xf32, #tpu.memory_space<vmem>> -> memref<128x16xf32, #tpu.memory_space<vmem>>
      %dma_start3A_227 = arith.constant 0 : i32
      %dma_start3A_228 = tpu.memref_slice %arg6[%dma_start3A_222, %dma_start3A_227] : memref<2x128xi32, #tpu.memory_space<vmem>> -> memref<1x128xi32, #tpu.memory_space<vmem>>
      %dma_start3A_229 = tpu.memref_squeeze %dma_start3A_228 : memref<1x128xi32, #tpu.memory_space<vmem>> -> memref<128xi32, #tpu.memory_space<vmem>>
      %dma_start3A_230 = arith.constant 0 : i32
      %dma_start3A_231 = arith.constant 0 : i32
      %dma_start3A_232 = tpu.memref_slice %arg9[%dma_start3A_230, %dma_start3A_231] : memref<10000x16xf32, #tpu.memory_space<vmem_shared>> -> memref<10000x16xf32, #tpu.memory_space<vmem_shared>>
      tpu.enqueue_indirect_dma source(%dma_start3A_226 : memref<128x16xf32, #tpu.memory_space<vmem>>) target(%dma_start3A_232 : memref<10000x16xf32, #tpu.memory_space<vmem_shared>>) offsets(%dma_start3A_229 : memref<128xi32, #tpu.memory_space<vmem>>) semaphore(%arg13 : memref<!tpu.dma_semaphore, #tpu.memory_space<semaphore_mem>>) {add = true}
    }
    %scan3A_11 = arith.constant 78 : i32
    %dma_wait3A = arith.constant 0 : i32
    %dma_wait3A_12 = arith.constant 0 : i32
    %dma_wait3A_13 = arith.constant 0 : i32
    %dma_wait3A_14 = arith.constant 0 : i32
    %dma_wait3A_15 = tpu.memref_slice %arg8[%dma_wait3A, %dma_wait3A_13, %dma_wait3A_14] : memref<2x128x16xf32, #tpu.memory_space<vmem>> -> memref<1x128x16xf32, #tpu.memory_space<vmem>>
    %dma_wait3A_16 = tpu.memref_squeeze %dma_wait3A_15 : memref<1x128x16xf32, #tpu.memory_space<vmem>> -> memref<128x16xf32, #tpu.memory_space<vmem>>
    %dma_wait3A_17 = arith.constant 0 : i32
    %dma_wait3A_18 = tpu.memref_slice %arg6[%dma_wait3A_12, %dma_wait3A_17] : memref<2x128xi32, #tpu.memory_space<vmem>> -> memref<1x128xi32, #tpu.memory_space<vmem>>
    %dma_wait3A_19 = tpu.memref_squeeze %dma_wait3A_18 : memref<1x128xi32, #tpu.memory_space<vmem>> -> memref<128xi32, #tpu.memory_space<vmem>>
    %dma_wait3A_20 = arith.constant 0 : i32
    %dma_wait3A_21 = arith.constant 0 : i32
    %dma_wait3A_22 = tpu.memref_slice %arg9[%dma_wait3A_20, %dma_wait3A_21] : memref<10000x16xf32, #tpu.memory_space<vmem_shared>> -> memref<10000x16xf32, #tpu.memory_space<vmem_shared>>
    tpu.wait_indirect_dma semaphore(%arg12 : memref<!tpu.dma_semaphore, #tpu.memory_space<semaphore_mem>>) src(%dma_wait3A_16 : memref<128x16xf32, #tpu.memory_space<vmem>>) dst(%dma_wait3A_22 : memref<10000x16xf32, #tpu.memory_space<vmem_shared>>)
    %dma_wait3A_23 = arith.constant 1 : i32
    %dma_wait3A_24 = arith.constant 1 : i32
    %dma_wait3A_25 = arith.constant 0 : i32
    %dma_wait3A_26 = arith.constant 0 : i32
    %dma_wait3A_27 = tpu.memref_slice %arg8[%dma_wait3A_23, %dma_wait3A_25, %dma_wait3A_26] : memref<2x128x16xf32, #tpu.memory_space<vmem>> -> memref<1x128x16xf32, #tpu.memory_space<vmem>>
    %dma_wait3A_28 = tpu.memref_squeeze %dma_wait3A_27 : memref<1x128x16xf32, #tpu.memory_space<vmem>> -> memref<128x16xf32, #tpu.memory_space<vmem>>
    %dma_wait3A_29 = arith.constant 0 : i32
    %dma_wait3A_30 = tpu.memref_slice %arg6[%dma_wait3A_24, %dma_wait3A_29] : memref<2x128xi32, #tpu.memory_space<vmem>> -> memref<1x128xi32, #tpu.memory_space<vmem>>
    %dma_wait3A_31 = tpu.memref_squeeze %dma_wait3A_30 : memref<1x128xi32, #tpu.memory_space<vmem>> -> memref<128xi32, #tpu.memory_space<vmem>>
    %dma_wait3A_32 = arith.constant 0 : i32
    %dma_wait3A_33 = arith.constant 0 : i32
    %dma_wait3A_34 = tpu.memref_slice %arg9[%dma_wait3A_32, %dma_wait3A_33] : memref<10000x16xf32, #tpu.memory_space<vmem_shared>> -> memref<10000x16xf32, #tpu.memory_space<vmem_shared>>
    tpu.wait_indirect_dma semaphore(%arg13 : memref<!tpu.dma_semaphore, #tpu.memory_space<semaphore_mem>>) src(%dma_wait3A_28 : memref<128x16xf32, #tpu.memory_space<vmem>>) dst(%dma_wait3A_34 : memref<10000x16xf32, #tpu.memory_space<vmem_shared>>)
    %lt3A_35 = arith.constant 4 : i32
    %lt3A_36 = arith.cmpi slt, %arg1, %lt3A_35 : i32
    %convert_element_type3A_37 = arith.extui %lt3A_36 : i1 to i32
    %cond3A_38 = arith.constant 0 : i32
    %cond3A_39 = arith.cmpi ne, %convert_element_type3A_37, %cond3A_38 : i32
    scf.if %cond3A_39 {
      %add3A = arith.constant 2496 : i32
      %add3A_51 = arith.addi %add3A, %arg1 : i32
      %mul3A_52 = arith.constant 128 : i32
      %mul3A_53 = arith.muli %add3A_51, %mul3A_52 : i32
      %run_scoped3A = arith.constant 0 : i32
      "tpu.region"() ({
        %run_scoped3A_65 = tpu.sem_alloc : memref<!tpu.dma_semaphore, #tpu.memory_space<semaphore_mem>>
        %dma_start3A = arith.constant 0 : i32
        %dma_start3A_66 = tpu.memref_slice %arg6[%run_scoped3A, %dma_start3A] : memref<2x128xi32, #tpu.memory_space<vmem>> -> memref<1x128xi32, #tpu.memory_space<vmem>>
        %dma_start3A_67 = tpu.memref_squeeze %dma_start3A_66 : memref<1x128xi32, #tpu.memory_space<vmem>> -> memref<128xi32, #tpu.memory_space<vmem>>
        %dma_start3A_68 = tpu.memref_slice %arg2[%mul3A_53] : memref<320000xi32, #tpu.memory_space<hbm>> -> memref<128xi32, #tpu.memory_space<hbm>>
        %dma_start3A_69 = arith.constant 0 : i32
        %dma_start3A_70 = tpu.memref_slice %arg6[%run_scoped3A, %dma_start3A_69] : memref<2x128xi32, #tpu.memory_space<vmem>> -> memref<1x128xi32, #tpu.memory_space<vmem>>
        %dma_start3A_71 = tpu.memref_squeeze %dma_start3A_70 : memref<1x128xi32, #tpu.memory_space<vmem>> -> memref<128xi32, #tpu.memory_space<vmem>>
        %dma_start3A_72 = tpu.memref_slice %arg2[%mul3A_53] : memref<320000xi32, #tpu.memory_space<hbm>> -> memref<128xi32, #tpu.memory_space<hbm>>
        tpu.enqueue_dma source(%dma_start3A_72 : memref<128xi32, #tpu.memory_space<hbm>>) target(%dma_start3A_71 : memref<128xi32, #tpu.memory_space<vmem>>) target_semaphore(%run_scoped3A_65 : memref<!tpu.dma_semaphore, #tpu.memory_space<semaphore_mem>>)
        %dma_wait3A_73 = arith.constant 0 : i32
        %dma_wait3A_74 = tpu.memref_slice %arg6[%run_scoped3A, %dma_wait3A_73] : memref<2x128xi32, #tpu.memory_space<vmem>> -> memref<1x128xi32, #tpu.memory_space<vmem>>
        %dma_wait3A_75 = tpu.memref_squeeze %dma_wait3A_74 : memref<1x128xi32, #tpu.memory_space<vmem>> -> memref<128xi32, #tpu.memory_space<vmem>>
        %dma_wait3A_76 = tpu.memref_slice %arg2[%mul3A_53] : memref<320000xi32, #tpu.memory_space<hbm>> -> memref<128xi32, #tpu.memory_space<hbm>>
        %dma_wait3A_77 = arith.constant 0 : i32
        %dma_wait3A_78 = tpu.memref_slice %arg6[%run_scoped3A, %dma_wait3A_77] : memref<2x128xi32, #tpu.memory_space<vmem>> -> memref<1x128xi32, #tpu.memory_space<vmem>>
        %dma_wait3A_79 = tpu.memref_squeeze %dma_wait3A_78 : memref<1x128xi32, #tpu.memory_space<vmem>> -> memref<128xi32, #tpu.memory_space<vmem>>
        %dma_wait3A_80 = tpu.memref_slice %arg2[%mul3A_53] : memref<320000xi32, #tpu.memory_space<hbm>> -> memref<128xi32, #tpu.memory_space<hbm>>
        tpu.wait_dma2 semaphore(%run_scoped3A_65 : memref<!tpu.dma_semaphore, #tpu.memory_space<semaphore_mem>>) src(%dma_wait3A_80 : memref<128xi32, #tpu.memory_space<hbm>>) dst(%dma_wait3A_79 : memref<128xi32, #tpu.memory_space<vmem>>)
        tpu.yield
      }) : () -> ()
      %mul3A_54 = arith.constant 2 : i32
      %mul3A_55 = arith.muli %mul3A_54, %arg0 : i32
      %run_scoped3A_56 = arith.constant 0 : i32
      "tpu.region"() ({
        %run_scoped3A_65 = tpu.sem_alloc : memref<!tpu.dma_semaphore, #tpu.memory_space<semaphore_mem>>
        %dma_start3A = arith.constant 0 : i32
        %dma_start3A_66 = arith.constant 0 : i32
        %dma_start3A_67 = arith.constant 0 : i32
        %dma_start3A_68 = tpu.memref_slice %arg7[%run_scoped3A_56, %dma_start3A, %dma_start3A_66, %dma_start3A_67] : memref<2x2x8x128xf32, #tpu.memory_space<vmem>> -> memref<1x2x8x128xf32, #tpu.memory_space<vmem>>
        %dma_start3A_69 = tpu.memref_squeeze %dma_start3A_68 : memref<1x2x8x128xf32, #tpu.memory_space<vmem>> -> memref<2x8x128xf32, #tpu.memory_space<vmem>>
        %dma_start3A_70 = arith.constant 0 : i32
        %dma_start3A_71 = arith.constant 0 : i32
        %dma_start3A_72 = tpu.memref_slice %arg3[%mul3A_55, %add3A_51, %dma_start3A_70, %dma_start3A_71] : memref<4x2500x8x128xf32, #tpu.memory_space<hbm>> -> memref<2x1x8x128xf32, #tpu.memory_space<hbm>>
        %dma_start3A_73 = tpu.memref_squeeze %dma_start3A_72 : memref<2x1x8x128xf32, #tpu.memory_space<hbm>> -> memref<2x8x128xf32, #tpu.memory_space<hbm>>
        %dma_start3A_74 = arith.constant 0 : i32
        %dma_start3A_75 = arith.constant 0 : i32
        %dma_start3A_76 = arith.constant 0 : i32
        %dma_start3A_77 = tpu.memref_slice %arg7[%run_scoped3A_56, %dma_start3A_74, %dma_start3A_75, %dma_start3A_76] : memref<2x2x8x128xf32, #tpu.memory_space<vmem>> -> memref<1x2x8x128xf32, #tpu.memory_space<vmem>>
        %dma_start3A_78 = tpu.memref_squeeze %dma_start3A_77 : memref<1x2x8x128xf32, #tpu.memory_space<vmem>> -> memref<2x8x128xf32, #tpu.memory_space<vmem>>
        %dma_start3A_79 = arith.constant 0 : i32
        %dma_start3A_80 = arith.constant 0 : i32
        %dma_start3A_81 = tpu.memref_slice %arg3[%mul3A_55, %add3A_51, %dma_start3A_79, %dma_start3A_80] : memref<4x2500x8x128xf32, #tpu.memory_space<hbm>> -> memref<2x1x8x128xf32, #tpu.memory_space<hbm>>
        %dma_start3A_82 = tpu.memref_squeeze %dma_start3A_81 : memref<2x1x8x128xf32, #tpu.memory_space<hbm>> -> memref<2x8x128xf32, #tpu.memory_space<hbm>>
        tpu.enqueue_dma source(%dma_start3A_82 : memref<2x8x128xf32, #tpu.memory_space<hbm>>) target(%dma_start3A_78 : memref<2x8x128xf32, #tpu.memory_space<vmem>>) target_semaphore(%run_scoped3A_65 : memref<!tpu.dma_semaphore, #tpu.memory_space<semaphore_mem>>)
        %dma_wait3A_83 = arith.constant 0 : i32
        %dma_wait3A_84 = arith.constant 0 : i32
        %dma_wait3A_85 = arith.constant 0 : i32
        %dma_wait3A_86 = tpu.memref_slice %arg7[%run_scoped3A_56, %dma_wait3A_83, %dma_wait3A_84, %dma_wait3A_85] : memref<2x2x8x128xf32, #tpu.memory_space<vmem>> -> memref<1x2x8x128xf32, #tpu.memory_space<vmem>>
        %dma_wait3A_87 = tpu.memref_squeeze %dma_wait3A_86 : memref<1x2x8x128xf32, #tpu.memory_space<vmem>> -> memref<2x8x128xf32, #tpu.memory_space<vmem>>
        %dma_wait3A_88 = arith.constant 0 : i32
        %dma_wait3A_89 = arith.constant 0 : i32
        %dma_wait3A_90 = tpu.memref_slice %arg3[%mul3A_55, %add3A_51, %dma_wait3A_88, %dma_wait3A_89] : memref<4x2500x8x128xf32, #tpu.memory_space<hbm>> -> memref<2x1x8x128xf32, #tpu.memory_space<hbm>>
        %dma_wait3A_91 = tpu.memref_squeeze %dma_wait3A_90 : memref<2x1x8x128xf32, #tpu.memory_space<hbm>> -> memref<2x8x128xf32, #tpu.memory_space<hbm>>
        %dma_wait3A_92 = arith.constant 0 : i32
        %dma_wait3A_93 = arith.constant 0 : i32
        %dma_wait3A_94 = arith.constant 0 : i32
        %dma_wait3A_95 = tpu.memref_slice %arg7[%run_scoped3A_56, %dma_wait3A_92, %dma_wait3A_93, %dma_wait3A_94] : memref<2x2x8x128xf32, #tpu.memory_space<vmem>> -> memref<1x2x8x128xf32, #tpu.memory_space<vmem>>
        %dma_wait3A_96 = tpu.memref_squeeze %dma_wait3A_95 : memref<1x2x8x128xf32, #tpu.memory_space<vmem>> -> memref<2x8x128xf32, #tpu.memory_space<vmem>>
        %dma_wait3A_97 = arith.constant 0 : i32
        %dma_wait3A_98 = arith.constant 0 : i32
        %dma_wait3A_99 = tpu.memref_slice %arg3[%mul3A_55, %add3A_51, %dma_wait3A_97, %dma_wait3A_98] : memref<4x2500x8x128xf32, #tpu.memory_space<hbm>> -> memref<2x1x8x128xf32, #tpu.memory_space<hbm>>
        %dma_wait3A_100 = tpu.memref_squeeze %dma_wait3A_99 : memref<2x1x8x128xf32, #tpu.memory_space<hbm>> -> memref<2x8x128xf32, #tpu.memory_space<hbm>>
        tpu.wait_dma2 semaphore(%run_scoped3A_65 : memref<!tpu.dma_semaphore, #tpu.memory_space<semaphore_mem>>) src(%dma_wait3A_100 : memref<2x8x128xf32, #tpu.memory_space<hbm>>) dst(%dma_wait3A_96 : memref<2x8x128xf32, #tpu.memory_space<vmem>>)
        tpu.yield
      }) : () -> ()
      %scan3A_57 = arith.constant 0 : i32
      %scan3A_58 = arith.constant 0 : i32
      %scan3A_59 = arith.constant 8 : i32
      %scan3A_60 = arith.addi %scan3A_58, %scan3A_59 : i32
      %scan3A_61 = arith.constant 1 : i32
      scf.for %scan3A_65 = %scan3A_58 to %scan3A_60 step %scan3A_61  : i32 {
        %mul3A_66 = arith.constant 16 : i32
        %mul3A_67 = arith.muli %scan3A_65, %mul3A_66 : i32
        %add3A_68 = vector.broadcast %mul3A_67 : i32 to vector<16xi32>
        %add3A_69 = arith.addi %add3A_68, %iota3A : vector<16xi32>
        %mul3A_70 = arith.constant 16 : i32
        %mul3A_71 = arith.muli %scan3A_65, %mul3A_70 : i32
        %get3A = arith.constant 0 : i32
        %get3A_72 = arith.constant 0 : i32
        %get3A_73 = arith.constant 0 : i32
        %get3A_74 = arith.index_cast %get3A : i32 to index
        %get3A_75 = arith.index_cast %get3A_72 : i32 to index
        %get3A_76 = arith.index_cast %get3A_73 : i32 to index
        %get3A_77 = arith.index_cast %mul3A_71 : i32 to index
        %get3A_78 = tpu.vector_load %arg7[%get3A_74, %get3A_75, %get3A_76, %get3A_77] {strides = array<i32>} : memref<2x2x8x128xf32, #tpu.memory_space<vmem>>, vector<16xf32>,
        %broadcast_in_dim3A = arith.constant 0 : i32
        %broadcast_in_dim3A_79 = vector.broadcast %broadcast_in_dim3A : i32 to vector<16xi32>
        %scatter3A = arith.constant 0 : i32
        %scatter3A_80 = arith.constant 0 : i32
        %scatter3A_81 = arith.constant 0 : i32
        %scatter3A_82 = tpu.memref_slice %arg8[%scatter3A, %scatter3A_80, %scatter3A_81] : memref<2x128x16xf32, #tpu.memory_space<vmem>> -> memref<1x128x16xf32, #tpu.memory_space<vmem>>
        %scatter3A_83 = tpu.memref_squeeze %scatter3A_82 : memref<1x128x16xf32, #tpu.memory_space<vmem>> -> memref<128x16xf32, #tpu.memory_space<vmem>>
        tpu.vector_store_idx %scatter3A_83[%add3A_69, %broadcast_in_dim3A_79], %get3A_78 : memref<128x16xf32, #tpu.memory_space<vmem>>[vector<16xi32>, vector<16xi32>], vector<16xf32>,
        %mul3A_84 = arith.constant 16 : i32
        %mul3A_85 = arith.muli %scan3A_65, %mul3A_84 : i32
        %get3A_86 = arith.constant 0 : i32
        %get3A_87 = arith.constant 0 : i32
        %get3A_88 = arith.constant 1 : i32
        %get3A_89 = arith.index_cast %get3A_86 : i32 to index
        %get3A_90 = arith.index_cast %get3A_87 : i32 to index
        %get3A_91 = arith.index_cast %get3A_88 : i32 to index
        %get3A_92 = arith.index_cast %mul3A_85 : i32 to index
        %get3A_93 = tpu.vector_load %arg7[%get3A_89, %get3A_90, %get3A_91, %get3A_92] {strides = array<i32>} : memref<2x2x8x128xf32, #tpu.memory_space<vmem>>, vector<16xf32>,
        %broadcast_in_dim3A_94 = arith.constant 1 : i32
        %broadcast_in_dim3A_95 = vector.broadcast %broadcast_in_dim3A_94 : i32 to vector<16xi32>
        %scatter3A_96 = arith.constant 0 : i32
        %scatter3A_97 = arith.constant 0 : i32
        %scatter3A_98 = arith.constant 0 : i32
        %scatter3A_99 = tpu.memref_slice %arg8[%scatter3A_96, %scatter3A_97, %scatter3A_98] : memref<2x128x16xf32, #tpu.memory_space<vmem>> -> memref<1x128x16xf32, #tpu.memory_space<vmem>>
        %scatter3A_100 = tpu.memref_squeeze %scatter3A_99 : memref<1x128x16xf32, #tpu.memory_space<vmem>> -> memref<128x16xf32, #tpu.memory_space<vmem>>
        tpu.vector_store_idx %scatter3A_100[%add3A_69, %broadcast_in_dim3A_95], %get3A_93 : memref<128x16xf32, #tpu.memory_space<vmem>>[vector<16xi32>, vector<16xi32>], vector<16xf32>,
        %mul3A_101 = arith.constant 16 : i32
        %mul3A_102 = arith.muli %scan3A_65, %mul3A_101 : i32
        %get3A_103 = arith.constant 0 : i32
        %get3A_104 = arith.constant 0 : i32
        %get3A_105 = arith.constant 2 : i32
        %get3A_106 = arith.index_cast %get3A_103 : i32 to index
        %get3A_107 = arith.index_cast %get3A_104 : i32 to index
        %get3A_108 = arith.index_cast %get3A_105 : i32 to index
        %get3A_109 = arith.index_cast %mul3A_102 : i32 to index
        %get3A_110 = tpu.vector_load %arg7[%get3A_106, %get3A_107, %get3A_108, %get3A_109] {strides = array<i32>} : memref<2x2x8x128xf32, #tpu.memory_space<vmem>>, vector<16xf32>,
        %broadcast_in_dim3A_111 = arith.constant 2 : i32
        %broadcast_in_dim3A_112 = vector.broadcast %broadcast_in_dim3A_111 : i32 to vector<16xi32>
        %scatter3A_113 = arith.constant 0 : i32
        %scatter3A_114 = arith.constant 0 : i32
        %scatter3A_115 = arith.constant 0 : i32
        %scatter3A_116 = tpu.memref_slice %arg8[%scatter3A_113, %scatter3A_114, %scatter3A_115] : memref<2x128x16xf32, #tpu.memory_space<vmem>> -> memref<1x128x16xf32, #tpu.memory_space<vmem>>
        %scatter3A_117 = tpu.memref_squeeze %scatter3A_116 : memref<1x128x16xf32, #tpu.memory_space<vmem>> -> memref<128x16xf32, #tpu.memory_space<vmem>>
        tpu.vector_store_idx %scatter3A_117[%add3A_69, %broadcast_in_dim3A_112], %get3A_110 : memref<128x16xf32, #tpu.memory_space<vmem>>[vector<16xi32>, vector<16xi32>], vector<16xf32>,
        %mul3A_118 = arith.constant 16 : i32
        %mul3A_119 = arith.muli %scan3A_65, %mul3A_118 : i32
        %get3A_120 = arith.constant 0 : i32
        %get3A_121 = arith.constant 0 : i32
        %get3A_122 = arith.constant 3 : i32
        %get3A_123 = arith.index_cast %get3A_120 : i32 to index
        %get3A_124 = arith.index_cast %get3A_121 : i32 to index
        %get3A_125 = arith.index_cast %get3A_122 : i32 to index
        %get3A_126 = arith.index_cast %mul3A_119 : i32 to index
        %get3A_127 = tpu.vector_load %arg7[%get3A_123, %get3A_124, %get3A_125, %get3A_126] {strides = array<i32>} : memref<2x2x8x128xf32, #tpu.memory_space<vmem>>, vector<16xf32>,
        %broadcast_in_dim3A_128 = arith.constant 3 : i32
        %broadcast_in_dim3A_129 = vector.broadcast %broadcast_in_dim3A_128 : i32 to vector<16xi32>
        %scatter3A_130 = arith.constant 0 : i32
        %scatter3A_131 = arith.constant 0 : i32
        %scatter3A_132 = arith.constant 0 : i32
        %scatter3A_133 = tpu.memref_slice %arg8[%scatter3A_130, %scatter3A_131, %scatter3A_132] : memref<2x128x16xf32, #tpu.memory_space<vmem>> -> memref<1x128x16xf32, #tpu.memory_space<vmem>>
        %scatter3A_134 = tpu.memref_squeeze %scatter3A_133 : memref<1x128x16xf32, #tpu.memory_space<vmem>> -> memref<128x16xf32, #tpu.memory_space<vmem>>
        tpu.vector_store_idx %scatter3A_134[%add3A_69, %broadcast_in_dim3A_129], %get3A_127 : memref<128x16xf32, #tpu.memory_space<vmem>>[vector<16xi32>, vector<16xi32>], vector<16xf32>,
        %mul3A_135 = arith.constant 16 : i32
        %mul3A_136 = arith.muli %scan3A_65, %mul3A_135 : i32
        %get3A_137 = arith.constant 0 : i32
        %get3A_138 = arith.constant 0 : i32
        %get3A_139 = arith.constant 4 : i32
        %get3A_140 = arith.index_cast %get3A_137 : i32 to index
        %get3A_141 = arith.index_cast %get3A_138 : i32 to index
        %get3A_142 = arith.index_cast %get3A_139 : i32 to index
        %get3A_143 = arith.index_cast %mul3A_136 : i32 to index
        %get3A_144 = tpu.vector_load %arg7[%get3A_140, %get3A_141, %get3A_142, %get3A_143] {strides = array<i32>} : memref<2x2x8x128xf32, #tpu.memory_space<vmem>>, vector<16xf32>,
        %broadcast_in_dim3A_145 = arith.constant 4 : i32
        %broadcast_in_dim3A_146 = vector.broadcast %broadcast_in_dim3A_145 : i32 to vector<16xi32>
        %scatter3A_147 = arith.constant 0 : i32
        %scatter3A_148 = arith.constant 0 : i32
        %scatter3A_149 = arith.constant 0 : i32
        %scatter3A_150 = tpu.memref_slice %arg8[%scatter3A_147, %scatter3A_148, %scatter3A_149] : memref<2x128x16xf32, #tpu.memory_space<vmem>> -> memref<1x128x16xf32, #tpu.memory_space<vmem>>
        %scatter3A_151 = tpu.memref_squeeze %scatter3A_150 : memref<1x128x16xf32, #tpu.memory_space<vmem>> -> memref<128x16xf32, #tpu.memory_space<vmem>>
        tpu.vector_store_idx %scatter3A_151[%add3A_69, %broadcast_in_dim3A_146], %get3A_144 : memref<128x16xf32, #tpu.memory_space<vmem>>[vector<16xi32>, vector<16xi32>], vector<16xf32>,
        %mul3A_152 = arith.constant 16 : i32
        %mul3A_153 = arith.muli %scan3A_65, %mul3A_152 : i32
        %get3A_154 = arith.constant 0 : i32
        %get3A_155 = arith.constant 0 : i32
        %get3A_156 = arith.constant 5 : i32
        %get3A_157 = arith.index_cast %get3A_154 : i32 to index
        %get3A_158 = arith.index_cast %get3A_155 : i32 to index
        %get3A_159 = arith.index_cast %get3A_156 : i32 to index
        %get3A_160 = arith.index_cast %mul3A_153 : i32 to index
        %get3A_161 = tpu.vector_load %arg7[%get3A_157, %get3A_158, %get3A_159, %get3A_160] {strides = array<i32>} : memref<2x2x8x128xf32, #tpu.memory_space<vmem>>, vector<16xf32>,
        %broadcast_in_dim3A_162 = arith.constant 5 : i32
        %broadcast_in_dim3A_163 = vector.broadcast %broadcast_in_dim3A_162 : i32 to vector<16xi32>
        %scatter3A_164 = arith.constant 0 : i32
        %scatter3A_165 = arith.constant 0 : i32
        %scatter3A_166 = arith.constant 0 : i32
        %scatter3A_167 = tpu.memref_slice %arg8[%scatter3A_164, %scatter3A_165, %scatter3A_166] : memref<2x128x16xf32, #tpu.memory_space<vmem>> -> memref<1x128x16xf32, #tpu.memory_space<vmem>>
        %scatter3A_168 = tpu.memref_squeeze %scatter3A_167 : memref<1x128x16xf32, #tpu.memory_space<vmem>> -> memref<128x16xf32, #tpu.memory_space<vmem>>
        tpu.vector_store_idx %scatter3A_168[%add3A_69, %broadcast_in_dim3A_163], %get3A_161 : memref<128x16xf32, #tpu.memory_space<vmem>>[vector<16xi32>, vector<16xi32>], vector<16xf32>,
        %mul3A_169 = arith.constant 16 : i32
        %mul3A_170 = arith.muli %scan3A_65, %mul3A_169 : i32
        %get3A_171 = arith.constant 0 : i32
        %get3A_172 = arith.constant 0 : i32
        %get3A_173 = arith.constant 6 : i32
        %get3A_174 = arith.index_cast %get3A_171 : i32 to index
        %get3A_175 = arith.index_cast %get3A_172 : i32 to index
        %get3A_176 = arith.index_cast %get3A_173 : i32 to index
        %get3A_177 = arith.index_cast %mul3A_170 : i32 to index
        %get3A_178 = tpu.vector_load %arg7[%get3A_174, %get3A_175, %get3A_176, %get3A_177] {strides = array<i32>} : memref<2x2x8x128xf32, #tpu.memory_space<vmem>>, vector<16xf32>,
        %broadcast_in_dim3A_179 = arith.constant 6 : i32
        %broadcast_in_dim3A_180 = vector.broadcast %broadcast_in_dim3A_179 : i32 to vector<16xi32>
        %scatter3A_181 = arith.constant 0 : i32
        %scatter3A_182 = arith.constant 0 : i32
        %scatter3A_183 = arith.constant 0 : i32
        %scatter3A_184 = tpu.memref_slice %arg8[%scatter3A_181, %scatter3A_182, %scatter3A_183] : memref<2x128x16xf32, #tpu.memory_space<vmem>> -> memref<1x128x16xf32, #tpu.memory_space<vmem>>
        %scatter3A_185 = tpu.memref_squeeze %scatter3A_184 : memref<1x128x16xf32, #tpu.memory_space<vmem>> -> memref<128x16xf32, #tpu.memory_space<vmem>>
        tpu.vector_store_idx %scatter3A_185[%add3A_69, %broadcast_in_dim3A_180], %get3A_178 : memref<128x16xf32, #tpu.memory_space<vmem>>[vector<16xi32>, vector<16xi32>], vector<16xf32>,
        %mul3A_186 = arith.constant 16 : i32
        %mul3A_187 = arith.muli %scan3A_65, %mul3A_186 : i32
        %get3A_188 = arith.constant 0 : i32
        %get3A_189 = arith.constant 0 : i32
        %get3A_190 = arith.constant 7 : i32
        %get3A_191 = arith.index_cast %get3A_188 : i32 to index
        %get3A_192 = arith.index_cast %get3A_189 : i32 to index
        %get3A_193 = arith.index_cast %get3A_190 : i32 to index
        %get3A_194 = arith.index_cast %mul3A_187 : i32 to index
        %get3A_195 = tpu.vector_load %arg7[%get3A_191, %get3A_192, %get3A_193, %get3A_194] {strides = array<i32>} : memref<2x2x8x128xf32, #tpu.memory_space<vmem>>, vector<16xf32>,
        %broadcast_in_dim3A_196 = arith.constant 7 : i32
        %broadcast_in_dim3A_197 = vector.broadcast %broadcast_in_dim3A_196 : i32 to vector<16xi32>
        %scatter3A_198 = arith.constant 0 : i32
        %scatter3A_199 = arith.constant 0 : i32
        %scatter3A_200 = arith.constant 0 : i32
        %scatter3A_201 = tpu.memref_slice %arg8[%scatter3A_198, %scatter3A_199, %scatter3A_200] : memref<2x128x16xf32, #tpu.memory_space<vmem>> -> memref<1x128x16xf32, #tpu.memory_space<vmem>>
        %scatter3A_202 = tpu.memref_squeeze %scatter3A_201 : memref<1x128x16xf32, #tpu.memory_space<vmem>> -> memref<128x16xf32, #tpu.memory_space<vmem>>
        tpu.vector_store_idx %scatter3A_202[%add3A_69, %broadcast_in_dim3A_197], %get3A_195 : memref<128x16xf32, #tpu.memory_space<vmem>>[vector<16xi32>, vector<16xi32>], vector<16xf32>,
        %mul3A_203 = arith.constant 16 : i32
        %mul3A_204 = arith.muli %scan3A_65, %mul3A_203 : i32
        %get3A_205 = arith.constant 0 : i32
        %get3A_206 = arith.constant 1 : i32
        %get3A_207 = arith.constant 0 : i32
        %get3A_208 = arith.index_cast %get3A_205 : i32 to index
        %get3A_209 = arith.index_cast %get3A_206 : i32 to index
        %get3A_210 = arith.index_cast %get3A_207 : i32 to index
        %get3A_211 = arith.index_cast %mul3A_204 : i32 to index
        %get3A_212 = tpu.vector_load %arg7[%get3A_208, %get3A_209, %get3A_210, %get3A_211] {strides = array<i32>} : memref<2x2x8x128xf32, #tpu.memory_space<vmem>>, vector<16xf32>,
        %broadcast_in_dim3A_213 = arith.constant 8 : i32
        %broadcast_in_dim3A_214 = vector.broadcast %broadcast_in_dim3A_213 : i32 to vector<16xi32>
        %scatter3A_215 = arith.constant 0 : i32
        %scatter3A_216 = arith.constant 0 : i32
        %scatter3A_217 = arith.constant 0 : i32
        %scatter3A_218 = tpu.memref_slice %arg8[%scatter3A_215, %scatter3A_216, %scatter3A_217] : memref<2x128x16xf32, #tpu.memory_space<vmem>> -> memref<1x128x16xf32, #tpu.memory_space<vmem>>
        %scatter3A_219 = tpu.memref_squeeze %scatter3A_218 : memref<1x128x16xf32, #tpu.memory_space<vmem>> -> memref<128x16xf32, #tpu.memory_space<vmem>>
        tpu.vector_store_idx %scatter3A_219[%add3A_69, %broadcast_in_dim3A_214], %get3A_212 : memref<128x16xf32, #tpu.memory_space<vmem>>[vector<16xi32>, vector<16xi32>], vector<16xf32>,
        %mul3A_220 = arith.constant 16 : i32
        %mul3A_221 = arith.muli %scan3A_65, %mul3A_220 : i32
        %get3A_222 = arith.constant 0 : i32
        %get3A_223 = arith.constant 1 : i32
        %get3A_224 = arith.constant 1 : i32
        %get3A_225 = arith.index_cast %get3A_222 : i32 to index
        %get3A_226 = arith.index_cast %get3A_223 : i32 to index
        %get3A_227 = arith.index_cast %get3A_224 : i32 to index
        %get3A_228 = arith.index_cast %mul3A_221 : i32 to index
        %get3A_229 = tpu.vector_load %arg7[%get3A_225, %get3A_226, %get3A_227, %get3A_228] {strides = array<i32>} : memref<2x2x8x128xf32, #tpu.memory_space<vmem>>, vector<16xf32>,
        %broadcast_in_dim3A_230 = arith.constant 9 : i32
        %broadcast_in_dim3A_231 = vector.broadcast %broadcast_in_dim3A_230 : i32 to vector<16xi32>
        %scatter3A_232 = arith.constant 0 : i32
        %scatter3A_233 = arith.constant 0 : i32
        %scatter3A_234 = arith.constant 0 : i32
        %scatter3A_235 = tpu.memref_slice %arg8[%scatter3A_232, %scatter3A_233, %scatter3A_234] : memref<2x128x16xf32, #tpu.memory_space<vmem>> -> memref<1x128x16xf32, #tpu.memory_space<vmem>>
        %scatter3A_236 = tpu.memref_squeeze %scatter3A_235 : memref<1x128x16xf32, #tpu.memory_space<vmem>> -> memref<128x16xf32, #tpu.memory_space<vmem>>
        tpu.vector_store_idx %scatter3A_236[%add3A_69, %broadcast_in_dim3A_231], %get3A_229 : memref<128x16xf32, #tpu.memory_space<vmem>>[vector<16xi32>, vector<16xi32>], vector<16xf32>,
        %mul3A_237 = arith.constant 16 : i32
        %mul3A_238 = arith.muli %scan3A_65, %mul3A_237 : i32
        %get3A_239 = arith.constant 0 : i32
        %get3A_240 = arith.constant 1 : i32
        %get3A_241 = arith.constant 2 : i32
        %get3A_242 = arith.index_cast %get3A_239 : i32 to index
        %get3A_243 = arith.index_cast %get3A_240 : i32 to index
        %get3A_244 = arith.index_cast %get3A_241 : i32 to index
        %get3A_245 = arith.index_cast %mul3A_238 : i32 to index
        %get3A_246 = tpu.vector_load %arg7[%get3A_242, %get3A_243, %get3A_244, %get3A_245] {strides = array<i32>} : memref<2x2x8x128xf32, #tpu.memory_space<vmem>>, vector<16xf32>,
        %broadcast_in_dim3A_247 = arith.constant 10 : i32
        %broadcast_in_dim3A_248 = vector.broadcast %broadcast_in_dim3A_247 : i32 to vector<16xi32>
        %scatter3A_249 = arith.constant 0 : i32
        %scatter3A_250 = arith.constant 0 : i32
        %scatter3A_251 = arith.constant 0 : i32
        %scatter3A_252 = tpu.memref_slice %arg8[%scatter3A_249, %scatter3A_250, %scatter3A_251] : memref<2x128x16xf32, #tpu.memory_space<vmem>> -> memref<1x128x16xf32, #tpu.memory_space<vmem>>
        %scatter3A_253 = tpu.memref_squeeze %scatter3A_252 : memref<1x128x16xf32, #tpu.memory_space<vmem>> -> memref<128x16xf32, #tpu.memory_space<vmem>>
        tpu.vector_store_idx %scatter3A_253[%add3A_69, %broadcast_in_dim3A_248], %get3A_246 : memref<128x16xf32, #tpu.memory_space<vmem>>[vector<16xi32>, vector<16xi32>], vector<16xf32>,
        %mul3A_254 = arith.constant 16 : i32
        %mul3A_255 = arith.muli %scan3A_65, %mul3A_254 : i32
        %get3A_256 = arith.constant 0 : i32
        %get3A_257 = arith.constant 1 : i32
        %get3A_258 = arith.constant 3 : i32
        %get3A_259 = arith.index_cast %get3A_256 : i32 to index
        %get3A_260 = arith.index_cast %get3A_257 : i32 to index
        %get3A_261 = arith.index_cast %get3A_258 : i32 to index
        %get3A_262 = arith.index_cast %mul3A_255 : i32 to index
        %get3A_263 = tpu.vector_load %arg7[%get3A_259, %get3A_260, %get3A_261, %get3A_262] {strides = array<i32>} : memref<2x2x8x128xf32, #tpu.memory_space<vmem>>, vector<16xf32>,
        %broadcast_in_dim3A_264 = arith.constant 11 : i32
        %broadcast_in_dim3A_265 = vector.broadcast %broadcast_in_dim3A_264 : i32 to vector<16xi32>
        %scatter3A_266 = arith.constant 0 : i32
        %scatter3A_267 = arith.constant 0 : i32
        %scatter3A_268 = arith.constant 0 : i32
        %scatter3A_269 = tpu.memref_slice %arg8[%scatter3A_266, %scatter3A_267, %scatter3A_268] : memref<2x128x16xf32, #tpu.memory_space<vmem>> -> memref<1x128x16xf32, #tpu.memory_space<vmem>>
        %scatter3A_270 = tpu.memref_squeeze %scatter3A_269 : memref<1x128x16xf32, #tpu.memory_space<vmem>> -> memref<128x16xf32, #tpu.memory_space<vmem>>
        tpu.vector_store_idx %scatter3A_270[%add3A_69, %broadcast_in_dim3A_265], %get3A_263 : memref<128x16xf32, #tpu.memory_space<vmem>>[vector<16xi32>, vector<16xi32>], vector<16xf32>,
        %mul3A_271 = arith.constant 16 : i32
        %mul3A_272 = arith.muli %scan3A_65, %mul3A_271 : i32
        %get3A_273 = arith.constant 0 : i32
        %get3A_274 = arith.constant 1 : i32
        %get3A_275 = arith.constant 4 : i32
        %get3A_276 = arith.index_cast %get3A_273 : i32 to index
        %get3A_277 = arith.index_cast %get3A_274 : i32 to index
        %get3A_278 = arith.index_cast %get3A_275 : i32 to index
        %get3A_279 = arith.index_cast %mul3A_272 : i32 to index
        %get3A_280 = tpu.vector_load %arg7[%get3A_276, %get3A_277, %get3A_278, %get3A_279] {strides = array<i32>} : memref<2x2x8x128xf32, #tpu.memory_space<vmem>>, vector<16xf32>,
        %broadcast_in_dim3A_281 = arith.constant 12 : i32
        %broadcast_in_dim3A_282 = vector.broadcast %broadcast_in_dim3A_281 : i32 to vector<16xi32>
        %scatter3A_283 = arith.constant 0 : i32
        %scatter3A_284 = arith.constant 0 : i32
        %scatter3A_285 = arith.constant 0 : i32
        %scatter3A_286 = tpu.memref_slice %arg8[%scatter3A_283, %scatter3A_284, %scatter3A_285] : memref<2x128x16xf32, #tpu.memory_space<vmem>> -> memref<1x128x16xf32, #tpu.memory_space<vmem>>
        %scatter3A_287 = tpu.memref_squeeze %scatter3A_286 : memref<1x128x16xf32, #tpu.memory_space<vmem>> -> memref<128x16xf32, #tpu.memory_space<vmem>>
        tpu.vector_store_idx %scatter3A_287[%add3A_69, %broadcast_in_dim3A_282], %get3A_280 : memref<128x16xf32, #tpu.memory_space<vmem>>[vector<16xi32>, vector<16xi32>], vector<16xf32>,
        %mul3A_288 = arith.constant 16 : i32
        %mul3A_289 = arith.muli %scan3A_65, %mul3A_288 : i32
        %get3A_290 = arith.constant 0 : i32
        %get3A_291 = arith.constant 1 : i32
        %get3A_292 = arith.constant 5 : i32
        %get3A_293 = arith.index_cast %get3A_290 : i32 to index
        %get3A_294 = arith.index_cast %get3A_291 : i32 to index
        %get3A_295 = arith.index_cast %get3A_292 : i32 to index
        %get3A_296 = arith.index_cast %mul3A_289 : i32 to index
        %get3A_297 = tpu.vector_load %arg7[%get3A_293, %get3A_294, %get3A_295, %get3A_296] {strides = array<i32>} : memref<2x2x8x128xf32, #tpu.memory_space<vmem>>, vector<16xf32>,
        %broadcast_in_dim3A_298 = arith.constant 13 : i32
        %broadcast_in_dim3A_299 = vector.broadcast %broadcast_in_dim3A_298 : i32 to vector<16xi32>
        %scatter3A_300 = arith.constant 0 : i32
        %scatter3A_301 = arith.constant 0 : i32
        %scatter3A_302 = arith.constant 0 : i32
        %scatter3A_303 = tpu.memref_slice %arg8[%scatter3A_300, %scatter3A_301, %scatter3A_302] : memref<2x128x16xf32, #tpu.memory_space<vmem>> -> memref<1x128x16xf32, #tpu.memory_space<vmem>>
        %scatter3A_304 = tpu.memref_squeeze %scatter3A_303 : memref<1x128x16xf32, #tpu.memory_space<vmem>> -> memref<128x16xf32, #tpu.memory_space<vmem>>
        tpu.vector_store_idx %scatter3A_304[%add3A_69, %broadcast_in_dim3A_299], %get3A_297 : memref<128x16xf32, #tpu.memory_space<vmem>>[vector<16xi32>, vector<16xi32>], vector<16xf32>,
        %mul3A_305 = arith.constant 16 : i32
        %mul3A_306 = arith.muli %scan3A_65, %mul3A_305 : i32
        %get3A_307 = arith.constant 0 : i32
        %get3A_308 = arith.constant 1 : i32
        %get3A_309 = arith.constant 6 : i32
        %get3A_310 = arith.index_cast %get3A_307 : i32 to index
        %get3A_311 = arith.index_cast %get3A_308 : i32 to index
        %get3A_312 = arith.index_cast %get3A_309 : i32 to index
        %get3A_313 = arith.index_cast %mul3A_306 : i32 to index
        %get3A_314 = tpu.vector_load %arg7[%get3A_310, %get3A_311, %get3A_312, %get3A_313] {strides = array<i32>} : memref<2x2x8x128xf32, #tpu.memory_space<vmem>>, vector<16xf32>,
        %broadcast_in_dim3A_315 = arith.constant 14 : i32
        %broadcast_in_dim3A_316 = vector.broadcast %broadcast_in_dim3A_315 : i32 to vector<16xi32>
        %scatter3A_317 = arith.constant 0 : i32
        %scatter3A_318 = arith.constant 0 : i32
        %scatter3A_319 = arith.constant 0 : i32
        %scatter3A_320 = tpu.memref_slice %arg8[%scatter3A_317, %scatter3A_318, %scatter3A_319] : memref<2x128x16xf32, #tpu.memory_space<vmem>> -> memref<1x128x16xf32, #tpu.memory_space<vmem>>
        %scatter3A_321 = tpu.memref_squeeze %scatter3A_320 : memref<1x128x16xf32, #tpu.memory_space<vmem>> -> memref<128x16xf32, #tpu.memory_space<vmem>>
        tpu.vector_store_idx %scatter3A_321[%add3A_69, %broadcast_in_dim3A_316], %get3A_314 : memref<128x16xf32, #tpu.memory_space<vmem>>[vector<16xi32>, vector<16xi32>], vector<16xf32>,
        %mul3A_322 = arith.constant 16 : i32
        %mul3A_323 = arith.muli %scan3A_65, %mul3A_322 : i32
        %get3A_324 = arith.constant 0 : i32
        %get3A_325 = arith.constant 1 : i32
        %get3A_326 = arith.constant 7 : i32
        %get3A_327 = arith.index_cast %get3A_324 : i32 to index
        %get3A_328 = arith.index_cast %get3A_325 : i32 to index
        %get3A_329 = arith.index_cast %get3A_326 : i32 to index
        %get3A_330 = arith.index_cast %mul3A_323 : i32 to index
        %get3A_331 = tpu.vector_load %arg7[%get3A_327, %get3A_328, %get3A_329, %get3A_330] {strides = array<i32>} : memref<2x2x8x128xf32, #tpu.memory_space<vmem>>, vector<16xf32>,
        %broadcast_in_dim3A_332 = arith.constant 15 : i32
        %broadcast_in_dim3A_333 = vector.broadcast %broadcast_in_dim3A_332 : i32 to vector<16xi32>
        %scatter3A_334 = arith.constant 0 : i32
        %scatter3A_335 = arith.constant 0 : i32
        %scatter3A_336 = arith.constant 0 : i32
        %scatter3A_337 = tpu.memref_slice %arg8[%scatter3A_334, %scatter3A_335, %scatter3A_336] : memref<2x128x16xf32, #tpu.memory_space<vmem>> -> memref<1x128x16xf32, #tpu.memory_space<vmem>>
        %scatter3A_338 = tpu.memref_squeeze %scatter3A_337 : memref<1x128x16xf32, #tpu.memory_space<vmem>> -> memref<128x16xf32, #tpu.memory_space<vmem>>
        tpu.vector_store_idx %scatter3A_338[%add3A_69, %broadcast_in_dim3A_333], %get3A_331 : memref<128x16xf32, #tpu.memory_space<vmem>>[vector<16xi32>, vector<16xi32>], vector<16xf32>,
      }
      %scan3A_62 = arith.constant 8 : i32
      %run_scoped3A_63 = arith.constant 0 : i32
      %run_scoped3A_64 = arith.constant 0 : i32
      "tpu.region"() ({
        %run_scoped3A_65 = tpu.sem_alloc : memref<!tpu.dma_semaphore, #tpu.memory_space<semaphore_mem>>
        %dma_start3A = arith.constant 0 : i32
        %dma_start3A_66 = arith.constant 0 : i32
        %dma_start3A_67 = tpu.memref_slice %arg8[%run_scoped3A_63, %dma_start3A, %dma_start3A_66] : memref<2x128x16xf32, #tpu.memory_space<vmem>> -> memref<1x128x16xf32, #tpu.memory_space<vmem>>
        %dma_start3A_68 = tpu.memref_squeeze %dma_start3A_67 : memref<1x128x16xf32, #tpu.memory_space<vmem>> -> memref<128x16xf32, #tpu.memory_space<vmem>>
        %dma_start3A_69 = arith.constant 0 : i32
        %dma_start3A_70 = tpu.memref_slice %arg6[%run_scoped3A_64, %dma_start3A_69] : memref<2x128xi32, #tpu.memory_space<vmem>> -> memref<1x128xi32, #tpu.memory_space<vmem>>
        %dma_start3A_71 = tpu.memref_squeeze %dma_start3A_70 : memref<1x128xi32, #tpu.memory_space<vmem>> -> memref<128xi32, #tpu.memory_space<vmem>>
        %dma_start3A_72 = arith.constant 0 : i32
        %dma_start3A_73 = arith.constant 0 : i32
        %dma_start3A_74 = tpu.memref_slice %arg9[%dma_start3A_72, %dma_start3A_73] : memref<10000x16xf32, #tpu.memory_space<vmem_shared>> -> memref<10000x16xf32, #tpu.memory_space<vmem_shared>>
        tpu.enqueue_indirect_dma source(%dma_start3A_68 : memref<128x16xf32, #tpu.memory_space<vmem>>) target(%dma_start3A_74 : memref<10000x16xf32, #tpu.memory_space<vmem_shared>>) offsets(%dma_start3A_71 : memref<128xi32, #tpu.memory_space<vmem>>) semaphore(%run_scoped3A_65 : memref<!tpu.dma_semaphore, #tpu.memory_space<semaphore_mem>>) {add = true}
        %dma_wait3A_75 = arith.constant 0 : i32
        %dma_wait3A_76 = arith.constant 0 : i32
        %dma_wait3A_77 = tpu.memref_slice %arg8[%run_scoped3A_63, %dma_wait3A_75, %dma_wait3A_76] : memref<2x128x16xf32, #tpu.memory_space<vmem>> -> memref<1x128x16xf32, #tpu.memory_space<vmem>>
        %dma_wait3A_78 = tpu.memref_squeeze %dma_wait3A_77 : memref<1x128x16xf32, #tpu.memory_space<vmem>> -> memref<128x16xf32, #tpu.memory_space<vmem>>
        %dma_wait3A_79 = arith.constant 0 : i32
        %dma_wait3A_80 = tpu.memref_slice %arg6[%run_scoped3A_64, %dma_wait3A_79] : memref<2x128xi32, #tpu.memory_space<vmem>> -> memref<1x128xi32, #tpu.memory_space<vmem>>
        %dma_wait3A_81 = tpu.memref_squeeze %dma_wait3A_80 : memref<1x128xi32, #tpu.memory_space<vmem>> -> memref<128xi32, #tpu.memory_space<vmem>>
        %dma_wait3A_82 = arith.constant 0 : i32
        %dma_wait3A_83 = arith.constant 0 : i32
        %dma_wait3A_84 = tpu.memref_slice %arg9[%dma_wait3A_82, %dma_wait3A_83] : memref<10000x16xf32, #tpu.memory_space<vmem_shared>> -> memref<10000x16xf32, #tpu.memory_space<vmem_shared>>
        tpu.wait_indirect_dma semaphore(%run_scoped3A_65 : memref<!tpu.dma_semaphore, #tpu.memory_space<semaphore_mem>>) src(%dma_wait3A_78 : memref<128x16xf32, #tpu.memory_space<vmem>>) dst(%dma_wait3A_84 : memref<10000x16xf32, #tpu.memory_space<vmem_shared>>)
        tpu.yield
      }) : () -> ()
    } else {
    }
    %barrier3A_40 = arith.constant 0 : index
    tpu.barrier barrier_id(%barrier3A_40)
    %lt3A_41 = arith.constant 15 : i32
    %lt3A_42 = arith.cmpi slt, %arg1, %lt3A_41 : i32
    %convert_element_type3A_43 = arith.extui %lt3A_42 : i1 to i32
    %cond3A_44 = arith.constant 0 : i32
    %cond3A_45 = arith.cmpi ne, %convert_element_type3A_43, %cond3A_44 : i32
    scf.if %cond3A_45 {
      %mul3A_51 = arith.constant 632 : i32
      %mul3A_52 = arith.muli %arg1, %mul3A_51 : i32
      %mul3A_53 = arith.constant 632 : i32
      %mul3A_54 = arith.muli %arg1, %mul3A_53 : i32
      "tpu.region"() ({
        %run_scoped3A = tpu.sem_alloc : memref<!tpu.dma_semaphore, #tpu.memory_space<semaphore_mem>>
        %dma_start3A = tpu.memref_slice %arg5[%mul3A_54, %mul3A_0] : memref<10000x32xf32, #tpu.memory_space<hbm>> -> memref<632x16xf32, #tpu.memory_space<hbm>>
        %dma_start3A_55 = arith.constant 0 : i32
        %dma_start3A_56 = tpu.memref_slice %arg9[%mul3A_52, %dma_start3A_55] : memref<10000x16xf32, #tpu.memory_space<vmem_shared>> -> memref<632x16xf32, #tpu.memory_space<vmem_shared>>
        tpu.enqueue_dma source(%dma_start3A_56 : memref<632x16xf32, #tpu.memory_space<vmem_shared>>) target(%dma_start3A : memref<632x16xf32, #tpu.memory_space<hbm>>) target_semaphore(%run_scoped3A : memref<!tpu.dma_semaphore, #tpu.memory_space<semaphore_mem>>)
        %dma_wait3A_57 = tpu.memref_slice %arg5[%mul3A_54, %mul3A_0] : memref<10000x32xf32, #tpu.memory_space<hbm>> -> memref<632x16xf32, #tpu.memory_space<hbm>>
        %dma_wait3A_58 = arith.constant 0 : i32
        %dma_wait3A_59 = tpu.memref_slice %arg9[%mul3A_52, %dma_wait3A_58] : memref<10000x16xf32, #tpu.memory_space<vmem_shared>> -> memref<632x16xf32, #tpu.memory_space<vmem_shared>>
        tpu.wait_dma2 semaphore(%run_scoped3A : memref<!tpu.dma_semaphore, #tpu.memory_space<semaphore_mem>>) src(%dma_wait3A_59 : memref<632x16xf32, #tpu.memory_space<vmem_shared>>) dst(%dma_wait3A_57 : memref<632x16xf32, #tpu.memory_space<hbm>>)
        tpu.yield
      }) : () -> ()
    } else {
    }
    %eq3A_46 = arith.constant 15 : i32
    %eq3A_47 = arith.cmpi eq, %arg1, %eq3A_46 : i32
    %convert_element_type3A_48 = arith.extui %eq3A_47 : i1 to i32
    %cond3A_49 = arith.constant 0 : i32
    %cond3A_50 = arith.cmpi ne, %convert_element_type3A_48, %cond3A_49 : i32
    scf.if %cond3A_50 {
      "tpu.region"() ({
        %run_scoped3A = tpu.sem_alloc : memref<!tpu.dma_semaphore, #tpu.memory_space<semaphore_mem>>
        %dma_start3A = arith.constant 9480 : i32
        %dma_start3A_51 = tpu.memref_slice %arg5[%dma_start3A, %mul3A_0] : memref<10000x32xf32, #tpu.memory_space<hbm>> -> memref<520x16xf32, #tpu.memory_space<hbm>>
        %dma_start3A_52 = arith.constant 9480 : i32
        %dma_start3A_53 = arith.constant 0 : i32
        %dma_start3A_54 = tpu.memref_slice %arg9[%dma_start3A_52, %dma_start3A_53] : memref<10000x16xf32, #tpu.memory_space<vmem_shared>> -> memref<520x16xf32, #tpu.memory_space<vmem_shared>>
        tpu.enqueue_dma source(%dma_start3A_54 : memref<520x16xf32, #tpu.memory_space<vmem_shared>>) target(%dma_start3A_51 : memref<520x16xf32, #tpu.memory_space<hbm>>) target_semaphore(%run_scoped3A : memref<!tpu.dma_semaphore, #tpu.memory_space<semaphore_mem>>)
        %dma_wait3A_55 = arith.constant 9480 : i32
        %dma_wait3A_56 = tpu.memref_slice %arg5[%dma_wait3A_55, %mul3A_0] : memref<10000x32xf32, #tpu.memory_space<hbm>> -> memref<520x16xf32, #tpu.memory_space<hbm>>
        %dma_wait3A_57 = arith.constant 9480 : i32
        %dma_wait3A_58 = arith.constant 0 : i32
        %dma_wait3A_59 = tpu.memref_slice %arg9[%dma_wait3A_57, %dma_wait3A_58] : memref<10000x16xf32, #tpu.memory_space<vmem_shared>> -> memref<520x16xf32, #tpu.memory_space<vmem_shared>>
        tpu.wait_dma2 semaphore(%run_scoped3A : memref<!tpu.dma_semaphore, #tpu.memory_space<semaphore_mem>>) src(%dma_wait3A_59 : memref<520x16xf32, #tpu.memory_space<vmem_shared>>) dst(%dma_wait3A_56 : memref<520x16xf32, #tpu.memory_space<hbm>>)
        tpu.yield
      }) : () -> ()
    } else {
    }
    return
  }
}

module attributes {stable_mosaic.version = 14 : i64} {
  func.func @_k2b_body(%arg0: memref<2x625x128xf32, #tpu.memory_space<vmem>>, %arg1: memref<625x128xf32, #tpu.memory_space<vmem>>) attributes {dimension_semantics = [], scalar_prefetch = 0 : i64, scratch_operands = 0 : i64, tpu.core_type = #tpu.core_type<tc>} {
    %get3A = arith.constant 0 : index
    %get3A_0 = arith.constant 0 : index
    %get3A_1 = arith.constant 0 : index
    %get3A_2 = vector.load %arg0[%get3A, %get3A_0, %get3A_1] : memref<2x625x128xf32, #tpu.memory_space<vmem>>, vector<1x625x128xf32>
    %get3A_3 = vector.shape_cast %get3A_2 : vector<1x625x128xf32> to vector<625x128xf32>
    %get3A_4 = arith.constant 1 : index
    %get3A_5 = arith.constant 0 : index
    %get3A_6 = arith.constant 0 : index
    %get3A_7 = vector.load %arg0[%get3A_4, %get3A_5, %get3A_6] : memref<2x625x128xf32, #tpu.memory_space<vmem>>, vector<1x625x128xf32>
    %get3A_8 = vector.shape_cast %get3A_7 : vector<1x625x128xf32> to vector<625x128xf32>
    %add3A = arith.addf %get3A_3, %get3A_8 : vector<625x128xf32>
    %swap3A = arith.constant 0 : index
    %swap3A_9 = arith.constant 0 : index
    %swap3A_10 = vector.load %arg1[%swap3A, %swap3A_9] : memref<625x128xf32, #tpu.memory_space<vmem>>, vector<625x128xf32>
    tpu.vector_store %arg1[%swap3A, %swap3A_9], %add3A {strides = array<i32>} : memref<625x128xf32, #tpu.memory_space<vmem>>, vector<625x128xf32>,
    return
  }
}

module attributes {stable_mosaic.version = 14 : i64} {
  func.func @_k1_body(%arg0: i32, %arg1: memref<2560x128xf32, #tpu.memory_space<vmem>>, %arg2: memref<2560x128xf32, #tpu.memory_space<vmem>>, %arg3: memref<2560x128xf32, #tpu.memory_space<vmem>>, %arg4: memref<128x128xf32, #tpu.memory_space<vmem>>, %arg5: memref<128x128xf32, #tpu.memory_space<vmem>>, %arg6: memref<128x128xf32, #tpu.memory_space<vmem>>, %arg7: memref<1x128xf32, #tpu.memory_space<vmem>>, %arg8: memref<8x128xf32, #tpu.memory_space<vmem>>, %arg9: memref<8x2560xf32, #tpu.memory_space<vmem>>) attributes {dimension_semantics = [#tpu.dimension_semantics<arbitrary>], iteration_bounds = array<i64: 125>, scalar_prefetch = 0 : i64, scratch_operands = 0 : i64, tpu.core_type = #tpu.core_type<tc>, window_params = [{transform_indices = @transform_0, window_bounds = array<i64: 2560, 128>}, {transform_indices = @transform_1, window_bounds = array<i64: 2560, 128>}, {transform_indices = @transform_2, window_bounds = array<i64: 2560, 128>}, {pipeline_mode = #tpu.pipeline_mode<synchronous>, transform_indices = @transform_3, window_bounds = array<i64: 128, 128>}, {pipeline_mode = #tpu.pipeline_mode<synchronous>, transform_indices = @transform_4, window_bounds = array<i64: 128, 128>}, {pipeline_mode = #tpu.pipeline_mode<synchronous>, transform_indices = @transform_5, window_bounds = array<i64: 128, 128>}, {pipeline_mode = #tpu.pipeline_mode<synchronous>, transform_indices = @transform_6, window_bounds = array<i64: 1, 128>}, {pipeline_mode = #tpu.pipeline_mode<synchronous>, transform_indices = @transform_7, window_bounds = array<i64: 8, 128>}, {transform_indices = @transform_8, window_bounds = array<i64: 8, 2560>}]} {
    %get3A = arith.constant 0 : index
    %get3A_0 = arith.constant 0 : index
    %get3A_1 = vector.load %arg2[%get3A, %get3A_0] : memref<2560x128xf32, #tpu.memory_space<vmem>>, vector<2560x128xf32>
    %get3A_2 = arith.constant 0 : index
    %get3A_3 = arith.constant 0 : index
    %get3A_4 = vector.load %arg5[%get3A_2, %get3A_3] : memref<128x128xf32, #tpu.memory_space<vmem>>, vector<128x128xf32>
    %dot_general3A = arith.constant dense<0.000000e+00> : vector<2560x128xf32>
    %dot_general3A_5 = tpu.matmul %get3A_1, %get3A_4, %dot_general3A {dimension_numbers = #tpu.dot_dimension_numbers<[1], [0], [0], [1], [0, 0, 1, 1], [], []>, transpose_lhs_hint = false} : vector<2560x128xf32>, vector<128x128xf32>, vector<2560x128xf32> -> vector<2560x128xf32>
    %get3A_6 = arith.constant 0 : index
    %get3A_7 = arith.constant 0 : index
    %get3A_8 = vector.load %arg1[%get3A_6, %get3A_7] : memref<2560x128xf32, #tpu.memory_space<vmem>>, vector<2560x128xf32>
    %get3A_9 = arith.constant 0 : index
    %get3A_10 = arith.constant 0 : index
    %get3A_11 = vector.load %arg4[%get3A_9, %get3A_10] : memref<128x128xf32, #tpu.memory_space<vmem>>, vector<128x128xf32>
    %dot_general3A_12 = arith.constant dense<0.000000e+00> : vector<2560x128xf32>
    %dot_general3A_13 = tpu.matmul %get3A_8, %get3A_11, %dot_general3A_12 {dimension_numbers = #tpu.dot_dimension_numbers<[1], [0], [0], [1], [0, 0, 1, 1], [], []>, transpose_lhs_hint = false} : vector<2560x128xf32>, vector<128x128xf32>, vector<2560x128xf32> -> vector<2560x128xf32>
    %add3A = arith.addf %dot_general3A_5, %dot_general3A_13 : vector<2560x128xf32>
    %get3A_14 = arith.constant 0 : index
    %get3A_15 = arith.constant 0 : index
    %get3A_16 = vector.load %arg3[%get3A_14, %get3A_15] : memref<2560x128xf32, #tpu.memory_space<vmem>>, vector<2560x128xf32>
    %get3A_17 = arith.constant 0 : index
    %get3A_18 = arith.constant 0 : index
    %get3A_19 = vector.load %arg6[%get3A_17, %get3A_18] : memref<128x128xf32, #tpu.memory_space<vmem>>, vector<128x128xf32>
    %dot_general3A_20 = arith.constant dense<0.000000e+00> : vector<2560x128xf32>
    %dot_general3A_21 = tpu.matmul %get3A_16, %get3A_19, %dot_general3A_20 {dimension_numbers = #tpu.dot_dimension_numbers<[1], [0], [0], [1], [0, 0, 1, 1], [], []>, transpose_lhs_hint = false} : vector<2560x128xf32>, vector<128x128xf32>, vector<2560x128xf32> -> vector<2560x128xf32>
    %add3A_22 = arith.addf %add3A, %dot_general3A_21 : vector<2560x128xf32>
    %ge3A = arith.constant 0.000000e+00 : f32
    %ge3A_23 = vector.broadcast %ge3A : f32 to vector<2560x128xf32>
    %ge3A_24 = arith.cmpf oge, %add3A_22, %ge3A_23 : vector<2560x128xf32>
    %mul3A = arith.constant 0.00999999977 : f32
    %mul3A_25 = vector.broadcast %mul3A : f32 to vector<2560x128xf32>
    %mul3A_26 = arith.mulf %mul3A_25, %add3A_22 : vector<2560x128xf32>
    %select_n3A = arith.select %ge3A_24, %add3A_22, %mul3A_26 : vector<2560x128xi1>, vector<2560x128xf32>
    %get3A_27 = arith.constant 0 : index
    %get3A_28 = arith.constant 0 : index
    %get3A_29 = vector.load %arg7[%get3A_27, %get3A_28] : memref<1x128xf32, #tpu.memory_space<vmem>>, vector<1x128xf32>
    %mul3A_30 = vector.broadcast %get3A_29 : vector<1x128xf32> to vector<2560x128xf32>
    %mul3A_31 = arith.mulf %select_n3A, %mul3A_30 : vector<2560x128xf32>
    %get3A_32 = arith.constant 0 : index
    %get3A_33 = arith.constant 0 : index
    %get3A_34 = vector.load %arg8[%get3A_32, %get3A_33] : memref<8x128xf32, #tpu.memory_space<vmem>>, vector<8x128xf32>
    %dot_general3A_35 = arith.constant dense<0.000000e+00> : vector<8x2560xf32>
    %dot_general3A_36 = tpu.matmul %get3A_34, %mul3A_31, %dot_general3A_35 {dimension_numbers = #tpu.dot_dimension_numbers<[1], [1], [0], [0], [0, 0, 1, 0], [], []>, transpose_lhs_hint = false} : vector<8x128xf32>, vector<2560x128xf32>, vector<8x2560xf32> -> vector<8x2560xf32>
    %iota3A = tpu.iota {dimensions = array<i32: 0>} : vector<8x2560xi32>
    %lt3A = arith.constant 4 : i32
    %lt3A_37 = vector.broadcast %lt3A : i32 to vector<8x2560xi32>
    %lt3A_38 = arith.cmpi slt, %iota3A, %lt3A_37 : vector<8x2560xi32>
    %exp3A = math.exp %dot_general3A_36 : vector<8x2560xf32>
    %jit3A = arith.constant 0.000000e+00 : f32
    %broadcast_in_dim3A = vector.broadcast %jit3A : f32 to vector<8x2560xf32>
    %select_n3A_39 = arith.select %lt3A_38, %exp3A, %broadcast_in_dim3A : vector<8x2560xi1>, vector<8x2560xf32>
    %swap3A = arith.constant 0 : index
    %swap3A_40 = arith.constant 0 : index
    %swap3A_41 = vector.load %arg9[%swap3A, %swap3A_40] : memref<8x2560xf32, #tpu.memory_space<vmem>>, vector<8x2560xf32>
    tpu.vector_store %arg9[%swap3A, %swap3A_40], %select_n3A_39 {strides = array<i32>} : memref<8x2560xf32, #tpu.memory_space<vmem>>, vector<8x2560xf32>,
    return
  }
  func.func @transform_0(%arg0: i32) -> (i32, i32) {
    %c0_i32 = arith.constant 0 : i32
    %c0_i32_0 = arith.constant 0 : i32
    return %arg0, %c0_i32 : i32, i32
  }
  func.func @transform_1(%arg0: i32) -> (i32, i32) {
    %c0_i32 = arith.constant 0 : i32
    %c0_i32_0 = arith.constant 0 : i32
    return %arg0, %c0_i32 : i32, i32
  }
  func.func @transform_2(%arg0: i32) -> (i32, i32) {
    %c0_i32 = arith.constant 0 : i32
    %c0_i32_0 = arith.constant 0 : i32
    return %arg0, %c0_i32 : i32, i32
  }
  func.func @transform_3(%arg0: i32) -> (i32, i32) {
    %c0_i32 = arith.constant 0 : i32
    %c0_i32_0 = arith.constant 0 : i32
    %c0_i32_1 = arith.constant 0 : i32
    return %c0_i32, %c0_i32_0 : i32, i32
  }
  func.func @transform_4(%arg0: i32) -> (i32, i32) {
    %c0_i32 = arith.constant 0 : i32
    %c0_i32_0 = arith.constant 0 : i32
    %c0_i32_1 = arith.constant 0 : i32
    return %c0_i32, %c0_i32_0 : i32, i32
  }
  func.func @transform_5(%arg0: i32) -> (i32, i32) {
    %c0_i32 = arith.constant 0 : i32
    %c0_i32_0 = arith.constant 0 : i32
    %c0_i32_1 = arith.constant 0 : i32
    return %c0_i32, %c0_i32_0 : i32, i32
  }
  func.func @transform_6(%arg0: i32) -> (i32, i32) {
    %c0_i32 = arith.constant 0 : i32
    %c0_i32_0 = arith.constant 0 : i32
    %c0_i32_1 = arith.constant 0 : i32
    return %c0_i32, %c0_i32_0 : i32, i32
  }
  func.func @transform_7(%arg0: i32) -> (i32, i32) {
    %c0_i32 = arith.constant 0 : i32
    %c0_i32_0 = arith.constant 0 : i32
    %c0_i32_1 = arith.constant 0 : i32
    return %c0_i32, %c0_i32_0 : i32, i32
  }
  func.func @transform_8(%arg0: i32) -> (i32, i32) {
    %c0_i32 = arith.constant 0 : i32
    %c0_i32_0 = arith.constant 0 : i32
    return %c0_i32, %arg0 : i32, i32
  }
}

module attributes {stable_mosaic.version = 14 : i64} {
  func.func @_k4_body(%arg0: i32, %arg1: memref<2560x128xf32, #tpu.memory_space<vmem>>, %arg2: memref<128x128xf32, #tpu.memory_space<vmem>>, %arg3: memref<8x2560xf32, #tpu.memory_space<vmem>>, %arg4: memref<8x2560xf32, #tpu.memory_space<vmem>>, %arg5: memref<8x128xf32, #tpu.memory_space<vmem>>, %arg6: memref<128x32xf32, #tpu.memory_space<vmem>>, %arg7: memref<4x20x8x128xf32, #tpu.memory_space<vmem>>) attributes {dimension_semantics = [#tpu.dimension_semantics<arbitrary>], iteration_bounds = array<i64: 125>, scalar_prefetch = 0 : i64, scratch_operands = 0 : i64, tpu.core_type = #tpu.core_type<tc>, window_params = [{transform_indices = @transform_0, window_bounds = array<i64: 2560, 128>}, {pipeline_mode = #tpu.pipeline_mode<synchronous>, transform_indices = @transform_1, window_bounds = array<i64: 128, 128>}, {transform_indices = @transform_2, window_bounds = array<i64: 8, 2560>}, {transform_indices = @transform_3, window_bounds = array<i64: 8, 2560>}, {pipeline_mode = #tpu.pipeline_mode<synchronous>, transform_indices = @transform_4, window_bounds = array<i64: 8, 128>}, {pipeline_mode = #tpu.pipeline_mode<synchronous>, transform_indices = @transform_5, window_bounds = array<i64: 128, 32>}, {transform_indices = @transform_6, window_bounds = array<i64: 4, 20, 8, 128>}]} {
    %get3A = arith.constant 0 : index
    %get3A_0 = arith.constant 0 : index
    %get3A_1 = vector.load %arg1[%get3A, %get3A_0] : memref<2560x128xf32, #tpu.memory_space<vmem>>, vector<2560x128xf32>
    %get3A_2 = arith.constant 0 : index
    %get3A_3 = arith.constant 0 : index
    %get3A_4 = vector.load %arg2[%get3A_2, %get3A_3] : memref<128x128xf32, #tpu.memory_space<vmem>>, vector<128x128xf32>
    %dot_general3A = arith.constant dense<0.000000e+00> : vector<2560x128xf32>
    %dot_general3A_5 = tpu.matmul %get3A_1, %get3A_4, %dot_general3A {dimension_numbers = #tpu.dot_dimension_numbers<[1], [0], [0], [1], [0, 0, 1, 1], [], []>, transpose_lhs_hint = false} : vector<2560x128xf32>, vector<128x128xf32>, vector<2560x128xf32> -> vector<2560x128xf32>
    %iota3A = tpu.iota {dimensions = array<i32: 0>} : vector<8x2560xi32>
    %lt3A = arith.constant 4 : i32
    %lt3A_6 = vector.broadcast %lt3A : i32 to vector<8x2560xi32>
    %lt3A_7 = arith.cmpi slt, %iota3A, %lt3A_6 : vector<8x2560xi32>
    %get3A_8 = arith.constant 0 : index
    %get3A_9 = arith.constant 0 : index
    %get3A_10 = vector.load %arg3[%get3A_8, %get3A_9] : memref<8x2560xf32, #tpu.memory_space<vmem>>, vector<8x2560xf32>
    %get3A_11 = arith.constant 0 : index
    %get3A_12 = arith.constant 0 : index
    %get3A_13 = vector.load %arg4[%get3A_11, %get3A_12] : memref<8x2560xf32, #tpu.memory_space<vmem>>, vector<8x2560xf32>
    %div3A = arith.divf %get3A_10, %get3A_13 : vector<8x2560xf32>
    %jit3A = arith.constant 0.000000e+00 : f32
    %broadcast_in_dim3A = vector.broadcast %jit3A : f32 to vector<8x2560xf32>
    %select_n3A = arith.select %lt3A_7, %div3A, %broadcast_in_dim3A : vector<8x2560xi1>, vector<8x2560xf32>
    %get3A_14 = arith.constant 0 : index
    %get3A_15 = arith.constant 0 : index
    %get3A_16 = vector.load %arg5[%get3A_14, %get3A_15] : memref<8x128xf32, #tpu.memory_space<vmem>>, vector<8x128xf32>
    %dot_general3A_17 = arith.constant dense<0.000000e+00> : vector<2560x128xf32>
    %dot_general3A_18 = tpu.matmul %select_n3A, %get3A_16, %dot_general3A_17 {dimension_numbers = #tpu.dot_dimension_numbers<[0], [0], [1], [1], [0, 1, 1, 1], [], []>, transpose_lhs_hint = false} : vector<8x2560xf32>, vector<8x128xf32>, vector<2560x128xf32> -> vector<2560x128xf32>
    %mul3A = arith.mulf %dot_general3A_5, %dot_general3A_18 : vector<2560x128xf32>
    %get3A_19 = arith.constant 0 : index
    %get3A_20 = arith.constant 0 : index
    %get3A_21 = vector.load %arg6[%get3A_19, %get3A_20] : memref<128x32xf32, #tpu.memory_space<vmem>>, vector<128x32xf32>
    %slice3A = vector.extract_strided_slice %get3A_21 {offsets = [0, 0], sizes = [128, 8], strides = [1, 1]} : vector<128x32xf32> to vector<128x8xf32>
    %dot_general3A_22 = arith.constant dense<0.000000e+00> : vector<8x2560xf32>
    %dot_general3A_23 = tpu.matmul %slice3A, %mul3A, %dot_general3A_22 {dimension_numbers = #tpu.dot_dimension_numbers<[0], [1], [1], [0], [0, 1, 1, 0], [], []>, transpose_lhs_hint = false} : vector<128x8xf32>, vector<2560x128xf32>, vector<8x2560xf32> -> vector<8x2560xf32>
    %reshape3A = vector.shape_cast %dot_general3A_23 : vector<8x2560xf32> to vector<8x20x128xf32>
    %transpose3A = tpu.transpose %reshape3A, [1, 0, 2] : vector<8x20x128xf32> -> vector<20x8x128xf32>
    %swap3A = arith.constant 0 : index
    %swap3A_24 = arith.constant 0 : index
    %swap3A_25 = arith.constant 0 : index
    %swap3A_26 = arith.constant 0 : index
    %swap3A_27 = vector.load %arg7[%swap3A, %swap3A_24, %swap3A_25, %swap3A_26] : memref<4x20x8x128xf32, #tpu.memory_space<vmem>>, vector<1x20x8x128xf32>
    %swap3A_28 = vector.shape_cast %swap3A_27 : vector<1x20x8x128xf32> to vector<20x8x128xf32>
    %swap3A_29 = vector.shape_cast %transpose3A : vector<20x8x128xf32> to vector<1x20x8x128xf32>
    tpu.vector_store %arg7[%swap3A, %swap3A_24, %swap3A_25, %swap3A_26], %swap3A_29 {strides = array<i32>} : memref<4x20x8x128xf32, #tpu.memory_space<vmem>>, vector<1x20x8x128xf32>,
    %get3A_30 = arith.constant 0 : index
    %get3A_31 = arith.constant 0 : index
    %get3A_32 = vector.load %arg6[%get3A_30, %get3A_31] : memref<128x32xf32, #tpu.memory_space<vmem>>, vector<128x32xf32>
    %slice3A_33 = vector.extract_strided_slice %get3A_32 {offsets = [0, 8], sizes = [128, 8], strides = [1, 1]} : vector<128x32xf32> to vector<128x8xf32>
    %dot_general3A_34 = arith.constant dense<0.000000e+00> : vector<8x2560xf32>
    %dot_general3A_35 = tpu.matmul %slice3A_33, %mul3A, %dot_general3A_34 {dimension_numbers = #tpu.dot_dimension_numbers<[0], [1], [1], [0], [0, 1, 1, 0], [], []>, transpose_lhs_hint = false} : vector<128x8xf32>, vector<2560x128xf32>, vector<8x2560xf32> -> vector<8x2560xf32>
    %reshape3A_36 = vector.shape_cast %dot_general3A_35 : vector<8x2560xf32> to vector<8x20x128xf32>
    %transpose3A_37 = tpu.transpose %reshape3A_36, [1, 0, 2] : vector<8x20x128xf32> -> vector<20x8x128xf32>
    %swap3A_38 = arith.constant 1 : index
    %swap3A_39 = arith.constant 0 : index
    %swap3A_40 = arith.constant 0 : index
    %swap3A_41 = arith.constant 0 : index
    %swap3A_42 = vector.load %arg7[%swap3A_38, %swap3A_39, %swap3A_40, %swap3A_41] : memref<4x20x8x128xf32, #tpu.memory_space<vmem>>, vector<1x20x8x128xf32>
    %swap3A_43 = vector.shape_cast %swap3A_42 : vector<1x20x8x128xf32> to vector<20x8x128xf32>
    %swap3A_44 = vector.shape_cast %transpose3A_37 : vector<20x8x128xf32> to vector<1x20x8x128xf32>
    tpu.vector_store %arg7[%swap3A_38, %swap3A_39, %swap3A_40, %swap3A_41], %swap3A_44 {strides = array<i32>} : memref<4x20x8x128xf32, #tpu.memory_space<vmem>>, vector<1x20x8x128xf32>,
    %get3A_45 = arith.constant 0 : index
    %get3A_46 = arith.constant 0 : index
    %get3A_47 = vector.load %arg6[%get3A_45, %get3A_46] : memref<128x32xf32, #tpu.memory_space<vmem>>, vector<128x32xf32>
    %slice3A_48 = vector.extract_strided_slice %get3A_47 {offsets = [0, 16], sizes = [128, 8], strides = [1, 1]} : vector<128x32xf32> to vector<128x8xf32>
    %dot_general3A_49 = arith.constant dense<0.000000e+00> : vector<8x2560xf32>
    %dot_general3A_50 = tpu.matmul %slice3A_48, %mul3A, %dot_general3A_49 {dimension_numbers = #tpu.dot_dimension_numbers<[0], [1], [1], [0], [0, 1, 1, 0], [], []>, transpose_lhs_hint = false} : vector<128x8xf32>, vector<2560x128xf32>, vector<8x2560xf32> -> vector<8x2560xf32>
    %reshape3A_51 = vector.shape_cast %dot_general3A_50 : vector<8x2560xf32> to vector<8x20x128xf32>
    %transpose3A_52 = tpu.transpose %reshape3A_51, [1, 0, 2] : vector<8x20x128xf32> -> vector<20x8x128xf32>
    %swap3A_53 = arith.constant 2 : index
    %swap3A_54 = arith.constant 0 : index
    %swap3A_55 = arith.constant 0 : index
    %swap3A_56 = arith.constant 0 : index
    %swap3A_57 = vector.load %arg7[%swap3A_53, %swap3A_54, %swap3A_55, %swap3A_56] : memref<4x20x8x128xf32, #tpu.memory_space<vmem>>, vector<1x20x8x128xf32>
    %swap3A_58 = vector.shape_cast %swap3A_57 : vector<1x20x8x128xf32> to vector<20x8x128xf32>
    %swap3A_59 = vector.shape_cast %transpose3A_52 : vector<20x8x128xf32> to vector<1x20x8x128xf32>
    tpu.vector_store %arg7[%swap3A_53, %swap3A_54, %swap3A_55, %swap3A_56], %swap3A_59 {strides = array<i32>} : memref<4x20x8x128xf32, #tpu.memory_space<vmem>>, vector<1x20x8x128xf32>,
    %get3A_60 = arith.constant 0 : index
    %get3A_61 = arith.constant 0 : index
    %get3A_62 = vector.load %arg6[%get3A_60, %get3A_61] : memref<128x32xf32, #tpu.memory_space<vmem>>, vector<128x32xf32>
    %slice3A_63 = vector.extract_strided_slice %get3A_62 {offsets = [0, 24], sizes = [128, 8], strides = [1, 1]} : vector<128x32xf32> to vector<128x8xf32>
    %dot_general3A_64 = arith.constant dense<0.000000e+00> : vector<8x2560xf32>
    %dot_general3A_65 = tpu.matmul %slice3A_63, %mul3A, %dot_general3A_64 {dimension_numbers = #tpu.dot_dimension_numbers<[0], [1], [1], [0], [0, 1, 1, 0], [], []>, transpose_lhs_hint = false} : vector<128x8xf32>, vector<2560x128xf32>, vector<8x2560xf32> -> vector<8x2560xf32>
    %reshape3A_66 = vector.shape_cast %dot_general3A_65 : vector<8x2560xf32> to vector<8x20x128xf32>
    %transpose3A_67 = tpu.transpose %reshape3A_66, [1, 0, 2] : vector<8x20x128xf32> -> vector<20x8x128xf32>
    %swap3A_68 = arith.constant 3 : index
    %swap3A_69 = arith.constant 0 : index
    %swap3A_70 = arith.constant 0 : index
    %swap3A_71 = arith.constant 0 : index
    %swap3A_72 = vector.load %arg7[%swap3A_68, %swap3A_69, %swap3A_70, %swap3A_71] : memref<4x20x8x128xf32, #tpu.memory_space<vmem>>, vector<1x20x8x128xf32>
    %swap3A_73 = vector.shape_cast %swap3A_72 : vector<1x20x8x128xf32> to vector<20x8x128xf32>
    %swap3A_74 = vector.shape_cast %transpose3A_67 : vector<20x8x128xf32> to vector<1x20x8x128xf32>
    tpu.vector_store %arg7[%swap3A_68, %swap3A_69, %swap3A_70, %swap3A_71], %swap3A_74 {strides = array<i32>} : memref<4x20x8x128xf32, #tpu.memory_space<vmem>>, vector<1x20x8x128xf32>,
    return
  }
  func.func @transform_0(%arg0: i32) -> (i32, i32) {
    %c0_i32 = arith.constant 0 : i32
    %c0_i32_0 = arith.constant 0 : i32
    return %arg0, %c0_i32 : i32, i32
  }
  func.func @transform_1(%arg0: i32) -> (i32, i32) {
    %c0_i32 = arith.constant 0 : i32
    %c0_i32_0 = arith.constant 0 : i32
    %c0_i32_1 = arith.constant 0 : i32
    return %c0_i32, %c0_i32_0 : i32, i32
  }
  func.func @transform_2(%arg0: i32) -> (i32, i32) {
    %c0_i32 = arith.constant 0 : i32
    %c0_i32_0 = arith.constant 0 : i32
    return %c0_i32, %arg0 : i32, i32
  }
  func.func @transform_3(%arg0: i32) -> (i32, i32) {
    %c0_i32 = arith.constant 0 : i32
    %c0_i32_0 = arith.constant 0 : i32
    return %c0_i32, %arg0 : i32, i32
  }
  func.func @transform_4(%arg0: i32) -> (i32, i32) {
    %c0_i32 = arith.constant 0 : i32
    %c0_i32_0 = arith.constant 0 : i32
    %c0_i32_1 = arith.constant 0 : i32
    return %c0_i32, %c0_i32_0 : i32, i32
  }
  func.func @transform_5(%arg0: i32) -> (i32, i32) {
    %c0_i32 = arith.constant 0 : i32
    %c0_i32_0 = arith.constant 0 : i32
    %c0_i32_1 = arith.constant 0 : i32
    return %c0_i32, %c0_i32_0 : i32, i32
  }
  func.func @transform_6(%arg0: i32) -> (i32, i32, i32, i32) {
    %c0_i32 = arith.constant 0 : i32
    %c0_i32_0 = arith.constant 0 : i32
    %c0_i32_1 = arith.constant 0 : i32
    %c0_i32_2 = arith.constant 0 : i32
    return %c0_i32, %arg0, %c0_i32_0, %c0_i32_1 : i32, i32, i32, i32
  }
}

</mosaic_0001>

<sc_bundles>
// kernel: kernel.11.cloned.1.call-start
scs
__scs_entry_jumppad:
0x0: {  	(pc) =	sbr.rel $0x88, $3  }
0x1: {  	(tag) =	ssettag $0x0;
	lr =	simm.s32 $0x1  }
0x2: {  	[smem:$0x3F98] =	sst lr;
	_ =	strace $0xD0000000  }
0x3: {  	_ = 	snop  }
0x4: {  	_ = 	snop  }
0x5: {  	_ = 	snop  }
0x6: {  	_ = 	snop  }
0x7: {  	_ = 	snop  }
__scs_overlays_trampoline_lowered:
0x8: {  	[smem:$0x3FA7] =	sst s0  }
0x9: {  	[smem:$0x3FA8] =	sst s1  }
0xa: {  	[smem:$0x3FA9] =	sst s2  }
0xb: {  	[smem:$0x3FAA] =	sst s3  }
0xc: {  	[smem:$0x3FAB] =	sst s4  }
0xd: {  	[smem:$0x3FAC] =	sst s5  }
0xe: {  	[smem:$0x3FAD] =	sst s6  }
0xf: {  	[smem:$0x3FAE] =	sst s7  }
0x10: {  	[smem:$0x3FAF] =	sst s8  }
0x11: {  	[smem:$0x3FB0] =	sst s9;
	s0 =	simm.s32 @!p0 $0x0  }
0x12: {  	s1 =	sld [smem:$0x3F96];
	s0 =	simm.s32 @p0 $0x1  }
0x13: {  	[smem:$0x3FB1] =	sst s0;
	s0 =	simm.s32 @!p1 $0x0  }
0x14: {  	s2 =	sld [smem:$0x3F95];
	s0 =	simm.s32 @p1 $0x1  }
0x15: {  	[smem:$0x3FB2] =	sst s0;
	s0 =	simm.s32 @!p2 $0x0  }
0x16: {  	s3 =	sld [smem:$0x3FDB];
	s0 =	simm.s32 @p2 $0x1  }
0x17: {  	s4 =	simm.s32 $0x1BF5;
	[smem:$0x3FB4] =	sst s0  }
0x18: {  	s0 =	sld [smem:$0x3F97];
	_ =	swait.ge [sflag:s4], $0x0  }
0x19: {  	s7 =	sld [smem:$0x3F98]  }
0x1a: {  	s8 =	sadd.s32 $0xFFFFE003, lr  }
0x1b: {  	s9 =	sadd.s32 $0xFFFFFEF7, lr;
	s5 =	simm.s32 $0xFFFFFFFF;
	p2 =	slt.u32 s8, $0xFFFFF086  }
0x1c: {  	p1 =	slt.u32 s9, $0xF7A;
	s5 =	simm.s32 @!p2 $0x0  }
0x1d: {  	s5 =	simm.s32 @p1 $0x1;
	p0 =	seq.s32 s7, s2  }
0x1e: {  	s7 =	smul.u32 @!p0 $0xF7A, s2;
	p2 =	seq.s32 @!p0 s5, $0x0  }
0x1f: {  	s9 =	smul.u32 $0xF7A, s1;
	s8 =	simm.s32 @!p0 $0x1BF5;
	p2 =	por !p2, p0  }
0x20: {  	[sflag:s8] =	ssyncset.s32 @!p0 $0xFFFFF086;
	s6 =	sadd.s32 @!p0 s3, s7;
	s7 =	simm.s32 @!p0 $0x108  }
0x21: {  	s3 =	sadd.s32 s3, s9;
	s6 =	sadd.s32 @!p0 $0x88, s6;
	s7 =	simm.s32 @p2 $0x1082  }
0x22: {  	[simem:s7], [sflag:s8] =	dma.local @!p0 [hbm:s6], $0xF7A  }
0x23: {  	s9 =	sor.u32 $0xD0000000, s2;
	s6 =	simm.s32 $0x108;
	_ =	swait.ge @!p0 [sflag:s8], $0x0  }
0x24: {  	s3 =	sadd.s32 $0x88, s3;
	s6 =	simm.s32 @!p1 $0x1082;
	[sflag:s4] =	ssyncset.s32 $0xFFFFF086  }
0x25: {  	[simem:s6], [sflag:s4] =	dma.local [hbm:s3], $0xF7A  }
0x26: {  	[smem:$0x3F98] =	sst s1;
	(tag) =	ssettag s2;
	_ =	strace s9  }
0x27: {  	s1 =	sld [smem:$0x3FA8]  }
0x28: {  	s2 =	sld [smem:$0x3FA9]  }
0x29: {  	s4 =	sld [smem:$0x3FAB]  }
0x2a: {  	p0 =	seq.s32 s5, $0x0;
	s5 =	sld [smem:$0x3FAC]  }
0x2b: {  	s6 =	sld [smem:$0x3FAD]  }
0x2c: {  	s7 =	sld [smem:$0x3FAE]  }
0x2d: {  	s3 =	simm.s32 $0x108;
	s8 =	sld [smem:$0x3FAF]  }
0x2e: {  	s3 =	simm.s32 @!p0 $0x1082;
	s9 =	sld [smem:$0x3FB0]  }
0x2f: {  	lr =	sadd.s32 s0, s3;
	s0 =	sld [smem:$0x3FA7]  }
0x30: {  	s3 =	sld [smem:$0x3FAA]  }
0x31: {  	[smem:$0x3FB3] =	sst s10  }
0x32: {  	s10 =	sld [smem:$0x3FB1];
	_ =	sdelay $0x3  }
0x33: {  	p0 =	seq.s32 s10, $0x1;
	s10 =	sld [smem:$0x3FB3];
	_ =	sdelay $0x3  }
0x34: {  	[smem:$0x3FB3] =	sst s10  }
0x35: {  	s10 =	sld [smem:$0x3FB2];
	_ =	sdelay $0x3  }
0x36: {  	p1 =	seq.s32 s10, $0x1;
	s10 =	sld [smem:$0x3FB3];
	_ =	sdelay $0x3  }
0x37: {  	[smem:$0x3FB3] =	sst s10  }
0x38: {  	s10 =	sld [smem:$0x3FB4]  }
0x39: {  	_ = 	snop;
	(pc) =	sbr.ind lr, $3  }
0x3a: {  	_ = 	snop  }
0x3b: {  	_ = 	snop  }
0x3c: {  	p2 =	seq.s32 s10, $0x1;
	s10 =	sld [smem:$0x3FB3]  }
0x3d: {  	_ =	shalt  }
0x3e: {  	_ =	shalt  }
0x3f: {  	_ =	shalt  }
0x40: {  	_ =	shalt  }
0x41: {  	_ =	shalt  }
0x42: {  	_ =	shalt  }
0x43: {  	_ =	shalt  }
0x44: {  	_ =	shalt  }
0x45: {  	_ =	shalt  }
0x46: {  	_ =	shalt  }
0x47: {  	_ =	shalt  }
0x48: {  	_ =	shalt  }
0x49: {  	_ =	shalt  }
0x4a: {  	_ =	shalt  }
0x4b: {  	_ =	shalt  }
0x4c: {  	_ =	shalt  }
0x4d: {  	_ =	shalt  }
0x4e: {  	_ =	shalt  }
0x4f: {  	_ =	shalt  }
0x50: {  	_ =	shalt  }
0x51: {  	_ =	shalt  }
0x52: {  	_ =	shalt  }
0x53: {  	_ =	shalt  }
0x54: {  	_ =	shalt  }
0x55: {  	_ =	shalt  }
0x56: {  	_ =	shalt  }
0x57: {  	_ =	shalt  }
0x58: {  	_ =	shalt  }
0x59: {  	_ =	shalt  }
0x5a: {  	_ =	shalt  }
0x5b: {  	_ =	shalt  }
0x5c: {  	_ =	shalt  }
0x5d: {  	_ =	shalt  }
0x5e: {  	_ =	shalt  }
0x5f: {  	_ =	shalt  }
0x60: {  	_ =	shalt  }
0x61: {  	_ =	shalt  }
0x62: {  	_ =	shalt  }
0x63: {  	_ =	shalt  }
0x64: {  	_ =	shalt  }
0x65: {  	_ =	shalt  }
0x66: {  	_ =	shalt  }
0x67: {  	_ =	shalt  }
0x68: {  	_ =	shalt  }
0x69: {  	_ =	shalt  }
0x6a: {  	_ =	shalt  }
0x6b: {  	_ =	shalt  }
0x6c: {  	_ =	shalt  }
0x6d: {  	_ =	shalt  }
0x6e: {  	_ =	shalt  }
0x6f: {  	_ =	shalt  }
0x70: {  	_ =	shalt  }
0x71: {  	_ =	shalt  }
0x72: {  	_ =	shalt  }
0x73: {  	_ =	shalt  }
0x74: {  	_ =	shalt  }
0x75: {  	_ =	shalt  }
0x76: {  	_ =	shalt  }
0x77: {  	_ =	shalt  }
0x78: {  	_ =	shalt  }
0x79: {  	_ =	shalt  }
0x7a: {  	_ =	shalt  }
0x7b: {  	_ =	shalt  }
0x7c: {  	_ =	shalt  }
0x7d: {  	_ =	shalt  }
0x7e: {  	_ =	shalt  }
0x7f: {  	_ =	shalt  }
0x80: {  	_ =	shalt  }
0x81: {  	_ =	shalt  }
0x82: {  	_ =	shalt  }
0x83: {  	_ =	shalt  }
0x84: {  	_ =	shalt  }
0x85: {  	_ =	shalt  }
0x86: {  	_ =	shalt  }
0x87: {  	_ =	shalt  }
.Lfunc_end0:
.L_simem_size_0:
called_computation.1_lowered:
.L_overlay_start_0:
0x88: {  	s2 =	sld [smem:$0x3FD9]  }
0x89: {  	s3 =	sld [smem:$0x3FFE];
	_ =	sdelay $0x1  }
0x8a: {  	s1 =	srdreg.scid  }
0x8b: {  	s0 =	sand.u32 $0x1, s1  }
0x8c: {  	s15 =	sshll.u32 s0, $0xA;
	s2 =	sadd.s32 s3, s2  }
0x8d: {  	s2 =	sadd.s32 s2, s15  }
0x8e: {  	[smem:$0x3FBF] =	sst s2  }
0x8f: {  	_ = 	snop  }
0x90: {  	s2 =	sld [smem:$0x3FD0];
	_ =	sdelay $0x2  }
0x91: {  	s4 =	simm.s32 $0xA;
	s5 =	simm.s32 $0x10;
	s16 =	sld [smem:$0x3FC6]  }
0x92: {  	[smem:s5], [sflag:s4] =	dma.local [hbm:s2], $0x1  }
0x93: {  	_ =	swait.eq [sflag:s4], $0x1  }
0x94: {  	[sflag:s4] =	ssyncset.done $0x0  }
0x95: {  	s17 =	sld [smem:$0x10];
	[sflag:s4] =	ssyncadd.s32 $0xFFFFFFFF  }
0x96: {  	s18 =	sld [smem:$0x11];
	(tm) =	ssettm $0x1  }
0x97: {  	s19 =	sld [smem:$0x3FFB];
	_ =	sdelay $0x3  }
0x98: {  	_ =	strace s19  }
0x99: {  	s5 =	sld [smem:$0x3FFC];
	_ =	sdelay $0x3  }
0x9a: {  	_ =	strace s5  }
0x9b: {  	s5 =	sld [smem:$0x3FFD];
	_ =	sdelay $0x3  }
0x9c: {  	_ =	strace s5  }
0x9d: {  	_ =	strace $0x8FFFFFFF  }
0x9e: {  	s20 =	sld [smem:$0x3FDB];
	_ =	sdelay $0x1  }
0x9f: {  	s6 =	simm.s32 $_scs_section_size  }
0xa0: {  	s7 =	simm.s32 $_size__tile_overlayer_lowered;
	s8 =	simm.s32 $_tile_overlayer_lowered  }
0xa1: {  	s23 =	simm.s32 $0x1BFF;
	s22 =	sshll.u32 s8, $0x1;
	s5 =	sadd.s32 s6, s20  }
0xa2: {  	s9 =	simm.s32 $0x0;
	s21 =	sshll.u32 s7, $0x1;
	s7 =	sadd.s32 s22, s5  }
0xa3: {  	[timem:s9], [sflag:s23] =	dma.local [hbm:s7], s21  }
0xa4: {  	_ =	swait.ge [sflag:s23], s21  }
0xa5: {  	s6 =	ssub.s32 $0x0, s21;
	[sflag:s23] =	ssyncset.done $0x0  }
0xa6: {  	[sflag:s23] =	ssyncadd.s32 s6;
	_ =	sdelay $0x1  }
0xa7: {  	s24 =	simm.s32 $0x1B8B  }
0xa8: {  	_ =	swait.ge [sflag:s24], $0x1  }
0xa9: {  	[sflag:s24] =	ssyncset.done $0x0  }
0xaa: {  	s25 =	simm.s32 $0x1B8E;
	[sflag:s24] =	ssyncadd.s32 $0xFFFFFFFF  }
0xab: {  	s26 =	simm.s32 $execute0_lowered;
	[smem:$0x3FD2] =	sst s25  }
0xac: {  	s6 =	sshll.u32 s26, $0x1;
	_ =	strace $0x80000049;
	[dreg:$0x1] =	wrdreg $0xFFFFFFFF  }
0xad: {  	s28 =	simm.s32 $_size_execute0_lowered;
	s5 =	sadd.s32 s5, s6;
	[dreg:$0x0] =	wrdreg $0x0  }
0xae: {  	s6 =	sshll.u32 s28, $0x1;
	[dreg:$0x2] =	wrdreg s5  }
0xaf: {  	[dreg:$0x3] =	wrdreg s6  }
0xb0: {  	[dreg:$0x4] =	wrdreg $0xC0  }
0xb1: {  	_ =	task [dreg:s9], $0x5FFFF  }
0xb2: {  	[dreg:$0x1] =	wrdreg $0xFFFFFFFF  }
0xb3: {  	[dreg:$0x0] =	wrdreg $0x60  }
0xb4: {  	[dreg:$0x2] =	wrdreg s16  }
0xb5: {  	[dreg:$0x3] =	wrdreg s17  }
0xb6: {  	[dreg:$0x4] =	wrdreg s18  }
0xb7: {  	[dreg:$0x5] =	wrdreg $0x9  }
0xb8: {  	_ =	task.clear_ibuf [dreg:s9], $0x6FFFF;
	_ =	strace $0x90000049  }
0xb9: {  	s29 =	simm.s32 $0x9;
	_ =	strace $0x8000004B  }
0xba: {  	_ =	swait.ge [sflag:s29], $0x1  }
0xbb: {  	[sflag:s29] =	ssyncadd.s32 $0xFFFFFFFF  }
0xbc: {  	_ =	strace $0x9000004B  }
0xbd: {  	_ =	sfence  }
0xbe: {  	s30 =	sld [smem:$0x0];
	_ =	sdelay $0x2  }
0xbf: {  	s31 =	sshll.u32 s1, $0xD;
	s1 =	sshrl.u32 s1, $0x2  }
0xc0: {  	s3 =	sand.u32 $0x4000, s31;
	s1 =	sadd.s32 s1, s30  }
0xc1: {  	s0 =	sor.u32 s3, s0;
	s1 =	sshll.u32 s1, $0x11  }
0xc2: {  	s0 =	sor.u32 s1, s0  }
0xc3: {  	s0 =	sadd.s32 $0x8F2B, s0  }
0xc4: {  	[sflag:s0] =	ssyncadd.remote.s32 $0x1  }
0xc5: {  	_ =	sfence.sel $0xFFFF  }
0xc6: {  	[dreg:$0x0] =	wrdreg $0xFFFFFFFF;
	(pc) =	sbr.abs _section_cstart, $3  }
0xc7: {  	[dreg:$0x1] =	wrdreg $0xFFFFFFFF  }
0xc8: {  	_ =	task.clear_ibuf [dreg:s9], $0x2FFFF;
	_ =	strace $0x9FFFFFFF  }
0xc9: {  	(tm) =	ssettm $0x7FFFFFFF  }
tec
execute0_lowered:
.L_overlay_start_1:
0x0: {  	(tag) =	ssettag $0x1  }
0x1: {  	s12 =	rddreg [dreg:$0x0]  }
0x2: {  	s2 =	rddreg [dreg:$0x1];
	s1 =	srdreg.scid  }
0x3: {  	s0 =	stileid.u32;
	s13 =	rddreg [dreg:$0x2]  }
0x4: {  	s16 =	simm.s32 $0x13880;
	s17 =	simm.s32 $0x7D0;
	s18 =	simm.s32 $0x4E200  }
0x5: {  	s19 =	simm.s32 $0x14050;
	s4 =	sand.u32 $0x1, s1;
	s3 =	sshll.u32 s0, $0x1  }
0x6: {  	s1 =	rddreg [dreg:$0x3];
	s5 =	sor.u32 s4, s3;
	s4 =	ssub.s32 $0x2, s4  }
0x7: {  	s3 =	simm.s32 $0x0;
	s5 =	smul.u32 $0x2710, s5;
	s6 =	sshrl.u32 s4, $0x1  }
0x8: {  	s20 =	simm.s32 $0x0;
	[smem:$0x7FF] =	sst s3;
	s14 =	ssub.s32 s4, s6  }
0x9: {  	_ =	strace $0x8000004A;
	s15 =	sshrl.u32 s5, $0x3;
	s14 =	smax.u32 s14, $0x1  }
0xa: {  	s4 =	sadd.s32 s12, s15;
	s5 =	sadd.s32 s13, s15;
	s7 =	sadd.s32 $0xFA, s15  }
0xb: {  	s9 =	sadd.s32 $0x1F4, s15;
	s11 =	sadd.s32 $0x2EE, s15;
	s15 =	sadd.s32 $0x3E8, s15  }
0xc: {  	s6 =	sadd.s32 s12, s7;
	s7 =	sadd.s32 s13, s7;
	s8 =	sadd.s32 s12, s9  }
0xd: {  	s9 =	sadd.s32 s13, s9;
	s10 =	sadd.s32 s12, s11;
	s11 =	sadd.s32 s13, s11  }
0xe: {  	s12 =	sadd.s32 s12, s15;
	s13 =	sadd.s32 s13, s15;
	s15 =	simm.s32 $0x1  }
.LBB2_1:
0xf: {  	[tilespmem:s3], [sflag:$0x1] =	stream.linear.gather [hbm4b:s2+s3], $0x13880, $0x38;
	[tilespmem:$0x17ED0] =	vst v63  }
0x10: {  	_ =	swait.ge [sflag:s15], $0x13880  }
0x11: {  	[sflag:s15] =	ssyncset.done $0x0  }
0x12: {  	[sflag:s15] =	ssyncadd.s32 $0xFFFEC780  }
0x13: {  	[tilespmem:s16], [sflag:$0x1] =	stream.linear.gather [hbm4b:s4+s3], $0x7D0, $0x38;
	[tilespmem:$0x17ED0] =	vst v63  }
0x14: {  	_ =	swait.ge [sflag:s15], $0x7D0  }
0x15: {  	[sflag:s15] =	ssyncset.done $0x0  }
0x16: {  	s21 =	simm.s32 $0x0;
	[sflag:s15] =	ssyncadd.s32 $0xFFFFF830  }
0x17: {  	v0 =	vld [tilespmem:s21+$0x13880];
	_ =	sdelay $0x4  }
0x18: {  	v1 =	vshll.u32 v0, $0x3;
	_ =	sdelay $0x4  }
0x19: {  	v0 =	vld.idx.msk [tilespmem:v1+s3+$0x0], $0xffff  }
0x1a: {  	v2 =	vor.u32 $0x1, v1;
	_ =	sdelay $0x3  }
0x1b: {  	[tilespmem:s21+$0x14050] =	vst v0  }
0x1c: {  	v0 =	vld.idx.msk [tilespmem:v2+s3+$0x0], $0xffff  }
0x1d: {  	v2 =	vor.u32 $0x2, v1;
	_ =	sdelay $0x3  }
0x1e: {  	[tilespmem:s21+$0x14820] =	vst v0  }
0x1f: {  	v0 =	vld.idx.msk [tilespmem:v2+s3+$0x0], $0xffff  }
0x20: {  	v2 =	vor.u32 $0x3, v1;
	_ =	sdelay $0x3  }
0x21: {  	[tilespmem:s21+$0x14FF0] =	vst v0  }
0x22: {  	v0 =	vld.idx.msk [tilespmem:v2+s3+$0x0], $0xffff  }
0x23: {  	v2 =	vor.u32 $0x4, v1;
	_ =	sdelay $0x3  }
0x24: {  	[tilespmem:s21+$0x157C0] =	vst v0  }
0x25: {  	v0 =	vld.idx.msk [tilespmem:v2+s3+$0x0], $0xffff  }
0x26: {  	v2 =	vor.u32 $0x5, v1;
	_ =	sdelay $0x3  }
0x27: {  	[tilespmem:s21+$0x15F90] =	vst v0  }
0x28: {  	v0 =	vld.idx.msk [tilespmem:v2+s3+$0x0], $0xffff  }
0x29: {  	v2 =	vor.u32 $0x6, v1;
	_ =	sdelay $0x3  }
0x2a: {  	[tilespmem:s21+$0x16760] =	vst v0  }
0x2b: {  	v0 =	vld.idx.msk [tilespmem:v2+s3+$0x0], $0xffff  }
0x2c: {  	v1 =	vor.u32 $0x7, v1  }
0x2d: {  	s23 =	simm.s32 $0x10;
	s22 =	simm.s32 $0x80  }
.LBB2_2:
0x2e: {  	p0 =	sne.s32 s22, $0x1F00;
	v2 =	vld [tilespmem:s23+$0x13880];
	_ =	sdelay $0x1  }
0x2f: {  	[tilespmem:s21+$0x16F30] =	vst v0  }
0x30: {  	v0 =	vld.idx.msk [tilespmem:v1+s3+$0x0], $0xffff;
	_ =	sdelay $0x1  }
0x31: {  	v1 =	vshll.u32 v2, $0x3;
	_ =	sdelay $0x3  }
0x32: {  	[tilespmem:s21+$0x17700] =	vst v0;
	s21 =	smov.u32 s23  }
0x33: {  	v0 =	vld.idx.msk [tilespmem:v1+s3+$0x0], $0xffff;
	_ =	sdelay $0x1  }
0x34: {  	v2 =	vor.u32 $0x1, v1;
	_ =	sdelay $0x3  }
0x35: {  	[tilespmem:s21+$0x14050] =	vst v0  }
0x36: {  	v0 =	vld.idx.msk [tilespmem:v2+s3+$0x0], $0xffff;
	_ =	sdelay $0x1  }
0x37: {  	v2 =	vor.u32 $0x2, v1;
	_ =	sdelay $0x3  }
0x38: {  	[tilespmem:s21+$0x14820] =	vst v0  }
0x39: {  	v0 =	vld.idx.msk [tilespmem:v2+s3+$0x0], $0xffff;
	_ =	sdelay $0x1  }
0x3a: {  	v2 =	vor.u32 $0x3, v1;
	_ =	sdelay $0x3  }
0x3b: {  	[tilespmem:s21+$0x14FF0] =	vst v0  }
0x3c: {  	v0 =	vld.idx.msk [tilespmem:v2+s3+$0x0], $0xffff;
	_ =	sdelay $0x1  }
0x3d: {  	v2 =	vor.u32 $0x4, v1;
	_ =	sdelay $0x3  }
0x3e: {  	[tilespmem:s21+$0x157C0] =	vst v0  }
0x3f: {  	v0 =	vld.idx.msk [tilespmem:v2+s3+$0x0], $0xffff;
	_ =	sdelay $0x1  }
0x40: {  	v2 =	vor.u32 $0x5, v1;
	_ =	sdelay $0x3  }
0x41: {  	[tilespmem:s21+$0x15F90] =	vst v0  }
0x42: {  	v0 =	vld.idx.msk [tilespmem:v2+s3+$0x0], $0xffff;
	_ =	sdelay $0x1  }
0x43: {  	v2 =	vor.u32 $0x6, v1;
	_ =	sdelay $0x3  }
.Ltmp0:
0x44: {  	[tilespmem:s21+$0x16760] =	vst v0;
	(pc) =	sbr.rel @p0 .LBB2_2-.Ltmp0, $3  }
0x45: {  	v0 =	vld.idx.msk [tilespmem:v2+s3+$0x0], $0xffff;
	_ =	sdelay $0x1  }
0x46: {  	v1 =	vor.u32 $0x7, v1  }
0x47: {  	s23 =	sshra.s32 s22, $0x2;
	s22 =	sadd.s32 $0x40, s22  }
0x48: {  	v2 =	vld [tilespmem:s23+$0x13880];
	_ =	sdelay $0x2  }
0x49: {  	[tilespmem:s21+$0x16F30] =	vst v0  }
0x4a: {  	v0 =	vld.idx.msk [tilespmem:v1+s3+$0x0], $0xffff  }
0x4b: {  	v1 =	vshll.u32 v2, $0x3;
	_ =	sdelay $0x3  }
0x4c: {  	[tilespmem:s21+$0x17700] =	vst v0  }
0x4d: {  	v0 =	vld.idx.msk [tilespmem:v1+s3+$0x0], $0xffff  }
0x4e: {  	v2 =	vor.u32 $0x1, v1;
	_ =	sdelay $0x3  }
0x4f: {  	[tilespmem:s23+$0x14050] =	vst v0  }
0x50: {  	v0 =	vld.idx.msk [tilespmem:v2+s3+$0x0], $0xffff  }
0x51: {  	v2 =	vor.u32 $0x2, v1;
	_ =	sdelay $0x3  }
0x52: {  	[tilespmem:s23+$0x14820] =	vst v0  }
0x53: {  	v0 =	vld.idx.msk [tilespmem:v2+s3+$0x0], $0xffff  }
0x54: {  	v2 =	vor.u32 $0x3, v1;
	_ =	sdelay $0x3  }
0x55: {  	[tilespmem:s23+$0x14FF0] =	vst v0  }
0x56: {  	v0 =	vld.idx.msk [tilespmem:v2+s3+$0x0], $0xffff  }
0x57: {  	v2 =	vor.u32 $0x4, v1;
	_ =	sdelay $0x3  }
0x58: {  	[tilespmem:s23+$0x157C0] =	vst v0  }
0x59: {  	v0 =	vld.idx.msk [tilespmem:v2+s3+$0x0], $0xffff  }
0x5a: {  	v2 =	vor.u32 $0x5, v1;
	_ =	sdelay $0x3  }
0x5b: {  	[tilespmem:s23+$0x15F90] =	vst v0  }
0x5c: {  	v0 =	vld.idx.msk [tilespmem:v2+s3+$0x0], $0xffff  }
0x5d: {  	v2 =	vor.u32 $0x6, v1;
	_ =	sdelay $0x3  }
0x5e: {  	[tilespmem:s23+$0x16760] =	vst v0  }
0x5f: {  	v0 =	vld.idx.msk [tilespmem:v2+s3+$0x0], $0xffff  }
0x60: {  	v1 =	vor.u32 $0x7, v1;
	_ =	sdelay $0x3  }
0x61: {  	[tilespmem:s23+$0x16F30] =	vst v0  }
0x62: {  	v0 =	vld.idx.msk [tilespmem:v1+s3+$0x0], $0xffff;
	_ =	sdelay $0x4  }
0x63: {  	[tilespmem:s23+$0x17700] =	vst v0  }
0x64: {  	[hbm4b:s5+s17] =	stream.strided.scatter [tilespmem:s19], [sflag:$0x1], $0x3E80, s18, s17, $0x38;
	[tilespmem:$0x17ED0] =	vst v63  }
0x65: {  	_ =	swait.ge [sflag:s15], $0x3E80  }
0x66: {  	[sflag:s15] =	ssyncset.done $0x0  }
0x67: {  	s31 =	simm.s32 $0x0;
	[sflag:s15] =	ssyncadd.s32 $0xFFFFC180  }
0x68: {  	[tilespmem:s16], [sflag:$0x1] =	stream.linear.gather [hbm4b:s6+s31], $0x7D0, $0x38;
	[tilespmem:$0x17ED0] =	vst v63  }
0x69: {  	_ =	swait.ge [sflag:s15], $0x7D0  }
0x6a: {  	[sflag:s15] =	ssyncset.done $0x0  }
0x6b: {  	s21 =	simm.s32 $0x0;
	[sflag:s15] =	ssyncadd.s32 $0xFFFFF830  }
0x6c: {  	v0 =	vld [tilespmem:s21+$0x13880];
	_ =	sdelay $0x4  }
0x6d: {  	v1 =	vshll.u32 v0, $0x3;
	_ =	sdelay $0x4  }
0x6e: {  	v0 =	vld.idx.msk [tilespmem:v1+s3+$0x0], $0xffff  }
0x6f: {  	v2 =	vor.u32 $0x1, v1;
	_ =	sdelay $0x3  }
0x70: {  	[tilespmem:s21+$0x14050] =	vst v0  }
0x71: {  	v0 =	vld.idx.msk [tilespmem:v2+s3+$0x0], $0xffff  }
0x72: {  	v2 =	vor.u32 $0x2, v1;
	_ =	sdelay $0x3  }
0x73: {  	[tilespmem:s21+$0x14820] =	vst v0  }
0x74: {  	v0 =	vld.idx.msk [tilespmem:v2+s3+$0x0], $0xffff  }
0x75: {  	v2 =	vor.u32 $0x3, v1;
	_ =	sdelay $0x3  }
0x76: {  	[tilespmem:s21+$0x14FF0] =	vst v0  }
0x77: {  	v0 =	vld.idx.msk [tilespmem:v2+s3+$0x0], $0xffff  }
0x78: {  	v2 =	vor.u32 $0x4, v1;
	_ =	sdelay $0x3  }
0x79: {  	[tilespmem:s21+$0x157C0] =	vst v0  }
0x7a: {  	v0 =	vld.idx.msk [tilespmem:v2+s3+$0x0], $0xffff  }
0x7b: {  	v2 =	vor.u32 $0x5, v1;
	_ =	sdelay $0x3  }
0x7c: {  	[tilespmem:s21+$0x15F90] =	vst v0  }
0x7d: {  	v0 =	vld.idx.msk [tilespmem:v2+s3+$0x0], $0xffff  }
0x7e: {  	v2 =	vor.u32 $0x6, v1;
	_ =	sdelay $0x3  }
0x7f: {  	[tilespmem:s21+$0x16760] =	vst v0  }
0x80: {  	v0 =	vld.idx.msk [tilespmem:v2+s3+$0x0], $0xffff  }
0x81: {  	v1 =	vor.u32 $0x7, v1  }
0x82: {  	s22 =	simm.s32 $0x80;
	s23 =	simm.s32 $0x10  }
.LBB2_4:
0x83: {  	p0 =	sne.s32 s22, $0x1F00;
	v2 =	vld [tilespmem:s23+$0x13880];
	_ =	sdelay $0x1  }
0x84: {  	[tilespmem:s21+$0x16F30] =	vst v0  }
0x85: {  	v0 =	vld.idx.msk [tilespmem:v1+s3+$0x0], $0xffff;
	_ =	sdelay $0x1  }
0x86: {  	v1 =	vshll.u32 v2, $0x3;
	_ =	sdelay $0x3  }
0x87: {  	[tilespmem:s21+$0x17700] =	vst v0;
	s21 =	smov.u32 s23  }
0x88: {  	v0 =	vld.idx.msk [tilespmem:v1+s3+$0x0], $0xffff;
	_ =	sdelay $0x1  }
0x89: {  	v2 =	vor.u32 $0x1, v1;
	_ =	sdelay $0x3  }
0x8a: {  	[tilespmem:s21+$0x14050] =	vst v0  }
0x8b: {  	v0 =	vld.idx.msk [tilespmem:v2+s3+$0x0], $0xffff;
	_ =	sdelay $0x1  }
0x8c: {  	v2 =	vor.u32 $0x2, v1;
	_ =	sdelay $0x3  }
0x8d: {  	[tilespmem:s21+$0x14820] =	vst v0  }
0x8e: {  	v0 =	vld.idx.msk [tilespmem:v2+s3+$0x0], $0xffff;
	_ =	sdelay $0x1  }
0x8f: {  	v2 =	vor.u32 $0x3, v1;
	_ =	sdelay $0x3  }
0x90: {  	[tilespmem:s21+$0x14FF0] =	vst v0  }
0x91: {  	v0 =	vld.idx.msk [tilespmem:v2+s3+$0x0], $0xffff;
	_ =	sdelay $0x1  }
0x92: {  	v2 =	vor.u32 $0x4, v1;
	_ =	sdelay $0x3  }
0x93: {  	[tilespmem:s21+$0x157C0] =	vst v0  }
0x94: {  	v0 =	vld.idx.msk [tilespmem:v2+s3+$0x0], $0xffff;
	_ =	sdelay $0x1  }
0x95: {  	v2 =	vor.u32 $0x5, v1;
	_ =	sdelay $0x3  }
0x96: {  	[tilespmem:s21+$0x15F90] =	vst v0  }
0x97: {  	v0 =	vld.idx.msk [tilespmem:v2+s3+$0x0], $0xffff;
	_ =	sdelay $0x1  }
0x98: {  	v2 =	vor.u32 $0x6, v1;
	_ =	sdelay $0x3  }
.Ltmp1:
0x99: {  	[tilespmem:s21+$0x16760] =	vst v0;
	(pc) =	sbr.rel @p0 .LBB2_4-.Ltmp1, $3  }
0x9a: {  	v0 =	vld.idx.msk [tilespmem:v2+s3+$0x0], $0xffff;
	_ =	sdelay $0x1  }
0x9b: {  	v1 =	vor.u32 $0x7, v1  }
0x9c: {  	s23 =	sshra.s32 s22, $0x2;
	s22 =	sadd.s32 $0x40, s22  }
0x9d: {  	v2 =	vld [tilespmem:s23+$0x13880];
	_ =	sdelay $0x2  }
0x9e: {  	[tilespmem:s21+$0x16F30] =	vst v0  }
0x9f: {  	v0 =	vld.idx.msk [tilespmem:v1+s3+$0x0], $0xffff  }
0xa0: {  	v1 =	vshll.u32 v2, $0x3;
	_ =	sdelay $0x3  }
0xa1: {  	[tilespmem:s21+$0x17700] =	vst v0  }
0xa2: {  	v0 =	vld.idx.msk [tilespmem:v1+s3+$0x0], $0xffff  }
0xa3: {  	v2 =	vor.u32 $0x1, v1;
	_ =	sdelay $0x3  }
0xa4: {  	[tilespmem:s23+$0x14050] =	vst v0  }
0xa5: {  	v0 =	vld.idx.msk [tilespmem:v2+s3+$0x0], $0xffff  }
0xa6: {  	v2 =	vor.u32 $0x2, v1;
	_ =	sdelay $0x3  }
0xa7: {  	[tilespmem:s23+$0x14820] =	vst v0  }
0xa8: {  	v0 =	vld.idx.msk [tilespmem:v2+s3+$0x0], $0xffff  }
0xa9: {  	v2 =	vor.u32 $0x3, v1;
	_ =	sdelay $0x3  }
0xaa: {  	[tilespmem:s23+$0x14FF0] =	vst v0  }
0xab: {  	v0 =	vld.idx.msk [tilespmem:v2+s3+$0x0], $0xffff  }
0xac: {  	v2 =	vor.u32 $0x4, v1;
	_ =	sdelay $0x3  }
0xad: {  	[tilespmem:s23+$0x157C0] =	vst v0  }
0xae: {  	v0 =	vld.idx.msk [tilespmem:v2+s3+$0x0], $0xffff  }
0xaf: {  	v2 =	vor.u32 $0x5, v1;
	_ =	sdelay $0x3  }
0xb0: {  	[tilespmem:s23+$0x15F90] =	vst v0  }
0xb1: {  	v0 =	vld.idx.msk [tilespmem:v2+s3+$0x0], $0xffff  }
0xb2: {  	v2 =	vor.u32 $0x6, v1;
	_ =	sdelay $0x3  }
0xb3: {  	[tilespmem:s23+$0x16760] =	vst v0  }
0xb4: {  	v0 =	vld.idx.msk [tilespmem:v2+s3+$0x0], $0xffff  }
0xb5: {  	v1 =	vor.u32 $0x7, v1;
	_ =	sdelay $0x3  }
0xb6: {  	[tilespmem:s23+$0x16F30] =	vst v0  }
0xb7: {  	v0 =	vld.idx.msk [tilespmem:v1+s3+$0x0], $0xffff;
	_ =	sdelay $0x4  }
0xb8: {  	[tilespmem:s23+$0x17700] =	vst v0  }
0xb9: {  	[hbm4b:s7+s17] =	stream.strided.scatter [tilespmem:s19], [sflag:$0x1], $0x3E80, s18, s17, $0x38;
	[tilespmem:$0x17ED0] =	vst v63  }
0xba: {  	_ =	swait.ge [sflag:s15], $0x3E80  }
0xbb: {  	[sflag:s15] =	ssyncset.done $0x0  }
0xbc: {  	s31 =	simm.s32 $0x0;
	[sflag:s15] =	ssyncadd.s32 $0xFFFFC180  }
0xbd: {  	[tilespmem:s16], [sflag:$0x1] =	stream.linear.gather [hbm4b:s8+s31], $0x7D0, $0x38;
	[tilespmem:$0x17ED0] =	vst v63  }
0xbe: {  	_ =	swait.ge [sflag:s15], $0x7D0  }
0xbf: {  	[sflag:s15] =	ssyncset.done $0x0  }
0xc0: {  	s21 =	simm.s32 $0x0;
	[sflag:s15] =	ssyncadd.s32 $0xFFFFF830  }
0xc1: {  	v0 =	vld [tilespmem:s21+$0x13880];
	_ =	sdelay $0x4  }
0xc2: {  	v1 =	vshll.u32 v0, $0x3;
	_ =	sdelay $0x4  }
0xc3: {  	v0 =	vld.idx.msk [tilespmem:v1+s3+$0x0], $0xffff  }
0xc4: {  	v2 =	vor.u32 $0x1, v1;
	_ =	sdelay $0x3  }
0xc5: {  	[tilespmem:s21+$0x14050] =	vst v0  }
0xc6: {  	v0 =	vld.idx.msk [tilespmem:v2+s3+$0x0], $0xffff  }
0xc7: {  	v2 =	vor.u32 $0x2, v1;
	_ =	sdelay $0x3  }
0xc8: {  	[tilespmem:s21+$0x14820] =	vst v0  }
0xc9: {  	v0 =	vld.idx.msk [tilespmem:v2+s3+$0x0], $0xffff  }
0xca: {  	v2 =	vor.u32 $0x3, v1;
	_ =	sdelay $0x3  }
0xcb: {  	[tilespmem:s21+$0x14FF0] =	vst v0  }
0xcc: {  	v0 =	vld.idx.msk [tilespmem:v2+s3+$0x0], $0xffff  }
0xcd: {  	v2 =	vor.u32 $0x4, v1;
	_ =	sdelay $0x3  }
0xce: {  	[tilespmem:s21+$0x157C0] =	vst v0  }
0xcf: {  	v0 =	vld.idx.msk [tilespmem:v2+s3+$0x0], $0xffff  }
0xd0: {  	v2 =	vor.u32 $0x5, v1;
	_ =	sdelay $0x3  }
0xd1: {  	[tilespmem:s21+$0x15F90] =	vst v0  }
0xd2: {  	v0 =	vld.idx.msk [tilespmem:v2+s3+$0x0], $0xffff  }
0xd3: {  	v2 =	vor.u32 $0x6, v1;
	_ =	sdelay $0x3  }
0xd4: {  	[tilespmem:s21+$0x16760] =	vst v0  }
0xd5: {  	v0 =	vld.idx.msk [tilespmem:v2+s3+$0x0], $0xffff  }
0xd6: {  	v1 =	vor.u32 $0x7, v1  }
0xd7: {  	s22 =	simm.s32 $0x80;
	s23 =	simm.s32 $0x10  }
.LBB2_6:
0xd8: {  	p0 =	sne.s32 s22, $0x1F00;
	v2 =	vld [tilespmem:s23+$0x13880];
	_ =	sdelay $0x1  }
0xd9: {  	[tilespmem:s21+$0x16F30] =	vst v0  }
0xda: {  	v0 =	vld.idx.msk [tilespmem:v1+s3+$0x0], $0xffff;
	_ =	sdelay $0x1  }
0xdb: {  	v1 =	vshll.u32 v2, $0x3;
	_ =	sdelay $0x3  }
0xdc: {  	[tilespmem:s21+$0x17700] =	vst v0;
	s21 =	smov.u32 s23  }
0xdd: {  	v0 =	vld.idx.msk [tilespmem:v1+s3+$0x0], $0xffff;
	_ =	sdelay $0x1  }
0xde: {  	v2 =	vor.u32 $0x1, v1;
	_ =	sdelay $0x3  }
0xdf: {  	[tilespmem:s21+$0x14050] =	vst v0  }
0xe0: {  	v0 =	vld.idx.msk [tilespmem:v2+s3+$0x0], $0xffff;
	_ =	sdelay $0x1  }
0xe1: {  	v2 =	vor.u32 $0x2, v1;
	_ =	sdelay $0x3  }
0xe2: {  	[tilespmem:s21+$0x14820] =	vst v0  }
0xe3: {  	v0 =	vld.idx.msk [tilespmem:v2+s3+$0x0], $0xffff;
	_ =	sdelay $0x1  }
0xe4: {  	v2 =	vor.u32 $0x3, v1;
	_ =	sdelay $0x3  }
0xe5: {  	[tilespmem:s21+$0x14FF0] =	vst v0  }
0xe6: {  	v0 =	vld.idx.msk [tilespmem:v2+s3+$0x0], $0xffff;
	_ =	sdelay $0x1  }
0xe7: {  	v2 =	vor.u32 $0x4, v1;
	_ =	sdelay $0x3  }
0xe8: {  	[tilespmem:s21+$0x157C0] =	vst v0  }
0xe9: {  	v0 =	vld.idx.msk [tilespmem:v2+s3+$0x0], $0xffff;
	_ =	sdelay $0x1  }
0xea: {  	v2 =	vor.u32 $0x5, v1;
	_ =	sdelay $0x3  }
0xeb: {  	[tilespmem:s21+$0x15F90] =	vst v0  }
0xec: {  	v0 =	vld.idx.msk [tilespmem:v2+s3+$0x0], $0xffff;
	_ =	sdelay $0x1  }
0xed: {  	v2 =	vor.u32 $0x6, v1;
	_ =	sdelay $0x3  }
.Ltmp2:
0xee: {  	[tilespmem:s21+$0x16760] =	vst v0;
	(pc) =	sbr.rel @p0 .LBB2_6-.Ltmp2, $3  }
0xef: {  	v0 =	vld.idx.msk [tilespmem:v2+s3+$0x0], $0xffff;
	_ =	sdelay $0x1  }
0xf0: {  	v1 =	vor.u32 $0x7, v1  }
0xf1: {  	s23 =	sshra.s32 s22, $0x2;
	s22 =	sadd.s32 $0x40, s22  }
0xf2: {  	v2 =	vld [tilespmem:s23+$0x13880];
	_ =	sdelay $0x2  }
0xf3: {  	[tilespmem:s21+$0x16F30] =	vst v0  }
0xf4: {  	v0 =	vld.idx.msk [tilespmem:v1+s3+$0x0], $0xffff  }
0xf5: {  	v1 =	vshll.u32 v2, $0x3;
	_ =	sdelay $0x3  }
0xf6: {  	[tilespmem:s21+$0x17700] =	vst v0  }
0xf7: {  	v0 =	vld.idx.msk [tilespmem:v1+s3+$0x0], $0xffff  }
0xf8: {  	v2 =	vor.u32 $0x1, v1;
	_ =	sdelay $0x3  }
0xf9: {  	[tilespmem:s23+$0x14050] =	vst v0  }
0xfa: {  	v0 =	vld.idx.msk [tilespmem:v2+s3+$0x0], $0xffff  }
0xfb: {  	v2 =	vor.u32 $0x2, v1;
	_ =	sdelay $0x3  }
0xfc: {  	[tilespmem:s23+$0x14820] =	vst v0  }
0xfd: {  	v0 =	vld.idx.msk [tilespmem:v2+s3+$0x0], $0xffff  }
0xfe: {  	v2 =	vor.u32 $0x3, v1;
	_ =	sdelay $0x3  }
0xff: {  	[tilespmem:s23+$0x14FF0] =	vst v0  }
0x100: {  	v0 =	vld.idx.msk [tilespmem:v2+s3+$0x0], $0xffff  }
0x101: {  	v2 =	vor.u32 $0x4, v1;
	_ =	sdelay $0x3  }
0x102: {  	[tilespmem:s23+$0x157C0] =	vst v0  }
0x103: {  	v0 =	vld.idx.msk [tilespmem:v2+s3+$0x0], $0xffff  }
0x104: {  	v2 =	vor.u32 $0x5, v1;
	_ =	sdelay $0x3  }
0x105: {  	[tilespmem:s23+$0x15F90] =	vst v0  }
0x106: {  	v0 =	vld.idx.msk [tilespmem:v2+s3+$0x0], $0xffff  }
0x107: {  	v2 =	vor.u32 $0x6, v1;
	_ =	sdelay $0x3  }
0x108: {  	[tilespmem:s23+$0x16760] =	vst v0  }
0x109: {  	v0 =	vld.idx.msk [tilespmem:v2+s3+$0x0], $0xffff  }
0x10a: {  	v1 =	vor.u32 $0x7, v1;
	_ =	sdelay $0x3  }
0x10b: {  	[tilespmem:s23+$0x16F30] =	vst v0  }
0x10c: {  	v0 =	vld.idx.msk [tilespmem:v1+s3+$0x0], $0xffff;
	_ =	sdelay $0x4  }
0x10d: {  	[tilespmem:s23+$0x17700] =	vst v0  }
0x10e: {  	[hbm4b:s9+s17] =	stream.strided.scatter [tilespmem:s19], [sflag:$0x1], $0x3E80, s18, s17, $0x38;
	[tilespmem:$0x17ED0] =	vst v63  }
0x10f: {  	_ =	swait.ge [sflag:s15], $0x3E80  }
0x110: {  	[sflag:s15] =	ssyncset.done $0x0  }
0x111: {  	s31 =	simm.s32 $0x0;
	[sflag:s15] =	ssyncadd.s32 $0xFFFFC180  }
0x112: {  	[tilespmem:s16], [sflag:$0x1] =	stream.linear.gather [hbm4b:s10+s31], $0x7D0, $0x38;
	[tilespmem:$0x17ED0] =	vst v63  }
0x113: {  	_ =	swait.ge [sflag:s15], $0x7D0  }
0x114: {  	[sflag:s15] =	ssyncset.done $0x0  }
0x115: {  	s21 =	simm.s32 $0x0;
	[sflag:s15] =	ssyncadd.s32 $0xFFFFF830  }
0x116: {  	v0 =	vld [tilespmem:s21+$0x13880];
	_ =	sdelay $0x4  }
0x117: {  	v1 =	vshll.u32 v0, $0x3;
	_ =	sdelay $0x4  }
0x118: {  	v0 =	vld.idx.msk [tilespmem:v1+s3+$0x0], $0xffff  }
0x119: {  	v2 =	vor.u32 $0x1, v1;
	_ =	sdelay $0x3  }
0x11a: {  	[tilespmem:s21+$0x14050] =	vst v0  }
0x11b: {  	v0 =	vld.idx.msk [tilespmem:v2+s3+$0x0], $0xffff  }
0x11c: {  	v2 =	vor.u32 $0x2, v1;
	_ =	sdelay $0x3  }
0x11d: {  	[tilespmem:s21+$0x14820] =	vst v0  }
0x11e: {  	v0 =	vld.idx.msk [tilespmem:v2+s3+$0x0], $0xffff  }
0x11f: {  	v2 =	vor.u32 $0x3, v1;
	_ =	sdelay $0x3  }
0x120: {  	[tilespmem:s21+$0x14FF0] =	vst v0  }
0x121: {  	v0 =	vld.idx.msk [tilespmem:v2+s3+$0x0], $0xffff  }
0x122: {  	v2 =	vor.u32 $0x4, v1;
	_ =	sdelay $0x3  }
0x123: {  	[tilespmem:s21+$0x157C0] =	vst v0  }
0x124: {  	v0 =	vld.idx.msk [tilespmem:v2+s3+$0x0], $0xffff  }
0x125: {  	v2 =	vor.u32 $0x5, v1;
	_ =	sdelay $0x3  }
0x126: {  	[tilespmem:s21+$0x15F90] =	vst v0  }
0x127: {  	v0 =	vld.idx.msk [tilespmem:v2+s3+$0x0], $0xffff  }
0x128: {  	v2 =	vor.u32 $0x6, v1;
	_ =	sdelay $0x3  }
0x129: {  	[tilespmem:s21+$0x16760] =	vst v0  }
0x12a: {  	v0 =	vld.idx.msk [tilespmem:v2+s3+$0x0], $0xffff  }
0x12b: {  	v1 =	vor.u32 $0x7, v1  }
0x12c: {  	s22 =	simm.s32 $0x80;
	s23 =	simm.s32 $0x10  }
.LBB2_8:
0x12d: {  	p0 =	sne.s32 s22, $0x1F00;
	v2 =	vld [tilespmem:s23+$0x13880];
	_ =	sdelay $0x1  }
0x12e: {  	[tilespmem:s21+$0x16F30] =	vst v0  }
0x12f: {  	v0 =	vld.idx.msk [tilespmem:v1+s3+$0x0], $0xffff;
	_ =	sdelay $0x1  }
0x130: {  	v1 =	vshll.u32 v2, $0x3;
	_ =	sdelay $0x3  }
0x131: {  	[tilespmem:s21+$0x17700] =	vst v0;
	s21 =	smov.u32 s23  }
0x132: {  	v0 =	vld.idx.msk [tilespmem:v1+s3+$0x0], $0xffff;
	_ =	sdelay $0x1  }
0x133: {  	v2 =	vor.u32 $0x1, v1;
	_ =	sdelay $0x3  }
0x134: {  	[tilespmem:s21+$0x14050] =	vst v0  }
0x135: {  	v0 =	vld.idx.msk [tilespmem:v2+s3+$0x0], $0xffff;
	_ =	sdelay $0x1  }
0x136: {  	v2 =	vor.u32 $0x2, v1;
	_ =	sdelay $0x3  }
0x137: {  	[tilespmem:s21+$0x14820] =	vst v0  }
0x138: {  	v0 =	vld.idx.msk [tilespmem:v2+s3+$0x0], $0xffff;
	_ =	sdelay $0x1  }
0x139: {  	v2 =	vor.u32 $0x3, v1;
	_ =	sdelay $0x3  }
0x13a: {  	[tilespmem:s21+$0x14FF0] =	vst v0  }
0x13b: {  	v0 =	vld.idx.msk [tilespmem:v2+s3+$0x0], $0xffff;
	_ =	sdelay $0x1  }
0x13c: {  	v2 =	vor.u32 $0x4, v1;
	_ =	sdelay $0x3  }
0x13d: {  	[tilespmem:s21+$0x157C0] =	vst v0  }
0x13e: {  	v0 =	vld.idx.msk [tilespmem:v2+s3+$0x0], $0xffff;
	_ =	sdelay $0x1  }
0x13f: {  	v2 =	vor.u32 $0x5, v1;
	_ =	sdelay $0x3  }
0x140: {  	[tilespmem:s21+$0x15F90] =	vst v0  }
0x141: {  	v0 =	vld.idx.msk [tilespmem:v2+s3+$0x0], $0xffff;
	_ =	sdelay $0x1  }
0x142: {  	v2 =	vor.u32 $0x6, v1;
	_ =	sdelay $0x3  }
.Ltmp3:
0x143: {  	[tilespmem:s21+$0x16760] =	vst v0;
	(pc) =	sbr.rel @p0 .LBB2_8-.Ltmp3, $3  }
0x144: {  	v0 =	vld.idx.msk [tilespmem:v2+s3+$0x0], $0xffff;
	_ =	sdelay $0x1  }
0x145: {  	v1 =	vor.u32 $0x7, v1  }
0x146: {  	s23 =	sshra.s32 s22, $0x2;
	s22 =	sadd.s32 $0x40, s22  }
0x147: {  	v2 =	vld [tilespmem:s23+$0x13880];
	_ =	sdelay $0x2  }
0x148: {  	[tilespmem:s21+$0x16F30] =	vst v0  }
0x149: {  	v0 =	vld.idx.msk [tilespmem:v1+s3+$0x0], $0xffff  }
0x14a: {  	v1 =	vshll.u32 v2, $0x3;
	_ =	sdelay $0x3  }
0x14b: {  	[tilespmem:s21+$0x17700] =	vst v0  }
0x14c: {  	v0 =	vld.idx.msk [tilespmem:v1+s3+$0x0], $0xffff  }
0x14d: {  	v2 =	vor.u32 $0x1, v1;
	_ =	sdelay $0x3  }
0x14e: {  	[tilespmem:s23+$0x14050] =	vst v0  }
0x14f: {  	v0 =	vld.idx.msk [tilespmem:v2+s3+$0x0], $0xffff  }
0x150: {  	v2 =	vor.u32 $0x2, v1;
	_ =	sdelay $0x3  }
0x151: {  	[tilespmem:s23+$0x14820] =	vst v0  }
0x152: {  	v0 =	vld.idx.msk [tilespmem:v2+s3+$0x0], $0xffff  }
0x153: {  	v2 =	vor.u32 $0x3, v1;
	_ =	sdelay $0x3  }
0x154: {  	[tilespmem:s23+$0x14FF0] =	vst v0  }
0x155: {  	v0 =	vld.idx.msk [tilespmem:v2+s3+$0x0], $0xffff  }
0x156: {  	v2 =	vor.u32 $0x4, v1;
	_ =	sdelay $0x3  }
0x157: {  	[tilespmem:s23+$0x157C0] =	vst v0  }
0x158: {  	v0 =	vld.idx.msk [tilespmem:v2+s3+$0x0], $0xffff  }
0x159: {  	v2 =	vor.u32 $0x5, v1;
	_ =	sdelay $0x3  }
0x15a: {  	[tilespmem:s23+$0x15F90] =	vst v0  }
0x15b: {  	v0 =	vld.idx.msk [tilespmem:v2+s3+$0x0], $0xffff  }
0x15c: {  	v2 =	vor.u32 $0x6, v1;
	_ =	sdelay $0x3  }
0x15d: {  	[tilespmem:s23+$0x16760] =	vst v0  }
0x15e: {  	v0 =	vld.idx.msk [tilespmem:v2+s3+$0x0], $0xffff  }
0x15f: {  	v1 =	vor.u32 $0x7, v1;
	_ =	sdelay $0x3  }
0x160: {  	[tilespmem:s23+$0x16F30] =	vst v0  }
0x161: {  	v0 =	vld.idx.msk [tilespmem:v1+s3+$0x0], $0xffff;
	_ =	sdelay $0x4  }
0x162: {  	[tilespmem:s23+$0x17700] =	vst v0  }
0x163: {  	[hbm4b:s11+s17] =	stream.strided.scatter [tilespmem:s19], [sflag:$0x1], $0x3E80, s18, s17, $0x38;
	[tilespmem:$0x17ED0] =	vst v63  }
0x164: {  	_ =	swait.ge [sflag:s15], $0x3E80  }
0x165: {  	[sflag:s15] =	ssyncset.done $0x0  }
0x166: {  	s31 =	simm.s32 $0x0;
	[sflag:s15] =	ssyncadd.s32 $0xFFFFC180  }
0x167: {  	[tilespmem:s16], [sflag:$0x1] =	stream.linear.gather [hbm4b:s12+s31], $0x7D0, $0x38;
	[tilespmem:$0x17ED0] =	vst v63  }
0x168: {  	_ =	swait.ge [sflag:s15], $0x7D0  }
0x169: {  	[sflag:s15] =	ssyncset.done $0x0  }
0x16a: {  	s21 =	simm.s32 $0x0;
	[sflag:s15] =	ssyncadd.s32 $0xFFFFF830  }
0x16b: {  	v0 =	vld [tilespmem:s21+$0x13880];
	_ =	sdelay $0x4  }
0x16c: {  	v1 =	vshll.u32 v0, $0x3;
	_ =	sdelay $0x4  }
0x16d: {  	v0 =	vld.idx.msk [tilespmem:v1+s3+$0x0], $0xffff  }
0x16e: {  	v2 =	vor.u32 $0x1, v1;
	_ =	sdelay $0x3  }
0x16f: {  	[tilespmem:s21+$0x14050] =	vst v0  }
0x170: {  	v0 =	vld.idx.msk [tilespmem:v2+s3+$0x0], $0xffff  }
0x171: {  	v2 =	vor.u32 $0x2, v1;
	_ =	sdelay $0x3  }
0x172: {  	[tilespmem:s21+$0x14820] =	vst v0  }
0x173: {  	v0 =	vld.idx.msk [tilespmem:v2+s3+$0x0], $0xffff  }
0x174: {  	v2 =	vor.u32 $0x3, v1;
	_ =	sdelay $0x3  }
0x175: {  	[tilespmem:s21+$0x14FF0] =	vst v0  }
0x176: {  	v0 =	vld.idx.msk [tilespmem:v2+s3+$0x0], $0xffff  }
0x177: {  	v2 =	vor.u32 $0x4, v1;
	_ =	sdelay $0x3  }
0x178: {  	[tilespmem:s21+$0x157C0] =	vst v0  }
0x179: {  	v0 =	vld.idx.msk [tilespmem:v2+s3+$0x0], $0xffff  }
0x17a: {  	v2 =	vor.u32 $0x5, v1;
	_ =	sdelay $0x3  }
0x17b: {  	[tilespmem:s21+$0x15F90] =	vst v0  }
0x17c: {  	v0 =	vld.idx.msk [tilespmem:v2+s3+$0x0], $0xffff  }
0x17d: {  	v2 =	vor.u32 $0x6, v1;
	_ =	sdelay $0x3  }
0x17e: {  	[tilespmem:s21+$0x16760] =	vst v0  }
0x17f: {  	v0 =	vld.idx.msk [tilespmem:v2+s3+$0x0], $0xffff  }
0x180: {  	v1 =	vor.u32 $0x7, v1  }
0x181: {  	s22 =	simm.s32 $0x80;
	s23 =	simm.s32 $0x10  }
.LBB2_10:
0x182: {  	p0 =	sne.s32 s22, $0x1F00;
	v2 =	vld [tilespmem:s23+$0x13880];
	_ =	sdelay $0x1  }
0x183: {  	[tilespmem:s21+$0x16F30] =	vst v0  }
0x184: {  	v0 =	vld.idx.msk [tilespmem:v1+s3+$0x0], $0xffff;
	_ =	sdelay $0x1  }
0x185: {  	v1 =	vshll.u32 v2, $0x3;
	_ =	sdelay $0x3  }
0x186: {  	[tilespmem:s21+$0x17700] =	vst v0;
	s21 =	smov.u32 s23  }
0x187: {  	v0 =	vld.idx.msk [tilespmem:v1+s3+$0x0], $0xffff;
	_ =	sdelay $0x1  }
0x188: {  	v2 =	vor.u32 $0x1, v1;
	_ =	sdelay $0x3  }
0x189: {  	[tilespmem:s21+$0x14050] =	vst v0  }
0x18a: {  	v0 =	vld.idx.msk [tilespmem:v2+s3+$0x0], $0xffff;
	_ =	sdelay $0x1  }
0x18b: {  	v2 =	vor.u32 $0x2, v1;
	_ =	sdelay $0x3  }
0x18c: {  	[tilespmem:s21+$0x14820] =	vst v0  }
0x18d: {  	v0 =	vld.idx.msk [tilespmem:v2+s3+$0x0], $0xffff;
	_ =	sdelay $0x1  }
0x18e: {  	v2 =	vor.u32 $0x3, v1;
	_ =	sdelay $0x3  }
0x18f: {  	[tilespmem:s21+$0x14FF0] =	vst v0  }
0x190: {  	v0 =	vld.idx.msk [tilespmem:v2+s3+$0x0], $0xffff;
	_ =	sdelay $0x1  }
0x191: {  	v2 =	vor.u32 $0x4, v1;
	_ =	sdelay $0x3  }
0x192: {  	[tilespmem:s21+$0x157C0] =	vst v0  }
0x193: {  	v0 =	vld.idx.msk [tilespmem:v2+s3+$0x0], $0xffff;
	_ =	sdelay $0x1  }
0x194: {  	v2 =	vor.u32 $0x5, v1;
	_ =	sdelay $0x3  }
0x195: {  	[tilespmem:s21+$0x15F90] =	vst v0  }
0x196: {  	v0 =	vld.idx.msk [tilespmem:v2+s3+$0x0], $0xffff;
	_ =	sdelay $0x1  }
0x197: {  	v2 =	vor.u32 $0x6, v1;
	_ =	sdelay $0x3  }
.Ltmp4:
0x198: {  	[tilespmem:s21+$0x16760] =	vst v0;
	(pc) =	sbr.rel @p0 .LBB2_10-.Ltmp4, $3  }
0x199: {  	v0 =	vld.idx.msk [tilespmem:v2+s3+$0x0], $0xffff;
	_ =	sdelay $0x1  }
0x19a: {  	v1 =	vor.u32 $0x7, v1  }
0x19b: {  	s23 =	sshra.s32 s22, $0x2;
	s22 =	sadd.s32 $0x40, s22  }
0x19c: {  	v2 =	vld [tilespmem:s23+$0x13880];
	_ =	sdelay $0x2  }
0x19d: {  	[tilespmem:s21+$0x16F30] =	vst v0  }
0x19e: {  	v0 =	vld.idx.msk [tilespmem:v1+s3+$0x0], $0xffff  }
0x19f: {  	v58 =	vshll.u32 v2, $0x3;
	_ =	sdelay $0x3  }
0x1a0: {  	[tilespmem:s21+$0x17700] =	vst v0  }
0x1a1: {  	v0 =	vld.idx.msk [tilespmem:v58+s3+$0x0], $0xffff  }
0x1a2: {  	v2 =	vor.u32 $0x1, v58;
	_ =	sdelay $0x3  }
0x1a3: {  	[tilespmem:s23+$0x14050] =	vst v0  }
0x1a4: {  	v0 =	vld.idx.msk [tilespmem:v2+s3+$0x0], $0xffff  }
0x1a5: {  	v59 =	vor.u32 $0x2, v58;
	_ =	sdelay $0x3  }
0x1a6: {  	[tilespmem:s23+$0x14820] =	vst v0  }
0x1a7: {  	v0 =	vld.idx.msk [tilespmem:v59+s3+$0x0], $0xffff  }
0x1a8: {  	v60 =	vor.u32 $0x3, v58;
	_ =	sdelay $0x3  }
0x1a9: {  	[tilespmem:s23+$0x14FF0] =	vst v0  }
0x1aa: {  	v0 =	vld.idx.msk [tilespmem:v60+s3+$0x0], $0xffff  }
0x1ab: {  	v61 =	vor.u32 $0x4, v58;
	_ =	sdelay $0x3  }
0x1ac: {  	[tilespmem:s23+$0x157C0] =	vst v0  }
0x1ad: {  	v0 =	vld.idx.msk [tilespmem:v61+s3+$0x0], $0xffff  }
0x1ae: {  	v62 =	vor.u32 $0x5, v58;
	_ =	sdelay $0x3  }
0x1af: {  	[tilespmem:s23+$0x15F90] =	vst v0  }
0x1b0: {  	v0 =	vld.idx.msk [tilespmem:v62+s3+$0x0], $0xffff  }
0x1b1: {  	v63 =	vor.u32 $0x6, v58;
	_ =	sdelay $0x3  }
0x1b2: {  	[tilespmem:s23+$0x16760] =	vst v0  }
0x1b3: {  	v0 =	vld.idx.msk [tilespmem:v63+s3+$0x0], $0xffff  }
0x1b4: {  	v1 =	vor.u32 $0x7, v58;
	_ =	sdelay $0x3  }
0x1b5: {  	[tilespmem:s23+$0x16F30] =	vst v0  }
0x1b6: {  	v0 =	vld.idx.msk [tilespmem:v1+s3+$0x0], $0xffff;
	_ =	sdelay $0x2  }
0x1b7: {  	s20 =	sadd.s32 $0x1, s20  }
0x1b8: {  	p0 =	sne.s32 s20, s14  }
.Ltmp5:
0x1b9: {  	[tilespmem:s23+$0x17700] =	vst v0;
	(pc) =	sbr.rel @p0 .LBB2_1-.Ltmp5, $4  }
0x1ba: {  	[hbm4b:s13+s17] =	stream.strided.scatter [tilespmem:s19], [sflag:$0x1], $0x3E80, s18, s17, $0x38;
	[tilespmem:$0x17ED0] =	vst v63  }
0x1bb: {  	_ =	swait.ge [sflag:s15], $0x3E80  }
0x1bc: {  	[sflag:s15] =	ssyncset.done $0x0  }
0x1bd: {  	[sflag:s15] =	ssyncadd.s32 $0xFFFFC180  }
0x1be: {  	_ =	sfence.sel $0x180000  }
0x1bf: {  	[bflag:$0x0] =	sbarrier.arrive $0xFFFF  }
0x1c0: {  	p0 =	sne.s32 s0, $0x0;
	_ =	strace $0x9000004A  }
0x1c1: {  	s0 =	sadd.s32 @!p0 $0x100000, s1;
	[bflag:$0x2] =	sbarrier.arrive $0xFFFF  }
0x1c2: {  	[sflag:s0] =	ssyncadd.tile.s32 @!p0 $0x1;
	_ =	shalt  }
.Lfunc_end2:
_tile_overlayer_lowered:
.L_overlay_start_2:
0x1c3: {  	(tag) =	ssettag $0x2  }
0x1c4: {  	s0 =	rddreg [dreg:$0x0];
	s2 =	stileid.u32  }
0x1c5: {  	s1 =	rddreg [dreg:$0x1];
	p0 =	sne.s32 s2, $0x0  }
0x1c6: {  	s3 =	rddreg [dreg:$0x2];
	[bflag:$0x3] =	sbarrier.arrive $0xFFFF;
	s2 =	simm.s32 @!p0 $0x1C01  }
0x1c7: {  	[timem:s3], [sflag:s2] =	dma.local @!p0 [hbm:s0], s1  }
0x1c8: {  	s0 =	simm.s32 @!p0 $0x1  }
0x1c9: {  	_ =	swait.ge @!p0 [sflag:s0], s1  }
0x1ca: {  	s1 =	ssub.s32 @!p0 $0x0, s1;
	[sflag:s0] =	ssyncset.done @!p0 $0x0  }
0x1cb: {  	[sflag:s0] =	ssyncadd.s32 @!p0 s1  }
0x1cc: {  	[bflag:$0x3] =	sbarrier.arrive $0xFFFF  }
0x1cd: {  	_ =	shalt  }

// kernel: kernel.14.cloned.1.call-start
scs
__scs_entry_jumppad:
0x0: {  	(pc) =	sbr.rel $0x88, $3  }
0x1: {  	(tag) =	ssettag $0x0;
	lr =	simm.s32 $0x1  }
0x2: {  	[smem:$0x3F98] =	sst lr;
	_ =	strace $0xD0000000  }
0x3: {  	_ = 	snop  }
0x4: {  	_ = 	snop  }
0x5: {  	_ = 	snop  }
0x6: {  	_ = 	snop  }
0x7: {  	_ = 	snop  }
__scs_overlays_trampoline_lowered:
0x8: {  	[smem:$0x3FA7] =	sst s0  }
0x9: {  	[smem:$0x3FA8] =	sst s1  }
0xa: {  	[smem:$0x3FA9] =	sst s2  }
0xb: {  	[smem:$0x3FAA] =	sst s3  }
0xc: {  	[smem:$0x3FAB] =	sst s4  }
0xd: {  	[smem:$0x3FAC] =	sst s5  }
0xe: {  	[smem:$0x3FAD] =	sst s6  }
0xf: {  	[smem:$0x3FAE] =	sst s7  }
0x10: {  	[smem:$0x3FAF] =	sst s8  }
0x11: {  	[smem:$0x3FB0] =	sst s9;
	s0 =	simm.s32 @!p0 $0x0  }
0x12: {  	s1 =	sld [smem:$0x3F96];
	s0 =	simm.s32 @p0 $0x1  }
0x13: {  	[smem:$0x3FB1] =	sst s0;
	s0 =	simm.s32 @!p1 $0x0  }
0x14: {  	s2 =	sld [smem:$0x3F95];
	s0 =	simm.s32 @p1 $0x1  }
0x15: {  	[smem:$0x3FB2] =	sst s0;
	s0 =	simm.s32 @!p2 $0x0  }
0x16: {  	s3 =	sld [smem:$0x3FDB];
	s0 =	simm.s32 @p2 $0x1  }
0x17: {  	s4 =	simm.s32 $0x1BF5;
	[smem:$0x3FB4] =	sst s0  }
0x18: {  	s0 =	sld [smem:$0x3F97];
	_ =	swait.ge [sflag:s4], $0x0  }
0x19: {  	s7 =	sld [smem:$0x3F98]  }
0x1a: {  	s8 =	sadd.s32 $0xFFFFE003, lr  }
0x1b: {  	s9 =	sadd.s32 $0xFFFFFEF7, lr;
	s5 =	simm.s32 $0xFFFFFFFF;
	p2 =	slt.u32 s8, $0xFFFFF086  }
0x1c: {  	p1 =	slt.u32 s9, $0xF7A;
	s5 =	simm.s32 @!p2 $0x0  }
0x1d: {  	s5 =	simm.s32 @p1 $0x1;
	p0 =	seq.s32 s7, s2  }
0x1e: {  	s7 =	smul.u32 @!p0 $0xF7A, s2;
	p2 =	seq.s32 @!p0 s5, $0x0  }
0x1f: {  	s9 =	smul.u32 $0xF7A, s1;
	s8 =	simm.s32 @!p0 $0x1BF5;
	p2 =	por !p2, p0  }
0x20: {  	[sflag:s8] =	ssyncset.s32 @!p0 $0xFFFFF086;
	s6 =	sadd.s32 @!p0 s3, s7;
	s7 =	simm.s32 @!p0 $0x108  }
0x21: {  	s3 =	sadd.s32 s3, s9;
	s6 =	sadd.s32 @!p0 $0x88, s6;
	s7 =	simm.s32 @p2 $0x1082  }
0x22: {  	[simem:s7], [sflag:s8] =	dma.local @!p0 [hbm:s6], $0xF7A  }
0x23: {  	s9 =	sor.u32 $0xD0000000, s2;
	s6 =	simm.s32 $0x108;
	_ =	swait.ge @!p0 [sflag:s8], $0x0  }
0x24: {  	s3 =	sadd.s32 $0x88, s3;
	s6 =	simm.s32 @!p1 $0x1082;
	[sflag:s4] =	ssyncset.s32 $0xFFFFF086  }
0x25: {  	[simem:s6], [sflag:s4] =	dma.local [hbm:s3], $0xF7A  }
0x26: {  	[smem:$0x3F98] =	sst s1;
	(tag) =	ssettag s2;
	_ =	strace s9  }
0x27: {  	s1 =	sld [smem:$0x3FA8]  }
0x28: {  	s2 =	sld [smem:$0x3FA9]  }
0x29: {  	s4 =	sld [smem:$0x3FAB]  }
0x2a: {  	p0 =	seq.s32 s5, $0x0;
	s5 =	sld [smem:$0x3FAC]  }
0x2b: {  	s6 =	sld [smem:$0x3FAD]  }
0x2c: {  	s7 =	sld [smem:$0x3FAE]  }
0x2d: {  	s3 =	simm.s32 $0x108;
	s8 =	sld [smem:$0x3FAF]  }
0x2e: {  	s3 =	simm.s32 @!p0 $0x1082;
	s9 =	sld [smem:$0x3FB0]  }
0x2f: {  	lr =	sadd.s32 s0, s3;
	s0 =	sld [smem:$0x3FA7]  }
0x30: {  	s3 =	sld [smem:$0x3FAA]  }
0x31: {  	[smem:$0x3FB3] =	sst s10  }
0x32: {  	s10 =	sld [smem:$0x3FB1];
	_ =	sdelay $0x3  }
0x33: {  	p0 =	seq.s32 s10, $0x1;
	s10 =	sld [smem:$0x3FB3];
	_ =	sdelay $0x3  }
0x34: {  	[smem:$0x3FB3] =	sst s10  }
0x35: {  	s10 =	sld [smem:$0x3FB2];
	_ =	sdelay $0x3  }
0x36: {  	p1 =	seq.s32 s10, $0x1;
	s10 =	sld [smem:$0x3FB3];
	_ =	sdelay $0x3  }
0x37: {  	[smem:$0x3FB3] =	sst s10  }
0x38: {  	s10 =	sld [smem:$0x3FB4]  }
0x39: {  	_ = 	snop;
	(pc) =	sbr.ind lr, $3  }
0x3a: {  	_ = 	snop  }
0x3b: {  	_ = 	snop  }
0x3c: {  	p2 =	seq.s32 s10, $0x1;
	s10 =	sld [smem:$0x3FB3]  }
0x3d: {  	_ =	shalt  }
0x3e: {  	_ =	shalt  }
0x3f: {  	_ =	shalt  }
0x40: {  	_ =	shalt  }
0x41: {  	_ =	shalt  }
0x42: {  	_ =	shalt  }
0x43: {  	_ =	shalt  }
0x44: {  	_ =	shalt  }
0x45: {  	_ =	shalt  }
0x46: {  	_ =	shalt  }
0x47: {  	_ =	shalt  }
0x48: {  	_ =	shalt  }
0x49: {  	_ =	shalt  }
0x4a: {  	_ =	shalt  }
0x4b: {  	_ =	shalt  }
0x4c: {  	_ =	shalt  }
0x4d: {  	_ =	shalt  }
0x4e: {  	_ =	shalt  }
0x4f: {  	_ =	shalt  }
0x50: {  	_ =	shalt  }
0x51: {  	_ =	shalt  }
0x52: {  	_ =	shalt  }
0x53: {  	_ =	shalt  }
0x54: {  	_ =	shalt  }
0x55: {  	_ =	shalt  }
0x56: {  	_ =	shalt  }
0x57: {  	_ =	shalt  }
0x58: {  	_ =	shalt  }
0x59: {  	_ =	shalt  }
0x5a: {  	_ =	shalt  }
0x5b: {  	_ =	shalt  }
0x5c: {  	_ =	shalt  }
0x5d: {  	_ =	shalt  }
0x5e: {  	_ =	shalt  }
0x5f: {  	_ =	shalt  }
0x60: {  	_ =	shalt  }
0x61: {  	_ =	shalt  }
0x62: {  	_ =	shalt  }
0x63: {  	_ =	shalt  }
0x64: {  	_ =	shalt  }
0x65: {  	_ =	shalt  }
0x66: {  	_ =	shalt  }
0x67: {  	_ =	shalt  }
0x68: {  	_ =	shalt  }
0x69: {  	_ =	shalt  }
0x6a: {  	_ =	shalt  }
0x6b: {  	_ =	shalt  }
0x6c: {  	_ =	shalt  }
0x6d: {  	_ =	shalt  }
0x6e: {  	_ =	shalt  }
0x6f: {  	_ =	shalt  }
0x70: {  	_ =	shalt  }
0x71: {  	_ =	shalt  }
0x72: {  	_ =	shalt  }
0x73: {  	_ =	shalt  }
0x74: {  	_ =	shalt  }
0x75: {  	_ =	shalt  }
0x76: {  	_ =	shalt  }
0x77: {  	_ =	shalt  }
0x78: {  	_ =	shalt  }
0x79: {  	_ =	shalt  }
0x7a: {  	_ =	shalt  }
0x7b: {  	_ =	shalt  }
0x7c: {  	_ =	shalt  }
0x7d: {  	_ =	shalt  }
0x7e: {  	_ =	shalt  }
0x7f: {  	_ =	shalt  }
0x80: {  	_ =	shalt  }
0x81: {  	_ =	shalt  }
0x82: {  	_ =	shalt  }
0x83: {  	_ =	shalt  }
0x84: {  	_ =	shalt  }
0x85: {  	_ =	shalt  }
0x86: {  	_ =	shalt  }
0x87: {  	_ =	shalt  }
.Lfunc_end0:
.L_simem_size_0:
called_computation.2_lowered:
.L_overlay_start_0:
0x88: {  	s2 =	sld [smem:$0x3FD9]  }
0x89: {  	s3 =	sld [smem:$0x3FFE];
	_ =	sdelay $0x1  }
0x8a: {  	s1 =	srdreg.scid  }
0x8b: {  	s0 =	sand.u32 $0x1, s1  }
0x8c: {  	s14 =	sshll.u32 s0, $0xA;
	s2 =	sadd.s32 s3, s2  }
0x8d: {  	s2 =	sadd.s32 s2, s14  }
0x8e: {  	[smem:$0x3FBF] =	sst s2  }
0x8f: {  	_ = 	snop  }
0x90: {  	s2 =	sld [smem:$0x3FD0];
	_ =	sdelay $0x2  }
0x91: {  	s4 =	simm.s32 $0xA;
	s5 =	simm.s32 $0x10;
	s15 =	sld [smem:$0x3FC5]  }
0x92: {  	[smem:s5], [sflag:s4] =	dma.local [hbm:s2], $0x1  }
0x93: {  	_ =	swait.eq [sflag:s4], $0x1  }
0x94: {  	[sflag:s4] =	ssyncset.done $0x0  }
0x95: {  	s16 =	sld [smem:$0x10];
	[sflag:s4] =	ssyncadd.s32 $0xFFFFFFFF  }
0x96: {  	s17 =	sld [smem:$0x11];
	(tm) =	ssettm $0x1  }
0x97: {  	s18 =	sld [smem:$0x3FFB];
	_ =	sdelay $0x3  }
0x98: {  	_ =	strace s18  }
0x99: {  	s5 =	sld [smem:$0x3FFC];
	_ =	sdelay $0x3  }
0x9a: {  	_ =	strace s5  }
0x9b: {  	s5 =	sld [smem:$0x3FFD];
	_ =	sdelay $0x3  }
0x9c: {  	_ =	strace s5  }
0x9d: {  	_ =	strace $0x8FFFFFFF  }
0x9e: {  	s19 =	sld [smem:$0x3FDB];
	_ =	sdelay $0x1  }
0x9f: {  	s6 =	simm.s32 $_scs_section_size  }
0xa0: {  	s7 =	simm.s32 $_size__tile_overlayer_lowered;
	s8 =	simm.s32 $_tile_overlayer_lowered  }
0xa1: {  	s22 =	simm.s32 $0x1BFF;
	s21 =	sshll.u32 s8, $0x1;
	s5 =	sadd.s32 s6, s19  }
0xa2: {  	s9 =	simm.s32 $0x0;
	s20 =	sshll.u32 s7, $0x1;
	s7 =	sadd.s32 s21, s5  }
0xa3: {  	[timem:s9], [sflag:s22] =	dma.local [hbm:s7], s20  }
0xa4: {  	_ =	swait.ge [sflag:s22], s20  }
0xa5: {  	s6 =	ssub.s32 $0x0, s20;
	[sflag:s22] =	ssyncset.done $0x0  }
0xa6: {  	[sflag:s22] =	ssyncadd.s32 s6;
	_ =	sdelay $0x1  }
0xa7: {  	s23 =	simm.s32 $0x1B8B  }
0xa8: {  	_ =	swait.ge [sflag:s23], $0x1  }
0xa9: {  	[sflag:s23] =	ssyncset.done $0x0  }
0xaa: {  	s25 =	simm.s32 $0x1B8E;
	s24 =	sld [smem:$0x3FFE];
	[sflag:s23] =	ssyncadd.s32 $0xFFFFFFFF  }
0xab: {  	s26 =	simm.s32 $execute0_lowered;
	[smem:$0x3FD2] =	sst s25  }
0xac: {  	s7 =	sshll.u32 s26, $0x1;
	_ =	strace $0x8000004C;
	[dreg:$0x1] =	wrdreg $0xFFFFFFFF  }
0xad: {  	s28 =	simm.s32 $_size_execute0_lowered;
	s5 =	sadd.s32 s5, s7;
	[dreg:$0x0] =	wrdreg $0x0  }
0xae: {  	s7 =	sshll.u32 s28, $0x1;
	[dreg:$0x2] =	wrdreg s5  }
0xaf: {  	[dreg:$0x3] =	wrdreg s7  }
0xb0: {  	[dreg:$0x4] =	wrdreg $0xC0  }
0xb1: {  	_ =	task [dreg:s9], $0x5FFFF  }
0xb2: {  	[dreg:$0x1] =	wrdreg $0xFFFFFFFF  }
0xb3: {  	[dreg:$0x0] =	wrdreg $0x60  }
0xb4: {  	[dreg:$0x2] =	wrdreg s15  }
0xb5: {  	[dreg:$0x3] =	wrdreg s17  }
0xb6: {  	[dreg:$0x4] =	wrdreg s24  }
0xb7: {  	[dreg:$0x5] =	wrdreg s16  }
0xb8: {  	[dreg:$0x6] =	wrdreg $0x21000  }
0xb9: {  	[dreg:$0x7] =	wrdreg $0x9  }
0xba: {  	_ =	task.clear_ibuf [dreg:s9], $0x8FFFF;
	_ =	strace $0x9000004C  }
0xbb: {  	s29 =	simm.s32 $0x9;
	_ =	strace $0x8000004E  }
0xbc: {  	_ =	swait.ge [sflag:s29], $0x1  }
0xbd: {  	[sflag:s29] =	ssyncadd.s32 $0xFFFFFFFF  }
0xbe: {  	_ =	strace $0x9000004E  }
0xbf: {  	_ =	sfence  }
0xc0: {  	s30 =	sld [smem:$0x0];
	_ =	sdelay $0x2  }
0xc1: {  	s31 =	sshll.u32 s1, $0xD;
	s1 =	sshrl.u32 s1, $0x2  }
0xc2: {  	s3 =	sand.u32 $0x4000, s31;
	s1 =	sadd.s32 s1, s30  }
0xc3: {  	s0 =	sor.u32 s3, s0;
	s1 =	sshll.u32 s1, $0x11  }
0xc4: {  	s0 =	sor.u32 s1, s0  }
0xc5: {  	s0 =	sadd.s32 $0x8F2B, s0  }
0xc6: {  	[sflag:s0] =	ssyncadd.remote.s32 $0x1  }
0xc7: {  	_ =	sfence.sel $0xFFFF  }
0xc8: {  	[dreg:$0x0] =	wrdreg $0xFFFFFFFF;
	(pc) =	sbr.abs _section_cstart, $3  }
0xc9: {  	[dreg:$0x1] =	wrdreg $0xFFFFFFFF  }
0xca: {  	_ =	task.clear_ibuf [dreg:s9], $0x2FFFF;
	_ =	strace $0x9FFFFFFF  }
0xcb: {  	(tm) =	ssettm $0x7FFFFFFF  }
tec
execute0_lowered:
.L_overlay_start_1:
0x0: {  	(tag) =	ssettag $0x1  }
0x1: {  	s1 =	rddreg [dreg:$0x0]  }
0x2: {  	s2 =	rddreg [dreg:$0x1]  }
0x3: {  	s3 =	rddreg [dreg:$0x2]  }
0x4: {  	s7 =	rddreg [dreg:$0x3]  }
0x5: {  	s0 =	stileid.u32;
	s5 =	srdreg.scid  }
0x6: {  	s4 =	rddreg [dreg:$0x4];
	s18 =	simm.s32 $0x400;
	s19 =	simm.s32 $0x271000  }
0x7: {  	s20 =	simm.s32 $0x100;
	s28 =	simm.s32 $0x1900;
	s29 =	simm.s32 $0x3  }
0x8: {  	s30 =	simm.s32 $0x4;
	s31 =	simm.s32 $0x5;
	s6 =	smul.u32 $0x2780, s0  }
0x9: {  	s10 =	sand.u32 $0x1, s5;
	s5 =	simm.s32 $0x0;
	s16 =	smul.u32 $0x4F00, s0  }
0xa: {  	s17 =	sadd.s32 $0x25080, s4;
	s21 =	sor.u32 $0x9C0, s0;
	s24 =	smul.u32 $0x9E00, s0  }
0xb: {  	p0 =	seq.s32 s0, $0xF;
	p1 =	sgt.u32 s0, $0x3;
	s8 =	ssub.s32 $0x2, s10  }
0xc: {  	[smem:$0x7FF] =	sst s5;
	s12 =	sshll.u32 s10, $0x4;
	s14 =	sshll.u32 s21, $0x4  }
0xd: {  	s15 =	sshll.u32 s21, $0xA;
	s21 =	simm.s32 $0x1;
	s9 =	sshrl.u32 s6, $0x3  }
0xe: {  	s11 =	sshrl.u32 s8, $0x1;
	_ =	strace $0x8000004D;
	s13 =	sadd.s32 s6, s4  }
0xf: {  	s22 =	sadd.s32 s1, s14;
	s12 =	sor.u32 s12, s16;
	s26 =	sshrl.u32 s24, $0x2  }
0x10: {  	[dreg:$0x6] =	wrdreg s17;
	s24 =	simm.s32 $0x900;
	s9 =	sadd.s32 s9, s3  }
0x11: {  	s11 =	ssub.s32 s8, s11;
	s8 =	smul.u32 $0x4E2000, s10;
	[dreg:$0x7] =	wrdreg s22  }
0x12: {  	s25 =	sshrl.u32 s12, $0x3;
	s10 =	sshll.u32 s10, $0x1;
	s22 =	simm.s32 $0x1100  }
0x13: {  	s6 =	sadd.s32 $0x1600, s9;
	s9 =	sadd.s32 $0x6010, s3;
	s12 =	sadd.s32 s7, s25  }
0x14: {  	s7 =	sadd.s32 s10, s7;
	s14 =	smax.u32 s11, $0x1;
	s23 =	sadd.s32 s8, s15  }
.Ltmp0:
0x15: {  	s7 =	sadd.s32 $0x9420, s7;
	s15 =	sshrl.u32 @p0 s17, $0x3;
	(pc) =	sbr.rel .LBB2_1-.Ltmp0, $4  }
0x16: {  	s17 =	sshrl.u32 @!p0 s13, $0x3;
	s3 =	sshrl.u32 s23, $0x3;
	[dreg:$0x9] =	wrdreg s7  }
0x17: {  	s7 =	sshll.u32 @!p0 s0, $0x6;
	s23 =	simm.s32 $0x80;
	s3 =	sadd.s32 s2, s3  }
0x18: {  	v0 =	vlaneseq.u32;
	s16 =	sor.u32 @!p0 $0x1C05, s7;
	[dreg:$0x8] =	wrdreg s3;
	s3 =	sadd.s32 s26, s4  }
0x19: {  	v0 =	vmul.u32 $0x10, v0;
	s26 =	simm.s32 $0x2;
	s25 =	sshrl.u32 s3, $0x3;
	s3 =	simm.s32 $0x0  }
.LBB2_13:
0x1a: {  	s7 =	rddreg [dreg:$0x6]  }
0x1b: {  	s10 =	rddreg [dreg:$0x9];
	s11 =	simm.s32 $0x1FC5;
	s7 =	sshrl.u32 s7, $0x3  }
0x1c: {  	[hbm:s10@s30], [sflag:s11] =	dma.strided [spmem:s7@s26], $0x410, s21, $0x2   }
0x1d: {  	_ =	swait.ge [sflag:s31], $0x410  }
0x1e: {  	[sflag:s31] =	ssyncset.done $0x0  }
0x1f: {  	[sflag:s31] =	ssyncadd.s32 $0xFFFFFBF0  }
.LBB2_14:
0x20: {  	s3 =	sadd.s32 $0x1, s3  }
0x21: {  	p2 =	sne.s32 s3, s14  }
.Ltmp1:
0x22: {  	_ = 	snop;
	(pc) =	sbr.rel @!p2 .LBB2_15-.Ltmp1, $1  }
0x23: {  	_ =	sdelay $0x3  }
.LBB2_1:
0x24: {  	s7 =	simm.s32 @p0 $0x1FC5  }
0x25: {  	[spmem:s15], [sflag:s7] =	dma.local @p0 [hbm:s9], $0x410  }
0x26: {  	s7 =	simm.s32 @p0 $0x5  }
0x27: {  	_ =	swait.ge @p0 [sflag:s7], $0x410  }
0x28: {  	[sflag:s7] =	ssyncset.done @p0 $0x0  }
0x29: {  	[sflag:s7] =	ssyncadd.s32 @p0 $0xFFFFFBF0;
	s7 =	simm.s32 @!p0 $0x5  }
0x2a: {  	[spmem:s17], [sflag:s16] =	dma.local @!p0 [hbm:s6], $0x4F0  }
0x2b: {  	_ =	swait.ge @!p0 [sflag:s7], $0x4F0  }
0x2c: {  	[sflag:s7] =	ssyncset.done @!p0 $0x0  }
0x2d: {  	[sflag:s7] =	ssyncadd.s32 @!p0 $0xFFFFFB10  }
0x2e: {  	s13 =	simm.s32 $0x0;
	[bflag:$0x0] =	sbarrier.arrive $0xFFFF  }
.LBB2_2:
0x2f: {  	p2 =	seq.s32 s13, $0x0  }
0x30: {  	s7 =	sshll.u32 s13, $0x5;
	s10 =	simm.s32 @!p2 $0x3  }
0x31: {  	s7 =	sor.u32 s0, s7;
	_ =	swait.ge @!p2 [sflag:s10], $0x800  }
0x32: {  	s11 =	sshll.u32 s7, $0x4;
	[sflag:s10] =	ssyncset.done @!p2 $0x0  }
0x33: {  	[sflag:s10] =	ssyncadd.s32 @!p2 $0xFFFFF800;
	s10 =	sadd.s32 s1, s11;
	s11 =	simm.s32 $0x0  }
0x34: {  	[tilespmem:s11], [sflag:$0x1] =	stream.linear.gather [hbm4b:s10+s11], $0x80, $0x38;
	[tilespmem:$0x4810] =	vst v63  }
0x35: {  	s10 =	sshll.u32 s7, $0xA  }
0x36: {  	s10 =	sadd.s32 s8, s10  }
0x37: {  	s10 =	sshrl.u32 s10, $0x3  }
0x38: {  	s10 =	sadd.s32 s2, s10  }
0x39: {  	[tilespmem:s20], [sflag:$0x1] =	stream.strided.gather [hbm4b:s10+s18], $0x800, s19, s18, $0x38;
	[tilespmem:$0x4810] =	vst v63  }
0x3a: {  	_ =	swait.ge [sflag:s21], $0x80  }
0x3b: {  	[sflag:s21] =	ssyncset.done $0x0  }
0x3c: {  	[sflag:s21] =	ssyncadd.s32 $0xFFFFFF80  }
0x3d: {  	_ =	swait.ge [sflag:s21], $0x800  }
0x3e: {  	v1 =	vmov s11;
	[sflag:s21] =	ssyncset.done $0x0  }
0x3f: {  	v1 =	vshll.u32 v1, $0x4;
	s10 =	simm.s32 $0x500;
	[sflag:s21] =	ssyncadd.s32 $0xFFFFF800  }
0x40: {  	v1 =	vor.u32 v0, v1;
	v2 =	vld [tilespmem:s10+$0xFFFFFC00];
	_ =	sdelay $0x4  }
0x41: {  	[tilespmem:v1+s22+$0x0] =	vst.idx.msk $0xffff, v2  }
0x42: {  	v3 =	vor.u32 $0x1, v1;
	v2 =	vld [tilespmem:s10+$0xFFFFFC80];
	_ =	sdelay $0x4  }
0x43: {  	[tilespmem:v3+s22+$0x0] =	vst.idx.msk $0xffff, v2  }
0x44: {  	v3 =	vor.u32 $0x2, v1;
	v2 =	vld [tilespmem:s10+$0xFFFFFD00];
	_ =	sdelay $0x4  }
0x45: {  	[tilespmem:v3+s22+$0x0] =	vst.idx.msk $0xffff, v2  }
0x46: {  	v3 =	vor.u32 $0x3, v1;
	v2 =	vld [tilespmem:s10+$0xFFFFFD80];
	_ =	sdelay $0x4  }
0x47: {  	[tilespmem:v3+s22+$0x0] =	vst.idx.msk $0xffff, v2  }
0x48: {  	v3 =	vor.u32 $0x4, v1;
	v2 =	vld [tilespmem:s10+$0xFFFFFE00];
	_ =	sdelay $0x4  }
0x49: {  	[tilespmem:v3+s22+$0x0] =	vst.idx.msk $0xffff, v2  }
0x4a: {  	v3 =	vor.u32 $0x5, v1;
	v2 =	vld [tilespmem:s10+$0xFFFFFE80];
	_ =	sdelay $0x4  }
0x4b: {  	[tilespmem:v3+s22+$0x0] =	vst.idx.msk $0xffff, v2  }
0x4c: {  	v3 =	vor.u32 $0x6, v1;
	v2 =	vld [tilespmem:s10+$0xFFFFFF00];
	_ =	sdelay $0x4  }
0x4d: {  	[tilespmem:v3+s22+$0x0] =	vst.idx.msk $0xffff, v2  }
0x4e: {  	v3 =	vor.u32 $0x7, v1;
	v2 =	vld [tilespmem:s10+$0xFFFFFF80];
	_ =	sdelay $0x4  }
0x4f: {  	[tilespmem:v3+s22+$0x0] =	vst.idx.msk $0xffff, v2  }
0x50: {  	v3 =	vor.u32 $0x8, v1;
	v2 =	vld [tilespmem:s10+$0x0];
	_ =	sdelay $0x4  }
0x51: {  	[tilespmem:v3+s22+$0x0] =	vst.idx.msk $0xffff, v2  }
0x52: {  	v3 =	vor.u32 $0x9, v1;
	v2 =	vld [tilespmem:s10+$0x80];
	_ =	sdelay $0x4  }
0x53: {  	[tilespmem:v3+s22+$0x0] =	vst.idx.msk $0xffff, v2  }
0x54: {  	v3 =	vor.u32 $0xA, v1;
	v2 =	vld [tilespmem:s10+$0x100];
	_ =	sdelay $0x4  }
0x55: {  	[tilespmem:v3+s22+$0x0] =	vst.idx.msk $0xffff, v2  }
0x56: {  	v3 =	vor.u32 $0xB, v1;
	v2 =	vld [tilespmem:s10+$0x180];
	_ =	sdelay $0x4  }
0x57: {  	[tilespmem:v3+s22+$0x0] =	vst.idx.msk $0xffff, v2  }
0x58: {  	v3 =	vor.u32 $0xC, v1;
	v2 =	vld [tilespmem:s10+$0x200];
	_ =	sdelay $0x4  }
0x59: {  	[tilespmem:v3+s22+$0x0] =	vst.idx.msk $0xffff, v2  }
0x5a: {  	v3 =	vor.u32 $0xD, v1;
	v2 =	vld [tilespmem:s10+$0x280];
	_ =	sdelay $0x4  }
0x5b: {  	[tilespmem:v3+s22+$0x0] =	vst.idx.msk $0xffff, v2  }
0x5c: {  	v3 =	vor.u32 $0xE, v1;
	v2 =	vld [tilespmem:s10+$0x300];
	_ =	sdelay $0x4  }
0x5d: {  	[tilespmem:v3+s22+$0x0] =	vst.idx.msk $0xffff, v2  }
0x5e: {  	v1 =	vor.u32 $0xF, v1;
	v2 =	vld [tilespmem:s10+$0x380];
	_ =	sdelay $0x2  }
0x5f: {  	s11 =	simm.s32 $0x10  }
0x60: {  	v3 =	vmov s11;
	s11 =	simm.s32 $0x20  }
.LBB2_3:
0x61: {  	p3 =	sne.s32 s11, $0x70;
	v3 =	vshll.u32 v3, $0x4;
	[tilespmem:v1+s22+$0x0] =	vst.idx.msk $0xffff, v2;
	s10 =	sadd.s32 $0x10, s10  }
0x62: {  	v2 =	vld [tilespmem:s10+$0xFFFFFC00];
	v1 =	vor.u32 v0, v3;
	_ =	sdelay $0x4  }
0x63: {  	[tilespmem:v1+s22+$0x0] =	vst.idx.msk $0xffff, v2  }
0x64: {  	v3 =	vor.u32 $0x1, v1;
	v2 =	vld [tilespmem:s10+$0xFFFFFC80];
	_ =	sdelay $0x4  }
0x65: {  	[tilespmem:v3+s22+$0x0] =	vst.idx.msk $0xffff, v2  }
0x66: {  	v3 =	vor.u32 $0x2, v1;
	v2 =	vld [tilespmem:s10+$0xFFFFFD00];
	_ =	sdelay $0x4  }
0x67: {  	[tilespmem:v3+s22+$0x0] =	vst.idx.msk $0xffff, v2  }
0x68: {  	v3 =	vor.u32 $0x3, v1;
	v2 =	vld [tilespmem:s10+$0xFFFFFD80];
	_ =	sdelay $0x4  }
0x69: {  	[tilespmem:v3+s22+$0x0] =	vst.idx.msk $0xffff, v2  }
0x6a: {  	v3 =	vor.u32 $0x4, v1;
	v2 =	vld [tilespmem:s10+$0xFFFFFE00];
	_ =	sdelay $0x4  }
0x6b: {  	[tilespmem:v3+s22+$0x0] =	vst.idx.msk $0xffff, v2  }
0x6c: {  	v3 =	vor.u32 $0x5, v1;
	v2 =	vld [tilespmem:s10+$0xFFFFFE80];
	_ =	sdelay $0x4  }
0x6d: {  	[tilespmem:v3+s22+$0x0] =	vst.idx.msk $0xffff, v2  }
0x6e: {  	v3 =	vor.u32 $0x6, v1;
	v2 =	vld [tilespmem:s10+$0xFFFFFF00];
	_ =	sdelay $0x4  }
0x6f: {  	[tilespmem:v3+s22+$0x0] =	vst.idx.msk $0xffff, v2  }
0x70: {  	v3 =	vor.u32 $0x7, v1;
	v2 =	vld [tilespmem:s10+$0xFFFFFF80];
	_ =	sdelay $0x4  }
0x71: {  	[tilespmem:v3+s22+$0x0] =	vst.idx.msk $0xffff, v2  }
0x72: {  	v3 =	vor.u32 $0x8, v1;
	v2 =	vld [tilespmem:s10+$0x0];
	_ =	sdelay $0x4  }
0x73: {  	[tilespmem:v3+s22+$0x0] =	vst.idx.msk $0xffff, v2  }
0x74: {  	v3 =	vor.u32 $0x9, v1;
	v2 =	vld [tilespmem:s10+$0x80];
	_ =	sdelay $0x4  }
0x75: {  	[tilespmem:v3+s22+$0x0] =	vst.idx.msk $0xffff, v2  }
0x76: {  	v3 =	vor.u32 $0xA, v1;
	v2 =	vld [tilespmem:s10+$0x100];
	_ =	sdelay $0x4  }
0x77: {  	[tilespmem:v3+s22+$0x0] =	vst.idx.msk $0xffff, v2  }
0x78: {  	v3 =	vor.u32 $0xB, v1;
	v2 =	vld [tilespmem:s10+$0x180];
	_ =	sdelay $0x4  }
0x79: {  	[tilespmem:v3+s22+$0x0] =	vst.idx.msk $0xffff, v2  }
0x7a: {  	v3 =	vor.u32 $0xC, v1;
	v2 =	vld [tilespmem:s10+$0x200];
	_ =	sdelay $0x4  }
0x7b: {  	[tilespmem:v3+s22+$0x0] =	vst.idx.msk $0xffff, v2  }
0x7c: {  	v3 =	vor.u32 $0xD, v1;
	v2 =	vld [tilespmem:s10+$0x280];
	_ =	sdelay $0x4  }
0x7d: {  	[tilespmem:v3+s22+$0x0] =	vst.idx.msk $0xffff, v2  }
0x7e: {  	v3 =	vor.u32 $0xE, v1;
	v2 =	vld [tilespmem:s10+$0x300];
	_ =	sdelay $0x4  }
0x7f: {  	[tilespmem:v3+s22+$0x0] =	vst.idx.msk $0xffff, v2  }
.Ltmp2:
0x80: {  	v1 =	vor.u32 $0xF, v1;
	v2 =	vld [tilespmem:s10+$0x380];
	(pc) =	sbr.rel @p3 .LBB2_3-.Ltmp2, $2  }
0x81: {  	_ =	sdelay $0x2  }
0x82: {  	v3 =	vmov s11;
	s11 =	sadd.s32 $0x10, s11  }
0x83: {  	_ =	sdelay $0x3  }
0x84: {  	v3 =	vshll.u32 v3, $0x4;
	[tilespmem:v1+s22+$0x0] =	vst.idx.msk $0xffff, v2;
	s10 =	sadd.s32 $0x10, s10  }
0x85: {  	v1 =	vld [tilespmem:s10+$0xFFFFFC00];
	v2 =	vor.u32 v0, v3;
	_ =	sdelay $0x4  }
0x86: {  	[tilespmem:v2+s22+$0x0] =	vst.idx.msk $0xffff, v1  }
0x87: {  	v3 =	vor.u32 $0x1, v2;
	v1 =	vld [tilespmem:s10+$0xFFFFFC80];
	_ =	sdelay $0x4  }
0x88: {  	[tilespmem:v3+s22+$0x0] =	vst.idx.msk $0xffff, v1  }
0x89: {  	v3 =	vor.u32 $0x2, v2;
	v1 =	vld [tilespmem:s10+$0xFFFFFD00];
	_ =	sdelay $0x4  }
0x8a: {  	[tilespmem:v3+s22+$0x0] =	vst.idx.msk $0xffff, v1  }
0x8b: {  	v3 =	vor.u32 $0x3, v2;
	v1 =	vld [tilespmem:s10+$0xFFFFFD80];
	_ =	sdelay $0x4  }
0x8c: {  	[tilespmem:v3+s22+$0x0] =	vst.idx.msk $0xffff, v1  }
0x8d: {  	v3 =	vor.u32 $0x4, v2;
	v1 =	vld [tilespmem:s10+$0xFFFFFE00];
	_ =	sdelay $0x4  }
0x8e: {  	[tilespmem:v3+s22+$0x0] =	vst.idx.msk $0xffff, v1  }
0x8f: {  	v3 =	vor.u32 $0x5, v2;
	v1 =	vld [tilespmem:s10+$0xFFFFFE80];
	_ =	sdelay $0x4  }
0x90: {  	[tilespmem:v3+s22+$0x0] =	vst.idx.msk $0xffff, v1  }
0x91: {  	v3 =	vor.u32 $0x6, v2;
	v1 =	vld [tilespmem:s10+$0xFFFFFF00];
	_ =	sdelay $0x4  }
0x92: {  	[tilespmem:v3+s22+$0x0] =	vst.idx.msk $0xffff, v1  }
0x93: {  	v3 =	vor.u32 $0x7, v2;
	v1 =	vld [tilespmem:s10+$0xFFFFFF80];
	_ =	sdelay $0x4  }
0x94: {  	[tilespmem:v3+s22+$0x0] =	vst.idx.msk $0xffff, v1  }
0x95: {  	v3 =	vor.u32 $0x8, v2;
	v1 =	vld [tilespmem:s10+$0x0];
	_ =	sdelay $0x4  }
0x96: {  	[tilespmem:v3+s22+$0x0] =	vst.idx.msk $0xffff, v1  }
0x97: {  	v3 =	vor.u32 $0x9, v2;
	v1 =	vld [tilespmem:s10+$0x80];
	_ =	sdelay $0x4  }
0x98: {  	[tilespmem:v3+s22+$0x0] =	vst.idx.msk $0xffff, v1  }
0x99: {  	v3 =	vor.u32 $0xA, v2;
	v1 =	vld [tilespmem:s10+$0x100];
	_ =	sdelay $0x4  }
0x9a: {  	[tilespmem:v3+s22+$0x0] =	vst.idx.msk $0xffff, v1  }
0x9b: {  	v3 =	vor.u32 $0xB, v2;
	v1 =	vld [tilespmem:s10+$0x180];
	_ =	sdelay $0x4  }
0x9c: {  	[tilespmem:v3+s22+$0x0] =	vst.idx.msk $0xffff, v1  }
0x9d: {  	v3 =	vor.u32 $0xC, v2;
	v1 =	vld [tilespmem:s10+$0x200];
	_ =	sdelay $0x4  }
0x9e: {  	[tilespmem:v3+s22+$0x0] =	vst.idx.msk $0xffff, v1  }
0x9f: {  	v3 =	vor.u32 $0xD, v2;
	v1 =	vld [tilespmem:s10+$0x280];
	_ =	sdelay $0x4  }
0xa0: {  	[tilespmem:v3+s22+$0x0] =	vst.idx.msk $0xffff, v1  }
0xa1: {  	v3 =	vor.u32 $0xE, v2;
	v1 =	vld [tilespmem:s10+$0x300];
	_ =	sdelay $0x4  }
0xa2: {  	[tilespmem:v3+s22+$0x0] =	vst.idx.msk $0xffff, v1  }
0xa3: {  	v2 =	vor.u32 $0xF, v2;
	v1 =	vld [tilespmem:s10+$0x380];
	_ =	sdelay $0x3  }
0xa4: {  	s7 =	sor.u32 $0x10, s7  }
0xa5: {  	s11 =	sshll.u32 s7, $0x4;
	s7 =	sshll.u32 s7, $0xA;
	s10 =	simm.s32 @!p2 $0x4;
	[tilespmem:v2+s22+$0x0] =	vst.idx.msk $0xffff, v1  }
0xa6: {  	[spmem:s4] =	stream.indirect.scatter.add.f32 [tilespmem:s22], [sflag:$0x3], $0x10, s5, s23, $0xb8;
	[tilespmem:$0x4810] =	vst v63  }
0xa7: {  	s7 =	sadd.s32 s8, s7;
	_ =	swait.ge @!p2 [sflag:s10], $0x800  }
0xa8: {  	s7 =	sshrl.u32 s7, $0x3;
	[sflag:s10] =	ssyncset.done @!p2 $0x0  }
0xa9: {  	[sflag:s10] =	ssyncadd.s32 @!p2 $0xFFFFF800;
	s10 =	sadd.s32 s1, s11;
	s11 =	simm.s32 $0x0  }
0xaa: {  	[tilespmem:s23], [sflag:$0x2] =	stream.linear.gather [hbm4b:s10+s11], $0x80, $0x38;
	[tilespmem:$0x4810] =	vst v63  }
0xab: {  	s7 =	sadd.s32 s2, s7  }
0xac: {  	[tilespmem:s24], [sflag:$0x2] =	stream.strided.gather [hbm4b:s7+s18], $0x800, s19, s18, $0x38;
	[tilespmem:$0x4810] =	vst v63  }
0xad: {  	_ =	swait.ge [sflag:s26], $0x80  }
0xae: {  	[sflag:s26] =	ssyncset.done $0x0  }
0xaf: {  	[sflag:s26] =	ssyncadd.s32 $0xFFFFFF80  }
0xb0: {  	_ =	swait.ge [sflag:s26], $0x800  }
0xb1: {  	v1 =	vmov s11;
	[sflag:s26] =	ssyncset.done $0x0  }
0xb2: {  	v1 =	vshll.u32 v1, $0x4;
	s7 =	simm.s32 $0x1080;
	[sflag:s26] =	ssyncadd.s32 $0xFFFFF800  }
0xb3: {  	v1 =	vor.u32 v0, v1;
	v2 =	vld [tilespmem:s7+$0xFFFFF880];
	_ =	sdelay $0x4  }
0xb4: {  	[tilespmem:v1+s28+$0x0] =	vst.idx.msk $0xffff, v2  }
0xb5: {  	v3 =	vor.u32 $0x1, v1;
	v2 =	vld [tilespmem:s7+$0xFFFFF900];
	_ =	sdelay $0x4  }
0xb6: {  	[tilespmem:v3+s28+$0x0] =	vst.idx.msk $0xffff, v2  }
0xb7: {  	v3 =	vor.u32 $0x2, v1;
	v2 =	vld [tilespmem:s7+$0xFFFFF980];
	_ =	sdelay $0x4  }
0xb8: {  	[tilespmem:v3+s28+$0x0] =	vst.idx.msk $0xffff, v2  }
0xb9: {  	v3 =	vor.u32 $0x3, v1;
	v2 =	vld [tilespmem:s7+$0xFFFFFA00];
	_ =	sdelay $0x4  }
0xba: {  	[tilespmem:v3+s28+$0x0] =	vst.idx.msk $0xffff, v2  }
0xbb: {  	v3 =	vor.u32 $0x4, v1;
	v2 =	vld [tilespmem:s7+$0xFFFFFA80];
	_ =	sdelay $0x4  }
0xbc: {  	[tilespmem:v3+s28+$0x0] =	vst.idx.msk $0xffff, v2  }
0xbd: {  	v3 =	vor.u32 $0x5, v1;
	v2 =	vld [tilespmem:s7+$0xFFFFFB00];
	_ =	sdelay $0x4  }
0xbe: {  	[tilespmem:v3+s28+$0x0] =	vst.idx.msk $0xffff, v2  }
0xbf: {  	v3 =	vor.u32 $0x6, v1;
	v2 =	vld [tilespmem:s7+$0xFFFFFB80];
	_ =	sdelay $0x4  }
0xc0: {  	[tilespmem:v3+s28+$0x0] =	vst.idx.msk $0xffff, v2  }
0xc1: {  	v3 =	vor.u32 $0x7, v1;
	v2 =	vld [tilespmem:s7+$0xFFFFFC00];
	_ =	sdelay $0x4  }
0xc2: {  	[tilespmem:v3+s28+$0x0] =	vst.idx.msk $0xffff, v2  }
0xc3: {  	v3 =	vor.u32 $0x8, v1;
	v2 =	vld [tilespmem:s7+$0xFFFFFC80];
	_ =	sdelay $0x4  }
0xc4: {  	[tilespmem:v3+s28+$0x0] =	vst.idx.msk $0xffff, v2  }
0xc5: {  	v3 =	vor.u32 $0x9, v1;
	v2 =	vld [tilespmem:s7+$0xFFFFFD00];
	_ =	sdelay $0x4  }
0xc6: {  	[tilespmem:v3+s28+$0x0] =	vst.idx.msk $0xffff, v2  }
0xc7: {  	v3 =	vor.u32 $0xA, v1;
	v2 =	vld [tilespmem:s7+$0xFFFFFD80];
	_ =	sdelay $0x4  }
0xc8: {  	[tilespmem:v3+s28+$0x0] =	vst.idx.msk $0xffff, v2  }
0xc9: {  	v3 =	vor.u32 $0xB, v1;
	v2 =	vld [tilespmem:s7+$0xFFFFFE00];
	_ =	sdelay $0x4  }
0xca: {  	[tilespmem:v3+s28+$0x0] =	vst.idx.msk $0xffff, v2  }
0xcb: {  	v3 =	vor.u32 $0xC, v1;
	v2 =	vld [tilespmem:s7+$0xFFFFFE80];
	_ =	sdelay $0x4  }
0xcc: {  	[tilespmem:v3+s28+$0x0] =	vst.idx.msk $0xffff, v2  }
0xcd: {  	v3 =	vor.u32 $0xD, v1;
	v2 =	vld [tilespmem:s7+$0xFFFFFF00];
	_ =	sdelay $0x4  }
0xce: {  	[tilespmem:v3+s28+$0x0] =	vst.idx.msk $0xffff, v2  }
0xcf: {  	v3 =	vor.u32 $0xE, v1;
	v2 =	vld [tilespmem:s7+$0xFFFFFF80];
	_ =	sdelay $0x4  }
0xd0: {  	[tilespmem:v3+s28+$0x0] =	vst.idx.msk $0xffff, v2  }
0xd1: {  	v1 =	vor.u32 $0xF, v1;
	v2 =	vld [tilespmem:s7+$0x0];
	_ =	sdelay $0x2  }
0xd2: {  	s11 =	simm.s32 $0x10  }
0xd3: {  	s10 =	simm.s32 $0x20;
	v3 =	vmov s11  }
.LBB2_5:
0xd4: {  	p2 =	sne.s32 s10, $0x70;
	v3 =	vshll.u32 v3, $0x4;
	[tilespmem:v1+s28+$0x0] =	vst.idx.msk $0xffff, v2;
	s7 =	sadd.s32 $0x10, s7  }
0xd5: {  	v2 =	vld [tilespmem:s7+$0xFFFFF880];
	v1 =	vor.u32 v0, v3;
	_ =	sdelay $0x4  }
0xd6: {  	[tilespmem:v1+s28+$0x0] =	vst.idx.msk $0xffff, v2  }
0xd7: {  	v3 =	vor.u32 $0x1, v1;
	v2 =	vld [tilespmem:s7+$0xFFFFF900];
	_ =	sdelay $0x4  }
0xd8: {  	[tilespmem:v3+s28+$0x0] =	vst.idx.msk $0xffff, v2  }
0xd9: {  	v3 =	vor.u32 $0x2, v1;
	v2 =	vld [tilespmem:s7+$0xFFFFF980];
	_ =	sdelay $0x4  }
0xda: {  	[tilespmem:v3+s28+$0x0] =	vst.idx.msk $0xffff, v2  }
0xdb: {  	v3 =	vor.u32 $0x3, v1;
	v2 =	vld [tilespmem:s7+$0xFFFFFA00];
	_ =	sdelay $0x4  }
0xdc: {  	[tilespmem:v3+s28+$0x0] =	vst.idx.msk $0xffff, v2  }
0xdd: {  	v3 =	vor.u32 $0x4, v1;
	v2 =	vld [tilespmem:s7+$0xFFFFFA80];
	_ =	sdelay $0x4  }
0xde: {  	[tilespmem:v3+s28+$0x0] =	vst.idx.msk $0xffff, v2  }
0xdf: {  	v3 =	vor.u32 $0x5, v1;
	v2 =	vld [tilespmem:s7+$0xFFFFFB00];
	_ =	sdelay $0x4  }
0xe0: {  	[tilespmem:v3+s28+$0x0] =	vst.idx.msk $0xffff, v2  }
0xe1: {  	v3 =	vor.u32 $0x6, v1;
	v2 =	vld [tilespmem:s7+$0xFFFFFB80];
	_ =	sdelay $0x4  }
0xe2: {  	[tilespmem:v3+s28+$0x0] =	vst.idx.msk $0xffff, v2  }
0xe3: {  	v3 =	vor.u32 $0x7, v1;
	v2 =	vld [tilespmem:s7+$0xFFFFFC00];
	_ =	sdelay $0x4  }
0xe4: {  	[tilespmem:v3+s28+$0x0] =	vst.idx.msk $0xffff, v2  }
0xe5: {  	v3 =	vor.u32 $0x8, v1;
	v2 =	vld [tilespmem:s7+$0xFFFFFC80];
	_ =	sdelay $0x4  }
0xe6: {  	[tilespmem:v3+s28+$0x0] =	vst.idx.msk $0xffff, v2  }
0xe7: {  	v3 =	vor.u32 $0x9, v1;
	v2 =	vld [tilespmem:s7+$0xFFFFFD00];
	_ =	sdelay $0x4  }
0xe8: {  	[tilespmem:v3+s28+$0x0] =	vst.idx.msk $0xffff, v2  }
0xe9: {  	v3 =	vor.u32 $0xA, v1;
	v2 =	vld [tilespmem:s7+$0xFFFFFD80];
	_ =	sdelay $0x4  }
0xea: {  	[tilespmem:v3+s28+$0x0] =	vst.idx.msk $0xffff, v2  }
0xeb: {  	v3 =	vor.u32 $0xB, v1;
	v2 =	vld [tilespmem:s7+$0xFFFFFE00];
	_ =	sdelay $0x4  }
0xec: {  	[tilespmem:v3+s28+$0x0] =	vst.idx.msk $0xffff, v2  }
0xed: {  	v3 =	vor.u32 $0xC, v1;
	v2 =	vld [tilespmem:s7+$0xFFFFFE80];
	_ =	sdelay $0x4  }
0xee: {  	[tilespmem:v3+s28+$0x0] =	vst.idx.msk $0xffff, v2  }
0xef: {  	v3 =	vor.u32 $0xD, v1;
	v2 =	vld [tilespmem:s7+$0xFFFFFF00];
	_ =	sdelay $0x4  }
0xf0: {  	[tilespmem:v3+s28+$0x0] =	vst.idx.msk $0xffff, v2  }
0xf1: {  	v3 =	vor.u32 $0xE, v1;
	v2 =	vld [tilespmem:s7+$0xFFFFFF80];
	_ =	sdelay $0x4  }
0xf2: {  	[tilespmem:v3+s28+$0x0] =	vst.idx.msk $0xffff, v2  }
.Ltmp3:
0xf3: {  	v1 =	vor.u32 $0xF, v1;
	v2 =	vld [tilespmem:s7+$0x0];
	(pc) =	sbr.rel @p2 .LBB2_5-.Ltmp3, $2  }
0xf4: {  	_ =	sdelay $0x2  }
0xf5: {  	v3 =	vmov s10;
	s10 =	sadd.s32 $0x10, s10  }
0xf6: {  	_ =	sdelay $0x3  }
0xf7: {  	v3 =	vshll.u32 v3, $0x4;
	[tilespmem:v1+s28+$0x0] =	vst.idx.msk $0xffff, v2;
	s7 =	sadd.s32 $0x10, s7  }
0xf8: {  	v1 =	vld [tilespmem:s7+$0xFFFFF880];
	v2 =	vor.u32 v0, v3;
	_ =	sdelay $0x4  }
0xf9: {  	[tilespmem:v2+s28+$0x0] =	vst.idx.msk $0xffff, v1  }
0xfa: {  	v3 =	vor.u32 $0x1, v2;
	v1 =	vld [tilespmem:s7+$0xFFFFF900];
	_ =	sdelay $0x4  }
0xfb: {  	[tilespmem:v3+s28+$0x0] =	vst.idx.msk $0xffff, v1  }
0xfc: {  	v3 =	vor.u32 $0x2, v2;
	v1 =	vld [tilespmem:s7+$0xFFFFF980];
	_ =	sdelay $0x4  }
0xfd: {  	[tilespmem:v3+s28+$0x0] =	vst.idx.msk $0xffff, v1  }
0xfe: {  	v3 =	vor.u32 $0x3, v2;
	v1 =	vld [tilespmem:s7+$0xFFFFFA00];
	_ =	sdelay $0x4  }
0xff: {  	[tilespmem:v3+s28+$0x0] =	vst.idx.msk $0xffff, v1  }
0x100: {  	v3 =	vor.u32 $0x4, v2;
	v1 =	vld [tilespmem:s7+$0xFFFFFA80];
	_ =	sdelay $0x4  }
0x101: {  	[tilespmem:v3+s28+$0x0] =	vst.idx.msk $0xffff, v1  }
0x102: {  	v3 =	vor.u32 $0x5, v2;
	v1 =	vld [tilespmem:s7+$0xFFFFFB00];
	_ =	sdelay $0x4  }
0x103: {  	[tilespmem:v3+s28+$0x0] =	vst.idx.msk $0xffff, v1  }
0x104: {  	v3 =	vor.u32 $0x6, v2;
	v1 =	vld [tilespmem:s7+$0xFFFFFB80];
	_ =	sdelay $0x4  }
0x105: {  	[tilespmem:v3+s28+$0x0] =	vst.idx.msk $0xffff, v1  }
0x106: {  	v3 =	vor.u32 $0x7, v2;
	v1 =	vld [tilespmem:s7+$0xFFFFFC00];
	_ =	sdelay $0x4  }
0x107: {  	[tilespmem:v3+s28+$0x0] =	vst.idx.msk $0xffff, v1  }
0x108: {  	v3 =	vor.u32 $0x8, v2;
	v1 =	vld [tilespmem:s7+$0xFFFFFC80];
	_ =	sdelay $0x4  }
0x109: {  	[tilespmem:v3+s28+$0x0] =	vst.idx.msk $0xffff, v1  }
0x10a: {  	v3 =	vor.u32 $0x9, v2;
	v1 =	vld [tilespmem:s7+$0xFFFFFD00];
	_ =	sdelay $0x4  }
0x10b: {  	[tilespmem:v3+s28+$0x0] =	vst.idx.msk $0xffff, v1  }
0x10c: {  	v3 =	vor.u32 $0xA, v2;
	v1 =	vld [tilespmem:s7+$0xFFFFFD80];
	_ =	sdelay $0x4  }
0x10d: {  	[tilespmem:v3+s28+$0x0] =	vst.idx.msk $0xffff, v1  }
0x10e: {  	v3 =	vor.u32 $0xB, v2;
	v1 =	vld [tilespmem:s7+$0xFFFFFE00];
	_ =	sdelay $0x4  }
0x10f: {  	[tilespmem:v3+s28+$0x0] =	vst.idx.msk $0xffff, v1  }
0x110: {  	v3 =	vor.u32 $0xC, v2;
	v1 =	vld [tilespmem:s7+$0xFFFFFE80];
	_ =	sdelay $0x4  }
0x111: {  	[tilespmem:v3+s28+$0x0] =	vst.idx.msk $0xffff, v1  }
0x112: {  	v3 =	vor.u32 $0xD, v2;
	v1 =	vld [tilespmem:s7+$0xFFFFFF00];
	_ =	sdelay $0x4  }
0x113: {  	[tilespmem:v3+s28+$0x0] =	vst.idx.msk $0xffff, v1  }
0x114: {  	v3 =	vor.u32 $0xE, v2;
	v1 =	vld [tilespmem:s7+$0xFFFFFF80];
	_ =	sdelay $0x4  }
0x115: {  	[tilespmem:v3+s28+$0x0] =	vst.idx.msk $0xffff, v1  }
0x116: {  	s13 =	sadd.s32 $0x1, s13;
	v2 =	vor.u32 $0xF, v2;
	v1 =	vld [tilespmem:s7+$0x0]  }
0x117: {  	p2 =	sne.s32 s13, $0x4E  }
.Ltmp4:
0x118: {  	_ = 	snop;
	(pc) =	sbr.rel @p2 .LBB2_2-.Ltmp4, $3  }
0x119: {  	_ =	sdelay $0x1  }
0x11a: {  	[tilespmem:v2+s28+$0x0] =	vst.idx.msk $0xffff, v1  }
0x11b: {  	[spmem:s4] =	stream.indirect.scatter.add.f32 [tilespmem:s28], [sflag:$0x4], $0x10, s23, s23, $0xb8;
	[tilespmem:$0x4810] =	vst v63  }
0x11c: {  	_ =	swait.ge [sflag:s29], $0x800  }
.Ltmp5:
0x11d: {  	[sflag:s29] =	ssyncset.done $0x0;
	(pc) =	sbr.rel @p1 .LBB2_11-.Ltmp5, $4  }
0x11e: {  	[sflag:s29] =	ssyncadd.s32 $0xFFFFF800  }
0x11f: {  	_ =	swait.ge [sflag:s30], $0x800  }
0x120: {  	[sflag:s30] =	ssyncset.done $0x0  }
0x121: {  	[sflag:s30] =	ssyncadd.s32 $0xFFFFF800  }
0x122: {  	s7 =	simm.s32 $0x0;
	s10 =	rddreg [dreg:$0x7]  }
0x123: {  	[tilespmem:s7], [sflag:$0x5] =	stream.linear.gather [hbm4b:s10+s7], $0x80, $0x38;
	[tilespmem:$0x4810] =	vst v63  }
0x124: {  	_ =	swait.ge [sflag:s31], $0x80  }
0x125: {  	[sflag:s31] =	ssyncset.done $0x0  }
0x126: {  	s11 =	rddreg [dreg:$0x8];
	[sflag:s31] =	ssyncadd.s32 $0xFFFFFF80  }
0x127: {  	[tilespmem:s20], [sflag:$0x5] =	stream.strided.gather [hbm4b:s11+s18], $0x800, s19, s18, $0x38;
	[tilespmem:$0x4810] =	vst v63  }
0x128: {  	_ =	swait.ge [sflag:s31], $0x800  }
0x129: {  	v1 =	vmov s7;
	[sflag:s31] =	ssyncset.done $0x0  }
0x12a: {  	s7 =	simm.s32 $0x500;
	v1 =	vshll.u32 v1, $0x4;
	[sflag:s31] =	ssyncadd.s32 $0xFFFFF800  }
0x12b: {  	v1 =	vor.u32 v0, v1;
	v2 =	vld [tilespmem:s7+$0xFFFFFC00];
	_ =	sdelay $0x4  }
0x12c: {  	[tilespmem:v1+s22+$0x0] =	vst.idx.msk $0xffff, v2  }
0x12d: {  	v3 =	vor.u32 $0x1, v1;
	v2 =	vld [tilespmem:s7+$0xFFFFFC80];
	_ =	sdelay $0x4  }
0x12e: {  	[tilespmem:v3+s22+$0x0] =	vst.idx.msk $0xffff, v2  }
0x12f: {  	v3 =	vor.u32 $0x2, v1;
	v2 =	vld [tilespmem:s7+$0xFFFFFD00];
	_ =	sdelay $0x4  }
0x130: {  	[tilespmem:v3+s22+$0x0] =	vst.idx.msk $0xffff, v2  }
0x131: {  	v3 =	vor.u32 $0x3, v1;
	v2 =	vld [tilespmem:s7+$0xFFFFFD80];
	_ =	sdelay $0x4  }
0x132: {  	[tilespmem:v3+s22+$0x0] =	vst.idx.msk $0xffff, v2  }
0x133: {  	v3 =	vor.u32 $0x4, v1;
	v2 =	vld [tilespmem:s7+$0xFFFFFE00];
	_ =	sdelay $0x4  }
0x134: {  	[tilespmem:v3+s22+$0x0] =	vst.idx.msk $0xffff, v2  }
0x135: {  	v3 =	vor.u32 $0x5, v1;
	v2 =	vld [tilespmem:s7+$0xFFFFFE80];
	_ =	sdelay $0x4  }
0x136: {  	[tilespmem:v3+s22+$0x0] =	vst.idx.msk $0xffff, v2  }
0x137: {  	v3 =	vor.u32 $0x6, v1;
	v2 =	vld [tilespmem:s7+$0xFFFFFF00];
	_ =	sdelay $0x4  }
0x138: {  	[tilespmem:v3+s22+$0x0] =	vst.idx.msk $0xffff, v2  }
0x139: {  	v3 =	vor.u32 $0x7, v1;
	v2 =	vld [tilespmem:s7+$0xFFFFFF80];
	_ =	sdelay $0x4  }
0x13a: {  	[tilespmem:v3+s22+$0x0] =	vst.idx.msk $0xffff, v2  }
0x13b: {  	v3 =	vor.u32 $0x8, v1;
	v2 =	vld [tilespmem:s7+$0x0];
	_ =	sdelay $0x4  }
0x13c: {  	[tilespmem:v3+s22+$0x0] =	vst.idx.msk $0xffff, v2  }
0x13d: {  	v3 =	vor.u32 $0x9, v1;
	v2 =	vld [tilespmem:s7+$0x80];
	_ =	sdelay $0x4  }
0x13e: {  	[tilespmem:v3+s22+$0x0] =	vst.idx.msk $0xffff, v2  }
0x13f: {  	v3 =	vor.u32 $0xA, v1;
	v2 =	vld [tilespmem:s7+$0x100];
	_ =	sdelay $0x4  }
0x140: {  	[tilespmem:v3+s22+$0x0] =	vst.idx.msk $0xffff, v2  }
0x141: {  	v3 =	vor.u32 $0xB, v1;
	v2 =	vld [tilespmem:s7+$0x180];
	_ =	sdelay $0x4  }
0x142: {  	[tilespmem:v3+s22+$0x0] =	vst.idx.msk $0xffff, v2  }
0x143: {  	v3 =	vor.u32 $0xC, v1;
	v2 =	vld [tilespmem:s7+$0x200];
	_ =	sdelay $0x4  }
0x144: {  	[tilespmem:v3+s22+$0x0] =	vst.idx.msk $0xffff, v2  }
0x145: {  	v3 =	vor.u32 $0xD, v1;
	v2 =	vld [tilespmem:s7+$0x280];
	_ =	sdelay $0x4  }
0x146: {  	[tilespmem:v3+s22+$0x0] =	vst.idx.msk $0xffff, v2  }
0x147: {  	v3 =	vor.u32 $0xE, v1;
	v2 =	vld [tilespmem:s7+$0x300];
	_ =	sdelay $0x4  }
0x148: {  	[tilespmem:v3+s22+$0x0] =	vst.idx.msk $0xffff, v2  }
0x149: {  	v1 =	vor.u32 $0xF, v1;
	v2 =	vld [tilespmem:s7+$0x380];
	_ =	sdelay $0x2  }
0x14a: {  	s13 =	simm.s32 $0x10  }
0x14b: {  	s10 =	simm.s32 $0x20;
	v3 =	vmov s13  }
.LBB2_9:
0x14c: {  	p2 =	sne.s32 s10, $0x70;
	v3 =	vshll.u32 v3, $0x4;
	[tilespmem:v1+s22+$0x0] =	vst.idx.msk $0xffff, v2;
	s7 =	sadd.s32 $0x10, s7  }
0x14d: {  	v2 =	vld [tilespmem:s7+$0xFFFFFC00];
	v1 =	vor.u32 v0, v3;
	_ =	sdelay $0x4  }
0x14e: {  	[tilespmem:v1+s22+$0x0] =	vst.idx.msk $0xffff, v2  }
0x14f: {  	v3 =	vor.u32 $0x1, v1;
	v2 =	vld [tilespmem:s7+$0xFFFFFC80];
	_ =	sdelay $0x4  }
0x150: {  	[tilespmem:v3+s22+$0x0] =	vst.idx.msk $0xffff, v2  }
0x151: {  	v3 =	vor.u32 $0x2, v1;
	v2 =	vld [tilespmem:s7+$0xFFFFFD00];
	_ =	sdelay $0x4  }
0x152: {  	[tilespmem:v3+s22+$0x0] =	vst.idx.msk $0xffff, v2  }
0x153: {  	v3 =	vor.u32 $0x3, v1;
	v2 =	vld [tilespmem:s7+$0xFFFFFD80];
	_ =	sdelay $0x4  }
0x154: {  	[tilespmem:v3+s22+$0x0] =	vst.idx.msk $0xffff, v2  }
0x155: {  	v3 =	vor.u32 $0x4, v1;
	v2 =	vld [tilespmem:s7+$0xFFFFFE00];
	_ =	sdelay $0x4  }
0x156: {  	[tilespmem:v3+s22+$0x0] =	vst.idx.msk $0xffff, v2  }
0x157: {  	v3 =	vor.u32 $0x5, v1;
	v2 =	vld [tilespmem:s7+$0xFFFFFE80];
	_ =	sdelay $0x4  }
0x158: {  	[tilespmem:v3+s22+$0x0] =	vst.idx.msk $0xffff, v2  }
0x159: {  	v3 =	vor.u32 $0x6, v1;
	v2 =	vld [tilespmem:s7+$0xFFFFFF00];
	_ =	sdelay $0x4  }
0x15a: {  	[tilespmem:v3+s22+$0x0] =	vst.idx.msk $0xffff, v2  }
0x15b: {  	v3 =	vor.u32 $0x7, v1;
	v2 =	vld [tilespmem:s7+$0xFFFFFF80];
	_ =	sdelay $0x4  }
0x15c: {  	[tilespmem:v3+s22+$0x0] =	vst.idx.msk $0xffff, v2  }
0x15d: {  	v3 =	vor.u32 $0x8, v1;
	v2 =	vld [tilespmem:s7+$0x0];
	_ =	sdelay $0x4  }
0x15e: {  	[tilespmem:v3+s22+$0x0] =	vst.idx.msk $0xffff, v2  }
0x15f: {  	v3 =	vor.u32 $0x9, v1;
	v2 =	vld [tilespmem:s7+$0x80];
	_ =	sdelay $0x4  }
0x160: {  	[tilespmem:v3+s22+$0x0] =	vst.idx.msk $0xffff, v2  }
0x161: {  	v3 =	vor.u32 $0xA, v1;
	v2 =	vld [tilespmem:s7+$0x100];
	_ =	sdelay $0x4  }
0x162: {  	[tilespmem:v3+s22+$0x0] =	vst.idx.msk $0xffff, v2  }
0x163: {  	v3 =	vor.u32 $0xB, v1;
	v2 =	vld [tilespmem:s7+$0x180];
	_ =	sdelay $0x4  }
0x164: {  	[tilespmem:v3+s22+$0x0] =	vst.idx.msk $0xffff, v2  }
0x165: {  	v3 =	vor.u32 $0xC, v1;
	v2 =	vld [tilespmem:s7+$0x200];
	_ =	sdelay $0x4  }
0x166: {  	[tilespmem:v3+s22+$0x0] =	vst.idx.msk $0xffff, v2  }
0x167: {  	v3 =	vor.u32 $0xD, v1;
	v2 =	vld [tilespmem:s7+$0x280];
	_ =	sdelay $0x4  }
0x168: {  	[tilespmem:v3+s22+$0x0] =	vst.idx.msk $0xffff, v2  }
0x169: {  	v3 =	vor.u32 $0xE, v1;
	v2 =	vld [tilespmem:s7+$0x300];
	_ =	sdelay $0x4  }
0x16a: {  	[tilespmem:v3+s22+$0x0] =	vst.idx.msk $0xffff, v2  }
.Ltmp6:
0x16b: {  	v1 =	vor.u32 $0xF, v1;
	v2 =	vld [tilespmem:s7+$0x380];
	(pc) =	sbr.rel @p2 .LBB2_9-.Ltmp6, $2  }
0x16c: {  	_ =	sdelay $0x2  }
0x16d: {  	v3 =	vmov s10;
	s10 =	sadd.s32 $0x10, s10  }
0x16e: {  	_ =	sdelay $0x3  }
0x16f: {  	v3 =	vshll.u32 v3, $0x4;
	[tilespmem:v1+s22+$0x0] =	vst.idx.msk $0xffff, v2;
	s7 =	sadd.s32 $0x10, s7  }
0x170: {  	v1 =	vld [tilespmem:s7+$0xFFFFFC00];
	v2 =	vor.u32 v0, v3;
	_ =	sdelay $0x4  }
0x171: {  	[tilespmem:v2+s22+$0x0] =	vst.idx.msk $0xffff, v1  }
0x172: {  	v3 =	vor.u32 $0x1, v2;
	v1 =	vld [tilespmem:s7+$0xFFFFFC80];
	_ =	sdelay $0x4  }
0x173: {  	[tilespmem:v3+s22+$0x0] =	vst.idx.msk $0xffff, v1  }
0x174: {  	v3 =	vor.u32 $0x2, v2;
	v1 =	vld [tilespmem:s7+$0xFFFFFD00];
	_ =	sdelay $0x4  }
0x175: {  	[tilespmem:v3+s22+$0x0] =	vst.idx.msk $0xffff, v1  }
0x176: {  	v3 =	vor.u32 $0x3, v2;
	v1 =	vld [tilespmem:s7+$0xFFFFFD80];
	_ =	sdelay $0x4  }
0x177: {  	[tilespmem:v3+s22+$0x0] =	vst.idx.msk $0xffff, v1  }
0x178: {  	v3 =	vor.u32 $0x4, v2;
	v1 =	vld [tilespmem:s7+$0xFFFFFE00];
	_ =	sdelay $0x4  }
0x179: {  	[tilespmem:v3+s22+$0x0] =	vst.idx.msk $0xffff, v1  }
0x17a: {  	v3 =	vor.u32 $0x5, v2;
	v1 =	vld [tilespmem:s7+$0xFFFFFE80];
	_ =	sdelay $0x4  }
0x17b: {  	[tilespmem:v3+s22+$0x0] =	vst.idx.msk $0xffff, v1  }
0x17c: {  	v3 =	vor.u32 $0x6, v2;
	v1 =	vld [tilespmem:s7+$0xFFFFFF00];
	_ =	sdelay $0x4  }
0x17d: {  	[tilespmem:v3+s22+$0x0] =	vst.idx.msk $0xffff, v1  }
0x17e: {  	v3 =	vor.u32 $0x7, v2;
	v1 =	vld [tilespmem:s7+$0xFFFFFF80];
	_ =	sdelay $0x4  }
0x17f: {  	[tilespmem:v3+s22+$0x0] =	vst.idx.msk $0xffff, v1  }
0x180: {  	v3 =	vor.u32 $0x8, v2;
	v1 =	vld [tilespmem:s7+$0x0];
	_ =	sdelay $0x4  }
0x181: {  	[tilespmem:v3+s22+$0x0] =	vst.idx.msk $0xffff, v1  }
0x182: {  	v3 =	vor.u32 $0x9, v2;
	v1 =	vld [tilespmem:s7+$0x80];
	_ =	sdelay $0x4  }
0x183: {  	[tilespmem:v3+s22+$0x0] =	vst.idx.msk $0xffff, v1  }
0x184: {  	v3 =	vor.u32 $0xA, v2;
	v1 =	vld [tilespmem:s7+$0x100];
	_ =	sdelay $0x4  }
0x185: {  	[tilespmem:v3+s22+$0x0] =	vst.idx.msk $0xffff, v1  }
0x186: {  	v3 =	vor.u32 $0xB, v2;
	v1 =	vld [tilespmem:s7+$0x180];
	_ =	sdelay $0x4  }
0x187: {  	[tilespmem:v3+s22+$0x0] =	vst.idx.msk $0xffff, v1  }
0x188: {  	v3 =	vor.u32 $0xC, v2;
	v1 =	vld [tilespmem:s7+$0x200];
	_ =	sdelay $0x4  }
0x189: {  	[tilespmem:v3+s22+$0x0] =	vst.idx.msk $0xffff, v1  }
0x18a: {  	v3 =	vor.u32 $0xD, v2;
	v1 =	vld [tilespmem:s7+$0x280];
	_ =	sdelay $0x4  }
0x18b: {  	[tilespmem:v3+s22+$0x0] =	vst.idx.msk $0xffff, v1  }
0x18c: {  	v3 =	vor.u32 $0xE, v2;
	v1 =	vld [tilespmem:s7+$0x300];
	_ =	sdelay $0x4  }
0x18d: {  	[tilespmem:v3+s22+$0x0] =	vst.idx.msk $0xffff, v1  }
0x18e: {  	v2 =	vor.u32 $0xF, v2;
	v1 =	vld [tilespmem:s7+$0x380];
	_ =	sdelay $0x4  }
0x18f: {  	[tilespmem:v2+s22+$0x0] =	vst.idx.msk $0xffff, v1  }
0x190: {  	[spmem:s4] =	stream.indirect.scatter.add.f32 [tilespmem:s22], [sflag:$0x5], $0x10, s5, s23, $0xb8;
	[tilespmem:$0x4810] =	vst v63  }
.Ltmp7:
0x191: {  	_ =	swait.ge [sflag:s31], $0x800;
	(pc) =	sbr.rel .LBB2_12-.Ltmp7, $3  }
0x192: {  	[sflag:s31] =	ssyncset.done $0x0  }
0x193: {  	[sflag:s31] =	ssyncadd.s32 $0xFFFFF800  }
0x194: {  	[bflag:$0x0] =	sbarrier.arrive $0xFFFF;
	_ =	sdelay $0x1  }
.LBB2_11:
.Ltmp8:
0x195: {  	(pc) =	sbr.rel @p0 .LBB2_13-.Ltmp8, $2  }
0x196: {  	_ =	sdelay $0x1  }
0x197: {  	[bflag:$0x0] =	sbarrier.arrive $0xFFFF;
	_ =	sdelay $0x1  }
.LBB2_12:
0x198: {  	s7 =	sshll.u32 s0, $0x6  }
.Ltmp9:
0x199: {  	s7 =	sor.u32 $0x1C05, s7;
	(pc) =	sbr.rel .LBB2_14-.Ltmp9, $4  }
0x19a: {  	[hbm:s12@s30], [sflag:s7] =	dma.strided [spmem:s25@s26], $0x4F0, s21, $0x2   }
0x19b: {  	_ =	swait.ge [sflag:s31], $0x4F0  }
0x19c: {  	[sflag:s31] =	ssyncset.done $0x0  }
0x19d: {  	[sflag:s31] =	ssyncadd.s32 $0xFFFFFB10  }
.LBB2_15:
0x19e: {  	_ =	sfence.sel $0x180000  }
0x19f: {  	[bflag:$0x0] =	sbarrier.arrive $0xFFFF  }
0x1a0: {  	_ =	strace $0x9000004D  }
0x1a1: {  	[bflag:$0x2] =	sbarrier.arrive $0xFFFF  }
0x1a2: {  	p0 =	sne.s32 s0, $0x0;
	s0 =	rddreg [dreg:$0x5]  }
0x1a3: {  	s0 =	sadd.s32 @!p0 $0x100000, s0  }
0x1a4: {  	[sflag:s0] =	ssyncadd.tile.s32 @!p0 $0x1;
	_ =	shalt  }
.Lfunc_end2:
_tile_overlayer_lowered:
.L_overlay_start_2:
0x1a5: {  	(tag) =	ssettag $0x2  }
0x1a6: {  	s0 =	rddreg [dreg:$0x0];
	s2 =	stileid.u32  }
0x1a7: {  	s1 =	rddreg [dreg:$0x1];
	p0 =	sne.s32 s2, $0x0  }
0x1a8: {  	s3 =	rddreg [dreg:$0x2];
	[bflag:$0x3] =	sbarrier.arrive $0xFFFF;
	s2 =	simm.s32 @!p0 $0x1C05  }
0x1a9: {  	[timem:s3], [sflag:s2] =	dma.local @!p0 [hbm:s0], s1  }
0x1aa: {  	s0 =	simm.s32 @!p0 $0x5  }
0x1ab: {  	_ =	swait.ge @!p0 [sflag:s0], s1  }
0x1ac: {  	s1 =	ssub.s32 @!p0 $0x0, s1;
	[sflag:s0] =	ssyncset.done @!p0 $0x0  }
0x1ad: {  	[sflag:s0] =	ssyncadd.s32 @!p0 s1  }
0x1ae: {  	[bflag:$0x3] =	sbarrier.arrive $0xFFFF  }
0x1af: {  	_ =	shalt  }

// kernel: kernel.8.cloned.1.call-start
scs
__scs_entry_jumppad:
0x0: {  	(pc) =	sbr.rel $0x88, $3  }
0x1: {  	(tag) =	ssettag $0x0;
	lr =	simm.s32 $0x1  }
0x2: {  	[smem:$0x3F98] =	sst lr;
	_ =	strace $0xD0000000  }
0x3: {  	_ = 	snop  }
0x4: {  	_ = 	snop  }
0x5: {  	_ = 	snop  }
0x6: {  	_ = 	snop  }
0x7: {  	_ = 	snop  }
__scs_overlays_trampoline_lowered:
0x8: {  	[smem:$0x3FA7] =	sst s0  }
0x9: {  	[smem:$0x3FA8] =	sst s1  }
0xa: {  	[smem:$0x3FA9] =	sst s2  }
0xb: {  	[smem:$0x3FAA] =	sst s3  }
0xc: {  	[smem:$0x3FAB] =	sst s4  }
0xd: {  	[smem:$0x3FAC] =	sst s5  }
0xe: {  	[smem:$0x3FAD] =	sst s6  }
0xf: {  	[smem:$0x3FAE] =	sst s7  }
0x10: {  	[smem:$0x3FAF] =	sst s8  }
0x11: {  	[smem:$0x3FB0] =	sst s9;
	s0 =	simm.s32 @!p0 $0x0  }
0x12: {  	s1 =	sld [smem:$0x3F96];
	s0 =	simm.s32 @p0 $0x1  }
0x13: {  	[smem:$0x3FB1] =	sst s0;
	s0 =	simm.s32 @!p1 $0x0  }
0x14: {  	s2 =	sld [smem:$0x3F95];
	s0 =	simm.s32 @p1 $0x1  }
0x15: {  	[smem:$0x3FB2] =	sst s0;
	s0 =	simm.s32 @!p2 $0x0  }
0x16: {  	s3 =	sld [smem:$0x3FDB];
	s0 =	simm.s32 @p2 $0x1  }
0x17: {  	s4 =	simm.s32 $0x1BF5;
	[smem:$0x3FB4] =	sst s0  }
0x18: {  	s0 =	sld [smem:$0x3F97];
	_ =	swait.ge [sflag:s4], $0x0  }
0x19: {  	s7 =	sld [smem:$0x3F98]  }
0x1a: {  	s8 =	sadd.s32 $0xFFFFE003, lr  }
0x1b: {  	s9 =	sadd.s32 $0xFFFFFEF7, lr;
	s5 =	simm.s32 $0xFFFFFFFF;
	p2 =	slt.u32 s8, $0xFFFFF086  }
0x1c: {  	p1 =	slt.u32 s9, $0xF7A;
	s5 =	simm.s32 @!p2 $0x0  }
0x1d: {  	s5 =	simm.s32 @p1 $0x1;
	p0 =	seq.s32 s7, s2  }
0x1e: {  	s7 =	smul.u32 @!p0 $0xF7A, s2;
	p2 =	seq.s32 @!p0 s5, $0x0  }
0x1f: {  	s9 =	smul.u32 $0xF7A, s1;
	s8 =	simm.s32 @!p0 $0x1BF5;
	p2 =	por !p2, p0  }
0x20: {  	[sflag:s8] =	ssyncset.s32 @!p0 $0xFFFFF086;
	s6 =	sadd.s32 @!p0 s3, s7;
	s7 =	simm.s32 @!p0 $0x108  }
0x21: {  	s3 =	sadd.s32 s3, s9;
	s6 =	sadd.s32 @!p0 $0x88, s6;
	s7 =	simm.s32 @p2 $0x1082  }
0x22: {  	[simem:s7], [sflag:s8] =	dma.local @!p0 [hbm:s6], $0xF7A  }
0x23: {  	s9 =	sor.u32 $0xD0000000, s2;
	s6 =	simm.s32 $0x108;
	_ =	swait.ge @!p0 [sflag:s8], $0x0  }
0x24: {  	s3 =	sadd.s32 $0x88, s3;
	s6 =	simm.s32 @!p1 $0x1082;
	[sflag:s4] =	ssyncset.s32 $0xFFFFF086  }
0x25: {  	[simem:s6], [sflag:s4] =	dma.local [hbm:s3], $0xF7A  }
0x26: {  	[smem:$0x3F98] =	sst s1;
	(tag) =	ssettag s2;
	_ =	strace s9  }
0x27: {  	s1 =	sld [smem:$0x3FA8]  }
0x28: {  	s2 =	sld [smem:$0x3FA9]  }
0x29: {  	s4 =	sld [smem:$0x3FAB]  }
0x2a: {  	p0 =	seq.s32 s5, $0x0;
	s5 =	sld [smem:$0x3FAC]  }
0x2b: {  	s6 =	sld [smem:$0x3FAD]  }
0x2c: {  	s7 =	sld [smem:$0x3FAE]  }
0x2d: {  	s3 =	simm.s32 $0x108;
	s8 =	sld [smem:$0x3FAF]  }
0x2e: {  	s3 =	simm.s32 @!p0 $0x1082;
	s9 =	sld [smem:$0x3FB0]  }
0x2f: {  	lr =	sadd.s32 s0, s3;
	s0 =	sld [smem:$0x3FA7]  }
0x30: {  	s3 =	sld [smem:$0x3FAA]  }
0x31: {  	[smem:$0x3FB3] =	sst s10  }
0x32: {  	s10 =	sld [smem:$0x3FB1];
	_ =	sdelay $0x3  }
0x33: {  	p0 =	seq.s32 s10, $0x1;
	s10 =	sld [smem:$0x3FB3];
	_ =	sdelay $0x3  }
0x34: {  	[smem:$0x3FB3] =	sst s10  }
0x35: {  	s10 =	sld [smem:$0x3FB2];
	_ =	sdelay $0x3  }
0x36: {  	p1 =	seq.s32 s10, $0x1;
	s10 =	sld [smem:$0x3FB3];
	_ =	sdelay $0x3  }
0x37: {  	[smem:$0x3FB3] =	sst s10  }
0x38: {  	s10 =	sld [smem:$0x3FB4]  }
0x39: {  	_ = 	snop;
	(pc) =	sbr.ind lr, $3  }
0x3a: {  	_ = 	snop  }
0x3b: {  	_ = 	snop  }
0x3c: {  	p2 =	seq.s32 s10, $0x1;
	s10 =	sld [smem:$0x3FB3]  }
0x3d: {  	_ =	shalt  }
0x3e: {  	_ =	shalt  }
0x3f: {  	_ =	shalt  }
0x40: {  	_ =	shalt  }
0x41: {  	_ =	shalt  }
0x42: {  	_ =	shalt  }
0x43: {  	_ =	shalt  }
0x44: {  	_ =	shalt  }
0x45: {  	_ =	shalt  }
0x46: {  	_ =	shalt  }
0x47: {  	_ =	shalt  }
0x48: {  	_ =	shalt  }
0x49: {  	_ =	shalt  }
0x4a: {  	_ =	shalt  }
0x4b: {  	_ =	shalt  }
0x4c: {  	_ =	shalt  }
0x4d: {  	_ =	shalt  }
0x4e: {  	_ =	shalt  }
0x4f: {  	_ =	shalt  }
0x50: {  	_ =	shalt  }
0x51: {  	_ =	shalt  }
0x52: {  	_ =	shalt  }
0x53: {  	_ =	shalt  }
0x54: {  	_ =	shalt  }
0x55: {  	_ =	shalt  }
0x56: {  	_ =	shalt  }
0x57: {  	_ =	shalt  }
0x58: {  	_ =	shalt  }
0x59: {  	_ =	shalt  }
0x5a: {  	_ =	shalt  }
0x5b: {  	_ =	shalt  }
0x5c: {  	_ =	shalt  }
0x5d: {  	_ =	shalt  }
0x5e: {  	_ =	shalt  }
0x5f: {  	_ =	shalt  }
0x60: {  	_ =	shalt  }
0x61: {  	_ =	shalt  }
0x62: {  	_ =	shalt  }
0x63: {  	_ =	shalt  }
0x64: {  	_ =	shalt  }
0x65: {  	_ =	shalt  }
0x66: {  	_ =	shalt  }
0x67: {  	_ =	shalt  }
0x68: {  	_ =	shalt  }
0x69: {  	_ =	shalt  }
0x6a: {  	_ =	shalt  }
0x6b: {  	_ =	shalt  }
0x6c: {  	_ =	shalt  }
0x6d: {  	_ =	shalt  }
0x6e: {  	_ =	shalt  }
0x6f: {  	_ =	shalt  }
0x70: {  	_ =	shalt  }
0x71: {  	_ =	shalt  }
0x72: {  	_ =	shalt  }
0x73: {  	_ =	shalt  }
0x74: {  	_ =	shalt  }
0x75: {  	_ =	shalt  }
0x76: {  	_ =	shalt  }
0x77: {  	_ =	shalt  }
0x78: {  	_ =	shalt  }
0x79: {  	_ =	shalt  }
0x7a: {  	_ =	shalt  }
0x7b: {  	_ =	shalt  }
0x7c: {  	_ =	shalt  }
0x7d: {  	_ =	shalt  }
0x7e: {  	_ =	shalt  }
0x7f: {  	_ =	shalt  }
0x80: {  	_ =	shalt  }
0x81: {  	_ =	shalt  }
0x82: {  	_ =	shalt  }
0x83: {  	_ =	shalt  }
0x84: {  	_ =	shalt  }
0x85: {  	_ =	shalt  }
0x86: {  	_ =	shalt  }
0x87: {  	_ =	shalt  }
.Lfunc_end0:
.L_simem_size_0:
called_computation_lowered:
.L_overlay_start_0:
0x88: {  	s2 =	sld [smem:$0x3FD9]  }
0x89: {  	s3 =	sld [smem:$0x3FFE];
	_ =	sdelay $0x1  }
0x8a: {  	s1 =	srdreg.scid  }
0x8b: {  	s0 =	sand.u32 $0x1, s1  }
0x8c: {  	s14 =	sshll.u32 s0, $0xA;
	s2 =	sadd.s32 s3, s2  }
0x8d: {  	s2 =	sadd.s32 s2, s14  }
0x8e: {  	[smem:$0x3FBF] =	sst s2  }
0x8f: {  	_ = 	snop  }
0x90: {  	s2 =	sld [smem:$0x3FD0];
	_ =	sdelay $0x2  }
0x91: {  	s4 =	simm.s32 $0xA;
	s5 =	simm.s32 $0x10;
	s15 =	sld [smem:$0x3FC6]  }
0x92: {  	[smem:s5], [sflag:s4] =	dma.local [hbm:s2], $0x1  }
0x93: {  	_ =	swait.eq [sflag:s4], $0x1  }
0x94: {  	[sflag:s4] =	ssyncset.done $0x0  }
0x95: {  	s16 =	sld [smem:$0x10];
	[sflag:s4] =	ssyncadd.s32 $0xFFFFFFFF  }
0x96: {  	s17 =	sld [smem:$0x11];
	(tm) =	ssettm $0x1  }
0x97: {  	s18 =	sld [smem:$0x3FFB];
	_ =	sdelay $0x3  }
0x98: {  	_ =	strace s18  }
0x99: {  	s5 =	sld [smem:$0x3FFC];
	_ =	sdelay $0x3  }
0x9a: {  	_ =	strace s5  }
0x9b: {  	s5 =	sld [smem:$0x3FFD];
	_ =	sdelay $0x3  }
0x9c: {  	_ =	strace s5  }
0x9d: {  	_ =	strace $0x8FFFFFFF  }
0x9e: {  	s19 =	sld [smem:$0x3FDB];
	_ =	sdelay $0x1  }
0x9f: {  	s6 =	simm.s32 $_scs_section_size  }
0xa0: {  	s7 =	simm.s32 $_size__tile_overlayer_lowered;
	s8 =	simm.s32 $_tile_overlayer_lowered  }
0xa1: {  	s22 =	simm.s32 $0x1BFF;
	s21 =	sshll.u32 s8, $0x1;
	s5 =	sadd.s32 s6, s19  }
0xa2: {  	s9 =	simm.s32 $0x0;
	s20 =	sshll.u32 s7, $0x1;
	s7 =	sadd.s32 s21, s5  }
0xa3: {  	[timem:s9], [sflag:s22] =	dma.local [hbm:s7], s20  }
0xa4: {  	_ =	swait.ge [sflag:s22], s20  }
0xa5: {  	s6 =	ssub.s32 $0x0, s20;
	[sflag:s22] =	ssyncset.done $0x0  }
0xa6: {  	[sflag:s22] =	ssyncadd.s32 s6;
	_ =	sdelay $0x1  }
0xa7: {  	s23 =	simm.s32 $0x1B8B  }
0xa8: {  	_ =	swait.ge [sflag:s23], $0x1  }
0xa9: {  	[sflag:s23] =	ssyncset.done $0x0  }
0xaa: {  	s25 =	simm.s32 $0x1B8E;
	s24 =	sld [smem:$0x3FFE];
	[sflag:s23] =	ssyncadd.s32 $0xFFFFFFFF  }
0xab: {  	s26 =	simm.s32 $execute0_lowered;
	[smem:$0x3FD2] =	sst s25  }
0xac: {  	s7 =	sshll.u32 s26, $0x1;
	_ =	strace $0x80000046;
	[dreg:$0x1] =	wrdreg $0xFFFFFFFF  }
0xad: {  	s28 =	simm.s32 $_size_execute0_lowered;
	s5 =	sadd.s32 s5, s7;
	[dreg:$0x0] =	wrdreg $0x0  }
0xae: {  	s7 =	sshll.u32 s28, $0x1;
	[dreg:$0x2] =	wrdreg s5  }
0xaf: {  	[dreg:$0x3] =	wrdreg s7  }
0xb0: {  	[dreg:$0x4] =	wrdreg $0xC0  }
0xb1: {  	_ =	task [dreg:s9], $0x5FFFF  }
0xb2: {  	[dreg:$0x1] =	wrdreg $0xFFFFFFFF  }
0xb3: {  	[dreg:$0x0] =	wrdreg $0x60  }
0xb4: {  	[dreg:$0x2] =	wrdreg s15  }
0xb5: {  	[dreg:$0x3] =	wrdreg s17  }
0xb6: {  	[dreg:$0x4] =	wrdreg s24  }
0xb7: {  	[dreg:$0x5] =	wrdreg s16  }
0xb8: {  	[dreg:$0x6] =	wrdreg $0x11000  }
0xb9: {  	[dreg:$0x7] =	wrdreg $0x9  }
0xba: {  	_ =	task.clear_ibuf [dreg:s9], $0x8FFFF;
	_ =	strace $0x90000046  }
0xbb: {  	s29 =	simm.s32 $0x9;
	_ =	strace $0x80000048  }
0xbc: {  	_ =	swait.ge [sflag:s29], $0x1  }
0xbd: {  	[sflag:s29] =	ssyncadd.s32 $0xFFFFFFFF  }
0xbe: {  	_ =	strace $0x90000048  }
0xbf: {  	_ =	sfence  }
0xc0: {  	s30 =	sld [smem:$0x0];
	_ =	sdelay $0x2  }
0xc1: {  	s31 =	sshll.u32 s1, $0xD;
	s1 =	sshrl.u32 s1, $0x2  }
0xc2: {  	s3 =	sand.u32 $0x4000, s31;
	s1 =	sadd.s32 s1, s30  }
0xc3: {  	s0 =	sor.u32 s3, s0;
	s1 =	sshll.u32 s1, $0x11  }
0xc4: {  	s0 =	sor.u32 s1, s0  }
0xc5: {  	s0 =	sadd.s32 $0x8F2B, s0  }
0xc6: {  	[sflag:s0] =	ssyncadd.remote.s32 $0x1  }
0xc7: {  	_ =	sfence.sel $0xFFFF  }
0xc8: {  	[dreg:$0x0] =	wrdreg $0xFFFFFFFF;
	(pc) =	sbr.abs _section_cstart, $3  }
0xc9: {  	[dreg:$0x1] =	wrdreg $0xFFFFFFFF  }
0xca: {  	_ =	task.clear_ibuf [dreg:s9], $0x2FFFF;
	_ =	strace $0x9FFFFFFF  }
0xcb: {  	(tm) =	ssettm $0x7FFFFFFF  }
tec
execute0_lowered:
.L_overlay_start_1:
0x0: {  	(tag) =	ssettag $0x1  }
0x1: {  	s1 =	rddreg [dreg:$0x0]  }
0x2: {  	s3 =	rddreg [dreg:$0x1]  }
0x3: {  	s0 =	rddreg [dreg:$0x2]  }
0x4: {  	s2 =	rddreg [dreg:$0x3];
	s26 =	stileid.u32  }
0x5: {  	s4 =	rddreg [dreg:$0x4];
	s5 =	simm.s32 $0x0;
	s6 =	srdreg.scid  }
0x6: {  	s19 =	simm.s32 $0x80;
	s20 =	simm.s32 $0x4E200;
	s21 =	simm.s32 $0x100  }
0x7: {  	s22 =	simm.s32 $0x1;
	s28 =	simm.s32 $0x3;
	s29 =	simm.s32 $0x4  }
0x8: {  	s30 =	simm.s32 $0x5;
	s9 =	smul.u32 $0x13C0, s26;
	[smem:$0x7FF] =	sst s5  }
0x9: {  	s10 =	sand.u32 $0x1, s6;
	s11 =	sshll.u32 s26, $0x5;
	s16 =	sadd.s32 $0x12840, s4  }
0xa: {  	p0 =	seq.s32 s26, $0xF;
	p1 =	sgt.u32 s26, $0x1;
	_ =	strace $0x80000047  }
0xb: {  	s6 =	ssub.s32 $0x2, s10;
	s12 =	sshll.u32 s10, $0x4;
	s13 =	smul.u32 $0x13880, s10  }
0xc: {  	s10 =	sadd.s32 $0x3B08, s0;
	[dreg:$0x6] =	wrdreg s16;
	s7 =	sshrl.u32 s9, $0x3  }
0xd: {  	s16 =	sshrl.u32 @p0 s16, $0x3;
	s23 =	sshrl.u32 s6, $0x1;
	s8 =	sadd.s32 s7, s0  }
0xe: {  	s14 =	ssub.s32 s6, s23;
	s6 =	sadd.s32 s9, s4;
	s7 =	sor.u32 s12, s11  }
0xf: {  	s24 =	sadd.s32 s9, s13;
	s25 =	sshrl.u32 s13, $0x3;
	s23 =	simm.s32 $0x900  }
0x10: {  	s8 =	sadd.s32 $0x1600, s8;
	s12 =	sor.u32 $0x9C00, s7;
	s0 =	sshrl.u32 s24, $0x3  }
.Ltmp0:
0x11: {  	s9 =	sadd.s32 s2, s25;
	s15 =	smax.u32 s14, $0x1;
	(pc) =	sbr.rel .LBB2_1-.Ltmp0, $4  }
0x12: {  	s18 =	sshrl.u32 @!p0 s6, $0x3;
	s24 =	simm.s32 $0x500;
	s25 =	simm.s32 $0x2  }
0x13: {  	s11 =	sadd.s32 s1, s12;
	s12 =	sadd.s32 s3, s12;
	s13 =	sadd.s32 s2, s0  }
0x14: {  	v0 =	vlaneseq.u32;
	s31 =	sadd.s32 $0x2508, s9;
	s0 =	sshll.u32 @!p0 s26, $0x6;
	s26 =	simm.s32 $0xD00  }
0x15: {  	v0 =	vmul.u32 $0x8, v0;
	s2 =	simm.s32 $0x0;
	[dreg:$0x7] =	wrdreg s31;
	s17 =	sor.u32 @!p0 $0x1C05, s0  }
.LBB2_13:
0x16: {  	s0 =	rddreg [dreg:$0x6]  }
0x17: {  	s9 =	rddreg [dreg:$0x7];
	s14 =	simm.s32 $0x1FC5;
	s0 =	sshrl.u32 s0, $0x3  }
0x18: {  	[hbm:s9], [sflag:s14] =	dma.local [spmem:s0], $0x208  }
0x19: {  	_ =	swait.ge [sflag:s30], $0x208  }
0x1a: {  	[sflag:s30] =	ssyncset.done $0x0  }
0x1b: {  	[sflag:s30] =	ssyncadd.s32 $0xFFFFFDF8  }
.LBB2_14:
0x1c: {  	s2 =	sadd.s32 $0x1, s2  }
0x1d: {  	p2 =	sne.s32 s2, s15  }
.Ltmp1:
0x1e: {  	_ = 	snop;
	(pc) =	sbr.rel @!p2 .LBB2_15-.Ltmp1, $1  }
0x1f: {  	_ =	sdelay $0x3  }
.LBB2_1:
0x20: {  	s0 =	simm.s32 @p0 $0x1FC5  }
0x21: {  	[spmem:s16], [sflag:s0] =	dma.local @p0 [hbm:s10], $0x208  }
0x22: {  	s0 =	simm.s32 @p0 $0x5  }
0x23: {  	_ =	swait.ge @p0 [sflag:s0], $0x208  }
0x24: {  	[sflag:s0] =	ssyncset.done @p0 $0x0  }
0x25: {  	[sflag:s0] =	ssyncadd.s32 @p0 $0xFFFFFDF8;
	s0 =	simm.s32 @!p0 $0x5  }
0x26: {  	[spmem:s18], [sflag:s17] =	dma.local @!p0 [hbm:s8], $0x278  }
0x27: {  	_ =	swait.ge @!p0 [sflag:s0], $0x278  }
0x28: {  	[sflag:s0] =	ssyncset.done @!p0 $0x0  }
0x29: {  	[sflag:s0] =	ssyncadd.s32 @!p0 $0xFFFFFD88  }
0x2a: {  	s31 =	simm.s32 $0x0;
	[bflag:$0x0] =	sbarrier.arrive $0xFFFF  }
.LBB2_2:
0x2b: {  	p2 =	seq.s32 s31, $0x0  }
0x2c: {  	s0 =	simm.s32 @!p2 $0x3  }
0x2d: {  	s9 =	sshll.u32 s31, $0xA;
	_ =	swait.ge @!p2 [sflag:s0], $0x400  }
0x2e: {  	s14 =	sor.u32 s7, s9;
	[sflag:s0] =	ssyncset.done @!p2 $0x0  }
0x2f: {  	s9 =	simm.s32 $0x0;
	[sflag:s0] =	ssyncadd.s32 @!p2 $0xFFFFFC00;
	s0 =	sadd.s32 s1, s14  }
0x30: {  	[tilespmem:s9], [sflag:$0x1] =	stream.linear.gather [hbm4b:s0+s9], $0x80, $0x38;
	[tilespmem:$0x2488] =	vst v63  }
0x31: {  	s0 =	sadd.s32 s3, s14  }
0x32: {  	[tilespmem:s21], [sflag:$0x1] =	stream.strided.gather [hbm4b:s0+s19], $0x400, s20, s19, $0x38;
	[tilespmem:$0x2488] =	vst v63  }
0x33: {  	_ =	swait.ge [sflag:s22], $0x80  }
0x34: {  	[sflag:s22] =	ssyncset.done $0x0  }
0x35: {  	[sflag:s22] =	ssyncadd.s32 $0xFFFFFF80  }
0x36: {  	_ =	swait.ge [sflag:s22], $0x400  }
0x37: {  	v1 =	vmov s9;
	[sflag:s22] =	ssyncset.done $0x0  }
0x38: {  	v1 =	vshll.u32 v1, $0x3;
	s9 =	simm.s32 $0x300;
	[sflag:s22] =	ssyncadd.s32 $0xFFFFFC00  }
0x39: {  	v3 =	vor.u32 v0, v1;
	v2 =	vld [tilespmem:s9+$0xFFFFFE00];
	_ =	sdelay $0x4  }
0x3a: {  	[tilespmem:v3+s23+$0x0] =	vst.idx.msk $0xffff, v2  }
0x3b: {  	v2 =	vor.u32 $0x1, v3;
	v1 =	vld [tilespmem:s9+$0xFFFFFE80];
	_ =	sdelay $0x4  }
0x3c: {  	[tilespmem:v2+s23+$0x0] =	vst.idx.msk $0xffff, v1  }
0x3d: {  	v2 =	vor.u32 $0x2, v3;
	v1 =	vld [tilespmem:s9+$0xFFFFFF00];
	_ =	sdelay $0x4  }
0x3e: {  	[tilespmem:v2+s23+$0x0] =	vst.idx.msk $0xffff, v1  }
0x3f: {  	v2 =	vor.u32 $0x3, v3;
	v1 =	vld [tilespmem:s9+$0xFFFFFF80];
	_ =	sdelay $0x4  }
0x40: {  	[tilespmem:v2+s23+$0x0] =	vst.idx.msk $0xffff, v1  }
0x41: {  	v2 =	vor.u32 $0x4, v3;
	v1 =	vld [tilespmem:s9+$0x0];
	_ =	sdelay $0x4  }
0x42: {  	[tilespmem:v2+s23+$0x0] =	vst.idx.msk $0xffff, v1  }
0x43: {  	v2 =	vor.u32 $0x5, v3;
	v1 =	vld [tilespmem:s9+$0x80];
	_ =	sdelay $0x4  }
0x44: {  	[tilespmem:v2+s23+$0x0] =	vst.idx.msk $0xffff, v1  }
0x45: {  	v2 =	vor.u32 $0x6, v3;
	v1 =	vld [tilespmem:s9+$0x100];
	_ =	sdelay $0x4  }
0x46: {  	[tilespmem:v2+s23+$0x0] =	vst.idx.msk $0xffff, v1  }
0x47: {  	v2 =	vor.u32 $0x7, v3;
	v1 =	vld [tilespmem:s9+$0x180];
	_ =	sdelay $0x2  }
0x48: {  	s0 =	simm.s32 $0x10  }
0x49: {  	v3 =	vmov s0;
	s0 =	simm.s32 $0x20  }
.LBB2_3:
0x4a: {  	p3 =	sne.s32 s0, $0x70;
	v3 =	vshll.u32 v3, $0x3;
	[tilespmem:v2+s23+$0x0] =	vst.idx.msk $0xffff, v1;
	s9 =	sadd.s32 $0x10, s9  }
0x4b: {  	v1 =	vld [tilespmem:s9+$0xFFFFFE00];
	v2 =	vor.u32 v0, v3;
	_ =	sdelay $0x4  }
0x4c: {  	[tilespmem:v2+s23+$0x0] =	vst.idx.msk $0xffff, v1  }
0x4d: {  	v3 =	vor.u32 $0x1, v2;
	v1 =	vld [tilespmem:s9+$0xFFFFFE80];
	_ =	sdelay $0x4  }
0x4e: {  	[tilespmem:v3+s23+$0x0] =	vst.idx.msk $0xffff, v1  }
0x4f: {  	v3 =	vor.u32 $0x2, v2;
	v1 =	vld [tilespmem:s9+$0xFFFFFF00];
	_ =	sdelay $0x4  }
0x50: {  	[tilespmem:v3+s23+$0x0] =	vst.idx.msk $0xffff, v1  }
0x51: {  	v3 =	vor.u32 $0x3, v2;
	v1 =	vld [tilespmem:s9+$0xFFFFFF80];
	_ =	sdelay $0x4  }
0x52: {  	[tilespmem:v3+s23+$0x0] =	vst.idx.msk $0xffff, v1  }
0x53: {  	v3 =	vor.u32 $0x4, v2;
	v1 =	vld [tilespmem:s9+$0x0];
	_ =	sdelay $0x4  }
0x54: {  	[tilespmem:v3+s23+$0x0] =	vst.idx.msk $0xffff, v1  }
0x55: {  	v3 =	vor.u32 $0x5, v2;
	v1 =	vld [tilespmem:s9+$0x80];
	_ =	sdelay $0x4  }
0x56: {  	[tilespmem:v3+s23+$0x0] =	vst.idx.msk $0xffff, v1  }
0x57: {  	v3 =	vor.u32 $0x6, v2;
	v1 =	vld [tilespmem:s9+$0x100];
	_ =	sdelay $0x4  }
0x58: {  	[tilespmem:v3+s23+$0x0] =	vst.idx.msk $0xffff, v1  }
.Ltmp2:
0x59: {  	v2 =	vor.u32 $0x7, v2;
	v1 =	vld [tilespmem:s9+$0x180];
	(pc) =	sbr.rel @p3 .LBB2_3-.Ltmp2, $2  }
0x5a: {  	_ =	sdelay $0x2  }
0x5b: {  	v3 =	vmov s0;
	s0 =	sadd.s32 $0x10, s0  }
0x5c: {  	_ =	sdelay $0x3  }
0x5d: {  	v3 =	vshll.u32 v3, $0x3;
	[tilespmem:v2+s23+$0x0] =	vst.idx.msk $0xffff, v1;
	s0 =	sadd.s32 $0x10, s9  }
0x5e: {  	v1 =	vld [tilespmem:s0+$0xFFFFFE00];
	v2 =	vor.u32 v0, v3;
	_ =	sdelay $0x4  }
0x5f: {  	[tilespmem:v2+s23+$0x0] =	vst.idx.msk $0xffff, v1  }
0x60: {  	v3 =	vor.u32 $0x1, v2;
	v1 =	vld [tilespmem:s0+$0xFFFFFE80];
	_ =	sdelay $0x4  }
0x61: {  	[tilespmem:v3+s23+$0x0] =	vst.idx.msk $0xffff, v1  }
0x62: {  	v3 =	vor.u32 $0x2, v2;
	v1 =	vld [tilespmem:s0+$0xFFFFFF00];
	_ =	sdelay $0x4  }
0x63: {  	[tilespmem:v3+s23+$0x0] =	vst.idx.msk $0xffff, v1  }
0x64: {  	v3 =	vor.u32 $0x3, v2;
	v1 =	vld [tilespmem:s0+$0xFFFFFF80];
	_ =	sdelay $0x4  }
0x65: {  	[tilespmem:v3+s23+$0x0] =	vst.idx.msk $0xffff, v1  }
0x66: {  	v3 =	vor.u32 $0x4, v2;
	v1 =	vld [tilespmem:s0+$0x0];
	_ =	sdelay $0x4  }
0x67: {  	[tilespmem:v3+s23+$0x0] =	vst.idx.msk $0xffff, v1  }
0x68: {  	v3 =	vor.u32 $0x5, v2;
	v1 =	vld [tilespmem:s0+$0x80];
	_ =	sdelay $0x4  }
0x69: {  	[tilespmem:v3+s23+$0x0] =	vst.idx.msk $0xffff, v1  }
0x6a: {  	v3 =	vor.u32 $0x6, v2;
	v1 =	vld [tilespmem:s0+$0x100];
	_ =	sdelay $0x4  }
0x6b: {  	[tilespmem:v3+s23+$0x0] =	vst.idx.msk $0xffff, v1  }
0x6c: {  	v2 =	vor.u32 $0x7, v2;
	v1 =	vld [tilespmem:s0+$0x180];
	_ =	sdelay $0x4  }
0x6d: {  	s0 =	simm.s32 @!p2 $0x4;
	[tilespmem:v2+s23+$0x0] =	vst.idx.msk $0xffff, v1  }
0x6e: {  	[spmem:s4] =	stream.indirect.scatter.add.f32 [tilespmem:s23], [sflag:$0x3], $0x8, s5, s19, $0xb8;
	[tilespmem:$0x2488] =	vst v63  }
0x6f: {  	_ =	swait.ge @!p2 [sflag:s0], $0x400  }
0x70: {  	s9 =	sor.u32 $0x200, s14;
	[sflag:s0] =	ssyncset.done @!p2 $0x0  }
0x71: {  	s14 =	simm.s32 $0x0;
	[sflag:s0] =	ssyncadd.s32 @!p2 $0xFFFFFC00;
	s0 =	sadd.s32 s1, s9  }
0x72: {  	[tilespmem:s19], [sflag:$0x2] =	stream.linear.gather [hbm4b:s0+s14], $0x80, $0x38;
	[tilespmem:$0x2488] =	vst v63  }
0x73: {  	s9 =	sadd.s32 s3, s9  }
0x74: {  	[tilespmem:s24], [sflag:$0x2] =	stream.strided.gather [hbm4b:s9+s19], $0x400, s20, s19, $0x38;
	[tilespmem:$0x2488] =	vst v63  }
0x75: {  	_ =	swait.ge [sflag:s25], $0x80  }
0x76: {  	[sflag:s25] =	ssyncset.done $0x0  }
0x77: {  	[sflag:s25] =	ssyncadd.s32 $0xFFFFFF80  }
0x78: {  	_ =	swait.ge [sflag:s25], $0x400  }
0x79: {  	v1 =	vmov s14;
	[sflag:s25] =	ssyncset.done $0x0  }
0x7a: {  	v1 =	vshll.u32 v1, $0x3;
	s9 =	simm.s32 $0x880;
	[sflag:s25] =	ssyncadd.s32 $0xFFFFFC00  }
0x7b: {  	v3 =	vor.u32 v0, v1;
	v2 =	vld [tilespmem:s9+$0xFFFFFC80];
	_ =	sdelay $0x4  }
0x7c: {  	[tilespmem:v3+s26+$0x0] =	vst.idx.msk $0xffff, v2  }
0x7d: {  	v2 =	vor.u32 $0x1, v3;
	v1 =	vld [tilespmem:s9+$0xFFFFFD00];
	_ =	sdelay $0x4  }
0x7e: {  	[tilespmem:v2+s26+$0x0] =	vst.idx.msk $0xffff, v1  }
0x7f: {  	v2 =	vor.u32 $0x2, v3;
	v1 =	vld [tilespmem:s9+$0xFFFFFD80];
	_ =	sdelay $0x4  }
0x80: {  	[tilespmem:v2+s26+$0x0] =	vst.idx.msk $0xffff, v1  }
0x81: {  	v2 =	vor.u32 $0x3, v3;
	v1 =	vld [tilespmem:s9+$0xFFFFFE00];
	_ =	sdelay $0x4  }
0x82: {  	[tilespmem:v2+s26+$0x0] =	vst.idx.msk $0xffff, v1  }
0x83: {  	v2 =	vor.u32 $0x4, v3;
	v1 =	vld [tilespmem:s9+$0xFFFFFE80];
	_ =	sdelay $0x4  }
0x84: {  	[tilespmem:v2+s26+$0x0] =	vst.idx.msk $0xffff, v1  }
0x85: {  	v2 =	vor.u32 $0x5, v3;
	v1 =	vld [tilespmem:s9+$0xFFFFFF00];
	_ =	sdelay $0x4  }
0x86: {  	[tilespmem:v2+s26+$0x0] =	vst.idx.msk $0xffff, v1  }
0x87: {  	v2 =	vor.u32 $0x6, v3;
	v1 =	vld [tilespmem:s9+$0xFFFFFF80];
	_ =	sdelay $0x4  }
0x88: {  	[tilespmem:v2+s26+$0x0] =	vst.idx.msk $0xffff, v1  }
0x89: {  	v2 =	vor.u32 $0x7, v3;
	v1 =	vld [tilespmem:s9+$0x0];
	_ =	sdelay $0x2  }
0x8a: {  	s14 =	simm.s32 $0x10  }
0x8b: {  	s0 =	simm.s32 $0x20;
	v3 =	vmov s14  }
.LBB2_5:
0x8c: {  	p2 =	sne.s32 s0, $0x70;
	v3 =	vshll.u32 v3, $0x3;
	[tilespmem:v2+s26+$0x0] =	vst.idx.msk $0xffff, v1;
	s9 =	sadd.s32 $0x10, s9  }
0x8d: {  	v1 =	vld [tilespmem:s9+$0xFFFFFC80];
	v2 =	vor.u32 v0, v3;
	_ =	sdelay $0x4  }
0x8e: {  	[tilespmem:v2+s26+$0x0] =	vst.idx.msk $0xffff, v1  }
0x8f: {  	v3 =	vor.u32 $0x1, v2;
	v1 =	vld [tilespmem:s9+$0xFFFFFD00];
	_ =	sdelay $0x4  }
0x90: {  	[tilespmem:v3+s26+$0x0] =	vst.idx.msk $0xffff, v1  }
0x91: {  	v3 =	vor.u32 $0x2, v2;
	v1 =	vld [tilespmem:s9+$0xFFFFFD80];
	_ =	sdelay $0x4  }
0x92: {  	[tilespmem:v3+s26+$0x0] =	vst.idx.msk $0xffff, v1  }
0x93: {  	v3 =	vor.u32 $0x3, v2;
	v1 =	vld [tilespmem:s9+$0xFFFFFE00];
	_ =	sdelay $0x4  }
0x94: {  	[tilespmem:v3+s26+$0x0] =	vst.idx.msk $0xffff, v1  }
0x95: {  	v3 =	vor.u32 $0x4, v2;
	v1 =	vld [tilespmem:s9+$0xFFFFFE80];
	_ =	sdelay $0x4  }
0x96: {  	[tilespmem:v3+s26+$0x0] =	vst.idx.msk $0xffff, v1  }
0x97: {  	v3 =	vor.u32 $0x5, v2;
	v1 =	vld [tilespmem:s9+$0xFFFFFF00];
	_ =	sdelay $0x4  }
0x98: {  	[tilespmem:v3+s26+$0x0] =	vst.idx.msk $0xffff, v1  }
0x99: {  	v3 =	vor.u32 $0x6, v2;
	v1 =	vld [tilespmem:s9+$0xFFFFFF80];
	_ =	sdelay $0x4  }
0x9a: {  	[tilespmem:v3+s26+$0x0] =	vst.idx.msk $0xffff, v1  }
.Ltmp3:
0x9b: {  	v2 =	vor.u32 $0x7, v2;
	v1 =	vld [tilespmem:s9+$0x0];
	(pc) =	sbr.rel @p2 .LBB2_5-.Ltmp3, $2  }
0x9c: {  	_ =	sdelay $0x2  }
0x9d: {  	v3 =	vmov s0;
	s0 =	sadd.s32 $0x10, s0  }
0x9e: {  	_ =	sdelay $0x3  }
0x9f: {  	v3 =	vshll.u32 v3, $0x3;
	[tilespmem:v2+s26+$0x0] =	vst.idx.msk $0xffff, v1;
	s0 =	sadd.s32 $0x10, s9  }
0xa0: {  	v1 =	vld [tilespmem:s0+$0xFFFFFC80];
	v2 =	vor.u32 v0, v3;
	_ =	sdelay $0x4  }
0xa1: {  	[tilespmem:v2+s26+$0x0] =	vst.idx.msk $0xffff, v1  }
0xa2: {  	v3 =	vor.u32 $0x1, v2;
	v1 =	vld [tilespmem:s0+$0xFFFFFD00];
	_ =	sdelay $0x4  }
0xa3: {  	[tilespmem:v3+s26+$0x0] =	vst.idx.msk $0xffff, v1  }
0xa4: {  	v3 =	vor.u32 $0x2, v2;
	v1 =	vld [tilespmem:s0+$0xFFFFFD80];
	_ =	sdelay $0x4  }
0xa5: {  	[tilespmem:v3+s26+$0x0] =	vst.idx.msk $0xffff, v1  }
0xa6: {  	v3 =	vor.u32 $0x3, v2;
	v1 =	vld [tilespmem:s0+$0xFFFFFE00];
	_ =	sdelay $0x4  }
0xa7: {  	[tilespmem:v3+s26+$0x0] =	vst.idx.msk $0xffff, v1  }
0xa8: {  	v3 =	vor.u32 $0x4, v2;
	v1 =	vld [tilespmem:s0+$0xFFFFFE80];
	_ =	sdelay $0x4  }
0xa9: {  	[tilespmem:v3+s26+$0x0] =	vst.idx.msk $0xffff, v1  }
0xaa: {  	v3 =	vor.u32 $0x5, v2;
	v1 =	vld [tilespmem:s0+$0xFFFFFF00];
	_ =	sdelay $0x4  }
0xab: {  	[tilespmem:v3+s26+$0x0] =	vst.idx.msk $0xffff, v1  }
0xac: {  	v3 =	vor.u32 $0x6, v2;
	v1 =	vld [tilespmem:s0+$0xFFFFFF80];
	_ =	sdelay $0x4  }
0xad: {  	[tilespmem:v3+s26+$0x0] =	vst.idx.msk $0xffff, v1  }
0xae: {  	s31 =	sadd.s32 $0x1, s31;
	v2 =	vor.u32 $0x7, v2;
	v1 =	vld [tilespmem:s0+$0x0]  }
0xaf: {  	p2 =	sne.s32 s31, $0x27  }
.Ltmp4:
0xb0: {  	_ = 	snop;
	(pc) =	sbr.rel @p2 .LBB2_2-.Ltmp4, $3  }
0xb1: {  	_ =	sdelay $0x1  }
0xb2: {  	[tilespmem:v2+s26+$0x0] =	vst.idx.msk $0xffff, v1  }
0xb3: {  	[spmem:s4] =	stream.indirect.scatter.add.f32 [tilespmem:s26], [sflag:$0x4], $0x8, s19, s19, $0xb8;
	[tilespmem:$0x2488] =	vst v63  }
0xb4: {  	_ =	swait.ge [sflag:s28], $0x400  }
.Ltmp5:
0xb5: {  	[sflag:s28] =	ssyncset.done $0x0;
	(pc) =	sbr.rel @p1 .LBB2_11-.Ltmp5, $4  }
0xb6: {  	[sflag:s28] =	ssyncadd.s32 $0xFFFFFC00  }
0xb7: {  	_ =	swait.ge [sflag:s29], $0x400  }
0xb8: {  	[sflag:s29] =	ssyncset.done $0x0  }
0xb9: {  	[sflag:s29] =	ssyncadd.s32 $0xFFFFFC00  }
0xba: {  	s0 =	simm.s32 $0x0  }
0xbb: {  	[tilespmem:s0], [sflag:$0x5] =	stream.linear.gather [hbm4b:s11+s0], $0x80, $0x38;
	[tilespmem:$0x2488] =	vst v63  }
0xbc: {  	_ =	swait.ge [sflag:s30], $0x80  }
0xbd: {  	[sflag:s30] =	ssyncset.done $0x0  }
0xbe: {  	[sflag:s30] =	ssyncadd.s32 $0xFFFFFF80  }
0xbf: {  	[tilespmem:s21], [sflag:$0x5] =	stream.strided.gather [hbm4b:s12+s19], $0x400, s20, s19, $0x38;
	[tilespmem:$0x2488] =	vst v63  }
0xc0: {  	_ =	swait.ge [sflag:s30], $0x400  }
0xc1: {  	v1 =	vmov s0;
	[sflag:s30] =	ssyncset.done $0x0  }
0xc2: {  	s9 =	simm.s32 $0x300;
	v1 =	vshll.u32 v1, $0x3;
	[sflag:s30] =	ssyncadd.s32 $0xFFFFFC00  }
0xc3: {  	v3 =	vor.u32 v0, v1;
	v2 =	vld [tilespmem:s9+$0xFFFFFE00];
	_ =	sdelay $0x4  }
0xc4: {  	[tilespmem:v3+s23+$0x0] =	vst.idx.msk $0xffff, v2  }
0xc5: {  	v2 =	vor.u32 $0x1, v3;
	v1 =	vld [tilespmem:s9+$0xFFFFFE80];
	_ =	sdelay $0x4  }
0xc6: {  	[tilespmem:v2+s23+$0x0] =	vst.idx.msk $0xffff, v1  }
0xc7: {  	v2 =	vor.u32 $0x2, v3;
	v1 =	vld [tilespmem:s9+$0xFFFFFF00];
	_ =	sdelay $0x4  }
0xc8: {  	[tilespmem:v2+s23+$0x0] =	vst.idx.msk $0xffff, v1  }
0xc9: {  	v2 =	vor.u32 $0x3, v3;
	v1 =	vld [tilespmem:s9+$0xFFFFFF80];
	_ =	sdelay $0x4  }
0xca: {  	[tilespmem:v2+s23+$0x0] =	vst.idx.msk $0xffff, v1  }
0xcb: {  	v2 =	vor.u32 $0x4, v3;
	v1 =	vld [tilespmem:s9+$0x0];
	_ =	sdelay $0x4  }
0xcc: {  	[tilespmem:v2+s23+$0x0] =	vst.idx.msk $0xffff, v1  }
0xcd: {  	v2 =	vor.u32 $0x5, v3;
	v1 =	vld [tilespmem:s9+$0x80];
	_ =	sdelay $0x4  }
0xce: {  	[tilespmem:v2+s23+$0x0] =	vst.idx.msk $0xffff, v1  }
0xcf: {  	v2 =	vor.u32 $0x6, v3;
	v1 =	vld [tilespmem:s9+$0x100];
	_ =	sdelay $0x4  }
0xd0: {  	[tilespmem:v2+s23+$0x0] =	vst.idx.msk $0xffff, v1  }
0xd1: {  	v2 =	vor.u32 $0x7, v3;
	v1 =	vld [tilespmem:s9+$0x180];
	_ =	sdelay $0x2  }
0xd2: {  	s31 =	simm.s32 $0x10  }
0xd3: {  	s0 =	simm.s32 $0x20;
	v3 =	vmov s31  }
.LBB2_9:
0xd4: {  	p2 =	sne.s32 s0, $0x70;
	v3 =	vshll.u32 v3, $0x3;
	[tilespmem:v2+s23+$0x0] =	vst.idx.msk $0xffff, v1;
	s9 =	sadd.s32 $0x10, s9  }
0xd5: {  	v1 =	vld [tilespmem:s9+$0xFFFFFE00];
	v2 =	vor.u32 v0, v3;
	_ =	sdelay $0x4  }
0xd6: {  	[tilespmem:v2+s23+$0x0] =	vst.idx.msk $0xffff, v1  }
0xd7: {  	v3 =	vor.u32 $0x1, v2;
	v1 =	vld [tilespmem:s9+$0xFFFFFE80];
	_ =	sdelay $0x4  }
0xd8: {  	[tilespmem:v3+s23+$0x0] =	vst.idx.msk $0xffff, v1  }
0xd9: {  	v3 =	vor.u32 $0x2, v2;
	v1 =	vld [tilespmem:s9+$0xFFFFFF00];
	_ =	sdelay $0x4  }
0xda: {  	[tilespmem:v3+s23+$0x0] =	vst.idx.msk $0xffff, v1  }
0xdb: {  	v3 =	vor.u32 $0x3, v2;
	v1 =	vld [tilespmem:s9+$0xFFFFFF80];
	_ =	sdelay $0x4  }
0xdc: {  	[tilespmem:v3+s23+$0x0] =	vst.idx.msk $0xffff, v1  }
0xdd: {  	v3 =	vor.u32 $0x4, v2;
	v1 =	vld [tilespmem:s9+$0x0];
	_ =	sdelay $0x4  }
0xde: {  	[tilespmem:v3+s23+$0x0] =	vst.idx.msk $0xffff, v1  }
0xdf: {  	v3 =	vor.u32 $0x5, v2;
	v1 =	vld [tilespmem:s9+$0x80];
	_ =	sdelay $0x4  }
0xe0: {  	[tilespmem:v3+s23+$0x0] =	vst.idx.msk $0xffff, v1  }
0xe1: {  	v3 =	vor.u32 $0x6, v2;
	v1 =	vld [tilespmem:s9+$0x100];
	_ =	sdelay $0x4  }
0xe2: {  	[tilespmem:v3+s23+$0x0] =	vst.idx.msk $0xffff, v1  }
.Ltmp6:
0xe3: {  	v2 =	vor.u32 $0x7, v2;
	v1 =	vld [tilespmem:s9+$0x180];
	(pc) =	sbr.rel @p2 .LBB2_9-.Ltmp6, $2  }
0xe4: {  	_ =	sdelay $0x2  }
0xe5: {  	v3 =	vmov s0;
	s0 =	sadd.s32 $0x10, s0  }
0xe6: {  	_ =	sdelay $0x3  }
0xe7: {  	v3 =	vshll.u32 v3, $0x3;
	[tilespmem:v2+s23+$0x0] =	vst.idx.msk $0xffff, v1;
	s0 =	sadd.s32 $0x10, s9  }
0xe8: {  	v1 =	vld [tilespmem:s0+$0xFFFFFE00];
	v2 =	vor.u32 v0, v3;
	_ =	sdelay $0x4  }
0xe9: {  	[tilespmem:v2+s23+$0x0] =	vst.idx.msk $0xffff, v1  }
0xea: {  	v3 =	vor.u32 $0x1, v2;
	v1 =	vld [tilespmem:s0+$0xFFFFFE80];
	_ =	sdelay $0x4  }
0xeb: {  	[tilespmem:v3+s23+$0x0] =	vst.idx.msk $0xffff, v1  }
0xec: {  	v3 =	vor.u32 $0x2, v2;
	v1 =	vld [tilespmem:s0+$0xFFFFFF00];
	_ =	sdelay $0x4  }
0xed: {  	[tilespmem:v3+s23+$0x0] =	vst.idx.msk $0xffff, v1  }
0xee: {  	v3 =	vor.u32 $0x3, v2;
	v1 =	vld [tilespmem:s0+$0xFFFFFF80];
	_ =	sdelay $0x4  }
0xef: {  	[tilespmem:v3+s23+$0x0] =	vst.idx.msk $0xffff, v1  }
0xf0: {  	v3 =	vor.u32 $0x4, v2;
	v1 =	vld [tilespmem:s0+$0x0];
	_ =	sdelay $0x4  }
0xf1: {  	[tilespmem:v3+s23+$0x0] =	vst.idx.msk $0xffff, v1  }
0xf2: {  	v3 =	vor.u32 $0x5, v2;
	v1 =	vld [tilespmem:s0+$0x80];
	_ =	sdelay $0x4  }
0xf3: {  	[tilespmem:v3+s23+$0x0] =	vst.idx.msk $0xffff, v1  }
0xf4: {  	v3 =	vor.u32 $0x6, v2;
	v1 =	vld [tilespmem:s0+$0x100];
	_ =	sdelay $0x4  }
0xf5: {  	[tilespmem:v3+s23+$0x0] =	vst.idx.msk $0xffff, v1  }
0xf6: {  	v2 =	vor.u32 $0x7, v2;
	v1 =	vld [tilespmem:s0+$0x180];
	_ =	sdelay $0x4  }
0xf7: {  	[tilespmem:v2+s23+$0x0] =	vst.idx.msk $0xffff, v1  }
0xf8: {  	[spmem:s4] =	stream.indirect.scatter.add.f32 [tilespmem:s23], [sflag:$0x5], $0x8, s5, s19, $0xb8;
	[tilespmem:$0x2488] =	vst v63  }
.Ltmp7:
0xf9: {  	_ =	swait.ge [sflag:s30], $0x400;
	(pc) =	sbr.rel .LBB2_12-.Ltmp7, $3  }
0xfa: {  	[sflag:s30] =	ssyncset.done $0x0  }
0xfb: {  	[sflag:s30] =	ssyncadd.s32 $0xFFFFFC00  }
0xfc: {  	[bflag:$0x0] =	sbarrier.arrive $0xFFFF;
	_ =	sdelay $0x1  }
.LBB2_11:
.Ltmp8:
0xfd: {  	(pc) =	sbr.rel @p0 .LBB2_13-.Ltmp8, $2  }
0xfe: {  	_ =	sdelay $0x1  }
0xff: {  	[bflag:$0x0] =	sbarrier.arrive $0xFFFF;
	_ =	sdelay $0x1  }
.LBB2_12:
0x100: {  	s0 =	stileid.u32  }
0x101: {  	s0 =	sshll.u32 s0, $0x6  }
.Ltmp9:
0x102: {  	s9 =	sshrl.u32 s6, $0x3;
	s0 =	sor.u32 $0x1C05, s0;
	(pc) =	sbr.rel .LBB2_14-.Ltmp9, $4  }
0x103: {  	[hbm:s13], [sflag:s0] =	dma.local [spmem:s9], $0x278  }
0x104: {  	_ =	swait.ge [sflag:s30], $0x278  }
0x105: {  	[sflag:s30] =	ssyncset.done $0x0  }
0x106: {  	[sflag:s30] =	ssyncadd.s32 $0xFFFFFD88  }
.LBB2_15:
0x107: {  	_ =	sfence.sel $0x180000  }
0x108: {  	[bflag:$0x0] =	sbarrier.arrive $0xFFFF  }
0x109: {  	_ =	strace $0x90000047  }
0x10a: {  	s0 =	stileid.u32;
	[bflag:$0x2] =	sbarrier.arrive $0xFFFF  }
0x10b: {  	p0 =	sne.s32 s0, $0x0;
	s0 =	rddreg [dreg:$0x5]  }
0x10c: {  	s0 =	sadd.s32 @!p0 $0x100000, s0  }
0x10d: {  	[sflag:s0] =	ssyncadd.tile.s32 @!p0 $0x1;
	_ =	shalt  }
.Lfunc_end2:
_tile_overlayer_lowered:
.L_overlay_start_2:
0x10e: {  	(tag) =	ssettag $0x2  }
0x10f: {  	s0 =	rddreg [dreg:$0x0];
	s2 =	stileid.u32  }
0x110: {  	s1 =	rddreg [dreg:$0x1];
	p0 =	sne.s32 s2, $0x0  }
0x111: {  	s3 =	rddreg [dreg:$0x2];
	[bflag:$0x3] =	sbarrier.arrive $0xFFFF;
	s2 =	simm.s32 @!p0 $0x1C05  }
0x112: {  	[timem:s3], [sflag:s2] =	dma.local @!p0 [hbm:s0], s1  }
0x113: {  	s0 =	simm.s32 @!p0 $0x5  }
0x114: {  	_ =	swait.ge @!p0 [sflag:s0], s1  }
0x115: {  	s1 =	ssub.s32 @!p0 $0x0, s1;
	[sflag:s0] =	ssyncset.done @!p0 $0x0  }
0x116: {  	[sflag:s0] =	ssyncadd.s32 @!p0 s1  }
0x117: {  	[bflag:$0x3] =	sbarrier.arrive $0xFFFF  }
0x118: {  	_ =	shalt  }

</sc_bundles>
